<compile_context>
chip_gen: v7x
topology: tpu7x:2x2x1
jax: 0.10.2.dev20260603
libtpu: 0.0.44.dev20260713+nightly
codegen_flags: <defaults>
</compile_context>

<pallas_src>
import functools

import jax
import jax.numpy as jnp
from jax import lax
from jax.experimental import pallas as pl
from jax.experimental.pallas import tpu as pltpu
from jax.experimental.pallas import tpu_sc as plsc

N_NODES = 10000
D = 128
D2 = D // 2
E = 320000
NC, NS, L = 2, 16, 16
NW = NC * NS
EPW = E // NW
CHUNK = 80
NCHUNK = EPW // CHUNK
NBUF = 3
GROUPS = CHUNK // L


def _start_gathers(z_hbm, sidx, didx, sbuf, dbuf, ssem, dsem, b, i):
    s_ids = sidx.at[pl.ds(i * CHUNK, CHUNK)]
    d_ids = didx.at[pl.ds(i * CHUNK, CHUNK)]
    pltpu.make_async_copy(z_hbm.at[s_ids], sbuf.at[b], ssem).start()
    pltpu.make_async_copy(z_hbm.at[d_ids], dbuf.at[b], dsem).start()


def _wait_gathers(z_hbm, sidx, didx, sbuf, dbuf, ssem, dsem, b, i):
    s_ids = sidx.at[pl.ds(i * CHUNK, CHUNK)]
    d_ids = didx.at[pl.ds(i * CHUNK, CHUNK)]
    pltpu.make_async_copy(z_hbm.at[s_ids], sbuf.at[b], ssem).wait()
    pltpu.make_async_copy(z_hbm.at[d_ids], dbuf.at[b], dsem).wait()


def _chunk_dots(sbuf_b, dbuf_b, out_v, i):
    lanes = lax.iota(jnp.int32, L)
    NACC = 4
    DSUB = D2 // NACC
    for g in range(GROUPS):
        rows = g * L + lanes

        zero = jnp.zeros((L,), jnp.float32)

        @plsc.parallel_loop(0, DSUB, unroll=8, carry=(zero,) * NACC)
        def accs(j, accs, rows=rows):
            rot = lanes + j
            prods = []
            for k in range(NACC):
                if k == 0:
                    col = rot
                elif k < NACC - 1:
                    col = rot + k * DSUB
                else:
                    col = (rot + k * DSUB) & (D2 - 1)
                s = plsc.load_gather(sbuf_b, [rows, col])
                t = plsc.load_gather(dbuf_b, [rows, col])
                prods.append(plsc.bitcast(s, jnp.bfloat16)
                             * plsc.bitcast(t, jnp.bfloat16))
            new = []
            for k in range(NACC // 2):
                psum = prods[2 * k] + prods[2 * k + 1]
                plo, phi = plsc.unpack(
                    psum, format=plsc.PackFormat.INTERLEAVED)
                new.append(accs[2 * k] + plo)
                new.append(accs[2 * k + 1] + phi)
            return tuple(new)

        acc = (accs[0] + accs[1]) + (accs[2] + accs[3])
        sig = 1.0 / (1.0 + jnp.exp(-acc))
        out_v[pl.ds(i * CHUNK + g * L, L)] = sig


def _decoder_body(z_hbm, src_hbm, dst_hbm, out_hbm,
                  sidx, didx, sbuf, dbuf, out_v, z_sp,
                  ssem0, dsem0, ssem1, dsem1, ssem2, dsem2):
    ssem = (ssem0, ssem1, ssem2)
    dsem = (dsem0, dsem1, dsem2)
    sid = lax.axis_index("s")
    wid = sid * NC + lax.axis_index("c")
    base = wid * EPW

    NPT = N_NODES // NS
    pltpu.sync_copy(z_hbm.at[pl.ds(sid * NPT, NPT)], z_sp.at[pl.ds(sid * NPT, NPT)])

    pltpu.sync_copy(src_hbm.at[pl.ds(base, EPW)], sidx)
    pltpu.sync_copy(dst_hbm.at[pl.ds(base, EPW)], didx)
    plsc.subcore_barrier()

    for b in range(NBUF):
        _start_gathers(z_sp, sidx, didx, sbuf, dbuf, ssem[b], dsem[b], b, b)

    def outer(it, _):
        for b in range(NBUF):
            i = it * NBUF + b

            @pl.when(i < NCHUNK)
            def _(b=b, i=i):
                _wait_gathers(z_sp, sidx, didx, sbuf, dbuf,
                              ssem[b], dsem[b], b, i)
                _chunk_dots(sbuf.at[b], dbuf.at[b], out_v, i)

                @pl.when(i + NBUF < NCHUNK)
                def _():
                    _start_gathers(z_sp, sidx, didx, sbuf, dbuf,
                                   ssem[b], dsem[b], b, i + NBUF)
        return _

    n_outer = (NCHUNK + NBUF - 1) // NBUF
    lax.fori_loop(0, n_outer, outer, None)

    pltpu.sync_copy(out_v, out_hbm.at[pl.ds(base, EPW)])


@jax.jit
def _decode(z, src, dst):
    mesh = plsc.VectorSubcoreMesh(core_axis_name="c", subcore_axis_name="s")
    return pl.kernel(
        _decoder_body,
        out_type=jax.ShapeDtypeStruct((E,), jnp.float32),
        mesh=mesh,
        compiler_params=pltpu.CompilerParams(needs_layout_passes=False,
                                             use_tc_tiling_on_sc=False),
        scratch_types=[
            pltpu.VMEM((EPW,), jnp.int32),
            pltpu.VMEM((EPW,), jnp.int32),
            pltpu.VMEM((NBUF, CHUNK, D2), jnp.float32),
            pltpu.VMEM((NBUF, CHUNK, D2), jnp.float32),
            pltpu.VMEM((EPW,), jnp.float32),
            pltpu.VMEM_SHARED((N_NODES, D2), jnp.float32),
            pltpu.SemaphoreType.DMA,
            pltpu.SemaphoreType.DMA,
            pltpu.SemaphoreType.DMA,
            pltpu.SemaphoreType.DMA,
            pltpu.SemaphoreType.DMA,
            pltpu.SemaphoreType.DMA,
        ],
    )(z, src, dst)


def kernel(z, edge_index):
    src = edge_index[0].astype(jnp.int32)
    dst = edge_index[1].astype(jnp.int32)
    z_pairs = lax.bitcast_convert_type(
        z.astype(jnp.bfloat16).reshape(N_NODES, D2, 2), jnp.float32)
    return _decode(z_pairs, src, dst)

# --- scband reference (transcript-rebuilt; emitter-appended) ---
"""Pipeline reference for scband-mlpdecoder-88562225644061 (READ-ONLY COPY).

The authoritative reference and input builder live on the scoring server;
editing this copy changes nothing except your own understanding.
"""

import jax, jax.numpy as jnp
import numpy as np


def setup_inputs(seed: int = 0) -> dict:
    key = jax.random.key(seed)
    k1, k2 = jax.random.split(key)
    z = jax.random.normal(k1, (10000, 128), dtype=jnp.float32)
    edge_index = jax.random.randint(k2, (2, 320000), 0, 10000, dtype=jnp.int64)
    return {"z": z, "edge_index": edge_index}


def reference(z, edge_index):
    # Inner-product decoder: sigma(<z_src, z_dst>) per edge.
    src = jnp.take(z, edge_index[0], axis=0)
    dst = jnp.take(z, edge_index[1], axis=0)
    value = (src * dst).sum(axis=1)
    return jax.nn.sigmoid(value)

if __name__ == "__main__":
    import jax
    _d = setup_inputs()
    print(jax.jit(kernel)(*tuple(_d.values())))

</pallas_src>

<mosaic_0001>
#map = affine_map<(d0, d1) -> (0, 0)>
#map1 = affine_map<(d0, d1) -> (0)>
module attributes {stable_mosaic.version = 14 : i64} {
  func.func @_decoder_body(%arg0: i32, %arg1: i32, %arg2: memref<10000x64xf32, #tpu.memory_space<hbm>>, %arg3: memref<320000xi32, #tpu.memory_space<hbm>>, %arg4: memref<320000xi32, #tpu.memory_space<hbm>>, %arg5: memref<320000xf32, #tpu.memory_space<hbm>>, %arg6: memref<10000xi32, #tpu.memory_space<vmem>>, %arg7: memref<10000xi32, #tpu.memory_space<vmem>>, %arg8: memref<3x80x64xf32, #tpu.memory_space<vmem>>, %arg9: memref<3x80x64xf32, #tpu.memory_space<vmem>>, %arg10: memref<10000xf32, #tpu.memory_space<vmem>>, %arg11: memref<10000x64xf32, #tpu.memory_space<vmem_shared>>, %arg12: memref<!tpu.dma_semaphore, #tpu.memory_space<semaphore_mem>>, %arg13: memref<!tpu.dma_semaphore, #tpu.memory_space<semaphore_mem>>, %arg14: memref<!tpu.dma_semaphore, #tpu.memory_space<semaphore_mem>>, %arg15: memref<!tpu.dma_semaphore, #tpu.memory_space<semaphore_mem>>, %arg16: memref<!tpu.dma_semaphore, #tpu.memory_space<semaphore_mem>>, %arg17: memref<!tpu.dma_semaphore, #tpu.memory_space<semaphore_mem>>) attributes {dimension_semantics = [#tpu.dimension_semantics<core_parallel>, #tpu.dimension_semantics<subcore_parallel>], iteration_bounds = array<i64: 2, 16>, scalar_prefetch = 0 : i64, scratch_operands = 12 : i64, tpu.core_type = #tpu.core_type<sc_vector_subcore>, window_params = [{transform_indices = #map}, {transform_indices = #map1}, {transform_indices = #map1}, {transform_indices = #map1}]} {
    %mul3A = arith.constant 2 : i32
    %mul3A_0 = arith.muli %arg1, %mul3A : i32
    %add3A = arith.addi %mul3A_0, %arg0 : i32
    %mul3A_1 = arith.constant 10000 : i32
    %mul3A_2 = arith.muli %add3A, %mul3A_1 : i32
    %mul3A_3 = arith.constant 625 : i32
    %mul3A_4 = arith.muli %arg1, %mul3A_3 : i32
    %mul3A_5 = arith.constant 625 : i32
    %mul3A_6 = arith.muli %arg1, %mul3A_5 : i32
    "tpu.region"() ({
      %run_scoped3A = tpu.sem_alloc : memref<!tpu.dma_semaphore, #tpu.memory_space<semaphore_mem>>
      %dma_start3A_70 = arith.constant 0 : i32
      %dma_start3A_71 = tpu.memref_slice %arg11[%mul3A_6, %dma_start3A_70] : memref<10000x64xf32, #tpu.memory_space<vmem_shared>> -> memref<625x64xf32, #tpu.memory_space<vmem_shared>>
      %dma_start3A_72 = arith.constant 0 : i32
      %dma_start3A_73 = tpu.memref_slice %arg2[%mul3A_4, %dma_start3A_72] : memref<10000x64xf32, #tpu.memory_space<hbm>> -> memref<625x64xf32, #tpu.memory_space<hbm>>
      tpu.enqueue_dma source(%dma_start3A_73 : memref<625x64xf32, #tpu.memory_space<hbm>>) target(%dma_start3A_71 : memref<625x64xf32, #tpu.memory_space<vmem_shared>>) target_semaphore(%run_scoped3A : memref<!tpu.dma_semaphore, #tpu.memory_space<semaphore_mem>>)
      %dma_wait3A = arith.constant 0 : i32
      %dma_wait3A_74 = tpu.memref_slice %arg11[%mul3A_6, %dma_wait3A] : memref<10000x64xf32, #tpu.memory_space<vmem_shared>> -> memref<625x64xf32, #tpu.memory_space<vmem_shared>>
      %dma_wait3A_75 = arith.constant 0 : i32
      %dma_wait3A_76 = tpu.memref_slice %arg2[%mul3A_4, %dma_wait3A_75] : memref<10000x64xf32, #tpu.memory_space<hbm>> -> memref<625x64xf32, #tpu.memory_space<hbm>>
      tpu.wait_dma2 semaphore(%run_scoped3A : memref<!tpu.dma_semaphore, #tpu.memory_space<semaphore_mem>>) src(%dma_wait3A_76 : memref<625x64xf32, #tpu.memory_space<hbm>>) dst(%dma_wait3A_74 : memref<625x64xf32, #tpu.memory_space<vmem_shared>>)
      tpu.yield
    }) : () -> ()
    "tpu.region"() ({
      %run_scoped3A = tpu.sem_alloc : memref<!tpu.dma_semaphore, #tpu.memory_space<semaphore_mem>>
      %dma_start3A_70 = tpu.memref_slice %arg3[%mul3A_2] : memref<320000xi32, #tpu.memory_space<hbm>> -> memref<10000xi32, #tpu.memory_space<hbm>>
      %dma_start3A_71 = tpu.memref_slice %arg3[%mul3A_2] : memref<320000xi32, #tpu.memory_space<hbm>> -> memref<10000xi32, #tpu.memory_space<hbm>>
      tpu.enqueue_dma source(%dma_start3A_71 : memref<10000xi32, #tpu.memory_space<hbm>>) target(%arg6 : memref<10000xi32, #tpu.memory_space<vmem>>) target_semaphore(%run_scoped3A : memref<!tpu.dma_semaphore, #tpu.memory_space<semaphore_mem>>)
      %dma_wait3A = tpu.memref_slice %arg3[%mul3A_2] : memref<320000xi32, #tpu.memory_space<hbm>> -> memref<10000xi32, #tpu.memory_space<hbm>>
      %dma_wait3A_72 = tpu.memref_slice %arg3[%mul3A_2] : memref<320000xi32, #tpu.memory_space<hbm>> -> memref<10000xi32, #tpu.memory_space<hbm>>
      tpu.wait_dma2 semaphore(%run_scoped3A : memref<!tpu.dma_semaphore, #tpu.memory_space<semaphore_mem>>) src(%dma_wait3A_72 : memref<10000xi32, #tpu.memory_space<hbm>>) dst(%arg6 : memref<10000xi32, #tpu.memory_space<vmem>>)
      tpu.yield
    }) : () -> ()
    "tpu.region"() ({
      %run_scoped3A = tpu.sem_alloc : memref<!tpu.dma_semaphore, #tpu.memory_space<semaphore_mem>>
      %dma_start3A_70 = tpu.memref_slice %arg4[%mul3A_2] : memref<320000xi32, #tpu.memory_space<hbm>> -> memref<10000xi32, #tpu.memory_space<hbm>>
      %dma_start3A_71 = tpu.memref_slice %arg4[%mul3A_2] : memref<320000xi32, #tpu.memory_space<hbm>> -> memref<10000xi32, #tpu.memory_space<hbm>>
      tpu.enqueue_dma source(%dma_start3A_71 : memref<10000xi32, #tpu.memory_space<hbm>>) target(%arg7 : memref<10000xi32, #tpu.memory_space<vmem>>) target_semaphore(%run_scoped3A : memref<!tpu.dma_semaphore, #tpu.memory_space<semaphore_mem>>)
      %dma_wait3A = tpu.memref_slice %arg4[%mul3A_2] : memref<320000xi32, #tpu.memory_space<hbm>> -> memref<10000xi32, #tpu.memory_space<hbm>>
      %dma_wait3A_72 = tpu.memref_slice %arg4[%mul3A_2] : memref<320000xi32, #tpu.memory_space<hbm>> -> memref<10000xi32, #tpu.memory_space<hbm>>
      tpu.wait_dma2 semaphore(%run_scoped3A : memref<!tpu.dma_semaphore, #tpu.memory_space<semaphore_mem>>) src(%dma_wait3A_72 : memref<10000xi32, #tpu.memory_space<hbm>>) dst(%arg7 : memref<10000xi32, #tpu.memory_space<vmem>>)
      tpu.yield
    }) : () -> ()
    %barrier3A = arith.constant 0 : index
    tpu.barrier barrier_id(%barrier3A)
    %dma_start3A = arith.constant 0 : i32
    %dma_start3A_7 = arith.constant 0 : i32
    %dma_start3A_8 = arith.constant 0 : i32
    %dma_start3A_9 = tpu.memref_slice %arg8[%dma_start3A, %dma_start3A_7, %dma_start3A_8] : memref<3x80x64xf32, #tpu.memory_space<vmem>> -> memref<1x80x64xf32, #tpu.memory_space<vmem>>
    %dma_start3A_10 = tpu.memref_squeeze %dma_start3A_9 : memref<1x80x64xf32, #tpu.memory_space<vmem>> -> memref<80x64xf32, #tpu.memory_space<vmem>>
    %dma_start3A_11 = arith.constant 0 : i32
    %dma_start3A_12 = tpu.memref_slice %arg6[%dma_start3A_11] : memref<10000xi32, #tpu.memory_space<vmem>> -> memref<80xi32, #tpu.memory_space<vmem>>
    %dma_start3A_13 = arith.constant 0 : i32
    %dma_start3A_14 = arith.constant 0 : i32
    %dma_start3A_15 = tpu.memref_slice %arg11[%dma_start3A_13, %dma_start3A_14] : memref<10000x64xf32, #tpu.memory_space<vmem_shared>> -> memref<10000x64xf32, #tpu.memory_space<vmem_shared>>
    tpu.enqueue_indirect_dma source(%dma_start3A_15 : memref<10000x64xf32, #tpu.memory_space<vmem_shared>>) target(%dma_start3A_10 : memref<80x64xf32, #tpu.memory_space<vmem>>) offsets(%dma_start3A_12 : memref<80xi32, #tpu.memory_space<vmem>>) semaphore(%arg12 : memref<!tpu.dma_semaphore, #tpu.memory_space<semaphore_mem>>)
    %dma_start3A_16 = arith.constant 0 : i32
    %dma_start3A_17 = arith.constant 0 : i32
    %dma_start3A_18 = arith.constant 0 : i32
    %dma_start3A_19 = tpu.memref_slice %arg9[%dma_start3A_16, %dma_start3A_17, %dma_start3A_18] : memref<3x80x64xf32, #tpu.memory_space<vmem>> -> memref<1x80x64xf32, #tpu.memory_space<vmem>>
    %dma_start3A_20 = tpu.memref_squeeze %dma_start3A_19 : memref<1x80x64xf32, #tpu.memory_space<vmem>> -> memref<80x64xf32, #tpu.memory_space<vmem>>
    %dma_start3A_21 = arith.constant 0 : i32
    %dma_start3A_22 = tpu.memref_slice %arg7[%dma_start3A_21] : memref<10000xi32, #tpu.memory_space<vmem>> -> memref<80xi32, #tpu.memory_space<vmem>>
    %dma_start3A_23 = arith.constant 0 : i32
    %dma_start3A_24 = arith.constant 0 : i32
    %dma_start3A_25 = tpu.memref_slice %arg11[%dma_start3A_23, %dma_start3A_24] : memref<10000x64xf32, #tpu.memory_space<vmem_shared>> -> memref<10000x64xf32, #tpu.memory_space<vmem_shared>>
    tpu.enqueue_indirect_dma source(%dma_start3A_25 : memref<10000x64xf32, #tpu.memory_space<vmem_shared>>) target(%dma_start3A_20 : memref<80x64xf32, #tpu.memory_space<vmem>>) offsets(%dma_start3A_22 : memref<80xi32, #tpu.memory_space<vmem>>) semaphore(%arg13 : memref<!tpu.dma_semaphore, #tpu.memory_space<semaphore_mem>>)
    %dma_start3A_26 = arith.constant 1 : i32
    %dma_start3A_27 = arith.constant 0 : i32
    %dma_start3A_28 = arith.constant 0 : i32
    %dma_start3A_29 = tpu.memref_slice %arg8[%dma_start3A_26, %dma_start3A_27, %dma_start3A_28] : memref<3x80x64xf32, #tpu.memory_space<vmem>> -> memref<1x80x64xf32, #tpu.memory_space<vmem>>
    %dma_start3A_30 = tpu.memref_squeeze %dma_start3A_29 : memref<1x80x64xf32, #tpu.memory_space<vmem>> -> memref<80x64xf32, #tpu.memory_space<vmem>>
    %dma_start3A_31 = arith.constant 80 : i32
    %dma_start3A_32 = tpu.memref_slice %arg6[%dma_start3A_31] : memref<10000xi32, #tpu.memory_space<vmem>> -> memref<80xi32, #tpu.memory_space<vmem>>
    %dma_start3A_33 = arith.constant 0 : i32
    %dma_start3A_34 = arith.constant 0 : i32
    %dma_start3A_35 = tpu.memref_slice %arg11[%dma_start3A_33, %dma_start3A_34] : memref<10000x64xf32, #tpu.memory_space<vmem_shared>> -> memref<10000x64xf32, #tpu.memory_space<vmem_shared>>
    tpu.enqueue_indirect_dma source(%dma_start3A_35 : memref<10000x64xf32, #tpu.memory_space<vmem_shared>>) target(%dma_start3A_30 : memref<80x64xf32, #tpu.memory_space<vmem>>) offsets(%dma_start3A_32 : memref<80xi32, #tpu.memory_space<vmem>>) semaphore(%arg14 : memref<!tpu.dma_semaphore, #tpu.memory_space<semaphore_mem>>)
    %dma_start3A_36 = arith.constant 1 : i32
    %dma_start3A_37 = arith.constant 0 : i32
    %dma_start3A_38 = arith.constant 0 : i32
    %dma_start3A_39 = tpu.memref_slice %arg9[%dma_start3A_36, %dma_start3A_37, %dma_start3A_38] : memref<3x80x64xf32, #tpu.memory_space<vmem>> -> memref<1x80x64xf32, #tpu.memory_space<vmem>>
    %dma_start3A_40 = tpu.memref_squeeze %dma_start3A_39 : memref<1x80x64xf32, #tpu.memory_space<vmem>> -> memref<80x64xf32, #tpu.memory_space<vmem>>
    %dma_start3A_41 = arith.constant 80 : i32
    %dma_start3A_42 = tpu.memref_slice %arg7[%dma_start3A_41] : memref<10000xi32, #tpu.memory_space<vmem>> -> memref<80xi32, #tpu.memory_space<vmem>>
    %dma_start3A_43 = arith.constant 0 : i32
    %dma_start3A_44 = arith.constant 0 : i32
    %dma_start3A_45 = tpu.memref_slice %arg11[%dma_start3A_43, %dma_start3A_44] : memref<10000x64xf32, #tpu.memory_space<vmem_shared>> -> memref<10000x64xf32, #tpu.memory_space<vmem_shared>>
    tpu.enqueue_indirect_dma source(%dma_start3A_45 : memref<10000x64xf32, #tpu.memory_space<vmem_shared>>) target(%dma_start3A_40 : memref<80x64xf32, #tpu.memory_space<vmem>>) offsets(%dma_start3A_42 : memref<80xi32, #tpu.memory_space<vmem>>) semaphore(%arg15 : memref<!tpu.dma_semaphore, #tpu.memory_space<semaphore_mem>>)
    %dma_start3A_46 = arith.constant 2 : i32
    %dma_start3A_47 = arith.constant 0 : i32
    %dma_start3A_48 = arith.constant 0 : i32
    %dma_start3A_49 = tpu.memref_slice %arg8[%dma_start3A_46, %dma_start3A_47, %dma_start3A_48] : memref<3x80x64xf32, #tpu.memory_space<vmem>> -> memref<1x80x64xf32, #tpu.memory_space<vmem>>
    %dma_start3A_50 = tpu.memref_squeeze %dma_start3A_49 : memref<1x80x64xf32, #tpu.memory_space<vmem>> -> memref<80x64xf32, #tpu.memory_space<vmem>>
    %dma_start3A_51 = arith.constant 160 : i32
    %dma_start3A_52 = tpu.memref_slice %arg6[%dma_start3A_51] : memref<10000xi32, #tpu.memory_space<vmem>> -> memref<80xi32, #tpu.memory_space<vmem>>
    %dma_start3A_53 = arith.constant 0 : i32
    %dma_start3A_54 = arith.constant 0 : i32
    %dma_start3A_55 = tpu.memref_slice %arg11[%dma_start3A_53, %dma_start3A_54] : memref<10000x64xf32, #tpu.memory_space<vmem_shared>> -> memref<10000x64xf32, #tpu.memory_space<vmem_shared>>
    tpu.enqueue_indirect_dma source(%dma_start3A_55 : memref<10000x64xf32, #tpu.memory_space<vmem_shared>>) target(%dma_start3A_50 : memref<80x64xf32, #tpu.memory_space<vmem>>) offsets(%dma_start3A_52 : memref<80xi32, #tpu.memory_space<vmem>>) semaphore(%arg16 : memref<!tpu.dma_semaphore, #tpu.memory_space<semaphore_mem>>)
    %dma_start3A_56 = arith.constant 2 : i32
    %dma_start3A_57 = arith.constant 0 : i32
    %dma_start3A_58 = arith.constant 0 : i32
    %dma_start3A_59 = tpu.memref_slice %arg9[%dma_start3A_56, %dma_start3A_57, %dma_start3A_58] : memref<3x80x64xf32, #tpu.memory_space<vmem>> -> memref<1x80x64xf32, #tpu.memory_space<vmem>>
    %dma_start3A_60 = tpu.memref_squeeze %dma_start3A_59 : memref<1x80x64xf32, #tpu.memory_space<vmem>> -> memref<80x64xf32, #tpu.memory_space<vmem>>
    %dma_start3A_61 = arith.constant 160 : i32
    %dma_start3A_62 = tpu.memref_slice %arg7[%dma_start3A_61] : memref<10000xi32, #tpu.memory_space<vmem>> -> memref<80xi32, #tpu.memory_space<vmem>>
    %dma_start3A_63 = arith.constant 0 : i32
    %dma_start3A_64 = arith.constant 0 : i32
    %dma_start3A_65 = tpu.memref_slice %arg11[%dma_start3A_63, %dma_start3A_64] : memref<10000x64xf32, #tpu.memory_space<vmem_shared>> -> memref<10000x64xf32, #tpu.memory_space<vmem_shared>>
    tpu.enqueue_indirect_dma source(%dma_start3A_65 : memref<10000x64xf32, #tpu.memory_space<vmem_shared>>) target(%dma_start3A_60 : memref<80x64xf32, #tpu.memory_space<vmem>>) offsets(%dma_start3A_62 : memref<80xi32, #tpu.memory_space<vmem>>) semaphore(%arg17 : memref<!tpu.dma_semaphore, #tpu.memory_space<semaphore_mem>>)
    %scan3A = arith.constant 0 : i32
    %scan3A_66 = arith.constant 42 : i32
    %scan3A_67 = arith.addi %scan3A, %scan3A_66 : i32
    %scan3A_68 = arith.constant 1 : i32
    scf.for %scan3A_70 = %scan3A to %scan3A_67 step %scan3A_68  : i32 {
      %mul3A_71 = arith.constant 3 : i32
      %mul3A_72 = arith.muli %scan3A_70, %mul3A_71 : i32
      %add3A_73 = arith.constant 0 : i32
      %add3A_74 = arith.addi %mul3A_72, %add3A_73 : i32
      %lt3A = arith.constant 125 : i32
      %lt3A_75 = arith.cmpi slt, %add3A_74, %lt3A : i32
      %convert_element_type3A = arith.extui %lt3A_75 : i1 to i32
      %cond3A = arith.constant 0 : i32
      %cond3A_76 = arith.cmpi ne, %convert_element_type3A, %cond3A : i32
      scf.if %cond3A_76 {
        %mul3A_95 = arith.constant 80 : i32
        %mul3A_96 = arith.muli %add3A_74, %mul3A_95 : i32
        %mul3A_97 = arith.constant 80 : i32
        %mul3A_98 = arith.muli %add3A_74, %mul3A_97 : i32
        %dma_wait3A = arith.constant 0 : i32
        %dma_wait3A_99 = arith.constant 0 : i32
        %dma_wait3A_100 = arith.constant 0 : i32
        %dma_wait3A_101 = tpu.memref_slice %arg8[%dma_wait3A, %dma_wait3A_99, %dma_wait3A_100] : memref<3x80x64xf32, #tpu.memory_space<vmem>> -> memref<1x80x64xf32, #tpu.memory_space<vmem>>
        %dma_wait3A_102 = tpu.memref_squeeze %dma_wait3A_101 : memref<1x80x64xf32, #tpu.memory_space<vmem>> -> memref<80x64xf32, #tpu.memory_space<vmem>>
        %dma_wait3A_103 = tpu.memref_slice %arg6[%mul3A_96] : memref<10000xi32, #tpu.memory_space<vmem>> -> memref<80xi32, #tpu.memory_space<vmem>>
        %dma_wait3A_104 = arith.constant 0 : i32
        %dma_wait3A_105 = arith.constant 0 : i32
        %dma_wait3A_106 = tpu.memref_slice %arg11[%dma_wait3A_104, %dma_wait3A_105] : memref<10000x64xf32, #tpu.memory_space<vmem_shared>> -> memref<10000x64xf32, #tpu.memory_space<vmem_shared>>
        tpu.wait_indirect_dma semaphore(%arg12 : memref<!tpu.dma_semaphore, #tpu.memory_space<semaphore_mem>>) src(%dma_wait3A_106 : memref<10000x64xf32, #tpu.memory_space<vmem_shared>>) dst(%dma_wait3A_102 : memref<80x64xf32, #tpu.memory_space<vmem>>)
        %dma_wait3A_107 = arith.constant 0 : i32
        %dma_wait3A_108 = arith.constant 0 : i32
        %dma_wait3A_109 = arith.constant 0 : i32
        %dma_wait3A_110 = tpu.memref_slice %arg9[%dma_wait3A_107, %dma_wait3A_108, %dma_wait3A_109] : memref<3x80x64xf32, #tpu.memory_space<vmem>> -> memref<1x80x64xf32, #tpu.memory_space<vmem>>
        %dma_wait3A_111 = tpu.memref_squeeze %dma_wait3A_110 : memref<1x80x64xf32, #tpu.memory_space<vmem>> -> memref<80x64xf32, #tpu.memory_space<vmem>>
        %dma_wait3A_112 = tpu.memref_slice %arg7[%mul3A_98] : memref<10000xi32, #tpu.memory_space<vmem>> -> memref<80xi32, #tpu.memory_space<vmem>>
        %dma_wait3A_113 = arith.constant 0 : i32
        %dma_wait3A_114 = arith.constant 0 : i32
        %dma_wait3A_115 = tpu.memref_slice %arg11[%dma_wait3A_113, %dma_wait3A_114] : memref<10000x64xf32, #tpu.memory_space<vmem_shared>> -> memref<10000x64xf32, #tpu.memory_space<vmem_shared>>
        tpu.wait_indirect_dma semaphore(%arg13 : memref<!tpu.dma_semaphore, #tpu.memory_space<semaphore_mem>>) src(%dma_wait3A_115 : memref<10000x64xf32, #tpu.memory_space<vmem_shared>>) dst(%dma_wait3A_111 : memref<80x64xf32, #tpu.memory_space<vmem>>)
        %iota3A = tpu.iota {dimensions = array<i32: 0>} : vector<16xi32>
        %add3A_116 = arith.constant 0 : i32
        %add3A_117 = vector.broadcast %add3A_116 : i32 to vector<16xi32>
        %add3A_118 = arith.addi %add3A_117, %iota3A : vector<16xi32>
        %broadcast_in_dim3A = arith.constant 0.000000e+00 : f32
        %broadcast_in_dim3A_119 = vector.broadcast %broadcast_in_dim3A : f32 to vector<16xf32>
        %parallel_loop3A = arith.constant 0 : i32
        %parallel_loop3A_120 = arith.constant 16 : i32
        %parallel_loop3A_121 = arith.constant 1 : i32
        %parallel_loop3A_122 = arith.constant 0 : i32
        %parallel_loop3A_123 = arith.constant 0 : i32
        %parallel_loop3A_124:4 = scf.for %parallel_loop3A_267 = %parallel_loop3A to %parallel_loop3A_120 step %parallel_loop3A_121 iter_args(%parallel_loop3A_268 = %broadcast_in_dim3A_119, %parallel_loop3A_269 = %broadcast_in_dim3A_119, %parallel_loop3A_270 = %broadcast_in_dim3A_119, %parallel_loop3A_271 = %broadcast_in_dim3A_119) -> (vector<16xf32>, vector<16xf32>, vector<16xf32>, vector<16xf32>)  : i32 {
          %parallel_loop3A_272 = vector.broadcast %parallel_loop3A_267 : i32 to vector<16xi32>
          %parallel_loop3A_273 = arith.addi %iota3A, %parallel_loop3A_272 : vector<16xi32>
          %parallel_loop3A_274 = arith.constant 0 : i32
          %parallel_loop3A_275 = arith.constant 0 : i32
          %parallel_loop3A_276 = tpu.memref_slice %arg8[%parallel_loop3A_122, %parallel_loop3A_274, %parallel_loop3A_275] : memref<3x80x64xf32, #tpu.memory_space<vmem>> -> memref<1x80x64xf32, #tpu.memory_space<vmem>>
          %parallel_loop3A_277 = tpu.memref_squeeze %parallel_loop3A_276 : memref<1x80x64xf32, #tpu.memory_space<vmem>> -> memref<80x64xf32, #tpu.memory_space<vmem>>
          %parallel_loop3A_278 = tpu.vector_load_idx %parallel_loop3A_277[%add3A_118, %parallel_loop3A_273] : memref<80x64xf32, #tpu.memory_space<vmem>>[vector<16xi32>, vector<16xi32>], vector<16xf32>,
          %parallel_loop3A_279 = arith.constant 0 : i32
          %parallel_loop3A_280 = arith.constant 0 : i32
          %parallel_loop3A_281 = tpu.memref_slice %arg9[%parallel_loop3A_123, %parallel_loop3A_279, %parallel_loop3A_280] : memref<3x80x64xf32, #tpu.memory_space<vmem>> -> memref<1x80x64xf32, #tpu.memory_space<vmem>>
          %parallel_loop3A_282 = tpu.memref_squeeze %parallel_loop3A_281 : memref<1x80x64xf32, #tpu.memory_space<vmem>> -> memref<80x64xf32, #tpu.memory_space<vmem>>
          %parallel_loop3A_283 = tpu.vector_load_idx %parallel_loop3A_282[%add3A_118, %parallel_loop3A_273] : memref<80x64xf32, #tpu.memory_space<vmem>>[vector<16xi32>, vector<16xi32>], vector<16xf32>,
          %parallel_loop3A_284 = vector.bitcast %parallel_loop3A_278 : vector<16xf32> to vector<32xbf16>
          %parallel_loop3A_285 = vector.bitcast %parallel_loop3A_283 : vector<16xf32> to vector<32xbf16>
          %parallel_loop3A_286 = arith.mulf %parallel_loop3A_284, %parallel_loop3A_285 : vector<32xbf16>
          %parallel_loop3A_287 = arith.constant 16 : i32
          %parallel_loop3A_288 = vector.broadcast %parallel_loop3A_287 : i32 to vector<16xi32>
          %parallel_loop3A_289 = arith.addi %parallel_loop3A_273, %parallel_loop3A_288 : vector<16xi32>
          %parallel_loop3A_290 = arith.constant 0 : i32
          %parallel_loop3A_291 = arith.constant 0 : i32
          %parallel_loop3A_292 = tpu.memref_slice %arg8[%parallel_loop3A_122, %parallel_loop3A_290, %parallel_loop3A_291] : memref<3x80x64xf32, #tpu.memory_space<vmem>> -> memref<1x80x64xf32, #tpu.memory_space<vmem>>
          %parallel_loop3A_293 = tpu.memref_squeeze %parallel_loop3A_292 : memref<1x80x64xf32, #tpu.memory_space<vmem>> -> memref<80x64xf32, #tpu.memory_space<vmem>>
          %parallel_loop3A_294 = tpu.vector_load_idx %parallel_loop3A_293[%add3A_118, %parallel_loop3A_289] : memref<80x64xf32, #tpu.memory_space<vmem>>[vector<16xi32>, vector<16xi32>], vector<16xf32>,
          %parallel_loop3A_295 = arith.constant 0 : i32
          %parallel_loop3A_296 = arith.constant 0 : i32
          %parallel_loop3A_297 = tpu.memref_slice %arg9[%parallel_loop3A_123, %parallel_loop3A_295, %parallel_loop3A_296] : memref<3x80x64xf32, #tpu.memory_space<vmem>> -> memref<1x80x64xf32, #tpu.memory_space<vmem>>
          %parallel_loop3A_298 = tpu.memref_squeeze %parallel_loop3A_297 : memref<1x80x64xf32, #tpu.memory_space<vmem>> -> memref<80x64xf32, #tpu.memory_space<vmem>>
          %parallel_loop3A_299 = tpu.vector_load_idx %parallel_loop3A_298[%add3A_118, %parallel_loop3A_289] : memref<80x64xf32, #tpu.memory_space<vmem>>[vector<16xi32>, vector<16xi32>], vector<16xf32>,
          %parallel_loop3A_300 = vector.bitcast %parallel_loop3A_294 : vector<16xf32> to vector<32xbf16>
          %parallel_loop3A_301 = vector.bitcast %parallel_loop3A_299 : vector<16xf32> to vector<32xbf16>
          %parallel_loop3A_302 = arith.mulf %parallel_loop3A_300, %parallel_loop3A_301 : vector<32xbf16>
          %parallel_loop3A_303 = arith.constant 32 : i32
          %parallel_loop3A_304 = vector.broadcast %parallel_loop3A_303 : i32 to vector<16xi32>
          %parallel_loop3A_305 = arith.addi %parallel_loop3A_273, %parallel_loop3A_304 : vector<16xi32>
          %parallel_loop3A_306 = arith.constant 0 : i32
          %parallel_loop3A_307 = arith.constant 0 : i32
          %parallel_loop3A_308 = tpu.memref_slice %arg8[%parallel_loop3A_122, %parallel_loop3A_306, %parallel_loop3A_307] : memref<3x80x64xf32, #tpu.memory_space<vmem>> -> memref<1x80x64xf32, #tpu.memory_space<vmem>>
          %parallel_loop3A_309 = tpu.memref_squeeze %parallel_loop3A_308 : memref<1x80x64xf32, #tpu.memory_space<vmem>> -> memref<80x64xf32, #tpu.memory_space<vmem>>
          %parallel_loop3A_310 = tpu.vector_load_idx %parallel_loop3A_309[%add3A_118, %parallel_loop3A_305] : memref<80x64xf32, #tpu.memory_space<vmem>>[vector<16xi32>, vector<16xi32>], vector<16xf32>,
          %parallel_loop3A_311 = arith.constant 0 : i32
          %parallel_loop3A_312 = arith.constant 0 : i32
          %parallel_loop3A_313 = tpu.memref_slice %arg9[%parallel_loop3A_123, %parallel_loop3A_311, %parallel_loop3A_312] : memref<3x80x64xf32, #tpu.memory_space<vmem>> -> memref<1x80x64xf32, #tpu.memory_space<vmem>>
          %parallel_loop3A_314 = tpu.memref_squeeze %parallel_loop3A_313 : memref<1x80x64xf32, #tpu.memory_space<vmem>> -> memref<80x64xf32, #tpu.memory_space<vmem>>
          %parallel_loop3A_315 = tpu.vector_load_idx %parallel_loop3A_314[%add3A_118, %parallel_loop3A_305] : memref<80x64xf32, #tpu.memory_space<vmem>>[vector<16xi32>, vector<16xi32>], vector<16xf32>,
          %parallel_loop3A_316 = vector.bitcast %parallel_loop3A_310 : vector<16xf32> to vector<32xbf16>
          %parallel_loop3A_317 = vector.bitcast %parallel_loop3A_315 : vector<16xf32> to vector<32xbf16>
          %parallel_loop3A_318 = arith.mulf %parallel_loop3A_316, %parallel_loop3A_317 : vector<32xbf16>
          %parallel_loop3A_319 = arith.constant 48 : i32
          %parallel_loop3A_320 = vector.broadcast %parallel_loop3A_319 : i32 to vector<16xi32>
          %parallel_loop3A_321 = arith.addi %parallel_loop3A_273, %parallel_loop3A_320 : vector<16xi32>
          %parallel_loop3A_322 = arith.constant 63 : i32
          %parallel_loop3A_323 = vector.broadcast %parallel_loop3A_322 : i32 to vector<16xi32>
          %parallel_loop3A_324 = arith.andi %parallel_loop3A_321, %parallel_loop3A_323 : vector<16xi32>
          %parallel_loop3A_325 = arith.constant 0 : i32
          %parallel_loop3A_326 = arith.constant 0 : i32
          %parallel_loop3A_327 = tpu.memref_slice %arg8[%parallel_loop3A_122, %parallel_loop3A_325, %parallel_loop3A_326] : memref<3x80x64xf32, #tpu.memory_space<vmem>> -> memref<1x80x64xf32, #tpu.memory_space<vmem>>
          %parallel_loop3A_328 = tpu.memref_squeeze %parallel_loop3A_327 : memref<1x80x64xf32, #tpu.memory_space<vmem>> -> memref<80x64xf32, #tpu.memory_space<vmem>>
          %parallel_loop3A_329 = tpu.vector_load_idx %parallel_loop3A_328[%add3A_118, %parallel_loop3A_324] : memref<80x64xf32, #tpu.memory_space<vmem>>[vector<16xi32>, vector<16xi32>], vector<16xf32>,
          %parallel_loop3A_330 = arith.constant 0 : i32
          %parallel_loop3A_331 = arith.constant 0 : i32
          %parallel_loop3A_332 = tpu.memref_slice %arg9[%parallel_loop3A_123, %parallel_loop3A_330, %parallel_loop3A_331] : memref<3x80x64xf32, #tpu.memory_space<vmem>> -> memref<1x80x64xf32, #tpu.memory_space<vmem>>
          %parallel_loop3A_333 = tpu.memref_squeeze %parallel_loop3A_332 : memref<1x80x64xf32, #tpu.memory_space<vmem>> -> memref<80x64xf32, #tpu.memory_space<vmem>>
          %parallel_loop3A_334 = tpu.vector_load_idx %parallel_loop3A_333[%add3A_118, %parallel_loop3A_324] : memref<80x64xf32, #tpu.memory_space<vmem>>[vector<16xi32>, vector<16xi32>], vector<16xf32>,
          %parallel_loop3A_335 = vector.bitcast %parallel_loop3A_329 : vector<16xf32> to vector<32xbf16>
          %parallel_loop3A_336 = vector.bitcast %parallel_loop3A_334 : vector<16xf32> to vector<32xbf16>
          %parallel_loop3A_337 = arith.mulf %parallel_loop3A_335, %parallel_loop3A_336 : vector<32xbf16>
          %parallel_loop3A_338 = arith.addf %parallel_loop3A_286, %parallel_loop3A_302 : vector<32xbf16>
          %parallel_loop3A_339 = tpu.unpack_subelements %parallel_loop3A_338, 0 {pack_format = #tpu.pack_format<interleaved>} : vector<32xbf16> -> vector<16xf32>
          %parallel_loop3A_340 = tpu.unpack_subelements %parallel_loop3A_338, 1 {pack_format = #tpu.pack_format<interleaved>} : vector<32xbf16> -> vector<16xf32>
          %parallel_loop3A_341 = arith.addf %parallel_loop3A_268, %parallel_loop3A_339 : vector<16xf32>
          %parallel_loop3A_342 = arith.addf %parallel_loop3A_269, %parallel_loop3A_340 : vector<16xf32>
          %parallel_loop3A_343 = arith.addf %parallel_loop3A_318, %parallel_loop3A_337 : vector<32xbf16>
          %parallel_loop3A_344 = tpu.unpack_subelements %parallel_loop3A_343, 0 {pack_format = #tpu.pack_format<interleaved>} : vector<32xbf16> -> vector<16xf32>
          %parallel_loop3A_345 = tpu.unpack_subelements %parallel_loop3A_343, 1 {pack_format = #tpu.pack_format<interleaved>} : vector<32xbf16> -> vector<16xf32>
          %parallel_loop3A_346 = arith.addf %parallel_loop3A_270, %parallel_loop3A_344 : vector<16xf32>
          %parallel_loop3A_347 = arith.addf %parallel_loop3A_271, %parallel_loop3A_345 : vector<16xf32>
          scf.yield %parallel_loop3A_341, %parallel_loop3A_342, %parallel_loop3A_346, %parallel_loop3A_347 : vector<16xf32>, vector<16xf32>, vector<16xf32>, vector<16xf32>
        } {sc.loop_unroll_factor = 8 : i64, sc.parallel_access}
        %add3A_125 = arith.addf %parallel_loop3A_124#0, %parallel_loop3A_124#1 : vector<16xf32>
        %add3A_126 = arith.addf %parallel_loop3A_124#2, %parallel_loop3A_124#3 : vector<16xf32>
        %add3A_127 = arith.addf %add3A_125, %add3A_126 : vector<16xf32>
        %neg3A = arith.constant 0.000000e+00 : f32
        %neg3A_128 = vector.broadcast %neg3A : f32 to vector<16xf32>
        %neg3A_129 = arith.subf %neg3A_128, %add3A_127 : vector<16xf32>
        %exp3A = math.exp %neg3A_129 : vector<16xf32>
        %add3A_130 = arith.constant 1.000000e+00 : f32
        %add3A_131 = vector.broadcast %add3A_130 : f32 to vector<16xf32>
        %add3A_132 = arith.addf %add3A_131, %exp3A : vector<16xf32>
        %div3A = arith.constant 1.000000e+00 : f32
        %div3A_133 = vector.broadcast %div3A : f32 to vector<16xf32>
        %div3A_134 = arith.divf %div3A_133, %add3A_132 : vector<16xf32>
        %mul3A_135 = arith.constant 80 : i32
        %mul3A_136 = arith.muli %add3A_74, %mul3A_135 : i32
        %add3A_137 = arith.constant 0 : i32
        %add3A_138 = arith.addi %mul3A_136, %add3A_137 : i32
        %swap3A = arith.index_cast %add3A_138 : i32 to index
        %swap3A_139 = tpu.vector_load %arg10[%swap3A] {strides = array<i32>} : memref<10000xf32, #tpu.memory_space<vmem>>, vector<16xf32>,
        tpu.vector_store %arg10[%swap3A], %div3A_134 {strides = array<i32>} : memref<10000xf32, #tpu.memory_space<vmem>>, vector<16xf32>,
        %add3A_140 = arith.constant 16 : i32
        %add3A_141 = vector.broadcast %add3A_140 : i32 to vector<16xi32>
        %add3A_142 = arith.addi %add3A_141, %iota3A : vector<16xi32>
        %broadcast_in_dim3A_143 = arith.constant 0.000000e+00 : f32
        %broadcast_in_dim3A_144 = vector.broadcast %broadcast_in_dim3A_143 : f32 to vector<16xf32>
        %parallel_loop3A_145 = arith.constant 0 : i32
        %parallel_loop3A_146 = arith.constant 16 : i32
        %parallel_loop3A_147 = arith.constant 1 : i32
        %parallel_loop3A_148 = arith.constant 0 : i32
        %parallel_loop3A_149 = arith.constant 0 : i32
        %parallel_loop3A_150:4 = scf.for %parallel_loop3A_267 = %parallel_loop3A_145 to %parallel_loop3A_146 step %parallel_loop3A_147 iter_args(%parallel_loop3A_268 = %broadcast_in_dim3A_144, %parallel_loop3A_269 = %broadcast_in_dim3A_144, %parallel_loop3A_270 = %broadcast_in_dim3A_144, %parallel_loop3A_271 = %broadcast_in_dim3A_144) -> (vector<16xf32>, vector<16xf32>, vector<16xf32>, vector<16xf32>)  : i32 {
          %parallel_loop3A_272 = vector.broadcast %parallel_loop3A_267 : i32 to vector<16xi32>
          %parallel_loop3A_273 = arith.addi %iota3A, %parallel_loop3A_272 : vector<16xi32>
          %parallel_loop3A_274 = arith.constant 0 : i32
          %parallel_loop3A_275 = arith.constant 0 : i32
          %parallel_loop3A_276 = tpu.memref_slice %arg8[%parallel_loop3A_148, %parallel_loop3A_274, %parallel_loop3A_275] : memref<3x80x64xf32, #tpu.memory_space<vmem>> -> memref<1x80x64xf32, #tpu.memory_space<vmem>>
          %parallel_loop3A_277 = tpu.memref_squeeze %parallel_loop3A_276 : memref<1x80x64xf32, #tpu.memory_space<vmem>> -> memref<80x64xf32, #tpu.memory_space<vmem>>
          %parallel_loop3A_278 = tpu.vector_load_idx %parallel_loop3A_277[%add3A_142, %parallel_loop3A_273] : memref<80x64xf32, #tpu.memory_space<vmem>>[vector<16xi32>, vector<16xi32>], vector<16xf32>,
          %parallel_loop3A_279 = arith.constant 0 : i32
          %parallel_loop3A_280 = arith.constant 0 : i32
          %parallel_loop3A_281 = tpu.memref_slice %arg9[%parallel_loop3A_149, %parallel_loop3A_279, %parallel_loop3A_280] : memref<3x80x64xf32, #tpu.memory_space<vmem>> -> memref<1x80x64xf32, #tpu.memory_space<vmem>>
          %parallel_loop3A_282 = tpu.memref_squeeze %parallel_loop3A_281 : memref<1x80x64xf32, #tpu.memory_space<vmem>> -> memref<80x64xf32, #tpu.memory_space<vmem>>
          %parallel_loop3A_283 = tpu.vector_load_idx %parallel_loop3A_282[%add3A_142, %parallel_loop3A_273] : memref<80x64xf32, #tpu.memory_space<vmem>>[vector<16xi32>, vector<16xi32>], vector<16xf32>,
          %parallel_loop3A_284 = vector.bitcast %parallel_loop3A_278 : vector<16xf32> to vector<32xbf16>
          %parallel_loop3A_285 = vector.bitcast %parallel_loop3A_283 : vector<16xf32> to vector<32xbf16>
          %parallel_loop3A_286 = arith.mulf %parallel_loop3A_284, %parallel_loop3A_285 : vector<32xbf16>
          %parallel_loop3A_287 = arith.constant 16 : i32
          %parallel_loop3A_288 = vector.broadcast %parallel_loop3A_287 : i32 to vector<16xi32>
          %parallel_loop3A_289 = arith.addi %parallel_loop3A_273, %parallel_loop3A_288 : vector<16xi32>
          %parallel_loop3A_290 = arith.constant 0 : i32
          %parallel_loop3A_291 = arith.constant 0 : i32
          %parallel_loop3A_292 = tpu.memref_slice %arg8[%parallel_loop3A_148, %parallel_loop3A_290, %parallel_loop3A_291] : memref<3x80x64xf32, #tpu.memory_space<vmem>> -> memref<1x80x64xf32, #tpu.memory_space<vmem>>
          %parallel_loop3A_293 = tpu.memref_squeeze %parallel_loop3A_292 : memref<1x80x64xf32, #tpu.memory_space<vmem>> -> memref<80x64xf32, #tpu.memory_space<vmem>>
          %parallel_loop3A_294 = tpu.vector_load_idx %parallel_loop3A_293[%add3A_142, %parallel_loop3A_289] : memref<80x64xf32, #tpu.memory_space<vmem>>[vector<16xi32>, vector<16xi32>], vector<16xf32>,
          %parallel_loop3A_295 = arith.constant 0 : i32
          %parallel_loop3A_296 = arith.constant 0 : i32
          %parallel_loop3A_297 = tpu.memref_slice %arg9[%parallel_loop3A_149, %parallel_loop3A_295, %parallel_loop3A_296] : memref<3x80x64xf32, #tpu.memory_space<vmem>> -> memref<1x80x64xf32, #tpu.memory_space<vmem>>
          %parallel_loop3A_298 = tpu.memref_squeeze %parallel_loop3A_297 : memref<1x80x64xf32, #tpu.memory_space<vmem>> -> memref<80x64xf32, #tpu.memory_space<vmem>>
          %parallel_loop3A_299 = tpu.vector_load_idx %parallel_loop3A_298[%add3A_142, %parallel_loop3A_289] : memref<80x64xf32, #tpu.memory_space<vmem>>[vector<16xi32>, vector<16xi32>], vector<16xf32>,
          %parallel_loop3A_300 = vector.bitcast %parallel_loop3A_294 : vector<16xf32> to vector<32xbf16>
          %parallel_loop3A_301 = vector.bitcast %parallel_loop3A_299 : vector<16xf32> to vector<32xbf16>
          %parallel_loop3A_302 = arith.mulf %parallel_loop3A_300, %parallel_loop3A_301 : vector<32xbf16>
          %parallel_loop3A_303 = arith.constant 32 : i32
          %parallel_loop3A_304 = vector.broadcast %parallel_loop3A_303 : i32 to vector<16xi32>
          %parallel_loop3A_305 = arith.addi %parallel_loop3A_273, %parallel_loop3A_304 : vector<16xi32>
          %parallel_loop3A_306 = arith.constant 0 : i32
          %parallel_loop3A_307 = arith.constant 0 : i32
          %parallel_loop3A_308 = tpu.memref_slice %arg8[%parallel_loop3A_148, %parallel_loop3A_306, %parallel_loop3A_307] : memref<3x80x64xf32, #tpu.memory_space<vmem>> -> memref<1x80x64xf32, #tpu.memory_space<vmem>>
          %parallel_loop3A_309 = tpu.memref_squeeze %parallel_loop3A_308 : memref<1x80x64xf32, #tpu.memory_space<vmem>> -> memref<80x64xf32, #tpu.memory_space<vmem>>
          %parallel_loop3A_310 = tpu.vector_load_idx %parallel_loop3A_309[%add3A_142, %parallel_loop3A_305] : memref<80x64xf32, #tpu.memory_space<vmem>>[vector<16xi32>, vector<16xi32>], vector<16xf32>,
          %parallel_loop3A_311 = arith.constant 0 : i32
          %parallel_loop3A_312 = arith.constant 0 : i32
          %parallel_loop3A_313 = tpu.memref_slice %arg9[%parallel_loop3A_149, %parallel_loop3A_311, %parallel_loop3A_312] : memref<3x80x64xf32, #tpu.memory_space<vmem>> -> memref<1x80x64xf32, #tpu.memory_space<vmem>>
          %parallel_loop3A_314 = tpu.memref_squeeze %parallel_loop3A_313 : memref<1x80x64xf32, #tpu.memory_space<vmem>> -> memref<80x64xf32, #tpu.memory_space<vmem>>
          %parallel_loop3A_315 = tpu.vector_load_idx %parallel_loop3A_314[%add3A_142, %parallel_loop3A_305] : memref<80x64xf32, #tpu.memory_space<vmem>>[vector<16xi32>, vector<16xi32>], vector<16xf32>,
          %parallel_loop3A_316 = vector.bitcast %parallel_loop3A_310 : vector<16xf32> to vector<32xbf16>
          %parallel_loop3A_317 = vector.bitcast %parallel_loop3A_315 : vector<16xf32> to vector<32xbf16>
          %parallel_loop3A_318 = arith.mulf %parallel_loop3A_316, %parallel_loop3A_317 : vector<32xbf16>
          %parallel_loop3A_319 = arith.constant 48 : i32
          %parallel_loop3A_320 = vector.broadcast %parallel_loop3A_319 : i32 to vector<16xi32>
          %parallel_loop3A_321 = arith.addi %parallel_loop3A_273, %parallel_loop3A_320 : vector<16xi32>
          %parallel_loop3A_322 = arith.constant 63 : i32
          %parallel_loop3A_323 = vector.broadcast %parallel_loop3A_322 : i32 to vector<16xi32>
          %parallel_loop3A_324 = arith.andi %parallel_loop3A_321, %parallel_loop3A_323 : vector<16xi32>
          %parallel_loop3A_325 = arith.constant 0 : i32
          %parallel_loop3A_326 = arith.constant 0 : i32
          %parallel_loop3A_327 = tpu.memref_slice %arg8[%parallel_loop3A_148, %parallel_loop3A_325, %parallel_loop3A_326] : memref<3x80x64xf32, #tpu.memory_space<vmem>> -> memref<1x80x64xf32, #tpu.memory_space<vmem>>
          %parallel_loop3A_328 = tpu.memref_squeeze %parallel_loop3A_327 : memref<1x80x64xf32, #tpu.memory_space<vmem>> -> memref<80x64xf32, #tpu.memory_space<vmem>>
          %parallel_loop3A_329 = tpu.vector_load_idx %parallel_loop3A_328[%add3A_142, %parallel_loop3A_324] : memref<80x64xf32, #tpu.memory_space<vmem>>[vector<16xi32>, vector<16xi32>], vector<16xf32>,
          %parallel_loop3A_330 = arith.constant 0 : i32
          %parallel_loop3A_331 = arith.constant 0 : i32
          %parallel_loop3A_332 = tpu.memref_slice %arg9[%parallel_loop3A_149, %parallel_loop3A_330, %parallel_loop3A_331] : memref<3x80x64xf32, #tpu.memory_space<vmem>> -> memref<1x80x64xf32, #tpu.memory_space<vmem>>
          %parallel_loop3A_333 = tpu.memref_squeeze %parallel_loop3A_332 : memref<1x80x64xf32, #tpu.memory_space<vmem>> -> memref<80x64xf32, #tpu.memory_space<vmem>>
          %parallel_loop3A_334 = tpu.vector_load_idx %parallel_loop3A_333[%add3A_142, %parallel_loop3A_324] : memref<80x64xf32, #tpu.memory_space<vmem>>[vector<16xi32>, vector<16xi32>], vector<16xf32>,
          %parallel_loop3A_335 = vector.bitcast %parallel_loop3A_329 : vector<16xf32> to vector<32xbf16>
          %parallel_loop3A_336 = vector.bitcast %parallel_loop3A_334 : vector<16xf32> to vector<32xbf16>
          %parallel_loop3A_337 = arith.mulf %parallel_loop3A_335, %parallel_loop3A_336 : vector<32xbf16>
          %parallel_loop3A_338 = arith.addf %parallel_loop3A_286, %parallel_loop3A_302 : vector<32xbf16>
          %parallel_loop3A_339 = tpu.unpack_subelements %parallel_loop3A_338, 0 {pack_format = #tpu.pack_format<interleaved>} : vector<32xbf16> -> vector<16xf32>
          %parallel_loop3A_340 = tpu.unpack_subelements %parallel_loop3A_338, 1 {pack_format = #tpu.pack_format<interleaved>} : vector<32xbf16> -> vector<16xf32>
          %parallel_loop3A_341 = arith.addf %parallel_loop3A_268, %parallel_loop3A_339 : vector<16xf32>
          %parallel_loop3A_342 = arith.addf %parallel_loop3A_269, %parallel_loop3A_340 : vector<16xf32>
          %parallel_loop3A_343 = arith.addf %parallel_loop3A_318, %parallel_loop3A_337 : vector<32xbf16>
          %parallel_loop3A_344 = tpu.unpack_subelements %parallel_loop3A_343, 0 {pack_format = #tpu.pack_format<interleaved>} : vector<32xbf16> -> vector<16xf32>
          %parallel_loop3A_345 = tpu.unpack_subelements %parallel_loop3A_343, 1 {pack_format = #tpu.pack_format<interleaved>} : vector<32xbf16> -> vector<16xf32>
          %parallel_loop3A_346 = arith.addf %parallel_loop3A_270, %parallel_loop3A_344 : vector<16xf32>
          %parallel_loop3A_347 = arith.addf %parallel_loop3A_271, %parallel_loop3A_345 : vector<16xf32>
          scf.yield %parallel_loop3A_341, %parallel_loop3A_342, %parallel_loop3A_346, %parallel_loop3A_347 : vector<16xf32>, vector<16xf32>, vector<16xf32>, vector<16xf32>
        } {sc.loop_unroll_factor = 8 : i64, sc.parallel_access}
        %add3A_151 = arith.addf %parallel_loop3A_150#0, %parallel_loop3A_150#1 : vector<16xf32>
        %add3A_152 = arith.addf %parallel_loop3A_150#2, %parallel_loop3A_150#3 : vector<16xf32>
        %add3A_153 = arith.addf %add3A_151, %add3A_152 : vector<16xf32>
        %neg3A_154 = arith.constant 0.000000e+00 : f32
        %neg3A_155 = vector.broadcast %neg3A_154 : f32 to vector<16xf32>
        %neg3A_156 = arith.subf %neg3A_155, %add3A_153 : vector<16xf32>
        %exp3A_157 = math.exp %neg3A_156 : vector<16xf32>
        %add3A_158 = arith.constant 1.000000e+00 : f32
        %add3A_159 = vector.broadcast %add3A_158 : f32 to vector<16xf32>
        %add3A_160 = arith.addf %add3A_159, %exp3A_157 : vector<16xf32>
        %div3A_161 = arith.constant 1.000000e+00 : f32
        %div3A_162 = vector.broadcast %div3A_161 : f32 to vector<16xf32>
        %div3A_163 = arith.divf %div3A_162, %add3A_160 : vector<16xf32>
        %mul3A_164 = arith.constant 80 : i32
        %mul3A_165 = arith.muli %add3A_74, %mul3A_164 : i32
        %add3A_166 = arith.constant 16 : i32
        %add3A_167 = arith.addi %mul3A_165, %add3A_166 : i32
        %swap3A_168 = arith.index_cast %add3A_167 : i32 to index
        %swap3A_169 = tpu.vector_load %arg10[%swap3A_168] {strides = array<i32>} : memref<10000xf32, #tpu.memory_space<vmem>>, vector<16xf32>,
        tpu.vector_store %arg10[%swap3A_168], %div3A_163 {strides = array<i32>} : memref<10000xf32, #tpu.memory_space<vmem>>, vector<16xf32>,
        %add3A_170 = arith.constant 32 : i32
        %add3A_171 = vector.broadcast %add3A_170 : i32 to vector<16xi32>
        %add3A_172 = arith.addi %add3A_171, %iota3A : vector<16xi32>
        %broadcast_in_dim3A_173 = arith.constant 0.000000e+00 : f32
        %broadcast_in_dim3A_174 = vector.broadcast %broadcast_in_dim3A_173 : f32 to vector<16xf32>
        %parallel_loop3A_175 = arith.constant 0 : i32
        %parallel_loop3A_176 = arith.constant 16 : i32
        %parallel_loop3A_177 = arith.constant 1 : i32
        %parallel_loop3A_178 = arith.constant 0 : i32
        %parallel_loop3A_179 = arith.constant 0 : i32
        %parallel_loop3A_180:4 = scf.for %parallel_loop3A_267 = %parallel_loop3A_175 to %parallel_loop3A_176 step %parallel_loop3A_177 iter_args(%parallel_loop3A_268 = %broadcast_in_dim3A_174, %parallel_loop3A_269 = %broadcast_in_dim3A_174, %parallel_loop3A_270 = %broadcast_in_dim3A_174, %parallel_loop3A_271 = %broadcast_in_dim3A_174) -> (vector<16xf32>, vector<16xf32>, vector<16xf32>, vector<16xf32>)  : i32 {
          %parallel_loop3A_272 = vector.broadcast %parallel_loop3A_267 : i32 to vector<16xi32>
          %parallel_loop3A_273 = arith.addi %iota3A, %parallel_loop3A_272 : vector<16xi32>
          %parallel_loop3A_274 = arith.constant 0 : i32
          %parallel_loop3A_275 = arith.constant 0 : i32
          %parallel_loop3A_276 = tpu.memref_slice %arg8[%parallel_loop3A_178, %parallel_loop3A_274, %parallel_loop3A_275] : memref<3x80x64xf32, #tpu.memory_space<vmem>> -> memref<1x80x64xf32, #tpu.memory_space<vmem>>
          %parallel_loop3A_277 = tpu.memref_squeeze %parallel_loop3A_276 : memref<1x80x64xf32, #tpu.memory_space<vmem>> -> memref<80x64xf32, #tpu.memory_space<vmem>>
          %parallel_loop3A_278 = tpu.vector_load_idx %parallel_loop3A_277[%add3A_172, %parallel_loop3A_273] : memref<80x64xf32, #tpu.memory_space<vmem>>[vector<16xi32>, vector<16xi32>], vector<16xf32>,
          %parallel_loop3A_279 = arith.constant 0 : i32
          %parallel_loop3A_280 = arith.constant 0 : i32
          %parallel_loop3A_281 = tpu.memref_slice %arg9[%parallel_loop3A_179, %parallel_loop3A_279, %parallel_loop3A_280] : memref<3x80x64xf32, #tpu.memory_space<vmem>> -> memref<1x80x64xf32, #tpu.memory_space<vmem>>
          %parallel_loop3A_282 = tpu.memref_squeeze %parallel_loop3A_281 : memref<1x80x64xf32, #tpu.memory_space<vmem>> -> memref<80x64xf32, #tpu.memory_space<vmem>>
          %parallel_loop3A_283 = tpu.vector_load_idx %parallel_loop3A_282[%add3A_172, %parallel_loop3A_273] : memref<80x64xf32, #tpu.memory_space<vmem>>[vector<16xi32>, vector<16xi32>], vector<16xf32>,
          %parallel_loop3A_284 = vector.bitcast %parallel_loop3A_278 : vector<16xf32> to vector<32xbf16>
          %parallel_loop3A_285 = vector.bitcast %parallel_loop3A_283 : vector<16xf32> to vector<32xbf16>
          %parallel_loop3A_286 = arith.mulf %parallel_loop3A_284, %parallel_loop3A_285 : vector<32xbf16>
          %parallel_loop3A_287 = arith.constant 16 : i32
          %parallel_loop3A_288 = vector.broadcast %parallel_loop3A_287 : i32 to vector<16xi32>
          %parallel_loop3A_289 = arith.addi %parallel_loop3A_273, %parallel_loop3A_288 : vector<16xi32>
          %parallel_loop3A_290 = arith.constant 0 : i32
          %parallel_loop3A_291 = arith.constant 0 : i32
          %parallel_loop3A_292 = tpu.memref_slice %arg8[%parallel_loop3A_178, %parallel_loop3A_290, %parallel_loop3A_291] : memref<3x80x64xf32, #tpu.memory_space<vmem>> -> memref<1x80x64xf32, #tpu.memory_space<vmem>>
          %parallel_loop3A_293 = tpu.memref_squeeze %parallel_loop3A_292 : memref<1x80x64xf32, #tpu.memory_space<vmem>> -> memref<80x64xf32, #tpu.memory_space<vmem>>
          %parallel_loop3A_294 = tpu.vector_load_idx %parallel_loop3A_293[%add3A_172, %parallel_loop3A_289] : memref<80x64xf32, #tpu.memory_space<vmem>>[vector<16xi32>, vector<16xi32>], vector<16xf32>,
          %parallel_loop3A_295 = arith.constant 0 : i32
          %parallel_loop3A_296 = arith.constant 0 : i32
          %parallel_loop3A_297 = tpu.memref_slice %arg9[%parallel_loop3A_179, %parallel_loop3A_295, %parallel_loop3A_296] : memref<3x80x64xf32, #tpu.memory_space<vmem>> -> memref<1x80x64xf32, #tpu.memory_space<vmem>>
          %parallel_loop3A_298 = tpu.memref_squeeze %parallel_loop3A_297 : memref<1x80x64xf32, #tpu.memory_space<vmem>> -> memref<80x64xf32, #tpu.memory_space<vmem>>
          %parallel_loop3A_299 = tpu.vector_load_idx %parallel_loop3A_298[%add3A_172, %parallel_loop3A_289] : memref<80x64xf32, #tpu.memory_space<vmem>>[vector<16xi32>, vector<16xi32>], vector<16xf32>,
          %parallel_loop3A_300 = vector.bitcast %parallel_loop3A_294 : vector<16xf32> to vector<32xbf16>
          %parallel_loop3A_301 = vector.bitcast %parallel_loop3A_299 : vector<16xf32> to vector<32xbf16>
          %parallel_loop3A_302 = arith.mulf %parallel_loop3A_300, %parallel_loop3A_301 : vector<32xbf16>
          %parallel_loop3A_303 = arith.constant 32 : i32
          %parallel_loop3A_304 = vector.broadcast %parallel_loop3A_303 : i32 to vector<16xi32>
          %parallel_loop3A_305 = arith.addi %parallel_loop3A_273, %parallel_loop3A_304 : vector<16xi32>
          %parallel_loop3A_306 = arith.constant 0 : i32
          %parallel_loop3A_307 = arith.constant 0 : i32
          %parallel_loop3A_308 = tpu.memref_slice %arg8[%parallel_loop3A_178, %parallel_loop3A_306, %parallel_loop3A_307] : memref<3x80x64xf32, #tpu.memory_space<vmem>> -> memref<1x80x64xf32, #tpu.memory_space<vmem>>
          %parallel_loop3A_309 = tpu.memref_squeeze %parallel_loop3A_308 : memref<1x80x64xf32, #tpu.memory_space<vmem>> -> memref<80x64xf32, #tpu.memory_space<vmem>>
          %parallel_loop3A_310 = tpu.vector_load_idx %parallel_loop3A_309[%add3A_172, %parallel_loop3A_305] : memref<80x64xf32, #tpu.memory_space<vmem>>[vector<16xi32>, vector<16xi32>], vector<16xf32>,
          %parallel_loop3A_311 = arith.constant 0 : i32
          %parallel_loop3A_312 = arith.constant 0 : i32
          %parallel_loop3A_313 = tpu.memref_slice %arg9[%parallel_loop3A_179, %parallel_loop3A_311, %parallel_loop3A_312] : memref<3x80x64xf32, #tpu.memory_space<vmem>> -> memref<1x80x64xf32, #tpu.memory_space<vmem>>
          %parallel_loop3A_314 = tpu.memref_squeeze %parallel_loop3A_313 : memref<1x80x64xf32, #tpu.memory_space<vmem>> -> memref<80x64xf32, #tpu.memory_space<vmem>>
          %parallel_loop3A_315 = tpu.vector_load_idx %parallel_loop3A_314[%add3A_172, %parallel_loop3A_305] : memref<80x64xf32, #tpu.memory_space<vmem>>[vector<16xi32>, vector<16xi32>], vector<16xf32>,
          %parallel_loop3A_316 = vector.bitcast %parallel_loop3A_310 : vector<16xf32> to vector<32xbf16>
          %parallel_loop3A_317 = vector.bitcast %parallel_loop3A_315 : vector<16xf32> to vector<32xbf16>
          %parallel_loop3A_318 = arith.mulf %parallel_loop3A_316, %parallel_loop3A_317 : vector<32xbf16>
          %parallel_loop3A_319 = arith.constant 48 : i32
          %parallel_loop3A_320 = vector.broadcast %parallel_loop3A_319 : i32 to vector<16xi32>
          %parallel_loop3A_321 = arith.addi %parallel_loop3A_273, %parallel_loop3A_320 : vector<16xi32>
          %parallel_loop3A_322 = arith.constant 63 : i32
          %parallel_loop3A_323 = vector.broadcast %parallel_loop3A_322 : i32 to vector<16xi32>
          %parallel_loop3A_324 = arith.andi %parallel_loop3A_321, %parallel_loop3A_323 : vector<16xi32>
          %parallel_loop3A_325 = arith.constant 0 : i32
          %parallel_loop3A_326 = arith.constant 0 : i32
          %parallel_loop3A_327 = tpu.memref_slice %arg8[%parallel_loop3A_178, %parallel_loop3A_325, %parallel_loop3A_326] : memref<3x80x64xf32, #tpu.memory_space<vmem>> -> memref<1x80x64xf32, #tpu.memory_space<vmem>>
          %parallel_loop3A_328 = tpu.memref_squeeze %parallel_loop3A_327 : memref<1x80x64xf32, #tpu.memory_space<vmem>> -> memref<80x64xf32, #tpu.memory_space<vmem>>
          %parallel_loop3A_329 = tpu.vector_load_idx %parallel_loop3A_328[%add3A_172, %parallel_loop3A_324] : memref<80x64xf32, #tpu.memory_space<vmem>>[vector<16xi32>, vector<16xi32>], vector<16xf32>,
          %parallel_loop3A_330 = arith.constant 0 : i32
          %parallel_loop3A_331 = arith.constant 0 : i32
          %parallel_loop3A_332 = tpu.memref_slice %arg9[%parallel_loop3A_179, %parallel_loop3A_330, %parallel_loop3A_331] : memref<3x80x64xf32, #tpu.memory_space<vmem>> -> memref<1x80x64xf32, #tpu.memory_space<vmem>>
          %parallel_loop3A_333 = tpu.memref_squeeze %parallel_loop3A_332 : memref<1x80x64xf32, #tpu.memory_space<vmem>> -> memref<80x64xf32, #tpu.memory_space<vmem>>
          %parallel_loop3A_334 = tpu.vector_load_idx %parallel_loop3A_333[%add3A_172, %parallel_loop3A_324] : memref<80x64xf32, #tpu.memory_space<vmem>>[vector<16xi32>, vector<16xi32>], vector<16xf32>,
          %parallel_loop3A_335 = vector.bitcast %parallel_loop3A_329 : vector<16xf32> to vector<32xbf16>
          %parallel_loop3A_336 = vector.bitcast %parallel_loop3A_334 : vector<16xf32> to vector<32xbf16>
          %parallel_loop3A_337 = arith.mulf %parallel_loop3A_335, %parallel_loop3A_336 : vector<32xbf16>
          %parallel_loop3A_338 = arith.addf %parallel_loop3A_286, %parallel_loop3A_302 : vector<32xbf16>
          %parallel_loop3A_339 = tpu.unpack_subelements %parallel_loop3A_338, 0 {pack_format = #tpu.pack_format<interleaved>} : vector<32xbf16> -> vector<16xf32>
          %parallel_loop3A_340 = tpu.unpack_subelements %parallel_loop3A_338, 1 {pack_format = #tpu.pack_format<interleaved>} : vector<32xbf16> -> vector<16xf32>
          %parallel_loop3A_341 = arith.addf %parallel_loop3A_268, %parallel_loop3A_339 : vector<16xf32>
          %parallel_loop3A_342 = arith.addf %parallel_loop3A_269, %parallel_loop3A_340 : vector<16xf32>
          %parallel_loop3A_343 = arith.addf %parallel_loop3A_318, %parallel_loop3A_337 : vector<32xbf16>
          %parallel_loop3A_344 = tpu.unpack_subelements %parallel_loop3A_343, 0 {pack_format = #tpu.pack_format<interleaved>} : vector<32xbf16> -> vector<16xf32>
          %parallel_loop3A_345 = tpu.unpack_subelements %parallel_loop3A_343, 1 {pack_format = #tpu.pack_format<interleaved>} : vector<32xbf16> -> vector<16xf32>
          %parallel_loop3A_346 = arith.addf %parallel_loop3A_270, %parallel_loop3A_344 : vector<16xf32>
          %parallel_loop3A_347 = arith.addf %parallel_loop3A_271, %parallel_loop3A_345 : vector<16xf32>
          scf.yield %parallel_loop3A_341, %parallel_loop3A_342, %parallel_loop3A_346, %parallel_loop3A_347 : vector<16xf32>, vector<16xf32>, vector<16xf32>, vector<16xf32>
        } {sc.loop_unroll_factor = 8 : i64, sc.parallel_access}
        %add3A_181 = arith.addf %parallel_loop3A_180#0, %parallel_loop3A_180#1 : vector<16xf32>
        %add3A_182 = arith.addf %parallel_loop3A_180#2, %parallel_loop3A_180#3 : vector<16xf32>
        %add3A_183 = arith.addf %add3A_181, %add3A_182 : vector<16xf32>
        %neg3A_184 = arith.constant 0.000000e+00 : f32
        %neg3A_185 = vector.broadcast %neg3A_184 : f32 to vector<16xf32>
        %neg3A_186 = arith.subf %neg3A_185, %add3A_183 : vector<16xf32>
        %exp3A_187 = math.exp %neg3A_186 : vector<16xf32>
        %add3A_188 = arith.constant 1.000000e+00 : f32
        %add3A_189 = vector.broadcast %add3A_188 : f32 to vector<16xf32>
        %add3A_190 = arith.addf %add3A_189, %exp3A_187 : vector<16xf32>
        %div3A_191 = arith.constant 1.000000e+00 : f32
        %div3A_192 = vector.broadcast %div3A_191 : f32 to vector<16xf32>
        %div3A_193 = arith.divf %div3A_192, %add3A_190 : vector<16xf32>
        %mul3A_194 = arith.constant 80 : i32
        %mul3A_195 = arith.muli %add3A_74, %mul3A_194 : i32
        %add3A_196 = arith.constant 32 : i32
        %add3A_197 = arith.addi %mul3A_195, %add3A_196 : i32
        %swap3A_198 = arith.index_cast %add3A_197 : i32 to index
        %swap3A_199 = tpu.vector_load %arg10[%swap3A_198] {strides = array<i32>} : memref<10000xf32, #tpu.memory_space<vmem>>, vector<16xf32>,
        tpu.vector_store %arg10[%swap3A_198], %div3A_193 {strides = array<i32>} : memref<10000xf32, #tpu.memory_space<vmem>>, vector<16xf32>,
        %add3A_200 = arith.constant 48 : i32
        %add3A_201 = vector.broadcast %add3A_200 : i32 to vector<16xi32>
        %add3A_202 = arith.addi %add3A_201, %iota3A : vector<16xi32>
        %broadcast_in_dim3A_203 = arith.constant 0.000000e+00 : f32
        %broadcast_in_dim3A_204 = vector.broadcast %broadcast_in_dim3A_203 : f32 to vector<16xf32>
        %parallel_loop3A_205 = arith.constant 0 : i32
        %parallel_loop3A_206 = arith.constant 16 : i32
        %parallel_loop3A_207 = arith.constant 1 : i32
        %parallel_loop3A_208 = arith.constant 0 : i32
        %parallel_loop3A_209 = arith.constant 0 : i32
        %parallel_loop3A_210:4 = scf.for %parallel_loop3A_267 = %parallel_loop3A_205 to %parallel_loop3A_206 step %parallel_loop3A_207 iter_args(%parallel_loop3A_268 = %broadcast_in_dim3A_204, %parallel_loop3A_269 = %broadcast_in_dim3A_204, %parallel_loop3A_270 = %broadcast_in_dim3A_204, %parallel_loop3A_271 = %broadcast_in_dim3A_204) -> (vector<16xf32>, vector<16xf32>, vector<16xf32>, vector<16xf32>)  : i32 {
          %parallel_loop3A_272 = vector.broadcast %parallel_loop3A_267 : i32 to vector<16xi32>
          %parallel_loop3A_273 = arith.addi %iota3A, %parallel_loop3A_272 : vector<16xi32>
          %parallel_loop3A_274 = arith.constant 0 : i32
          %parallel_loop3A_275 = arith.constant 0 : i32
          %parallel_loop3A_276 = tpu.memref_slice %arg8[%parallel_loop3A_208, %parallel_loop3A_274, %parallel_loop3A_275] : memref<3x80x64xf32, #tpu.memory_space<vmem>> -> memref<1x80x64xf32, #tpu.memory_space<vmem>>
          %parallel_loop3A_277 = tpu.memref_squeeze %parallel_loop3A_276 : memref<1x80x64xf32, #tpu.memory_space<vmem>> -> memref<80x64xf32, #tpu.memory_space<vmem>>
          %parallel_loop3A_278 = tpu.vector_load_idx %parallel_loop3A_277[%add3A_202, %parallel_loop3A_273] : memref<80x64xf32, #tpu.memory_space<vmem>>[vector<16xi32>, vector<16xi32>], vector<16xf32>,
          %parallel_loop3A_279 = arith.constant 0 : i32
          %parallel_loop3A_280 = arith.constant 0 : i32
          %parallel_loop3A_281 = tpu.memref_slice %arg9[%parallel_loop3A_209, %parallel_loop3A_279, %parallel_loop3A_280] : memref<3x80x64xf32, #tpu.memory_space<vmem>> -> memref<1x80x64xf32, #tpu.memory_space<vmem>>
          %parallel_loop3A_282 = tpu.memref_squeeze %parallel_loop3A_281 : memref<1x80x64xf32, #tpu.memory_space<vmem>> -> memref<80x64xf32, #tpu.memory_space<vmem>>
          %parallel_loop3A_283 = tpu.vector_load_idx %parallel_loop3A_282[%add3A_202, %parallel_loop3A_273] : memref<80x64xf32, #tpu.memory_space<vmem>>[vector<16xi32>, vector<16xi32>], vector<16xf32>,
          %parallel_loop3A_284 = vector.bitcast %parallel_loop3A_278 : vector<16xf32> to vector<32xbf16>
          %parallel_loop3A_285 = vector.bitcast %parallel_loop3A_283 : vector<16xf32> to vector<32xbf16>
          %parallel_loop3A_286 = arith.mulf %parallel_loop3A_284, %parallel_loop3A_285 : vector<32xbf16>
          %parallel_loop3A_287 = arith.constant 16 : i32
          %parallel_loop3A_288 = vector.broadcast %parallel_loop3A_287 : i32 to vector<16xi32>
          %parallel_loop3A_289 = arith.addi %parallel_loop3A_273, %parallel_loop3A_288 : vector<16xi32>
          %parallel_loop3A_290 = arith.constant 0 : i32
          %parallel_loop3A_291 = arith.constant 0 : i32
          %parallel_loop3A_292 = tpu.memref_slice %arg8[%parallel_loop3A_208, %parallel_loop3A_290, %parallel_loop3A_291] : memref<3x80x64xf32, #tpu.memory_space<vmem>> -> memref<1x80x64xf32, #tpu.memory_space<vmem>>
          %parallel_loop3A_293 = tpu.memref_squeeze %parallel_loop3A_292 : memref<1x80x64xf32, #tpu.memory_space<vmem>> -> memref<80x64xf32, #tpu.memory_space<vmem>>
          %parallel_loop3A_294 = tpu.vector_load_idx %parallel_loop3A_293[%add3A_202, %parallel_loop3A_289] : memref<80x64xf32, #tpu.memory_space<vmem>>[vector<16xi32>, vector<16xi32>], vector<16xf32>,
          %parallel_loop3A_295 = arith.constant 0 : i32
          %parallel_loop3A_296 = arith.constant 0 : i32
          %parallel_loop3A_297 = tpu.memref_slice %arg9[%parallel_loop3A_209, %parallel_loop3A_295, %parallel_loop3A_296] : memref<3x80x64xf32, #tpu.memory_space<vmem>> -> memref<1x80x64xf32, #tpu.memory_space<vmem>>
          %parallel_loop3A_298 = tpu.memref_squeeze %parallel_loop3A_297 : memref<1x80x64xf32, #tpu.memory_space<vmem>> -> memref<80x64xf32, #tpu.memory_space<vmem>>
          %parallel_loop3A_299 = tpu.vector_load_idx %parallel_loop3A_298[%add3A_202, %parallel_loop3A_289] : memref<80x64xf32, #tpu.memory_space<vmem>>[vector<16xi32>, vector<16xi32>], vector<16xf32>,
          %parallel_loop3A_300 = vector.bitcast %parallel_loop3A_294 : vector<16xf32> to vector<32xbf16>
          %parallel_loop3A_301 = vector.bitcast %parallel_loop3A_299 : vector<16xf32> to vector<32xbf16>
          %parallel_loop3A_302 = arith.mulf %parallel_loop3A_300, %parallel_loop3A_301 : vector<32xbf16>
          %parallel_loop3A_303 = arith.constant 32 : i32
          %parallel_loop3A_304 = vector.broadcast %parallel_loop3A_303 : i32 to vector<16xi32>
          %parallel_loop3A_305 = arith.addi %parallel_loop3A_273, %parallel_loop3A_304 : vector<16xi32>
          %parallel_loop3A_306 = arith.constant 0 : i32
          %parallel_loop3A_307 = arith.constant 0 : i32
          %parallel_loop3A_308 = tpu.memref_slice %arg8[%parallel_loop3A_208, %parallel_loop3A_306, %parallel_loop3A_307] : memref<3x80x64xf32, #tpu.memory_space<vmem>> -> memref<1x80x64xf32, #tpu.memory_space<vmem>>
          %parallel_loop3A_309 = tpu.memref_squeeze %parallel_loop3A_308 : memref<1x80x64xf32, #tpu.memory_space<vmem>> -> memref<80x64xf32, #tpu.memory_space<vmem>>
          %parallel_loop3A_310 = tpu.vector_load_idx %parallel_loop3A_309[%add3A_202, %parallel_loop3A_305] : memref<80x64xf32, #tpu.memory_space<vmem>>[vector<16xi32>, vector<16xi32>], vector<16xf32>,
          %parallel_loop3A_311 = arith.constant 0 : i32
          %parallel_loop3A_312 = arith.constant 0 : i32
          %parallel_loop3A_313 = tpu.memref_slice %arg9[%parallel_loop3A_209, %parallel_loop3A_311, %parallel_loop3A_312] : memref<3x80x64xf32, #tpu.memory_space<vmem>> -> memref<1x80x64xf32, #tpu.memory_space<vmem>>
          %parallel_loop3A_314 = tpu.memref_squeeze %parallel_loop3A_313 : memref<1x80x64xf32, #tpu.memory_space<vmem>> -> memref<80x64xf32, #tpu.memory_space<vmem>>
          %parallel_loop3A_315 = tpu.vector_load_idx %parallel_loop3A_314[%add3A_202, %parallel_loop3A_305] : memref<80x64xf32, #tpu.memory_space<vmem>>[vector<16xi32>, vector<16xi32>], vector<16xf32>,
          %parallel_loop3A_316 = vector.bitcast %parallel_loop3A_310 : vector<16xf32> to vector<32xbf16>
          %parallel_loop3A_317 = vector.bitcast %parallel_loop3A_315 : vector<16xf32> to vector<32xbf16>
          %parallel_loop3A_318 = arith.mulf %parallel_loop3A_316, %parallel_loop3A_317 : vector<32xbf16>
          %parallel_loop3A_319 = arith.constant 48 : i32
          %parallel_loop3A_320 = vector.broadcast %parallel_loop3A_319 : i32 to vector<16xi32>
          %parallel_loop3A_321 = arith.addi %parallel_loop3A_273, %parallel_loop3A_320 : vector<16xi32>
          %parallel_loop3A_322 = arith.constant 63 : i32
          %parallel_loop3A_323 = vector.broadcast %parallel_loop3A_322 : i32 to vector<16xi32>
          %parallel_loop3A_324 = arith.andi %parallel_loop3A_321, %parallel_loop3A_323 : vector<16xi32>
          %parallel_loop3A_325 = arith.constant 0 : i32
          %parallel_loop3A_326 = arith.constant 0 : i32
          %parallel_loop3A_327 = tpu.memref_slice %arg8[%parallel_loop3A_208, %parallel_loop3A_325, %parallel_loop3A_326] : memref<3x80x64xf32, #tpu.memory_space<vmem>> -> memref<1x80x64xf32, #tpu.memory_space<vmem>>
          %parallel_loop3A_328 = tpu.memref_squeeze %parallel_loop3A_327 : memref<1x80x64xf32, #tpu.memory_space<vmem>> -> memref<80x64xf32, #tpu.memory_space<vmem>>
          %parallel_loop3A_329 = tpu.vector_load_idx %parallel_loop3A_328[%add3A_202, %parallel_loop3A_324] : memref<80x64xf32, #tpu.memory_space<vmem>>[vector<16xi32>, vector<16xi32>], vector<16xf32>,
          %parallel_loop3A_330 = arith.constant 0 : i32
          %parallel_loop3A_331 = arith.constant 0 : i32
          %parallel_loop3A_332 = tpu.memref_slice %arg9[%parallel_loop3A_209, %parallel_loop3A_330, %parallel_loop3A_331] : memref<3x80x64xf32, #tpu.memory_space<vmem>> -> memref<1x80x64xf32, #tpu.memory_space<vmem>>
          %parallel_loop3A_333 = tpu.memref_squeeze %parallel_loop3A_332 : memref<1x80x64xf32, #tpu.memory_space<vmem>> -> memref<80x64xf32, #tpu.memory_space<vmem>>
          %parallel_loop3A_334 = tpu.vector_load_idx %parallel_loop3A_333[%add3A_202, %parallel_loop3A_324] : memref<80x64xf32, #tpu.memory_space<vmem>>[vector<16xi32>, vector<16xi32>], vector<16xf32>,
          %parallel_loop3A_335 = vector.bitcast %parallel_loop3A_329 : vector<16xf32> to vector<32xbf16>
          %parallel_loop3A_336 = vector.bitcast %parallel_loop3A_334 : vector<16xf32> to vector<32xbf16>
          %parallel_loop3A_337 = arith.mulf %parallel_loop3A_335, %parallel_loop3A_336 : vector<32xbf16>
          %parallel_loop3A_338 = arith.addf %parallel_loop3A_286, %parallel_loop3A_302 : vector<32xbf16>
          %parallel_loop3A_339 = tpu.unpack_subelements %parallel_loop3A_338, 0 {pack_format = #tpu.pack_format<interleaved>} : vector<32xbf16> -> vector<16xf32>
          %parallel_loop3A_340 = tpu.unpack_subelements %parallel_loop3A_338, 1 {pack_format = #tpu.pack_format<interleaved>} : vector<32xbf16> -> vector<16xf32>
          %parallel_loop3A_341 = arith.addf %parallel_loop3A_268, %parallel_loop3A_339 : vector<16xf32>
          %parallel_loop3A_342 = arith.addf %parallel_loop3A_269, %parallel_loop3A_340 : vector<16xf32>
          %parallel_loop3A_343 = arith.addf %parallel_loop3A_318, %parallel_loop3A_337 : vector<32xbf16>
          %parallel_loop3A_344 = tpu.unpack_subelements %parallel_loop3A_343, 0 {pack_format = #tpu.pack_format<interleaved>} : vector<32xbf16> -> vector<16xf32>
          %parallel_loop3A_345 = tpu.unpack_subelements %parallel_loop3A_343, 1 {pack_format = #tpu.pack_format<interleaved>} : vector<32xbf16> -> vector<16xf32>
          %parallel_loop3A_346 = arith.addf %parallel_loop3A_270, %parallel_loop3A_344 : vector<16xf32>
          %parallel_loop3A_347 = arith.addf %parallel_loop3A_271, %parallel_loop3A_345 : vector<16xf32>
          scf.yield %parallel_loop3A_341, %parallel_loop3A_342, %parallel_loop3A_346, %parallel_loop3A_347 : vector<16xf32>, vector<16xf32>, vector<16xf32>, vector<16xf32>
        } {sc.loop_unroll_factor = 8 : i64, sc.parallel_access}
        %add3A_211 = arith.addf %parallel_loop3A_210#0, %parallel_loop3A_210#1 : vector<16xf32>
        %add3A_212 = arith.addf %parallel_loop3A_210#2, %parallel_loop3A_210#3 : vector<16xf32>
        %add3A_213 = arith.addf %add3A_211, %add3A_212 : vector<16xf32>
        %neg3A_214 = arith.constant 0.000000e+00 : f32
        %neg3A_215 = vector.broadcast %neg3A_214 : f32 to vector<16xf32>
        %neg3A_216 = arith.subf %neg3A_215, %add3A_213 : vector<16xf32>
        %exp3A_217 = math.exp %neg3A_216 : vector<16xf32>
        %add3A_218 = arith.constant 1.000000e+00 : f32
        %add3A_219 = vector.broadcast %add3A_218 : f32 to vector<16xf32>
        %add3A_220 = arith.addf %add3A_219, %exp3A_217 : vector<16xf32>
        %div3A_221 = arith.constant 1.000000e+00 : f32
        %div3A_222 = vector.broadcast %div3A_221 : f32 to vector<16xf32>
        %div3A_223 = arith.divf %div3A_222, %add3A_220 : vector<16xf32>
        %mul3A_224 = arith.constant 80 : i32
        %mul3A_225 = arith.muli %add3A_74, %mul3A_224 : i32
        %add3A_226 = arith.constant 48 : i32
        %add3A_227 = arith.addi %mul3A_225, %add3A_226 : i32
        %swap3A_228 = arith.index_cast %add3A_227 : i32 to index
        %swap3A_229 = tpu.vector_load %arg10[%swap3A_228] {strides = array<i32>} : memref<10000xf32, #tpu.memory_space<vmem>>, vector<16xf32>,
        tpu.vector_store %arg10[%swap3A_228], %div3A_223 {strides = array<i32>} : memref<10000xf32, #tpu.memory_space<vmem>>, vector<16xf32>,
        %add3A_230 = arith.constant 64 : i32
        %add3A_231 = vector.broadcast %add3A_230 : i32 to vector<16xi32>
        %add3A_232 = arith.addi %add3A_231, %iota3A : vector<16xi32>
        %broadcast_in_dim3A_233 = arith.constant 0.000000e+00 : f32
        %broadcast_in_dim3A_234 = vector.broadcast %broadcast_in_dim3A_233 : f32 to vector<16xf32>
        %parallel_loop3A_235 = arith.constant 0 : i32
        %parallel_loop3A_236 = arith.constant 16 : i32
        %parallel_loop3A_237 = arith.constant 1 : i32
        %parallel_loop3A_238 = arith.constant 0 : i32
        %parallel_loop3A_239 = arith.constant 0 : i32
        %parallel_loop3A_240:4 = scf.for %parallel_loop3A_267 = %parallel_loop3A_235 to %parallel_loop3A_236 step %parallel_loop3A_237 iter_args(%parallel_loop3A_268 = %broadcast_in_dim3A_234, %parallel_loop3A_269 = %broadcast_in_dim3A_234, %parallel_loop3A_270 = %broadcast_in_dim3A_234, %parallel_loop3A_271 = %broadcast_in_dim3A_234) -> (vector<16xf32>, vector<16xf32>, vector<16xf32>, vector<16xf32>)  : i32 {
          %parallel_loop3A_272 = vector.broadcast %parallel_loop3A_267 : i32 to vector<16xi32>
          %parallel_loop3A_273 = arith.addi %iota3A, %parallel_loop3A_272 : vector<16xi32>
          %parallel_loop3A_274 = arith.constant 0 : i32
          %parallel_loop3A_275 = arith.constant 0 : i32
          %parallel_loop3A_276 = tpu.memref_slice %arg8[%parallel_loop3A_238, %parallel_loop3A_274, %parallel_loop3A_275] : memref<3x80x64xf32, #tpu.memory_space<vmem>> -> memref<1x80x64xf32, #tpu.memory_space<vmem>>
          %parallel_loop3A_277 = tpu.memref_squeeze %parallel_loop3A_276 : memref<1x80x64xf32, #tpu.memory_space<vmem>> -> memref<80x64xf32, #tpu.memory_space<vmem>>
          %parallel_loop3A_278 = tpu.vector_load_idx %parallel_loop3A_277[%add3A_232, %parallel_loop3A_273] : memref<80x64xf32, #tpu.memory_space<vmem>>[vector<16xi32>, vector<16xi32>], vector<16xf32>,
          %parallel_loop3A_279 = arith.constant 0 : i32
          %parallel_loop3A_280 = arith.constant 0 : i32
          %parallel_loop3A_281 = tpu.memref_slice %arg9[%parallel_loop3A_239, %parallel_loop3A_279, %parallel_loop3A_280] : memref<3x80x64xf32, #tpu.memory_space<vmem>> -> memref<1x80x64xf32, #tpu.memory_space<vmem>>
          %parallel_loop3A_282 = tpu.memref_squeeze %parallel_loop3A_281 : memref<1x80x64xf32, #tpu.memory_space<vmem>> -> memref<80x64xf32, #tpu.memory_space<vmem>>
          %parallel_loop3A_283 = tpu.vector_load_idx %parallel_loop3A_282[%add3A_232, %parallel_loop3A_273] : memref<80x64xf32, #tpu.memory_space<vmem>>[vector<16xi32>, vector<16xi32>], vector<16xf32>,
          %parallel_loop3A_284 = vector.bitcast %parallel_loop3A_278 : vector<16xf32> to vector<32xbf16>
          %parallel_loop3A_285 = vector.bitcast %parallel_loop3A_283 : vector<16xf32> to vector<32xbf16>
          %parallel_loop3A_286 = arith.mulf %parallel_loop3A_284, %parallel_loop3A_285 : vector<32xbf16>
          %parallel_loop3A_287 = arith.constant 16 : i32
          %parallel_loop3A_288 = vector.broadcast %parallel_loop3A_287 : i32 to vector<16xi32>
          %parallel_loop3A_289 = arith.addi %parallel_loop3A_273, %parallel_loop3A_288 : vector<16xi32>
          %parallel_loop3A_290 = arith.constant 0 : i32
          %parallel_loop3A_291 = arith.constant 0 : i32
          %parallel_loop3A_292 = tpu.memref_slice %arg8[%parallel_loop3A_238, %parallel_loop3A_290, %parallel_loop3A_291] : memref<3x80x64xf32, #tpu.memory_space<vmem>> -> memref<1x80x64xf32, #tpu.memory_space<vmem>>
          %parallel_loop3A_293 = tpu.memref_squeeze %parallel_loop3A_292 : memref<1x80x64xf32, #tpu.memory_space<vmem>> -> memref<80x64xf32, #tpu.memory_space<vmem>>
          %parallel_loop3A_294 = tpu.vector_load_idx %parallel_loop3A_293[%add3A_232, %parallel_loop3A_289] : memref<80x64xf32, #tpu.memory_space<vmem>>[vector<16xi32>, vector<16xi32>], vector<16xf32>,
          %parallel_loop3A_295 = arith.constant 0 : i32
          %parallel_loop3A_296 = arith.constant 0 : i32
          %parallel_loop3A_297 = tpu.memref_slice %arg9[%parallel_loop3A_239, %parallel_loop3A_295, %parallel_loop3A_296] : memref<3x80x64xf32, #tpu.memory_space<vmem>> -> memref<1x80x64xf32, #tpu.memory_space<vmem>>
          %parallel_loop3A_298 = tpu.memref_squeeze %parallel_loop3A_297 : memref<1x80x64xf32, #tpu.memory_space<vmem>> -> memref<80x64xf32, #tpu.memory_space<vmem>>
          %parallel_loop3A_299 = tpu.vector_load_idx %parallel_loop3A_298[%add3A_232, %parallel_loop3A_289] : memref<80x64xf32, #tpu.memory_space<vmem>>[vector<16xi32>, vector<16xi32>], vector<16xf32>,
          %parallel_loop3A_300 = vector.bitcast %parallel_loop3A_294 : vector<16xf32> to vector<32xbf16>
          %parallel_loop3A_301 = vector.bitcast %parallel_loop3A_299 : vector<16xf32> to vector<32xbf16>
          %parallel_loop3A_302 = arith.mulf %parallel_loop3A_300, %parallel_loop3A_301 : vector<32xbf16>
          %parallel_loop3A_303 = arith.constant 32 : i32
          %parallel_loop3A_304 = vector.broadcast %parallel_loop3A_303 : i32 to vector<16xi32>
          %parallel_loop3A_305 = arith.addi %parallel_loop3A_273, %parallel_loop3A_304 : vector<16xi32>
          %parallel_loop3A_306 = arith.constant 0 : i32
          %parallel_loop3A_307 = arith.constant 0 : i32
          %parallel_loop3A_308 = tpu.memref_slice %arg8[%parallel_loop3A_238, %parallel_loop3A_306, %parallel_loop3A_307] : memref<3x80x64xf32, #tpu.memory_space<vmem>> -> memref<1x80x64xf32, #tpu.memory_space<vmem>>
          %parallel_loop3A_309 = tpu.memref_squeeze %parallel_loop3A_308 : memref<1x80x64xf32, #tpu.memory_space<vmem>> -> memref<80x64xf32, #tpu.memory_space<vmem>>
          %parallel_loop3A_310 = tpu.vector_load_idx %parallel_loop3A_309[%add3A_232, %parallel_loop3A_305] : memref<80x64xf32, #tpu.memory_space<vmem>>[vector<16xi32>, vector<16xi32>], vector<16xf32>,
          %parallel_loop3A_311 = arith.constant 0 : i32
          %parallel_loop3A_312 = arith.constant 0 : i32
          %parallel_loop3A_313 = tpu.memref_slice %arg9[%parallel_loop3A_239, %parallel_loop3A_311, %parallel_loop3A_312] : memref<3x80x64xf32, #tpu.memory_space<vmem>> -> memref<1x80x64xf32, #tpu.memory_space<vmem>>
          %parallel_loop3A_314 = tpu.memref_squeeze %parallel_loop3A_313 : memref<1x80x64xf32, #tpu.memory_space<vmem>> -> memref<80x64xf32, #tpu.memory_space<vmem>>
          %parallel_loop3A_315 = tpu.vector_load_idx %parallel_loop3A_314[%add3A_232, %parallel_loop3A_305] : memref<80x64xf32, #tpu.memory_space<vmem>>[vector<16xi32>, vector<16xi32>], vector<16xf32>,
          %parallel_loop3A_316 = vector.bitcast %parallel_loop3A_310 : vector<16xf32> to vector<32xbf16>
          %parallel_loop3A_317 = vector.bitcast %parallel_loop3A_315 : vector<16xf32> to vector<32xbf16>
          %parallel_loop3A_318 = arith.mulf %parallel_loop3A_316, %parallel_loop3A_317 : vector<32xbf16>
          %parallel_loop3A_319 = arith.constant 48 : i32
          %parallel_loop3A_320 = vector.broadcast %parallel_loop3A_319 : i32 to vector<16xi32>
          %parallel_loop3A_321 = arith.addi %parallel_loop3A_273, %parallel_loop3A_320 : vector<16xi32>
          %parallel_loop3A_322 = arith.constant 63 : i32
          %parallel_loop3A_323 = vector.broadcast %parallel_loop3A_322 : i32 to vector<16xi32>
          %parallel_loop3A_324 = arith.andi %parallel_loop3A_321, %parallel_loop3A_323 : vector<16xi32>
          %parallel_loop3A_325 = arith.constant 0 : i32
          %parallel_loop3A_326 = arith.constant 0 : i32
          %parallel_loop3A_327 = tpu.memref_slice %arg8[%parallel_loop3A_238, %parallel_loop3A_325, %parallel_loop3A_326] : memref<3x80x64xf32, #tpu.memory_space<vmem>> -> memref<1x80x64xf32, #tpu.memory_space<vmem>>
          %parallel_loop3A_328 = tpu.memref_squeeze %parallel_loop3A_327 : memref<1x80x64xf32, #tpu.memory_space<vmem>> -> memref<80x64xf32, #tpu.memory_space<vmem>>
          %parallel_loop3A_329 = tpu.vector_load_idx %parallel_loop3A_328[%add3A_232, %parallel_loop3A_324] : memref<80x64xf32, #tpu.memory_space<vmem>>[vector<16xi32>, vector<16xi32>], vector<16xf32>,
          %parallel_loop3A_330 = arith.constant 0 : i32
          %parallel_loop3A_331 = arith.constant 0 : i32
          %parallel_loop3A_332 = tpu.memref_slice %arg9[%parallel_loop3A_239, %parallel_loop3A_330, %parallel_loop3A_331] : memref<3x80x64xf32, #tpu.memory_space<vmem>> -> memref<1x80x64xf32, #tpu.memory_space<vmem>>
          %parallel_loop3A_333 = tpu.memref_squeeze %parallel_loop3A_332 : memref<1x80x64xf32, #tpu.memory_space<vmem>> -> memref<80x64xf32, #tpu.memory_space<vmem>>
          %parallel_loop3A_334 = tpu.vector_load_idx %parallel_loop3A_333[%add3A_232, %parallel_loop3A_324] : memref<80x64xf32, #tpu.memory_space<vmem>>[vector<16xi32>, vector<16xi32>], vector<16xf32>,
          %parallel_loop3A_335 = vector.bitcast %parallel_loop3A_329 : vector<16xf32> to vector<32xbf16>
          %parallel_loop3A_336 = vector.bitcast %parallel_loop3A_334 : vector<16xf32> to vector<32xbf16>
          %parallel_loop3A_337 = arith.mulf %parallel_loop3A_335, %parallel_loop3A_336 : vector<32xbf16>
          %parallel_loop3A_338 = arith.addf %parallel_loop3A_286, %parallel_loop3A_302 : vector<32xbf16>
          %parallel_loop3A_339 = tpu.unpack_subelements %parallel_loop3A_338, 0 {pack_format = #tpu.pack_format<interleaved>} : vector<32xbf16> -> vector<16xf32>
          %parallel_loop3A_340 = tpu.unpack_subelements %parallel_loop3A_338, 1 {pack_format = #tpu.pack_format<interleaved>} : vector<32xbf16> -> vector<16xf32>
          %parallel_loop3A_341 = arith.addf %parallel_loop3A_268, %parallel_loop3A_339 : vector<16xf32>
          %parallel_loop3A_342 = arith.addf %parallel_loop3A_269, %parallel_loop3A_340 : vector<16xf32>
          %parallel_loop3A_343 = arith.addf %parallel_loop3A_318, %parallel_loop3A_337 : vector<32xbf16>
          %parallel_loop3A_344 = tpu.unpack_subelements %parallel_loop3A_343, 0 {pack_format = #tpu.pack_format<interleaved>} : vector<32xbf16> -> vector<16xf32>
          %parallel_loop3A_345 = tpu.unpack_subelements %parallel_loop3A_343, 1 {pack_format = #tpu.pack_format<interleaved>} : vector<32xbf16> -> vector<16xf32>
          %parallel_loop3A_346 = arith.addf %parallel_loop3A_270, %parallel_loop3A_344 : vector<16xf32>
          %parallel_loop3A_347 = arith.addf %parallel_loop3A_271, %parallel_loop3A_345 : vector<16xf32>
          scf.yield %parallel_loop3A_341, %parallel_loop3A_342, %parallel_loop3A_346, %parallel_loop3A_347 : vector<16xf32>, vector<16xf32>, vector<16xf32>, vector<16xf32>
        } {sc.loop_unroll_factor = 8 : i64, sc.parallel_access}
        %add3A_241 = arith.addf %parallel_loop3A_240#0, %parallel_loop3A_240#1 : vector<16xf32>
        %add3A_242 = arith.addf %parallel_loop3A_240#2, %parallel_loop3A_240#3 : vector<16xf32>
        %add3A_243 = arith.addf %add3A_241, %add3A_242 : vector<16xf32>
        %neg3A_244 = arith.constant 0.000000e+00 : f32
        %neg3A_245 = vector.broadcast %neg3A_244 : f32 to vector<16xf32>
        %neg3A_246 = arith.subf %neg3A_245, %add3A_243 : vector<16xf32>
        %exp3A_247 = math.exp %neg3A_246 : vector<16xf32>
        %add3A_248 = arith.constant 1.000000e+00 : f32
        %add3A_249 = vector.broadcast %add3A_248 : f32 to vector<16xf32>
        %add3A_250 = arith.addf %add3A_249, %exp3A_247 : vector<16xf32>
        %div3A_251 = arith.constant 1.000000e+00 : f32
        %div3A_252 = vector.broadcast %div3A_251 : f32 to vector<16xf32>
        %div3A_253 = arith.divf %div3A_252, %add3A_250 : vector<16xf32>
        %mul3A_254 = arith.constant 80 : i32
        %mul3A_255 = arith.muli %add3A_74, %mul3A_254 : i32
        %add3A_256 = arith.constant 64 : i32
        %add3A_257 = arith.addi %mul3A_255, %add3A_256 : i32
        %swap3A_258 = arith.index_cast %add3A_257 : i32 to index
        %swap3A_259 = tpu.vector_load %arg10[%swap3A_258] {strides = array<i32>} : memref<10000xf32, #tpu.memory_space<vmem>>, vector<16xf32>,
        tpu.vector_store %arg10[%swap3A_258], %div3A_253 {strides = array<i32>} : memref<10000xf32, #tpu.memory_space<vmem>>, vector<16xf32>,
        %add3A_260 = arith.constant 3 : i32
        %add3A_261 = arith.addi %add3A_74, %add3A_260 : i32
        %lt3A_262 = arith.constant 125 : i32
        %lt3A_263 = arith.cmpi slt, %add3A_261, %lt3A_262 : i32
        %convert_element_type3A_264 = arith.extui %lt3A_263 : i1 to i32
        %cond3A_265 = arith.constant 0 : i32
        %cond3A_266 = arith.cmpi ne, %convert_element_type3A_264, %cond3A_265 : i32
        scf.if %cond3A_266 {
          %add3A_267 = arith.constant 3 : i32
          %add3A_268 = arith.addi %add3A_74, %add3A_267 : i32
          %mul3A_269 = arith.constant 80 : i32
          %mul3A_270 = arith.muli %add3A_268, %mul3A_269 : i32
          %mul3A_271 = arith.constant 80 : i32
          %mul3A_272 = arith.muli %add3A_268, %mul3A_271 : i32
          %dma_start3A_273 = arith.constant 0 : i32
          %dma_start3A_274 = arith.constant 0 : i32
          %dma_start3A_275 = arith.constant 0 : i32
          %dma_start3A_276 = tpu.memref_slice %arg8[%dma_start3A_273, %dma_start3A_274, %dma_start3A_275] : memref<3x80x64xf32, #tpu.memory_space<vmem>> -> memref<1x80x64xf32, #tpu.memory_space<vmem>>
          %dma_start3A_277 = tpu.memref_squeeze %dma_start3A_276 : memref<1x80x64xf32, #tpu.memory_space<vmem>> -> memref<80x64xf32, #tpu.memory_space<vmem>>
          %dma_start3A_278 = tpu.memref_slice %arg6[%mul3A_270] : memref<10000xi32, #tpu.memory_space<vmem>> -> memref<80xi32, #tpu.memory_space<vmem>>
          %dma_start3A_279 = arith.constant 0 : i32
          %dma_start3A_280 = arith.constant 0 : i32
          %dma_start3A_281 = tpu.memref_slice %arg11[%dma_start3A_279, %dma_start3A_280] : memref<10000x64xf32, #tpu.memory_space<vmem_shared>> -> memref<10000x64xf32, #tpu.memory_space<vmem_shared>>
          tpu.enqueue_indirect_dma source(%dma_start3A_281 : memref<10000x64xf32, #tpu.memory_space<vmem_shared>>) target(%dma_start3A_277 : memref<80x64xf32, #tpu.memory_space<vmem>>) offsets(%dma_start3A_278 : memref<80xi32, #tpu.memory_space<vmem>>) semaphore(%arg12 : memref<!tpu.dma_semaphore, #tpu.memory_space<semaphore_mem>>)
          %dma_start3A_282 = arith.constant 0 : i32
          %dma_start3A_283 = arith.constant 0 : i32
          %dma_start3A_284 = arith.constant 0 : i32
          %dma_start3A_285 = tpu.memref_slice %arg9[%dma_start3A_282, %dma_start3A_283, %dma_start3A_284] : memref<3x80x64xf32, #tpu.memory_space<vmem>> -> memref<1x80x64xf32, #tpu.memory_space<vmem>>
          %dma_start3A_286 = tpu.memref_squeeze %dma_start3A_285 : memref<1x80x64xf32, #tpu.memory_space<vmem>> -> memref<80x64xf32, #tpu.memory_space<vmem>>
          %dma_start3A_287 = tpu.memref_slice %arg7[%mul3A_272] : memref<10000xi32, #tpu.memory_space<vmem>> -> memref<80xi32, #tpu.memory_space<vmem>>
          %dma_start3A_288 = arith.constant 0 : i32
          %dma_start3A_289 = arith.constant 0 : i32
          %dma_start3A_290 = tpu.memref_slice %arg11[%dma_start3A_288, %dma_start3A_289] : memref<10000x64xf32, #tpu.memory_space<vmem_shared>> -> memref<10000x64xf32, #tpu.memory_space<vmem_shared>>
          tpu.enqueue_indirect_dma source(%dma_start3A_290 : memref<10000x64xf32, #tpu.memory_space<vmem_shared>>) target(%dma_start3A_286 : memref<80x64xf32, #tpu.memory_space<vmem>>) offsets(%dma_start3A_287 : memref<80xi32, #tpu.memory_space<vmem>>) semaphore(%arg13 : memref<!tpu.dma_semaphore, #tpu.memory_space<semaphore_mem>>)
        } else {
        }
      } else {
      }
      %mul3A_77 = arith.constant 3 : i32
      %mul3A_78 = arith.muli %scan3A_70, %mul3A_77 : i32
      %add3A_79 = arith.constant 1 : i32
      %add3A_80 = arith.addi %mul3A_78, %add3A_79 : i32
      %lt3A_81 = arith.constant 125 : i32
      %lt3A_82 = arith.cmpi slt, %add3A_80, %lt3A_81 : i32
      %convert_element_type3A_83 = arith.extui %lt3A_82 : i1 to i32
      %cond3A_84 = arith.constant 0 : i32
      %cond3A_85 = arith.cmpi ne, %convert_element_type3A_83, %cond3A_84 : i32
      scf.if %cond3A_85 {
        %mul3A_95 = arith.constant 80 : i32
        %mul3A_96 = arith.muli %add3A_80, %mul3A_95 : i32
        %mul3A_97 = arith.constant 80 : i32
        %mul3A_98 = arith.muli %add3A_80, %mul3A_97 : i32
        %dma_wait3A = arith.constant 1 : i32
        %dma_wait3A_99 = arith.constant 0 : i32
        %dma_wait3A_100 = arith.constant 0 : i32
        %dma_wait3A_101 = tpu.memref_slice %arg8[%dma_wait3A, %dma_wait3A_99, %dma_wait3A_100] : memref<3x80x64xf32, #tpu.memory_space<vmem>> -> memref<1x80x64xf32, #tpu.memory_space<vmem>>
        %dma_wait3A_102 = tpu.memref_squeeze %dma_wait3A_101 : memref<1x80x64xf32, #tpu.memory_space<vmem>> -> memref<80x64xf32, #tpu.memory_space<vmem>>
        %dma_wait3A_103 = tpu.memref_slice %arg6[%mul3A_96] : memref<10000xi32, #tpu.memory_space<vmem>> -> memref<80xi32, #tpu.memory_space<vmem>>
        %dma_wait3A_104 = arith.constant 0 : i32
        %dma_wait3A_105 = arith.constant 0 : i32
        %dma_wait3A_106 = tpu.memref_slice %arg11[%dma_wait3A_104, %dma_wait3A_105] : memref<10000x64xf32, #tpu.memory_space<vmem_shared>> -> memref<10000x64xf32, #tpu.memory_space<vmem_shared>>
        tpu.wait_indirect_dma semaphore(%arg14 : memref<!tpu.dma_semaphore, #tpu.memory_space<semaphore_mem>>) src(%dma_wait3A_106 : memref<10000x64xf32, #tpu.memory_space<vmem_shared>>) dst(%dma_wait3A_102 : memref<80x64xf32, #tpu.memory_space<vmem>>)
        %dma_wait3A_107 = arith.constant 1 : i32
        %dma_wait3A_108 = arith.constant 0 : i32
        %dma_wait3A_109 = arith.constant 0 : i32
        %dma_wait3A_110 = tpu.memref_slice %arg9[%dma_wait3A_107, %dma_wait3A_108, %dma_wait3A_109] : memref<3x80x64xf32, #tpu.memory_space<vmem>> -> memref<1x80x64xf32, #tpu.memory_space<vmem>>
        %dma_wait3A_111 = tpu.memref_squeeze %dma_wait3A_110 : memref<1x80x64xf32, #tpu.memory_space<vmem>> -> memref<80x64xf32, #tpu.memory_space<vmem>>
        %dma_wait3A_112 = tpu.memref_slice %arg7[%mul3A_98] : memref<10000xi32, #tpu.memory_space<vmem>> -> memref<80xi32, #tpu.memory_space<vmem>>
        %dma_wait3A_113 = arith.constant 0 : i32
        %dma_wait3A_114 = arith.constant 0 : i32
        %dma_wait3A_115 = tpu.memref_slice %arg11[%dma_wait3A_113, %dma_wait3A_114] : memref<10000x64xf32, #tpu.memory_space<vmem_shared>> -> memref<10000x64xf32, #tpu.memory_space<vmem_shared>>
        tpu.wait_indirect_dma semaphore(%arg15 : memref<!tpu.dma_semaphore, #tpu.memory_space<semaphore_mem>>) src(%dma_wait3A_115 : memref<10000x64xf32, #tpu.memory_space<vmem_shared>>) dst(%dma_wait3A_111 : memref<80x64xf32, #tpu.memory_space<vmem>>)
        %iota3A = tpu.iota {dimensions = array<i32: 0>} : vector<16xi32>
        %add3A_116 = arith.constant 0 : i32
        %add3A_117 = vector.broadcast %add3A_116 : i32 to vector<16xi32>
        %add3A_118 = arith.addi %add3A_117, %iota3A : vector<16xi32>
        %broadcast_in_dim3A = arith.constant 0.000000e+00 : f32
        %broadcast_in_dim3A_119 = vector.broadcast %broadcast_in_dim3A : f32 to vector<16xf32>
        %parallel_loop3A = arith.constant 0 : i32
        %parallel_loop3A_120 = arith.constant 16 : i32
        %parallel_loop3A_121 = arith.constant 1 : i32
        %parallel_loop3A_122 = arith.constant 1 : i32
        %parallel_loop3A_123 = arith.constant 1 : i32
        %parallel_loop3A_124:4 = scf.for %parallel_loop3A_267 = %parallel_loop3A to %parallel_loop3A_120 step %parallel_loop3A_121 iter_args(%parallel_loop3A_268 = %broadcast_in_dim3A_119, %parallel_loop3A_269 = %broadcast_in_dim3A_119, %parallel_loop3A_270 = %broadcast_in_dim3A_119, %parallel_loop3A_271 = %broadcast_in_dim3A_119) -> (vector<16xf32>, vector<16xf32>, vector<16xf32>, vector<16xf32>)  : i32 {
          %parallel_loop3A_272 = vector.broadcast %parallel_loop3A_267 : i32 to vector<16xi32>
          %parallel_loop3A_273 = arith.addi %iota3A, %parallel_loop3A_272 : vector<16xi32>
          %parallel_loop3A_274 = arith.constant 0 : i32
          %parallel_loop3A_275 = arith.constant 0 : i32
          %parallel_loop3A_276 = tpu.memref_slice %arg8[%parallel_loop3A_122, %parallel_loop3A_274, %parallel_loop3A_275] : memref<3x80x64xf32, #tpu.memory_space<vmem>> -> memref<1x80x64xf32, #tpu.memory_space<vmem>>
          %parallel_loop3A_277 = tpu.memref_squeeze %parallel_loop3A_276 : memref<1x80x64xf32, #tpu.memory_space<vmem>> -> memref<80x64xf32, #tpu.memory_space<vmem>>
          %parallel_loop3A_278 = tpu.vector_load_idx %parallel_loop3A_277[%add3A_118, %parallel_loop3A_273] : memref<80x64xf32, #tpu.memory_space<vmem>>[vector<16xi32>, vector<16xi32>], vector<16xf32>,
          %parallel_loop3A_279 = arith.constant 0 : i32
          %parallel_loop3A_280 = arith.constant 0 : i32
          %parallel_loop3A_281 = tpu.memref_slice %arg9[%parallel_loop3A_123, %parallel_loop3A_279, %parallel_loop3A_280] : memref<3x80x64xf32, #tpu.memory_space<vmem>> -> memref<1x80x64xf32, #tpu.memory_space<vmem>>
          %parallel_loop3A_282 = tpu.memref_squeeze %parallel_loop3A_281 : memref<1x80x64xf32, #tpu.memory_space<vmem>> -> memref<80x64xf32, #tpu.memory_space<vmem>>
          %parallel_loop3A_283 = tpu.vector_load_idx %parallel_loop3A_282[%add3A_118, %parallel_loop3A_273] : memref<80x64xf32, #tpu.memory_space<vmem>>[vector<16xi32>, vector<16xi32>], vector<16xf32>,
          %parallel_loop3A_284 = vector.bitcast %parallel_loop3A_278 : vector<16xf32> to vector<32xbf16>
          %parallel_loop3A_285 = vector.bitcast %parallel_loop3A_283 : vector<16xf32> to vector<32xbf16>
          %parallel_loop3A_286 = arith.mulf %parallel_loop3A_284, %parallel_loop3A_285 : vector<32xbf16>
          %parallel_loop3A_287 = arith.constant 16 : i32
          %parallel_loop3A_288 = vector.broadcast %parallel_loop3A_287 : i32 to vector<16xi32>
          %parallel_loop3A_289 = arith.addi %parallel_loop3A_273, %parallel_loop3A_288 : vector<16xi32>
          %parallel_loop3A_290 = arith.constant 0 : i32
          %parallel_loop3A_291 = arith.constant 0 : i32
          %parallel_loop3A_292 = tpu.memref_slice %arg8[%parallel_loop3A_122, %parallel_loop3A_290, %parallel_loop3A_291] : memref<3x80x64xf32, #tpu.memory_space<vmem>> -> memref<1x80x64xf32, #tpu.memory_space<vmem>>
          %parallel_loop3A_293 = tpu.memref_squeeze %parallel_loop3A_292 : memref<1x80x64xf32, #tpu.memory_space<vmem>> -> memref<80x64xf32, #tpu.memory_space<vmem>>
          %parallel_loop3A_294 = tpu.vector_load_idx %parallel_loop3A_293[%add3A_118, %parallel_loop3A_289] : memref<80x64xf32, #tpu.memory_space<vmem>>[vector<16xi32>, vector<16xi32>], vector<16xf32>,
          %parallel_loop3A_295 = arith.constant 0 : i32
          %parallel_loop3A_296 = arith.constant 0 : i32
          %parallel_loop3A_297 = tpu.memref_slice %arg9[%parallel_loop3A_123, %parallel_loop3A_295, %parallel_loop3A_296] : memref<3x80x64xf32, #tpu.memory_space<vmem>> -> memref<1x80x64xf32, #tpu.memory_space<vmem>>
          %parallel_loop3A_298 = tpu.memref_squeeze %parallel_loop3A_297 : memref<1x80x64xf32, #tpu.memory_space<vmem>> -> memref<80x64xf32, #tpu.memory_space<vmem>>
          %parallel_loop3A_299 = tpu.vector_load_idx %parallel_loop3A_298[%add3A_118, %parallel_loop3A_289] : memref<80x64xf32, #tpu.memory_space<vmem>>[vector<16xi32>, vector<16xi32>], vector<16xf32>,
          %parallel_loop3A_300 = vector.bitcast %parallel_loop3A_294 : vector<16xf32> to vector<32xbf16>
          %parallel_loop3A_301 = vector.bitcast %parallel_loop3A_299 : vector<16xf32> to vector<32xbf16>
          %parallel_loop3A_302 = arith.mulf %parallel_loop3A_300, %parallel_loop3A_301 : vector<32xbf16>
          %parallel_loop3A_303 = arith.constant 32 : i32
          %parallel_loop3A_304 = vector.broadcast %parallel_loop3A_303 : i32 to vector<16xi32>
          %parallel_loop3A_305 = arith.addi %parallel_loop3A_273, %parallel_loop3A_304 : vector<16xi32>
          %parallel_loop3A_306 = arith.constant 0 : i32
          %parallel_loop3A_307 = arith.constant 0 : i32
          %parallel_loop3A_308 = tpu.memref_slice %arg8[%parallel_loop3A_122, %parallel_loop3A_306, %parallel_loop3A_307] : memref<3x80x64xf32, #tpu.memory_space<vmem>> -> memref<1x80x64xf32, #tpu.memory_space<vmem>>
          %parallel_loop3A_309 = tpu.memref_squeeze %parallel_loop3A_308 : memref<1x80x64xf32, #tpu.memory_space<vmem>> -> memref<80x64xf32, #tpu.memory_space<vmem>>
          %parallel_loop3A_310 = tpu.vector_load_idx %parallel_loop3A_309[%add3A_118, %parallel_loop3A_305] : memref<80x64xf32, #tpu.memory_space<vmem>>[vector<16xi32>, vector<16xi32>], vector<16xf32>,
          %parallel_loop3A_311 = arith.constant 0 : i32
          %parallel_loop3A_312 = arith.constant 0 : i32
          %parallel_loop3A_313 = tpu.memref_slice %arg9[%parallel_loop3A_123, %parallel_loop3A_311, %parallel_loop3A_312] : memref<3x80x64xf32, #tpu.memory_space<vmem>> -> memref<1x80x64xf32, #tpu.memory_space<vmem>>
          %parallel_loop3A_314 = tpu.memref_squeeze %parallel_loop3A_313 : memref<1x80x64xf32, #tpu.memory_space<vmem>> -> memref<80x64xf32, #tpu.memory_space<vmem>>
          %parallel_loop3A_315 = tpu.vector_load_idx %parallel_loop3A_314[%add3A_118, %parallel_loop3A_305] : memref<80x64xf32, #tpu.memory_space<vmem>>[vector<16xi32>, vector<16xi32>], vector<16xf32>,
          %parallel_loop3A_316 = vector.bitcast %parallel_loop3A_310 : vector<16xf32> to vector<32xbf16>
          %parallel_loop3A_317 = vector.bitcast %parallel_loop3A_315 : vector<16xf32> to vector<32xbf16>
          %parallel_loop3A_318 = arith.mulf %parallel_loop3A_316, %parallel_loop3A_317 : vector<32xbf16>
          %parallel_loop3A_319 = arith.constant 48 : i32
          %parallel_loop3A_320 = vector.broadcast %parallel_loop3A_319 : i32 to vector<16xi32>
          %parallel_loop3A_321 = arith.addi %parallel_loop3A_273, %parallel_loop3A_320 : vector<16xi32>
          %parallel_loop3A_322 = arith.constant 63 : i32
          %parallel_loop3A_323 = vector.broadcast %parallel_loop3A_322 : i32 to vector<16xi32>
          %parallel_loop3A_324 = arith.andi %parallel_loop3A_321, %parallel_loop3A_323 : vector<16xi32>
          %parallel_loop3A_325 = arith.constant 0 : i32
          %parallel_loop3A_326 = arith.constant 0 : i32
          %parallel_loop3A_327 = tpu.memref_slice %arg8[%parallel_loop3A_122, %parallel_loop3A_325, %parallel_loop3A_326] : memref<3x80x64xf32, #tpu.memory_space<vmem>> -> memref<1x80x64xf32, #tpu.memory_space<vmem>>
          %parallel_loop3A_328 = tpu.memref_squeeze %parallel_loop3A_327 : memref<1x80x64xf32, #tpu.memory_space<vmem>> -> memref<80x64xf32, #tpu.memory_space<vmem>>
          %parallel_loop3A_329 = tpu.vector_load_idx %parallel_loop3A_328[%add3A_118, %parallel_loop3A_324] : memref<80x64xf32, #tpu.memory_space<vmem>>[vector<16xi32>, vector<16xi32>], vector<16xf32>,
          %parallel_loop3A_330 = arith.constant 0 : i32
          %parallel_loop3A_331 = arith.constant 0 : i32
          %parallel_loop3A_332 = tpu.memref_slice %arg9[%parallel_loop3A_123, %parallel_loop3A_330, %parallel_loop3A_331] : memref<3x80x64xf32, #tpu.memory_space<vmem>> -> memref<1x80x64xf32, #tpu.memory_space<vmem>>
          %parallel_loop3A_333 = tpu.memref_squeeze %parallel_loop3A_332 : memref<1x80x64xf32, #tpu.memory_space<vmem>> -> memref<80x64xf32, #tpu.memory_space<vmem>>
          %parallel_loop3A_334 = tpu.vector_load_idx %parallel_loop3A_333[%add3A_118, %parallel_loop3A_324] : memref<80x64xf32, #tpu.memory_space<vmem>>[vector<16xi32>, vector<16xi32>], vector<16xf32>,
          %parallel_loop3A_335 = vector.bitcast %parallel_loop3A_329 : vector<16xf32> to vector<32xbf16>
          %parallel_loop3A_336 = vector.bitcast %parallel_loop3A_334 : vector<16xf32> to vector<32xbf16>
          %parallel_loop3A_337 = arith.mulf %parallel_loop3A_335, %parallel_loop3A_336 : vector<32xbf16>
          %parallel_loop3A_338 = arith.addf %parallel_loop3A_286, %parallel_loop3A_302 : vector<32xbf16>
          %parallel_loop3A_339 = tpu.unpack_subelements %parallel_loop3A_338, 0 {pack_format = #tpu.pack_format<interleaved>} : vector<32xbf16> -> vector<16xf32>
          %parallel_loop3A_340 = tpu.unpack_subelements %parallel_loop3A_338, 1 {pack_format = #tpu.pack_format<interleaved>} : vector<32xbf16> -> vector<16xf32>
          %parallel_loop3A_341 = arith.addf %parallel_loop3A_268, %parallel_loop3A_339 : vector<16xf32>
          %parallel_loop3A_342 = arith.addf %parallel_loop3A_269, %parallel_loop3A_340 : vector<16xf32>
          %parallel_loop3A_343 = arith.addf %parallel_loop3A_318, %parallel_loop3A_337 : vector<32xbf16>
          %parallel_loop3A_344 = tpu.unpack_subelements %parallel_loop3A_343, 0 {pack_format = #tpu.pack_format<interleaved>} : vector<32xbf16> -> vector<16xf32>
          %parallel_loop3A_345 = tpu.unpack_subelements %parallel_loop3A_343, 1 {pack_format = #tpu.pack_format<interleaved>} : vector<32xbf16> -> vector<16xf32>
          %parallel_loop3A_346 = arith.addf %parallel_loop3A_270, %parallel_loop3A_344 : vector<16xf32>
          %parallel_loop3A_347 = arith.addf %parallel_loop3A_271, %parallel_loop3A_345 : vector<16xf32>
          scf.yield %parallel_loop3A_341, %parallel_loop3A_342, %parallel_loop3A_346, %parallel_loop3A_347 : vector<16xf32>, vector<16xf32>, vector<16xf32>, vector<16xf32>
        } {sc.loop_unroll_factor = 8 : i64, sc.parallel_access}
        %add3A_125 = arith.addf %parallel_loop3A_124#0, %parallel_loop3A_124#1 : vector<16xf32>
        %add3A_126 = arith.addf %parallel_loop3A_124#2, %parallel_loop3A_124#3 : vector<16xf32>
        %add3A_127 = arith.addf %add3A_125, %add3A_126 : vector<16xf32>
        %neg3A = arith.constant 0.000000e+00 : f32
        %neg3A_128 = vector.broadcast %neg3A : f32 to vector<16xf32>
        %neg3A_129 = arith.subf %neg3A_128, %add3A_127 : vector<16xf32>
        %exp3A = math.exp %neg3A_129 : vector<16xf32>
        %add3A_130 = arith.constant 1.000000e+00 : f32
        %add3A_131 = vector.broadcast %add3A_130 : f32 to vector<16xf32>
        %add3A_132 = arith.addf %add3A_131, %exp3A : vector<16xf32>
        %div3A = arith.constant 1.000000e+00 : f32
        %div3A_133 = vector.broadcast %div3A : f32 to vector<16xf32>
        %div3A_134 = arith.divf %div3A_133, %add3A_132 : vector<16xf32>
        %mul3A_135 = arith.constant 80 : i32
        %mul3A_136 = arith.muli %add3A_80, %mul3A_135 : i32
        %add3A_137 = arith.constant 0 : i32
        %add3A_138 = arith.addi %mul3A_136, %add3A_137 : i32
        %swap3A = arith.index_cast %add3A_138 : i32 to index
        %swap3A_139 = tpu.vector_load %arg10[%swap3A] {strides = array<i32>} : memref<10000xf32, #tpu.memory_space<vmem>>, vector<16xf32>,
        tpu.vector_store %arg10[%swap3A], %div3A_134 {strides = array<i32>} : memref<10000xf32, #tpu.memory_space<vmem>>, vector<16xf32>,
        %add3A_140 = arith.constant 16 : i32
        %add3A_141 = vector.broadcast %add3A_140 : i32 to vector<16xi32>
        %add3A_142 = arith.addi %add3A_141, %iota3A : vector<16xi32>
        %broadcast_in_dim3A_143 = arith.constant 0.000000e+00 : f32
        %broadcast_in_dim3A_144 = vector.broadcast %broadcast_in_dim3A_143 : f32 to vector<16xf32>
        %parallel_loop3A_145 = arith.constant 0 : i32
        %parallel_loop3A_146 = arith.constant 16 : i32
        %parallel_loop3A_147 = arith.constant 1 : i32
        %parallel_loop3A_148 = arith.constant 1 : i32
        %parallel_loop3A_149 = arith.constant 1 : i32
        %parallel_loop3A_150:4 = scf.for %parallel_loop3A_267 = %parallel_loop3A_145 to %parallel_loop3A_146 step %parallel_loop3A_147 iter_args(%parallel_loop3A_268 = %broadcast_in_dim3A_144, %parallel_loop3A_269 = %broadcast_in_dim3A_144, %parallel_loop3A_270 = %broadcast_in_dim3A_144, %parallel_loop3A_271 = %broadcast_in_dim3A_144) -> (vector<16xf32>, vector<16xf32>, vector<16xf32>, vector<16xf32>)  : i32 {
          %parallel_loop3A_272 = vector.broadcast %parallel_loop3A_267 : i32 to vector<16xi32>
          %parallel_loop3A_273 = arith.addi %iota3A, %parallel_loop3A_272 : vector<16xi32>
          %parallel_loop3A_274 = arith.constant 0 : i32
          %parallel_loop3A_275 = arith.constant 0 : i32
          %parallel_loop3A_276 = tpu.memref_slice %arg8[%parallel_loop3A_148, %parallel_loop3A_274, %parallel_loop3A_275] : memref<3x80x64xf32, #tpu.memory_space<vmem>> -> memref<1x80x64xf32, #tpu.memory_space<vmem>>
          %parallel_loop3A_277 = tpu.memref_squeeze %parallel_loop3A_276 : memref<1x80x64xf32, #tpu.memory_space<vmem>> -> memref<80x64xf32, #tpu.memory_space<vmem>>
          %parallel_loop3A_278 = tpu.vector_load_idx %parallel_loop3A_277[%add3A_142, %parallel_loop3A_273] : memref<80x64xf32, #tpu.memory_space<vmem>>[vector<16xi32>, vector<16xi32>], vector<16xf32>,
          %parallel_loop3A_279 = arith.constant 0 : i32
          %parallel_loop3A_280 = arith.constant 0 : i32
          %parallel_loop3A_281 = tpu.memref_slice %arg9[%parallel_loop3A_149, %parallel_loop3A_279, %parallel_loop3A_280] : memref<3x80x64xf32, #tpu.memory_space<vmem>> -> memref<1x80x64xf32, #tpu.memory_space<vmem>>
          %parallel_loop3A_282 = tpu.memref_squeeze %parallel_loop3A_281 : memref<1x80x64xf32, #tpu.memory_space<vmem>> -> memref<80x64xf32, #tpu.memory_space<vmem>>
          %parallel_loop3A_283 = tpu.vector_load_idx %parallel_loop3A_282[%add3A_142, %parallel_loop3A_273] : memref<80x64xf32, #tpu.memory_space<vmem>>[vector<16xi32>, vector<16xi32>], vector<16xf32>,
          %parallel_loop3A_284 = vector.bitcast %parallel_loop3A_278 : vector<16xf32> to vector<32xbf16>
          %parallel_loop3A_285 = vector.bitcast %parallel_loop3A_283 : vector<16xf32> to vector<32xbf16>
          %parallel_loop3A_286 = arith.mulf %parallel_loop3A_284, %parallel_loop3A_285 : vector<32xbf16>
          %parallel_loop3A_287 = arith.constant 16 : i32
          %parallel_loop3A_288 = vector.broadcast %parallel_loop3A_287 : i32 to vector<16xi32>
          %parallel_loop3A_289 = arith.addi %parallel_loop3A_273, %parallel_loop3A_288 : vector<16xi32>
          %parallel_loop3A_290 = arith.constant 0 : i32
          %parallel_loop3A_291 = arith.constant 0 : i32
          %parallel_loop3A_292 = tpu.memref_slice %arg8[%parallel_loop3A_148, %parallel_loop3A_290, %parallel_loop3A_291] : memref<3x80x64xf32, #tpu.memory_space<vmem>> -> memref<1x80x64xf32, #tpu.memory_space<vmem>>
          %parallel_loop3A_293 = tpu.memref_squeeze %parallel_loop3A_292 : memref<1x80x64xf32, #tpu.memory_space<vmem>> -> memref<80x64xf32, #tpu.memory_space<vmem>>
          %parallel_loop3A_294 = tpu.vector_load_idx %parallel_loop3A_293[%add3A_142, %parallel_loop3A_289] : memref<80x64xf32, #tpu.memory_space<vmem>>[vector<16xi32>, vector<16xi32>], vector<16xf32>,
          %parallel_loop3A_295 = arith.constant 0 : i32
          %parallel_loop3A_296 = arith.constant 0 : i32
          %parallel_loop3A_297 = tpu.memref_slice %arg9[%parallel_loop3A_149, %parallel_loop3A_295, %parallel_loop3A_296] : memref<3x80x64xf32, #tpu.memory_space<vmem>> -> memref<1x80x64xf32, #tpu.memory_space<vmem>>
          %parallel_loop3A_298 = tpu.memref_squeeze %parallel_loop3A_297 : memref<1x80x64xf32, #tpu.memory_space<vmem>> -> memref<80x64xf32, #tpu.memory_space<vmem>>
          %parallel_loop3A_299 = tpu.vector_load_idx %parallel_loop3A_298[%add3A_142, %parallel_loop3A_289] : memref<80x64xf32, #tpu.memory_space<vmem>>[vector<16xi32>, vector<16xi32>], vector<16xf32>,
          %parallel_loop3A_300 = vector.bitcast %parallel_loop3A_294 : vector<16xf32> to vector<32xbf16>
          %parallel_loop3A_301 = vector.bitcast %parallel_loop3A_299 : vector<16xf32> to vector<32xbf16>
          %parallel_loop3A_302 = arith.mulf %parallel_loop3A_300, %parallel_loop3A_301 : vector<32xbf16>
          %parallel_loop3A_303 = arith.constant 32 : i32
          %parallel_loop3A_304 = vector.broadcast %parallel_loop3A_303 : i32 to vector<16xi32>
          %parallel_loop3A_305 = arith.addi %parallel_loop3A_273, %parallel_loop3A_304 : vector<16xi32>
          %parallel_loop3A_306 = arith.constant 0 : i32
          %parallel_loop3A_307 = arith.constant 0 : i32
          %parallel_loop3A_308 = tpu.memref_slice %arg8[%parallel_loop3A_148, %parallel_loop3A_306, %parallel_loop3A_307] : memref<3x80x64xf32, #tpu.memory_space<vmem>> -> memref<1x80x64xf32, #tpu.memory_space<vmem>>
          %parallel_loop3A_309 = tpu.memref_squeeze %parallel_loop3A_308 : memref<1x80x64xf32, #tpu.memory_space<vmem>> -> memref<80x64xf32, #tpu.memory_space<vmem>>
          %parallel_loop3A_310 = tpu.vector_load_idx %parallel_loop3A_309[%add3A_142, %parallel_loop3A_305] : memref<80x64xf32, #tpu.memory_space<vmem>>[vector<16xi32>, vector<16xi32>], vector<16xf32>,
          %parallel_loop3A_311 = arith.constant 0 : i32
          %parallel_loop3A_312 = arith.constant 0 : i32
          %parallel_loop3A_313 = tpu.memref_slice %arg9[%parallel_loop3A_149, %parallel_loop3A_311, %parallel_loop3A_312] : memref<3x80x64xf32, #tpu.memory_space<vmem>> -> memref<1x80x64xf32, #tpu.memory_space<vmem>>
          %parallel_loop3A_314 = tpu.memref_squeeze %parallel_loop3A_313 : memref<1x80x64xf32, #tpu.memory_space<vmem>> -> memref<80x64xf32, #tpu.memory_space<vmem>>
          %parallel_loop3A_315 = tpu.vector_load_idx %parallel_loop3A_314[%add3A_142, %parallel_loop3A_305] : memref<80x64xf32, #tpu.memory_space<vmem>>[vector<16xi32>, vector<16xi32>], vector<16xf32>,
          %parallel_loop3A_316 = vector.bitcast %parallel_loop3A_310 : vector<16xf32> to vector<32xbf16>
          %parallel_loop3A_317 = vector.bitcast %parallel_loop3A_315 : vector<16xf32> to vector<32xbf16>
          %parallel_loop3A_318 = arith.mulf %parallel_loop3A_316, %parallel_loop3A_317 : vector<32xbf16>
          %parallel_loop3A_319 = arith.constant 48 : i32
          %parallel_loop3A_320 = vector.broadcast %parallel_loop3A_319 : i32 to vector<16xi32>
          %parallel_loop3A_321 = arith.addi %parallel_loop3A_273, %parallel_loop3A_320 : vector<16xi32>
          %parallel_loop3A_322 = arith.constant 63 : i32
          %parallel_loop3A_323 = vector.broadcast %parallel_loop3A_322 : i32 to vector<16xi32>
          %parallel_loop3A_324 = arith.andi %parallel_loop3A_321, %parallel_loop3A_323 : vector<16xi32>
          %parallel_loop3A_325 = arith.constant 0 : i32
          %parallel_loop3A_326 = arith.constant 0 : i32
          %parallel_loop3A_327 = tpu.memref_slice %arg8[%parallel_loop3A_148, %parallel_loop3A_325, %parallel_loop3A_326] : memref<3x80x64xf32, #tpu.memory_space<vmem>> -> memref<1x80x64xf32, #tpu.memory_space<vmem>>
          %parallel_loop3A_328 = tpu.memref_squeeze %parallel_loop3A_327 : memref<1x80x64xf32, #tpu.memory_space<vmem>> -> memref<80x64xf32, #tpu.memory_space<vmem>>
          %parallel_loop3A_329 = tpu.vector_load_idx %parallel_loop3A_328[%add3A_142, %parallel_loop3A_324] : memref<80x64xf32, #tpu.memory_space<vmem>>[vector<16xi32>, vector<16xi32>], vector<16xf32>,
          %parallel_loop3A_330 = arith.constant 0 : i32
          %parallel_loop3A_331 = arith.constant 0 : i32
          %parallel_loop3A_332 = tpu.memref_slice %arg9[%parallel_loop3A_149, %parallel_loop3A_330, %parallel_loop3A_331] : memref<3x80x64xf32, #tpu.memory_space<vmem>> -> memref<1x80x64xf32, #tpu.memory_space<vmem>>
          %parallel_loop3A_333 = tpu.memref_squeeze %parallel_loop3A_332 : memref<1x80x64xf32, #tpu.memory_space<vmem>> -> memref<80x64xf32, #tpu.memory_space<vmem>>
          %parallel_loop3A_334 = tpu.vector_load_idx %parallel_loop3A_333[%add3A_142, %parallel_loop3A_324] : memref<80x64xf32, #tpu.memory_space<vmem>>[vector<16xi32>, vector<16xi32>], vector<16xf32>,
          %parallel_loop3A_335 = vector.bitcast %parallel_loop3A_329 : vector<16xf32> to vector<32xbf16>
          %parallel_loop3A_336 = vector.bitcast %parallel_loop3A_334 : vector<16xf32> to vector<32xbf16>
          %parallel_loop3A_337 = arith.mulf %parallel_loop3A_335, %parallel_loop3A_336 : vector<32xbf16>
          %parallel_loop3A_338 = arith.addf %parallel_loop3A_286, %parallel_loop3A_302 : vector<32xbf16>
          %parallel_loop3A_339 = tpu.unpack_subelements %parallel_loop3A_338, 0 {pack_format = #tpu.pack_format<interleaved>} : vector<32xbf16> -> vector<16xf32>
          %parallel_loop3A_340 = tpu.unpack_subelements %parallel_loop3A_338, 1 {pack_format = #tpu.pack_format<interleaved>} : vector<32xbf16> -> vector<16xf32>
          %parallel_loop3A_341 = arith.addf %parallel_loop3A_268, %parallel_loop3A_339 : vector<16xf32>
          %parallel_loop3A_342 = arith.addf %parallel_loop3A_269, %parallel_loop3A_340 : vector<16xf32>
          %parallel_loop3A_343 = arith.addf %parallel_loop3A_318, %parallel_loop3A_337 : vector<32xbf16>
          %parallel_loop3A_344 = tpu.unpack_subelements %parallel_loop3A_343, 0 {pack_format = #tpu.pack_format<interleaved>} : vector<32xbf16> -> vector<16xf32>
          %parallel_loop3A_345 = tpu.unpack_subelements %parallel_loop3A_343, 1 {pack_format = #tpu.pack_format<interleaved>} : vector<32xbf16> -> vector<16xf32>
          %parallel_loop3A_346 = arith.addf %parallel_loop3A_270, %parallel_loop3A_344 : vector<16xf32>
          %parallel_loop3A_347 = arith.addf %parallel_loop3A_271, %parallel_loop3A_345 : vector<16xf32>
          scf.yield %parallel_loop3A_341, %parallel_loop3A_342, %parallel_loop3A_346, %parallel_loop3A_347 : vector<16xf32>, vector<16xf32>, vector<16xf32>, vector<16xf32>
        } {sc.loop_unroll_factor = 8 : i64, sc.parallel_access}
        %add3A_151 = arith.addf %parallel_loop3A_150#0, %parallel_loop3A_150#1 : vector<16xf32>
        %add3A_152 = arith.addf %parallel_loop3A_150#2, %parallel_loop3A_150#3 : vector<16xf32>
        %add3A_153 = arith.addf %add3A_151, %add3A_152 : vector<16xf32>
        %neg3A_154 = arith.constant 0.000000e+00 : f32
        %neg3A_155 = vector.broadcast %neg3A_154 : f32 to vector<16xf32>
        %neg3A_156 = arith.subf %neg3A_155, %add3A_153 : vector<16xf32>
        %exp3A_157 = math.exp %neg3A_156 : vector<16xf32>
        %add3A_158 = arith.constant 1.000000e+00 : f32
        %add3A_159 = vector.broadcast %add3A_158 : f32 to vector<16xf32>
        %add3A_160 = arith.addf %add3A_159, %exp3A_157 : vector<16xf32>
        %div3A_161 = arith.constant 1.000000e+00 : f32
        %div3A_162 = vector.broadcast %div3A_161 : f32 to vector<16xf32>
        %div3A_163 = arith.divf %div3A_162, %add3A_160 : vector<16xf32>
        %mul3A_164 = arith.constant 80 : i32
        %mul3A_165 = arith.muli %add3A_80, %mul3A_164 : i32
        %add3A_166 = arith.constant 16 : i32
        %add3A_167 = arith.addi %mul3A_165, %add3A_166 : i32
        %swap3A_168 = arith.index_cast %add3A_167 : i32 to index
        %swap3A_169 = tpu.vector_load %arg10[%swap3A_168] {strides = array<i32>} : memref<10000xf32, #tpu.memory_space<vmem>>, vector<16xf32>,
        tpu.vector_store %arg10[%swap3A_168], %div3A_163 {strides = array<i32>} : memref<10000xf32, #tpu.memory_space<vmem>>, vector<16xf32>,
        %add3A_170 = arith.constant 32 : i32
        %add3A_171 = vector.broadcast %add3A_170 : i32 to vector<16xi32>
        %add3A_172 = arith.addi %add3A_171, %iota3A : vector<16xi32>
        %broadcast_in_dim3A_173 = arith.constant 0.000000e+00 : f32
        %broadcast_in_dim3A_174 = vector.broadcast %broadcast_in_dim3A_173 : f32 to vector<16xf32>
        %parallel_loop3A_175 = arith.constant 0 : i32
        %parallel_loop3A_176 = arith.constant 16 : i32
        %parallel_loop3A_177 = arith.constant 1 : i32
        %parallel_loop3A_178 = arith.constant 1 : i32
        %parallel_loop3A_179 = arith.constant 1 : i32
        %parallel_loop3A_180:4 = scf.for %parallel_loop3A_267 = %parallel_loop3A_175 to %parallel_loop3A_176 step %parallel_loop3A_177 iter_args(%parallel_loop3A_268 = %broadcast_in_dim3A_174, %parallel_loop3A_269 = %broadcast_in_dim3A_174, %parallel_loop3A_270 = %broadcast_in_dim3A_174, %parallel_loop3A_271 = %broadcast_in_dim3A_174) -> (vector<16xf32>, vector<16xf32>, vector<16xf32>, vector<16xf32>)  : i32 {
          %parallel_loop3A_272 = vector.broadcast %parallel_loop3A_267 : i32 to vector<16xi32>
          %parallel_loop3A_273 = arith.addi %iota3A, %parallel_loop3A_272 : vector<16xi32>
          %parallel_loop3A_274 = arith.constant 0 : i32
          %parallel_loop3A_275 = arith.constant 0 : i32
          %parallel_loop3A_276 = tpu.memref_slice %arg8[%parallel_loop3A_178, %parallel_loop3A_274, %parallel_loop3A_275] : memref<3x80x64xf32, #tpu.memory_space<vmem>> -> memref<1x80x64xf32, #tpu.memory_space<vmem>>
          %parallel_loop3A_277 = tpu.memref_squeeze %parallel_loop3A_276 : memref<1x80x64xf32, #tpu.memory_space<vmem>> -> memref<80x64xf32, #tpu.memory_space<vmem>>
          %parallel_loop3A_278 = tpu.vector_load_idx %parallel_loop3A_277[%add3A_172, %parallel_loop3A_273] : memref<80x64xf32, #tpu.memory_space<vmem>>[vector<16xi32>, vector<16xi32>], vector<16xf32>,
          %parallel_loop3A_279 = arith.constant 0 : i32
          %parallel_loop3A_280 = arith.constant 0 : i32
          %parallel_loop3A_281 = tpu.memref_slice %arg9[%parallel_loop3A_179, %parallel_loop3A_279, %parallel_loop3A_280] : memref<3x80x64xf32, #tpu.memory_space<vmem>> -> memref<1x80x64xf32, #tpu.memory_space<vmem>>
          %parallel_loop3A_282 = tpu.memref_squeeze %parallel_loop3A_281 : memref<1x80x64xf32, #tpu.memory_space<vmem>> -> memref<80x64xf32, #tpu.memory_space<vmem>>
          %parallel_loop3A_283 = tpu.vector_load_idx %parallel_loop3A_282[%add3A_172, %parallel_loop3A_273] : memref<80x64xf32, #tpu.memory_space<vmem>>[vector<16xi32>, vector<16xi32>], vector<16xf32>,
          %parallel_loop3A_284 = vector.bitcast %parallel_loop3A_278 : vector<16xf32> to vector<32xbf16>
          %parallel_loop3A_285 = vector.bitcast %parallel_loop3A_283 : vector<16xf32> to vector<32xbf16>
          %parallel_loop3A_286 = arith.mulf %parallel_loop3A_284, %parallel_loop3A_285 : vector<32xbf16>
          %parallel_loop3A_287 = arith.constant 16 : i32
          %parallel_loop3A_288 = vector.broadcast %parallel_loop3A_287 : i32 to vector<16xi32>
          %parallel_loop3A_289 = arith.addi %parallel_loop3A_273, %parallel_loop3A_288 : vector<16xi32>
          %parallel_loop3A_290 = arith.constant 0 : i32
          %parallel_loop3A_291 = arith.constant 0 : i32
          %parallel_loop3A_292 = tpu.memref_slice %arg8[%parallel_loop3A_178, %parallel_loop3A_290, %parallel_loop3A_291] : memref<3x80x64xf32, #tpu.memory_space<vmem>> -> memref<1x80x64xf32, #tpu.memory_space<vmem>>
          %parallel_loop3A_293 = tpu.memref_squeeze %parallel_loop3A_292 : memref<1x80x64xf32, #tpu.memory_space<vmem>> -> memref<80x64xf32, #tpu.memory_space<vmem>>
          %parallel_loop3A_294 = tpu.vector_load_idx %parallel_loop3A_293[%add3A_172, %parallel_loop3A_289] : memref<80x64xf32, #tpu.memory_space<vmem>>[vector<16xi32>, vector<16xi32>], vector<16xf32>,
          %parallel_loop3A_295 = arith.constant 0 : i32
          %parallel_loop3A_296 = arith.constant 0 : i32
          %parallel_loop3A_297 = tpu.memref_slice %arg9[%parallel_loop3A_179, %parallel_loop3A_295, %parallel_loop3A_296] : memref<3x80x64xf32, #tpu.memory_space<vmem>> -> memref<1x80x64xf32, #tpu.memory_space<vmem>>
          %parallel_loop3A_298 = tpu.memref_squeeze %parallel_loop3A_297 : memref<1x80x64xf32, #tpu.memory_space<vmem>> -> memref<80x64xf32, #tpu.memory_space<vmem>>
          %parallel_loop3A_299 = tpu.vector_load_idx %parallel_loop3A_298[%add3A_172, %parallel_loop3A_289] : memref<80x64xf32, #tpu.memory_space<vmem>>[vector<16xi32>, vector<16xi32>], vector<16xf32>,
          %parallel_loop3A_300 = vector.bitcast %parallel_loop3A_294 : vector<16xf32> to vector<32xbf16>
          %parallel_loop3A_301 = vector.bitcast %parallel_loop3A_299 : vector<16xf32> to vector<32xbf16>
          %parallel_loop3A_302 = arith.mulf %parallel_loop3A_300, %parallel_loop3A_301 : vector<32xbf16>
          %parallel_loop3A_303 = arith.constant 32 : i32
          %parallel_loop3A_304 = vector.broadcast %parallel_loop3A_303 : i32 to vector<16xi32>
          %parallel_loop3A_305 = arith.addi %parallel_loop3A_273, %parallel_loop3A_304 : vector<16xi32>
          %parallel_loop3A_306 = arith.constant 0 : i32
          %parallel_loop3A_307 = arith.constant 0 : i32
          %parallel_loop3A_308 = tpu.memref_slice %arg8[%parallel_loop3A_178, %parallel_loop3A_306, %parallel_loop3A_307] : memref<3x80x64xf32, #tpu.memory_space<vmem>> -> memref<1x80x64xf32, #tpu.memory_space<vmem>>
          %parallel_loop3A_309 = tpu.memref_squeeze %parallel_loop3A_308 : memref<1x80x64xf32, #tpu.memory_space<vmem>> -> memref<80x64xf32, #tpu.memory_space<vmem>>
          %parallel_loop3A_310 = tpu.vector_load_idx %parallel_loop3A_309[%add3A_172, %parallel_loop3A_305] : memref<80x64xf32, #tpu.memory_space<vmem>>[vector<16xi32>, vector<16xi32>], vector<16xf32>,
          %parallel_loop3A_311 = arith.constant 0 : i32
          %parallel_loop3A_312 = arith.constant 0 : i32
          %parallel_loop3A_313 = tpu.memref_slice %arg9[%parallel_loop3A_179, %parallel_loop3A_311, %parallel_loop3A_312] : memref<3x80x64xf32, #tpu.memory_space<vmem>> -> memref<1x80x64xf32, #tpu.memory_space<vmem>>
          %parallel_loop3A_314 = tpu.memref_squeeze %parallel_loop3A_313 : memref<1x80x64xf32, #tpu.memory_space<vmem>> -> memref<80x64xf32, #tpu.memory_space<vmem>>
          %parallel_loop3A_315 = tpu.vector_load_idx %parallel_loop3A_314[%add3A_172, %parallel_loop3A_305] : memref<80x64xf32, #tpu.memory_space<vmem>>[vector<16xi32>, vector<16xi32>], vector<16xf32>,
          %parallel_loop3A_316 = vector.bitcast %parallel_loop3A_310 : vector<16xf32> to vector<32xbf16>
          %parallel_loop3A_317 = vector.bitcast %parallel_loop3A_315 : vector<16xf32> to vector<32xbf16>
          %parallel_loop3A_318 = arith.mulf %parallel_loop3A_316, %parallel_loop3A_317 : vector<32xbf16>
          %parallel_loop3A_319 = arith.constant 48 : i32
          %parallel_loop3A_320 = vector.broadcast %parallel_loop3A_319 : i32 to vector<16xi32>
          %parallel_loop3A_321 = arith.addi %parallel_loop3A_273, %parallel_loop3A_320 : vector<16xi32>
          %parallel_loop3A_322 = arith.constant 63 : i32
          %parallel_loop3A_323 = vector.broadcast %parallel_loop3A_322 : i32 to vector<16xi32>
          %parallel_loop3A_324 = arith.andi %parallel_loop3A_321, %parallel_loop3A_323 : vector<16xi32>
          %parallel_loop3A_325 = arith.constant 0 : i32
          %parallel_loop3A_326 = arith.constant 0 : i32
          %parallel_loop3A_327 = tpu.memref_slice %arg8[%parallel_loop3A_178, %parallel_loop3A_325, %parallel_loop3A_326] : memref<3x80x64xf32, #tpu.memory_space<vmem>> -> memref<1x80x64xf32, #tpu.memory_space<vmem>>
          %parallel_loop3A_328 = tpu.memref_squeeze %parallel_loop3A_327 : memref<1x80x64xf32, #tpu.memory_space<vmem>> -> memref<80x64xf32, #tpu.memory_space<vmem>>
          %parallel_loop3A_329 = tpu.vector_load_idx %parallel_loop3A_328[%add3A_172, %parallel_loop3A_324] : memref<80x64xf32, #tpu.memory_space<vmem>>[vector<16xi32>, vector<16xi32>], vector<16xf32>,
          %parallel_loop3A_330 = arith.constant 0 : i32
          %parallel_loop3A_331 = arith.constant 0 : i32
          %parallel_loop3A_332 = tpu.memref_slice %arg9[%parallel_loop3A_179, %parallel_loop3A_330, %parallel_loop3A_331] : memref<3x80x64xf32, #tpu.memory_space<vmem>> -> memref<1x80x64xf32, #tpu.memory_space<vmem>>
          %parallel_loop3A_333 = tpu.memref_squeeze %parallel_loop3A_332 : memref<1x80x64xf32, #tpu.memory_space<vmem>> -> memref<80x64xf32, #tpu.memory_space<vmem>>
          %parallel_loop3A_334 = tpu.vector_load_idx %parallel_loop3A_333[%add3A_172, %parallel_loop3A_324] : memref<80x64xf32, #tpu.memory_space<vmem>>[vector<16xi32>, vector<16xi32>], vector<16xf32>,
          %parallel_loop3A_335 = vector.bitcast %parallel_loop3A_329 : vector<16xf32> to vector<32xbf16>
          %parallel_loop3A_336 = vector.bitcast %parallel_loop3A_334 : vector<16xf32> to vector<32xbf16>
          %parallel_loop3A_337 = arith.mulf %parallel_loop3A_335, %parallel_loop3A_336 : vector<32xbf16>
          %parallel_loop3A_338 = arith.addf %parallel_loop3A_286, %parallel_loop3A_302 : vector<32xbf16>
          %parallel_loop3A_339 = tpu.unpack_subelements %parallel_loop3A_338, 0 {pack_format = #tpu.pack_format<interleaved>} : vector<32xbf16> -> vector<16xf32>
          %parallel_loop3A_340 = tpu.unpack_subelements %parallel_loop3A_338, 1 {pack_format = #tpu.pack_format<interleaved>} : vector<32xbf16> -> vector<16xf32>
          %parallel_loop3A_341 = arith.addf %parallel_loop3A_268, %parallel_loop3A_339 : vector<16xf32>
          %parallel_loop3A_342 = arith.addf %parallel_loop3A_269, %parallel_loop3A_340 : vector<16xf32>
          %parallel_loop3A_343 = arith.addf %parallel_loop3A_318, %parallel_loop3A_337 : vector<32xbf16>
          %parallel_loop3A_344 = tpu.unpack_subelements %parallel_loop3A_343, 0 {pack_format = #tpu.pack_format<interleaved>} : vector<32xbf16> -> vector<16xf32>
          %parallel_loop3A_345 = tpu.unpack_subelements %parallel_loop3A_343, 1 {pack_format = #tpu.pack_format<interleaved>} : vector<32xbf16> -> vector<16xf32>
          %parallel_loop3A_346 = arith.addf %parallel_loop3A_270, %parallel_loop3A_344 : vector<16xf32>
          %parallel_loop3A_347 = arith.addf %parallel_loop3A_271, %parallel_loop3A_345 : vector<16xf32>
          scf.yield %parallel_loop3A_341, %parallel_loop3A_342, %parallel_loop3A_346, %parallel_loop3A_347 : vector<16xf32>, vector<16xf32>, vector<16xf32>, vector<16xf32>
        } {sc.loop_unroll_factor = 8 : i64, sc.parallel_access}
        %add3A_181 = arith.addf %parallel_loop3A_180#0, %parallel_loop3A_180#1 : vector<16xf32>
        %add3A_182 = arith.addf %parallel_loop3A_180#2, %parallel_loop3A_180#3 : vector<16xf32>
        %add3A_183 = arith.addf %add3A_181, %add3A_182 : vector<16xf32>
        %neg3A_184 = arith.constant 0.000000e+00 : f32
        %neg3A_185 = vector.broadcast %neg3A_184 : f32 to vector<16xf32>
        %neg3A_186 = arith.subf %neg3A_185, %add3A_183 : vector<16xf32>
        %exp3A_187 = math.exp %neg3A_186 : vector<16xf32>
        %add3A_188 = arith.constant 1.000000e+00 : f32
        %add3A_189 = vector.broadcast %add3A_188 : f32 to vector<16xf32>
        %add3A_190 = arith.addf %add3A_189, %exp3A_187 : vector<16xf32>
        %div3A_191 = arith.constant 1.000000e+00 : f32
        %div3A_192 = vector.broadcast %div3A_191 : f32 to vector<16xf32>
        %div3A_193 = arith.divf %div3A_192, %add3A_190 : vector<16xf32>
        %mul3A_194 = arith.constant 80 : i32
        %mul3A_195 = arith.muli %add3A_80, %mul3A_194 : i32
        %add3A_196 = arith.constant 32 : i32
        %add3A_197 = arith.addi %mul3A_195, %add3A_196 : i32
        %swap3A_198 = arith.index_cast %add3A_197 : i32 to index
        %swap3A_199 = tpu.vector_load %arg10[%swap3A_198] {strides = array<i32>} : memref<10000xf32, #tpu.memory_space<vmem>>, vector<16xf32>,
        tpu.vector_store %arg10[%swap3A_198], %div3A_193 {strides = array<i32>} : memref<10000xf32, #tpu.memory_space<vmem>>, vector<16xf32>,
        %add3A_200 = arith.constant 48 : i32
        %add3A_201 = vector.broadcast %add3A_200 : i32 to vector<16xi32>
        %add3A_202 = arith.addi %add3A_201, %iota3A : vector<16xi32>
        %broadcast_in_dim3A_203 = arith.constant 0.000000e+00 : f32
        %broadcast_in_dim3A_204 = vector.broadcast %broadcast_in_dim3A_203 : f32 to vector<16xf32>
        %parallel_loop3A_205 = arith.constant 0 : i32
        %parallel_loop3A_206 = arith.constant 16 : i32
        %parallel_loop3A_207 = arith.constant 1 : i32
        %parallel_loop3A_208 = arith.constant 1 : i32
        %parallel_loop3A_209 = arith.constant 1 : i32
        %parallel_loop3A_210:4 = scf.for %parallel_loop3A_267 = %parallel_loop3A_205 to %parallel_loop3A_206 step %parallel_loop3A_207 iter_args(%parallel_loop3A_268 = %broadcast_in_dim3A_204, %parallel_loop3A_269 = %broadcast_in_dim3A_204, %parallel_loop3A_270 = %broadcast_in_dim3A_204, %parallel_loop3A_271 = %broadcast_in_dim3A_204) -> (vector<16xf32>, vector<16xf32>, vector<16xf32>, vector<16xf32>)  : i32 {
          %parallel_loop3A_272 = vector.broadcast %parallel_loop3A_267 : i32 to vector<16xi32>
          %parallel_loop3A_273 = arith.addi %iota3A, %parallel_loop3A_272 : vector<16xi32>
          %parallel_loop3A_274 = arith.constant 0 : i32
          %parallel_loop3A_275 = arith.constant 0 : i32
          %parallel_loop3A_276 = tpu.memref_slice %arg8[%parallel_loop3A_208, %parallel_loop3A_274, %parallel_loop3A_275] : memref<3x80x64xf32, #tpu.memory_space<vmem>> -> memref<1x80x64xf32, #tpu.memory_space<vmem>>
          %parallel_loop3A_277 = tpu.memref_squeeze %parallel_loop3A_276 : memref<1x80x64xf32, #tpu.memory_space<vmem>> -> memref<80x64xf32, #tpu.memory_space<vmem>>
          %parallel_loop3A_278 = tpu.vector_load_idx %parallel_loop3A_277[%add3A_202, %parallel_loop3A_273] : memref<80x64xf32, #tpu.memory_space<vmem>>[vector<16xi32>, vector<16xi32>], vector<16xf32>,
          %parallel_loop3A_279 = arith.constant 0 : i32
          %parallel_loop3A_280 = arith.constant 0 : i32
          %parallel_loop3A_281 = tpu.memref_slice %arg9[%parallel_loop3A_209, %parallel_loop3A_279, %parallel_loop3A_280] : memref<3x80x64xf32, #tpu.memory_space<vmem>> -> memref<1x80x64xf32, #tpu.memory_space<vmem>>
          %parallel_loop3A_282 = tpu.memref_squeeze %parallel_loop3A_281 : memref<1x80x64xf32, #tpu.memory_space<vmem>> -> memref<80x64xf32, #tpu.memory_space<vmem>>
          %parallel_loop3A_283 = tpu.vector_load_idx %parallel_loop3A_282[%add3A_202, %parallel_loop3A_273] : memref<80x64xf32, #tpu.memory_space<vmem>>[vector<16xi32>, vector<16xi32>], vector<16xf32>,
          %parallel_loop3A_284 = vector.bitcast %parallel_loop3A_278 : vector<16xf32> to vector<32xbf16>
          %parallel_loop3A_285 = vector.bitcast %parallel_loop3A_283 : vector<16xf32> to vector<32xbf16>
          %parallel_loop3A_286 = arith.mulf %parallel_loop3A_284, %parallel_loop3A_285 : vector<32xbf16>
          %parallel_loop3A_287 = arith.constant 16 : i32
          %parallel_loop3A_288 = vector.broadcast %parallel_loop3A_287 : i32 to vector<16xi32>
          %parallel_loop3A_289 = arith.addi %parallel_loop3A_273, %parallel_loop3A_288 : vector<16xi32>
          %parallel_loop3A_290 = arith.constant 0 : i32
          %parallel_loop3A_291 = arith.constant 0 : i32
          %parallel_loop3A_292 = tpu.memref_slice %arg8[%parallel_loop3A_208, %parallel_loop3A_290, %parallel_loop3A_291] : memref<3x80x64xf32, #tpu.memory_space<vmem>> -> memref<1x80x64xf32, #tpu.memory_space<vmem>>
          %parallel_loop3A_293 = tpu.memref_squeeze %parallel_loop3A_292 : memref<1x80x64xf32, #tpu.memory_space<vmem>> -> memref<80x64xf32, #tpu.memory_space<vmem>>
          %parallel_loop3A_294 = tpu.vector_load_idx %parallel_loop3A_293[%add3A_202, %parallel_loop3A_289] : memref<80x64xf32, #tpu.memory_space<vmem>>[vector<16xi32>, vector<16xi32>], vector<16xf32>,
          %parallel_loop3A_295 = arith.constant 0 : i32
          %parallel_loop3A_296 = arith.constant 0 : i32
          %parallel_loop3A_297 = tpu.memref_slice %arg9[%parallel_loop3A_209, %parallel_loop3A_295, %parallel_loop3A_296] : memref<3x80x64xf32, #tpu.memory_space<vmem>> -> memref<1x80x64xf32, #tpu.memory_space<vmem>>
          %parallel_loop3A_298 = tpu.memref_squeeze %parallel_loop3A_297 : memref<1x80x64xf32, #tpu.memory_space<vmem>> -> memref<80x64xf32, #tpu.memory_space<vmem>>
          %parallel_loop3A_299 = tpu.vector_load_idx %parallel_loop3A_298[%add3A_202, %parallel_loop3A_289] : memref<80x64xf32, #tpu.memory_space<vmem>>[vector<16xi32>, vector<16xi32>], vector<16xf32>,
          %parallel_loop3A_300 = vector.bitcast %parallel_loop3A_294 : vector<16xf32> to vector<32xbf16>
          %parallel_loop3A_301 = vector.bitcast %parallel_loop3A_299 : vector<16xf32> to vector<32xbf16>
          %parallel_loop3A_302 = arith.mulf %parallel_loop3A_300, %parallel_loop3A_301 : vector<32xbf16>
          %parallel_loop3A_303 = arith.constant 32 : i32
          %parallel_loop3A_304 = vector.broadcast %parallel_loop3A_303 : i32 to vector<16xi32>
          %parallel_loop3A_305 = arith.addi %parallel_loop3A_273, %parallel_loop3A_304 : vector<16xi32>
          %parallel_loop3A_306 = arith.constant 0 : i32
          %parallel_loop3A_307 = arith.constant 0 : i32
          %parallel_loop3A_308 = tpu.memref_slice %arg8[%parallel_loop3A_208, %parallel_loop3A_306, %parallel_loop3A_307] : memref<3x80x64xf32, #tpu.memory_space<vmem>> -> memref<1x80x64xf32, #tpu.memory_space<vmem>>
          %parallel_loop3A_309 = tpu.memref_squeeze %parallel_loop3A_308 : memref<1x80x64xf32, #tpu.memory_space<vmem>> -> memref<80x64xf32, #tpu.memory_space<vmem>>
          %parallel_loop3A_310 = tpu.vector_load_idx %parallel_loop3A_309[%add3A_202, %parallel_loop3A_305] : memref<80x64xf32, #tpu.memory_space<vmem>>[vector<16xi32>, vector<16xi32>], vector<16xf32>,
          %parallel_loop3A_311 = arith.constant 0 : i32
          %parallel_loop3A_312 = arith.constant 0 : i32
          %parallel_loop3A_313 = tpu.memref_slice %arg9[%parallel_loop3A_209, %parallel_loop3A_311, %parallel_loop3A_312] : memref<3x80x64xf32, #tpu.memory_space<vmem>> -> memref<1x80x64xf32, #tpu.memory_space<vmem>>
          %parallel_loop3A_314 = tpu.memref_squeeze %parallel_loop3A_313 : memref<1x80x64xf32, #tpu.memory_space<vmem>> -> memref<80x64xf32, #tpu.memory_space<vmem>>
          %parallel_loop3A_315 = tpu.vector_load_idx %parallel_loop3A_314[%add3A_202, %parallel_loop3A_305] : memref<80x64xf32, #tpu.memory_space<vmem>>[vector<16xi32>, vector<16xi32>], vector<16xf32>,
          %parallel_loop3A_316 = vector.bitcast %parallel_loop3A_310 : vector<16xf32> to vector<32xbf16>
          %parallel_loop3A_317 = vector.bitcast %parallel_loop3A_315 : vector<16xf32> to vector<32xbf16>
          %parallel_loop3A_318 = arith.mulf %parallel_loop3A_316, %parallel_loop3A_317 : vector<32xbf16>
          %parallel_loop3A_319 = arith.constant 48 : i32
          %parallel_loop3A_320 = vector.broadcast %parallel_loop3A_319 : i32 to vector<16xi32>
          %parallel_loop3A_321 = arith.addi %parallel_loop3A_273, %parallel_loop3A_320 : vector<16xi32>
          %parallel_loop3A_322 = arith.constant 63 : i32
          %parallel_loop3A_323 = vector.broadcast %parallel_loop3A_322 : i32 to vector<16xi32>
          %parallel_loop3A_324 = arith.andi %parallel_loop3A_321, %parallel_loop3A_323 : vector<16xi32>
          %parallel_loop3A_325 = arith.constant 0 : i32
          %parallel_loop3A_326 = arith.constant 0 : i32
          %parallel_loop3A_327 = tpu.memref_slice %arg8[%parallel_loop3A_208, %parallel_loop3A_325, %parallel_loop3A_326] : memref<3x80x64xf32, #tpu.memory_space<vmem>> -> memref<1x80x64xf32, #tpu.memory_space<vmem>>
          %parallel_loop3A_328 = tpu.memref_squeeze %parallel_loop3A_327 : memref<1x80x64xf32, #tpu.memory_space<vmem>> -> memref<80x64xf32, #tpu.memory_space<vmem>>
          %parallel_loop3A_329 = tpu.vector_load_idx %parallel_loop3A_328[%add3A_202, %parallel_loop3A_324] : memref<80x64xf32, #tpu.memory_space<vmem>>[vector<16xi32>, vector<16xi32>], vector<16xf32>,
          %parallel_loop3A_330 = arith.constant 0 : i32
          %parallel_loop3A_331 = arith.constant 0 : i32
          %parallel_loop3A_332 = tpu.memref_slice %arg9[%parallel_loop3A_209, %parallel_loop3A_330, %parallel_loop3A_331] : memref<3x80x64xf32, #tpu.memory_space<vmem>> -> memref<1x80x64xf32, #tpu.memory_space<vmem>>
          %parallel_loop3A_333 = tpu.memref_squeeze %parallel_loop3A_332 : memref<1x80x64xf32, #tpu.memory_space<vmem>> -> memref<80x64xf32, #tpu.memory_space<vmem>>
          %parallel_loop3A_334 = tpu.vector_load_idx %parallel_loop3A_333[%add3A_202, %parallel_loop3A_324] : memref<80x64xf32, #tpu.memory_space<vmem>>[vector<16xi32>, vector<16xi32>], vector<16xf32>,
          %parallel_loop3A_335 = vector.bitcast %parallel_loop3A_329 : vector<16xf32> to vector<32xbf16>
          %parallel_loop3A_336 = vector.bitcast %parallel_loop3A_334 : vector<16xf32> to vector<32xbf16>
          %parallel_loop3A_337 = arith.mulf %parallel_loop3A_335, %parallel_loop3A_336 : vector<32xbf16>
          %parallel_loop3A_338 = arith.addf %parallel_loop3A_286, %parallel_loop3A_302 : vector<32xbf16>
          %parallel_loop3A_339 = tpu.unpack_subelements %parallel_loop3A_338, 0 {pack_format = #tpu.pack_format<interleaved>} : vector<32xbf16> -> vector<16xf32>
          %parallel_loop3A_340 = tpu.unpack_subelements %parallel_loop3A_338, 1 {pack_format = #tpu.pack_format<interleaved>} : vector<32xbf16> -> vector<16xf32>
          %parallel_loop3A_341 = arith.addf %parallel_loop3A_268, %parallel_loop3A_339 : vector<16xf32>
          %parallel_loop3A_342 = arith.addf %parallel_loop3A_269, %parallel_loop3A_340 : vector<16xf32>
          %parallel_loop3A_343 = arith.addf %parallel_loop3A_318, %parallel_loop3A_337 : vector<32xbf16>
          %parallel_loop3A_344 = tpu.unpack_subelements %parallel_loop3A_343, 0 {pack_format = #tpu.pack_format<interleaved>} : vector<32xbf16> -> vector<16xf32>
          %parallel_loop3A_345 = tpu.unpack_subelements %parallel_loop3A_343, 1 {pack_format = #tpu.pack_format<interleaved>} : vector<32xbf16> -> vector<16xf32>
          %parallel_loop3A_346 = arith.addf %parallel_loop3A_270, %parallel_loop3A_344 : vector<16xf32>
          %parallel_loop3A_347 = arith.addf %parallel_loop3A_271, %parallel_loop3A_345 : vector<16xf32>
          scf.yield %parallel_loop3A_341, %parallel_loop3A_342, %parallel_loop3A_346, %parallel_loop3A_347 : vector<16xf32>, vector<16xf32>, vector<16xf32>, vector<16xf32>
        } {sc.loop_unroll_factor = 8 : i64, sc.parallel_access}
        %add3A_211 = arith.addf %parallel_loop3A_210#0, %parallel_loop3A_210#1 : vector<16xf32>
        %add3A_212 = arith.addf %parallel_loop3A_210#2, %parallel_loop3A_210#3 : vector<16xf32>
        %add3A_213 = arith.addf %add3A_211, %add3A_212 : vector<16xf32>
        %neg3A_214 = arith.constant 0.000000e+00 : f32
        %neg3A_215 = vector.broadcast %neg3A_214 : f32 to vector<16xf32>
        %neg3A_216 = arith.subf %neg3A_215, %add3A_213 : vector<16xf32>
        %exp3A_217 = math.exp %neg3A_216 : vector<16xf32>
        %add3A_218 = arith.constant 1.000000e+00 : f32
        %add3A_219 = vector.broadcast %add3A_218 : f32 to vector<16xf32>
        %add3A_220 = arith.addf %add3A_219, %exp3A_217 : vector<16xf32>
        %div3A_221 = arith.constant 1.000000e+00 : f32
        %div3A_222 = vector.broadcast %div3A_221 : f32 to vector<16xf32>
        %div3A_223 = arith.divf %div3A_222, %add3A_220 : vector<16xf32>
        %mul3A_224 = arith.constant 80 : i32
        %mul3A_225 = arith.muli %add3A_80, %mul3A_224 : i32
        %add3A_226 = arith.constant 48 : i32
        %add3A_227 = arith.addi %mul3A_225, %add3A_226 : i32
        %swap3A_228 = arith.index_cast %add3A_227 : i32 to index
        %swap3A_229 = tpu.vector_load %arg10[%swap3A_228] {strides = array<i32>} : memref<10000xf32, #tpu.memory_space<vmem>>, vector<16xf32>,
        tpu.vector_store %arg10[%swap3A_228], %div3A_223 {strides = array<i32>} : memref<10000xf32, #tpu.memory_space<vmem>>, vector<16xf32>,
        %add3A_230 = arith.constant 64 : i32
        %add3A_231 = vector.broadcast %add3A_230 : i32 to vector<16xi32>
        %add3A_232 = arith.addi %add3A_231, %iota3A : vector<16xi32>
        %broadcast_in_dim3A_233 = arith.constant 0.000000e+00 : f32
        %broadcast_in_dim3A_234 = vector.broadcast %broadcast_in_dim3A_233 : f32 to vector<16xf32>
        %parallel_loop3A_235 = arith.constant 0 : i32
        %parallel_loop3A_236 = arith.constant 16 : i32
        %parallel_loop3A_237 = arith.constant 1 : i32
        %parallel_loop3A_238 = arith.constant 1 : i32
        %parallel_loop3A_239 = arith.constant 1 : i32
        %parallel_loop3A_240:4 = scf.for %parallel_loop3A_267 = %parallel_loop3A_235 to %parallel_loop3A_236 step %parallel_loop3A_237 iter_args(%parallel_loop3A_268 = %broadcast_in_dim3A_234, %parallel_loop3A_269 = %broadcast_in_dim3A_234, %parallel_loop3A_270 = %broadcast_in_dim3A_234, %parallel_loop3A_271 = %broadcast_in_dim3A_234) -> (vector<16xf32>, vector<16xf32>, vector<16xf32>, vector<16xf32>)  : i32 {
          %parallel_loop3A_272 = vector.broadcast %parallel_loop3A_267 : i32 to vector<16xi32>
          %parallel_loop3A_273 = arith.addi %iota3A, %parallel_loop3A_272 : vector<16xi32>
          %parallel_loop3A_274 = arith.constant 0 : i32
          %parallel_loop3A_275 = arith.constant 0 : i32
          %parallel_loop3A_276 = tpu.memref_slice %arg8[%parallel_loop3A_238, %parallel_loop3A_274, %parallel_loop3A_275] : memref<3x80x64xf32, #tpu.memory_space<vmem>> -> memref<1x80x64xf32, #tpu.memory_space<vmem>>
          %parallel_loop3A_277 = tpu.memref_squeeze %parallel_loop3A_276 : memref<1x80x64xf32, #tpu.memory_space<vmem>> -> memref<80x64xf32, #tpu.memory_space<vmem>>
          %parallel_loop3A_278 = tpu.vector_load_idx %parallel_loop3A_277[%add3A_232, %parallel_loop3A_273] : memref<80x64xf32, #tpu.memory_space<vmem>>[vector<16xi32>, vector<16xi32>], vector<16xf32>,
          %parallel_loop3A_279 = arith.constant 0 : i32
          %parallel_loop3A_280 = arith.constant 0 : i32
          %parallel_loop3A_281 = tpu.memref_slice %arg9[%parallel_loop3A_239, %parallel_loop3A_279, %parallel_loop3A_280] : memref<3x80x64xf32, #tpu.memory_space<vmem>> -> memref<1x80x64xf32, #tpu.memory_space<vmem>>
          %parallel_loop3A_282 = tpu.memref_squeeze %parallel_loop3A_281 : memref<1x80x64xf32, #tpu.memory_space<vmem>> -> memref<80x64xf32, #tpu.memory_space<vmem>>
          %parallel_loop3A_283 = tpu.vector_load_idx %parallel_loop3A_282[%add3A_232, %parallel_loop3A_273] : memref<80x64xf32, #tpu.memory_space<vmem>>[vector<16xi32>, vector<16xi32>], vector<16xf32>,
          %parallel_loop3A_284 = vector.bitcast %parallel_loop3A_278 : vector<16xf32> to vector<32xbf16>
          %parallel_loop3A_285 = vector.bitcast %parallel_loop3A_283 : vector<16xf32> to vector<32xbf16>
          %parallel_loop3A_286 = arith.mulf %parallel_loop3A_284, %parallel_loop3A_285 : vector<32xbf16>
          %parallel_loop3A_287 = arith.constant 16 : i32
          %parallel_loop3A_288 = vector.broadcast %parallel_loop3A_287 : i32 to vector<16xi32>
          %parallel_loop3A_289 = arith.addi %parallel_loop3A_273, %parallel_loop3A_288 : vector<16xi32>
          %parallel_loop3A_290 = arith.constant 0 : i32
          %parallel_loop3A_291 = arith.constant 0 : i32
          %parallel_loop3A_292 = tpu.memref_slice %arg8[%parallel_loop3A_238, %parallel_loop3A_290, %parallel_loop3A_291] : memref<3x80x64xf32, #tpu.memory_space<vmem>> -> memref<1x80x64xf32, #tpu.memory_space<vmem>>
          %parallel_loop3A_293 = tpu.memref_squeeze %parallel_loop3A_292 : memref<1x80x64xf32, #tpu.memory_space<vmem>> -> memref<80x64xf32, #tpu.memory_space<vmem>>
          %parallel_loop3A_294 = tpu.vector_load_idx %parallel_loop3A_293[%add3A_232, %parallel_loop3A_289] : memref<80x64xf32, #tpu.memory_space<vmem>>[vector<16xi32>, vector<16xi32>], vector<16xf32>,
          %parallel_loop3A_295 = arith.constant 0 : i32
          %parallel_loop3A_296 = arith.constant 0 : i32
          %parallel_loop3A_297 = tpu.memref_slice %arg9[%parallel_loop3A_239, %parallel_loop3A_295, %parallel_loop3A_296] : memref<3x80x64xf32, #tpu.memory_space<vmem>> -> memref<1x80x64xf32, #tpu.memory_space<vmem>>
          %parallel_loop3A_298 = tpu.memref_squeeze %parallel_loop3A_297 : memref<1x80x64xf32, #tpu.memory_space<vmem>> -> memref<80x64xf32, #tpu.memory_space<vmem>>
          %parallel_loop3A_299 = tpu.vector_load_idx %parallel_loop3A_298[%add3A_232, %parallel_loop3A_289] : memref<80x64xf32, #tpu.memory_space<vmem>>[vector<16xi32>, vector<16xi32>], vector<16xf32>,
          %parallel_loop3A_300 = vector.bitcast %parallel_loop3A_294 : vector<16xf32> to vector<32xbf16>
          %parallel_loop3A_301 = vector.bitcast %parallel_loop3A_299 : vector<16xf32> to vector<32xbf16>
          %parallel_loop3A_302 = arith.mulf %parallel_loop3A_300, %parallel_loop3A_301 : vector<32xbf16>
          %parallel_loop3A_303 = arith.constant 32 : i32
          %parallel_loop3A_304 = vector.broadcast %parallel_loop3A_303 : i32 to vector<16xi32>
          %parallel_loop3A_305 = arith.addi %parallel_loop3A_273, %parallel_loop3A_304 : vector<16xi32>
          %parallel_loop3A_306 = arith.constant 0 : i32
          %parallel_loop3A_307 = arith.constant 0 : i32
          %parallel_loop3A_308 = tpu.memref_slice %arg8[%parallel_loop3A_238, %parallel_loop3A_306, %parallel_loop3A_307] : memref<3x80x64xf32, #tpu.memory_space<vmem>> -> memref<1x80x64xf32, #tpu.memory_space<vmem>>
          %parallel_loop3A_309 = tpu.memref_squeeze %parallel_loop3A_308 : memref<1x80x64xf32, #tpu.memory_space<vmem>> -> memref<80x64xf32, #tpu.memory_space<vmem>>
          %parallel_loop3A_310 = tpu.vector_load_idx %parallel_loop3A_309[%add3A_232, %parallel_loop3A_305] : memref<80x64xf32, #tpu.memory_space<vmem>>[vector<16xi32>, vector<16xi32>], vector<16xf32>,
          %parallel_loop3A_311 = arith.constant 0 : i32
          %parallel_loop3A_312 = arith.constant 0 : i32
          %parallel_loop3A_313 = tpu.memref_slice %arg9[%parallel_loop3A_239, %parallel_loop3A_311, %parallel_loop3A_312] : memref<3x80x64xf32, #tpu.memory_space<vmem>> -> memref<1x80x64xf32, #tpu.memory_space<vmem>>
          %parallel_loop3A_314 = tpu.memref_squeeze %parallel_loop3A_313 : memref<1x80x64xf32, #tpu.memory_space<vmem>> -> memref<80x64xf32, #tpu.memory_space<vmem>>
          %parallel_loop3A_315 = tpu.vector_load_idx %parallel_loop3A_314[%add3A_232, %parallel_loop3A_305] : memref<80x64xf32, #tpu.memory_space<vmem>>[vector<16xi32>, vector<16xi32>], vector<16xf32>,
          %parallel_loop3A_316 = vector.bitcast %parallel_loop3A_310 : vector<16xf32> to vector<32xbf16>
          %parallel_loop3A_317 = vector.bitcast %parallel_loop3A_315 : vector<16xf32> to vector<32xbf16>
          %parallel_loop3A_318 = arith.mulf %parallel_loop3A_316, %parallel_loop3A_317 : vector<32xbf16>
          %parallel_loop3A_319 = arith.constant 48 : i32
          %parallel_loop3A_320 = vector.broadcast %parallel_loop3A_319 : i32 to vector<16xi32>
          %parallel_loop3A_321 = arith.addi %parallel_loop3A_273, %parallel_loop3A_320 : vector<16xi32>
          %parallel_loop3A_322 = arith.constant 63 : i32
          %parallel_loop3A_323 = vector.broadcast %parallel_loop3A_322 : i32 to vector<16xi32>
          %parallel_loop3A_324 = arith.andi %parallel_loop3A_321, %parallel_loop3A_323 : vector<16xi32>
          %parallel_loop3A_325 = arith.constant 0 : i32
          %parallel_loop3A_326 = arith.constant 0 : i32
          %parallel_loop3A_327 = tpu.memref_slice %arg8[%parallel_loop3A_238, %parallel_loop3A_325, %parallel_loop3A_326] : memref<3x80x64xf32, #tpu.memory_space<vmem>> -> memref<1x80x64xf32, #tpu.memory_space<vmem>>
          %parallel_loop3A_328 = tpu.memref_squeeze %parallel_loop3A_327 : memref<1x80x64xf32, #tpu.memory_space<vmem>> -> memref<80x64xf32, #tpu.memory_space<vmem>>
          %parallel_loop3A_329 = tpu.vector_load_idx %parallel_loop3A_328[%add3A_232, %parallel_loop3A_324] : memref<80x64xf32, #tpu.memory_space<vmem>>[vector<16xi32>, vector<16xi32>], vector<16xf32>,
          %parallel_loop3A_330 = arith.constant 0 : i32
          %parallel_loop3A_331 = arith.constant 0 : i32
          %parallel_loop3A_332 = tpu.memref_slice %arg9[%parallel_loop3A_239, %parallel_loop3A_330, %parallel_loop3A_331] : memref<3x80x64xf32, #tpu.memory_space<vmem>> -> memref<1x80x64xf32, #tpu.memory_space<vmem>>
          %parallel_loop3A_333 = tpu.memref_squeeze %parallel_loop3A_332 : memref<1x80x64xf32, #tpu.memory_space<vmem>> -> memref<80x64xf32, #tpu.memory_space<vmem>>
          %parallel_loop3A_334 = tpu.vector_load_idx %parallel_loop3A_333[%add3A_232, %parallel_loop3A_324] : memref<80x64xf32, #tpu.memory_space<vmem>>[vector<16xi32>, vector<16xi32>], vector<16xf32>,
          %parallel_loop3A_335 = vector.bitcast %parallel_loop3A_329 : vector<16xf32> to vector<32xbf16>
          %parallel_loop3A_336 = vector.bitcast %parallel_loop3A_334 : vector<16xf32> to vector<32xbf16>
          %parallel_loop3A_337 = arith.mulf %parallel_loop3A_335, %parallel_loop3A_336 : vector<32xbf16>
          %parallel_loop3A_338 = arith.addf %parallel_loop3A_286, %parallel_loop3A_302 : vector<32xbf16>
          %parallel_loop3A_339 = tpu.unpack_subelements %parallel_loop3A_338, 0 {pack_format = #tpu.pack_format<interleaved>} : vector<32xbf16> -> vector<16xf32>
          %parallel_loop3A_340 = tpu.unpack_subelements %parallel_loop3A_338, 1 {pack_format = #tpu.pack_format<interleaved>} : vector<32xbf16> -> vector<16xf32>
          %parallel_loop3A_341 = arith.addf %parallel_loop3A_268, %parallel_loop3A_339 : vector<16xf32>
          %parallel_loop3A_342 = arith.addf %parallel_loop3A_269, %parallel_loop3A_340 : vector<16xf32>
          %parallel_loop3A_343 = arith.addf %parallel_loop3A_318, %parallel_loop3A_337 : vector<32xbf16>
          %parallel_loop3A_344 = tpu.unpack_subelements %parallel_loop3A_343, 0 {pack_format = #tpu.pack_format<interleaved>} : vector<32xbf16> -> vector<16xf32>
          %parallel_loop3A_345 = tpu.unpack_subelements %parallel_loop3A_343, 1 {pack_format = #tpu.pack_format<interleaved>} : vector<32xbf16> -> vector<16xf32>
          %parallel_loop3A_346 = arith.addf %parallel_loop3A_270, %parallel_loop3A_344 : vector<16xf32>
          %parallel_loop3A_347 = arith.addf %parallel_loop3A_271, %parallel_loop3A_345 : vector<16xf32>
          scf.yield %parallel_loop3A_341, %parallel_loop3A_342, %parallel_loop3A_346, %parallel_loop3A_347 : vector<16xf32>, vector<16xf32>, vector<16xf32>, vector<16xf32>
        } {sc.loop_unroll_factor = 8 : i64, sc.parallel_access}
        %add3A_241 = arith.addf %parallel_loop3A_240#0, %parallel_loop3A_240#1 : vector<16xf32>
        %add3A_242 = arith.addf %parallel_loop3A_240#2, %parallel_loop3A_240#3 : vector<16xf32>
        %add3A_243 = arith.addf %add3A_241, %add3A_242 : vector<16xf32>
        %neg3A_244 = arith.constant 0.000000e+00 : f32
        %neg3A_245 = vector.broadcast %neg3A_244 : f32 to vector<16xf32>
        %neg3A_246 = arith.subf %neg3A_245, %add3A_243 : vector<16xf32>
        %exp3A_247 = math.exp %neg3A_246 : vector<16xf32>
        %add3A_248 = arith.constant 1.000000e+00 : f32
        %add3A_249 = vector.broadcast %add3A_248 : f32 to vector<16xf32>
        %add3A_250 = arith.addf %add3A_249, %exp3A_247 : vector<16xf32>
        %div3A_251 = arith.constant 1.000000e+00 : f32
        %div3A_252 = vector.broadcast %div3A_251 : f32 to vector<16xf32>
        %div3A_253 = arith.divf %div3A_252, %add3A_250 : vector<16xf32>
        %mul3A_254 = arith.constant 80 : i32
        %mul3A_255 = arith.muli %add3A_80, %mul3A_254 : i32
        %add3A_256 = arith.constant 64 : i32
        %add3A_257 = arith.addi %mul3A_255, %add3A_256 : i32
        %swap3A_258 = arith.index_cast %add3A_257 : i32 to index
        %swap3A_259 = tpu.vector_load %arg10[%swap3A_258] {strides = array<i32>} : memref<10000xf32, #tpu.memory_space<vmem>>, vector<16xf32>,
        tpu.vector_store %arg10[%swap3A_258], %div3A_253 {strides = array<i32>} : memref<10000xf32, #tpu.memory_space<vmem>>, vector<16xf32>,
        %add3A_260 = arith.constant 3 : i32
        %add3A_261 = arith.addi %add3A_80, %add3A_260 : i32
        %lt3A_262 = arith.constant 125 : i32
        %lt3A_263 = arith.cmpi slt, %add3A_261, %lt3A_262 : i32
        %convert_element_type3A_264 = arith.extui %lt3A_263 : i1 to i32
        %cond3A_265 = arith.constant 0 : i32
        %cond3A_266 = arith.cmpi ne, %convert_element_type3A_264, %cond3A_265 : i32
        scf.if %cond3A_266 {
          %add3A_267 = arith.constant 3 : i32
          %add3A_268 = arith.addi %add3A_80, %add3A_267 : i32
          %mul3A_269 = arith.constant 80 : i32
          %mul3A_270 = arith.muli %add3A_268, %mul3A_269 : i32
          %mul3A_271 = arith.constant 80 : i32
          %mul3A_272 = arith.muli %add3A_268, %mul3A_271 : i32
          %dma_start3A_273 = arith.constant 1 : i32
          %dma_start3A_274 = arith.constant 0 : i32
          %dma_start3A_275 = arith.constant 0 : i32
          %dma_start3A_276 = tpu.memref_slice %arg8[%dma_start3A_273, %dma_start3A_274, %dma_start3A_275] : memref<3x80x64xf32, #tpu.memory_space<vmem>> -> memref<1x80x64xf32, #tpu.memory_space<vmem>>
          %dma_start3A_277 = tpu.memref_squeeze %dma_start3A_276 : memref<1x80x64xf32, #tpu.memory_space<vmem>> -> memref<80x64xf32, #tpu.memory_space<vmem>>
          %dma_start3A_278 = tpu.memref_slice %arg6[%mul3A_270] : memref<10000xi32, #tpu.memory_space<vmem>> -> memref<80xi32, #tpu.memory_space<vmem>>
          %dma_start3A_279 = arith.constant 0 : i32
          %dma_start3A_280 = arith.constant 0 : i32
          %dma_start3A_281 = tpu.memref_slice %arg11[%dma_start3A_279, %dma_start3A_280] : memref<10000x64xf32, #tpu.memory_space<vmem_shared>> -> memref<10000x64xf32, #tpu.memory_space<vmem_shared>>
          tpu.enqueue_indirect_dma source(%dma_start3A_281 : memref<10000x64xf32, #tpu.memory_space<vmem_shared>>) target(%dma_start3A_277 : memref<80x64xf32, #tpu.memory_space<vmem>>) offsets(%dma_start3A_278 : memref<80xi32, #tpu.memory_space<vmem>>) semaphore(%arg14 : memref<!tpu.dma_semaphore, #tpu.memory_space<semaphore_mem>>)
          %dma_start3A_282 = arith.constant 1 : i32
          %dma_start3A_283 = arith.constant 0 : i32
          %dma_start3A_284 = arith.constant 0 : i32
          %dma_start3A_285 = tpu.memref_slice %arg9[%dma_start3A_282, %dma_start3A_283, %dma_start3A_284] : memref<3x80x64xf32, #tpu.memory_space<vmem>> -> memref<1x80x64xf32, #tpu.memory_space<vmem>>
          %dma_start3A_286 = tpu.memref_squeeze %dma_start3A_285 : memref<1x80x64xf32, #tpu.memory_space<vmem>> -> memref<80x64xf32, #tpu.memory_space<vmem>>
          %dma_start3A_287 = tpu.memref_slice %arg7[%mul3A_272] : memref<10000xi32, #tpu.memory_space<vmem>> -> memref<80xi32, #tpu.memory_space<vmem>>
          %dma_start3A_288 = arith.constant 0 : i32
          %dma_start3A_289 = arith.constant 0 : i32
          %dma_start3A_290 = tpu.memref_slice %arg11[%dma_start3A_288, %dma_start3A_289] : memref<10000x64xf32, #tpu.memory_space<vmem_shared>> -> memref<10000x64xf32, #tpu.memory_space<vmem_shared>>
          tpu.enqueue_indirect_dma source(%dma_start3A_290 : memref<10000x64xf32, #tpu.memory_space<vmem_shared>>) target(%dma_start3A_286 : memref<80x64xf32, #tpu.memory_space<vmem>>) offsets(%dma_start3A_287 : memref<80xi32, #tpu.memory_space<vmem>>) semaphore(%arg15 : memref<!tpu.dma_semaphore, #tpu.memory_space<semaphore_mem>>)
        } else {
        }
      } else {
      }
      %mul3A_86 = arith.constant 3 : i32
      %mul3A_87 = arith.muli %scan3A_70, %mul3A_86 : i32
      %add3A_88 = arith.constant 2 : i32
      %add3A_89 = arith.addi %mul3A_87, %add3A_88 : i32
      %lt3A_90 = arith.constant 125 : i32
      %lt3A_91 = arith.cmpi slt, %add3A_89, %lt3A_90 : i32
      %convert_element_type3A_92 = arith.extui %lt3A_91 : i1 to i32
      %cond3A_93 = arith.constant 0 : i32
      %cond3A_94 = arith.cmpi ne, %convert_element_type3A_92, %cond3A_93 : i32
      scf.if %cond3A_94 {
        %mul3A_95 = arith.constant 80 : i32
        %mul3A_96 = arith.muli %add3A_89, %mul3A_95 : i32
        %mul3A_97 = arith.constant 80 : i32
        %mul3A_98 = arith.muli %add3A_89, %mul3A_97 : i32
        %dma_wait3A = arith.constant 2 : i32
        %dma_wait3A_99 = arith.constant 0 : i32
        %dma_wait3A_100 = arith.constant 0 : i32
        %dma_wait3A_101 = tpu.memref_slice %arg8[%dma_wait3A, %dma_wait3A_99, %dma_wait3A_100] : memref<3x80x64xf32, #tpu.memory_space<vmem>> -> memref<1x80x64xf32, #tpu.memory_space<vmem>>
        %dma_wait3A_102 = tpu.memref_squeeze %dma_wait3A_101 : memref<1x80x64xf32, #tpu.memory_space<vmem>> -> memref<80x64xf32, #tpu.memory_space<vmem>>
        %dma_wait3A_103 = tpu.memref_slice %arg6[%mul3A_96] : memref<10000xi32, #tpu.memory_space<vmem>> -> memref<80xi32, #tpu.memory_space<vmem>>
        %dma_wait3A_104 = arith.constant 0 : i32
        %dma_wait3A_105 = arith.constant 0 : i32
        %dma_wait3A_106 = tpu.memref_slice %arg11[%dma_wait3A_104, %dma_wait3A_105] : memref<10000x64xf32, #tpu.memory_space<vmem_shared>> -> memref<10000x64xf32, #tpu.memory_space<vmem_shared>>
        tpu.wait_indirect_dma semaphore(%arg16 : memref<!tpu.dma_semaphore, #tpu.memory_space<semaphore_mem>>) src(%dma_wait3A_106 : memref<10000x64xf32, #tpu.memory_space<vmem_shared>>) dst(%dma_wait3A_102 : memref<80x64xf32, #tpu.memory_space<vmem>>)
        %dma_wait3A_107 = arith.constant 2 : i32
        %dma_wait3A_108 = arith.constant 0 : i32
        %dma_wait3A_109 = arith.constant 0 : i32
        %dma_wait3A_110 = tpu.memref_slice %arg9[%dma_wait3A_107, %dma_wait3A_108, %dma_wait3A_109] : memref<3x80x64xf32, #tpu.memory_space<vmem>> -> memref<1x80x64xf32, #tpu.memory_space<vmem>>
        %dma_wait3A_111 = tpu.memref_squeeze %dma_wait3A_110 : memref<1x80x64xf32, #tpu.memory_space<vmem>> -> memref<80x64xf32, #tpu.memory_space<vmem>>
        %dma_wait3A_112 = tpu.memref_slice %arg7[%mul3A_98] : memref<10000xi32, #tpu.memory_space<vmem>> -> memref<80xi32, #tpu.memory_space<vmem>>
        %dma_wait3A_113 = arith.constant 0 : i32
        %dma_wait3A_114 = arith.constant 0 : i32
        %dma_wait3A_115 = tpu.memref_slice %arg11[%dma_wait3A_113, %dma_wait3A_114] : memref<10000x64xf32, #tpu.memory_space<vmem_shared>> -> memref<10000x64xf32, #tpu.memory_space<vmem_shared>>
        tpu.wait_indirect_dma semaphore(%arg17 : memref<!tpu.dma_semaphore, #tpu.memory_space<semaphore_mem>>) src(%dma_wait3A_115 : memref<10000x64xf32, #tpu.memory_space<vmem_shared>>) dst(%dma_wait3A_111 : memref<80x64xf32, #tpu.memory_space<vmem>>)
        %iota3A = tpu.iota {dimensions = array<i32: 0>} : vector<16xi32>
        %add3A_116 = arith.constant 0 : i32
        %add3A_117 = vector.broadcast %add3A_116 : i32 to vector<16xi32>
        %add3A_118 = arith.addi %add3A_117, %iota3A : vector<16xi32>
        %broadcast_in_dim3A = arith.constant 0.000000e+00 : f32
        %broadcast_in_dim3A_119 = vector.broadcast %broadcast_in_dim3A : f32 to vector<16xf32>
        %parallel_loop3A = arith.constant 0 : i32
        %parallel_loop3A_120 = arith.constant 16 : i32
        %parallel_loop3A_121 = arith.constant 1 : i32
        %parallel_loop3A_122 = arith.constant 2 : i32
        %parallel_loop3A_123 = arith.constant 2 : i32
        %parallel_loop3A_124:4 = scf.for %parallel_loop3A_267 = %parallel_loop3A to %parallel_loop3A_120 step %parallel_loop3A_121 iter_args(%parallel_loop3A_268 = %broadcast_in_dim3A_119, %parallel_loop3A_269 = %broadcast_in_dim3A_119, %parallel_loop3A_270 = %broadcast_in_dim3A_119, %parallel_loop3A_271 = %broadcast_in_dim3A_119) -> (vector<16xf32>, vector<16xf32>, vector<16xf32>, vector<16xf32>)  : i32 {
          %parallel_loop3A_272 = vector.broadcast %parallel_loop3A_267 : i32 to vector<16xi32>
          %parallel_loop3A_273 = arith.addi %iota3A, %parallel_loop3A_272 : vector<16xi32>
          %parallel_loop3A_274 = arith.constant 0 : i32
          %parallel_loop3A_275 = arith.constant 0 : i32
          %parallel_loop3A_276 = tpu.memref_slice %arg8[%parallel_loop3A_122, %parallel_loop3A_274, %parallel_loop3A_275] : memref<3x80x64xf32, #tpu.memory_space<vmem>> -> memref<1x80x64xf32, #tpu.memory_space<vmem>>
          %parallel_loop3A_277 = tpu.memref_squeeze %parallel_loop3A_276 : memref<1x80x64xf32, #tpu.memory_space<vmem>> -> memref<80x64xf32, #tpu.memory_space<vmem>>
          %parallel_loop3A_278 = tpu.vector_load_idx %parallel_loop3A_277[%add3A_118, %parallel_loop3A_273] : memref<80x64xf32, #tpu.memory_space<vmem>>[vector<16xi32>, vector<16xi32>], vector<16xf32>,
          %parallel_loop3A_279 = arith.constant 0 : i32
          %parallel_loop3A_280 = arith.constant 0 : i32
          %parallel_loop3A_281 = tpu.memref_slice %arg9[%parallel_loop3A_123, %parallel_loop3A_279, %parallel_loop3A_280] : memref<3x80x64xf32, #tpu.memory_space<vmem>> -> memref<1x80x64xf32, #tpu.memory_space<vmem>>
          %parallel_loop3A_282 = tpu.memref_squeeze %parallel_loop3A_281 : memref<1x80x64xf32, #tpu.memory_space<vmem>> -> memref<80x64xf32, #tpu.memory_space<vmem>>
          %parallel_loop3A_283 = tpu.vector_load_idx %parallel_loop3A_282[%add3A_118, %parallel_loop3A_273] : memref<80x64xf32, #tpu.memory_space<vmem>>[vector<16xi32>, vector<16xi32>], vector<16xf32>,
          %parallel_loop3A_284 = vector.bitcast %parallel_loop3A_278 : vector<16xf32> to vector<32xbf16>
          %parallel_loop3A_285 = vector.bitcast %parallel_loop3A_283 : vector<16xf32> to vector<32xbf16>
          %parallel_loop3A_286 = arith.mulf %parallel_loop3A_284, %parallel_loop3A_285 : vector<32xbf16>
          %parallel_loop3A_287 = arith.constant 16 : i32
          %parallel_loop3A_288 = vector.broadcast %parallel_loop3A_287 : i32 to vector<16xi32>
          %parallel_loop3A_289 = arith.addi %parallel_loop3A_273, %parallel_loop3A_288 : vector<16xi32>
          %parallel_loop3A_290 = arith.constant 0 : i32
          %parallel_loop3A_291 = arith.constant 0 : i32
          %parallel_loop3A_292 = tpu.memref_slice %arg8[%parallel_loop3A_122, %parallel_loop3A_290, %parallel_loop3A_291] : memref<3x80x64xf32, #tpu.memory_space<vmem>> -> memref<1x80x64xf32, #tpu.memory_space<vmem>>
          %parallel_loop3A_293 = tpu.memref_squeeze %parallel_loop3A_292 : memref<1x80x64xf32, #tpu.memory_space<vmem>> -> memref<80x64xf32, #tpu.memory_space<vmem>>
          %parallel_loop3A_294 = tpu.vector_load_idx %parallel_loop3A_293[%add3A_118, %parallel_loop3A_289] : memref<80x64xf32, #tpu.memory_space<vmem>>[vector<16xi32>, vector<16xi32>], vector<16xf32>,
          %parallel_loop3A_295 = arith.constant 0 : i32
          %parallel_loop3A_296 = arith.constant 0 : i32
          %parallel_loop3A_297 = tpu.memref_slice %arg9[%parallel_loop3A_123, %parallel_loop3A_295, %parallel_loop3A_296] : memref<3x80x64xf32, #tpu.memory_space<vmem>> -> memref<1x80x64xf32, #tpu.memory_space<vmem>>
          %parallel_loop3A_298 = tpu.memref_squeeze %parallel_loop3A_297 : memref<1x80x64xf32, #tpu.memory_space<vmem>> -> memref<80x64xf32, #tpu.memory_space<vmem>>
          %parallel_loop3A_299 = tpu.vector_load_idx %parallel_loop3A_298[%add3A_118, %parallel_loop3A_289] : memref<80x64xf32, #tpu.memory_space<vmem>>[vector<16xi32>, vector<16xi32>], vector<16xf32>,
          %parallel_loop3A_300 = vector.bitcast %parallel_loop3A_294 : vector<16xf32> to vector<32xbf16>
          %parallel_loop3A_301 = vector.bitcast %parallel_loop3A_299 : vector<16xf32> to vector<32xbf16>
          %parallel_loop3A_302 = arith.mulf %parallel_loop3A_300, %parallel_loop3A_301 : vector<32xbf16>
          %parallel_loop3A_303 = arith.constant 32 : i32
          %parallel_loop3A_304 = vector.broadcast %parallel_loop3A_303 : i32 to vector<16xi32>
          %parallel_loop3A_305 = arith.addi %parallel_loop3A_273, %parallel_loop3A_304 : vector<16xi32>
          %parallel_loop3A_306 = arith.constant 0 : i32
          %parallel_loop3A_307 = arith.constant 0 : i32
          %parallel_loop3A_308 = tpu.memref_slice %arg8[%parallel_loop3A_122, %parallel_loop3A_306, %parallel_loop3A_307] : memref<3x80x64xf32, #tpu.memory_space<vmem>> -> memref<1x80x64xf32, #tpu.memory_space<vmem>>
          %parallel_loop3A_309 = tpu.memref_squeeze %parallel_loop3A_308 : memref<1x80x64xf32, #tpu.memory_space<vmem>> -> memref<80x64xf32, #tpu.memory_space<vmem>>
          %parallel_loop3A_310 = tpu.vector_load_idx %parallel_loop3A_309[%add3A_118, %parallel_loop3A_305] : memref<80x64xf32, #tpu.memory_space<vmem>>[vector<16xi32>, vector<16xi32>], vector<16xf32>,
          %parallel_loop3A_311 = arith.constant 0 : i32
          %parallel_loop3A_312 = arith.constant 0 : i32
          %parallel_loop3A_313 = tpu.memref_slice %arg9[%parallel_loop3A_123, %parallel_loop3A_311, %parallel_loop3A_312] : memref<3x80x64xf32, #tpu.memory_space<vmem>> -> memref<1x80x64xf32, #tpu.memory_space<vmem>>
          %parallel_loop3A_314 = tpu.memref_squeeze %parallel_loop3A_313 : memref<1x80x64xf32, #tpu.memory_space<vmem>> -> memref<80x64xf32, #tpu.memory_space<vmem>>
          %parallel_loop3A_315 = tpu.vector_load_idx %parallel_loop3A_314[%add3A_118, %parallel_loop3A_305] : memref<80x64xf32, #tpu.memory_space<vmem>>[vector<16xi32>, vector<16xi32>], vector<16xf32>,
          %parallel_loop3A_316 = vector.bitcast %parallel_loop3A_310 : vector<16xf32> to vector<32xbf16>
          %parallel_loop3A_317 = vector.bitcast %parallel_loop3A_315 : vector<16xf32> to vector<32xbf16>
          %parallel_loop3A_318 = arith.mulf %parallel_loop3A_316, %parallel_loop3A_317 : vector<32xbf16>
          %parallel_loop3A_319 = arith.constant 48 : i32
          %parallel_loop3A_320 = vector.broadcast %parallel_loop3A_319 : i32 to vector<16xi32>
          %parallel_loop3A_321 = arith.addi %parallel_loop3A_273, %parallel_loop3A_320 : vector<16xi32>
          %parallel_loop3A_322 = arith.constant 63 : i32
          %parallel_loop3A_323 = vector.broadcast %parallel_loop3A_322 : i32 to vector<16xi32>
          %parallel_loop3A_324 = arith.andi %parallel_loop3A_321, %parallel_loop3A_323 : vector<16xi32>
          %parallel_loop3A_325 = arith.constant 0 : i32
          %parallel_loop3A_326 = arith.constant 0 : i32
          %parallel_loop3A_327 = tpu.memref_slice %arg8[%parallel_loop3A_122, %parallel_loop3A_325, %parallel_loop3A_326] : memref<3x80x64xf32, #tpu.memory_space<vmem>> -> memref<1x80x64xf32, #tpu.memory_space<vmem>>
          %parallel_loop3A_328 = tpu.memref_squeeze %parallel_loop3A_327 : memref<1x80x64xf32, #tpu.memory_space<vmem>> -> memref<80x64xf32, #tpu.memory_space<vmem>>
          %parallel_loop3A_329 = tpu.vector_load_idx %parallel_loop3A_328[%add3A_118, %parallel_loop3A_324] : memref<80x64xf32, #tpu.memory_space<vmem>>[vector<16xi32>, vector<16xi32>], vector<16xf32>,
          %parallel_loop3A_330 = arith.constant 0 : i32
          %parallel_loop3A_331 = arith.constant 0 : i32
          %parallel_loop3A_332 = tpu.memref_slice %arg9[%parallel_loop3A_123, %parallel_loop3A_330, %parallel_loop3A_331] : memref<3x80x64xf32, #tpu.memory_space<vmem>> -> memref<1x80x64xf32, #tpu.memory_space<vmem>>
          %parallel_loop3A_333 = tpu.memref_squeeze %parallel_loop3A_332 : memref<1x80x64xf32, #tpu.memory_space<vmem>> -> memref<80x64xf32, #tpu.memory_space<vmem>>
          %parallel_loop3A_334 = tpu.vector_load_idx %parallel_loop3A_333[%add3A_118, %parallel_loop3A_324] : memref<80x64xf32, #tpu.memory_space<vmem>>[vector<16xi32>, vector<16xi32>], vector<16xf32>,
          %parallel_loop3A_335 = vector.bitcast %parallel_loop3A_329 : vector<16xf32> to vector<32xbf16>
          %parallel_loop3A_336 = vector.bitcast %parallel_loop3A_334 : vector<16xf32> to vector<32xbf16>
          %parallel_loop3A_337 = arith.mulf %parallel_loop3A_335, %parallel_loop3A_336 : vector<32xbf16>
          %parallel_loop3A_338 = arith.addf %parallel_loop3A_286, %parallel_loop3A_302 : vector<32xbf16>
          %parallel_loop3A_339 = tpu.unpack_subelements %parallel_loop3A_338, 0 {pack_format = #tpu.pack_format<interleaved>} : vector<32xbf16> -> vector<16xf32>
          %parallel_loop3A_340 = tpu.unpack_subelements %parallel_loop3A_338, 1 {pack_format = #tpu.pack_format<interleaved>} : vector<32xbf16> -> vector<16xf32>
          %parallel_loop3A_341 = arith.addf %parallel_loop3A_268, %parallel_loop3A_339 : vector<16xf32>
          %parallel_loop3A_342 = arith.addf %parallel_loop3A_269, %parallel_loop3A_340 : vector<16xf32>
          %parallel_loop3A_343 = arith.addf %parallel_loop3A_318, %parallel_loop3A_337 : vector<32xbf16>
          %parallel_loop3A_344 = tpu.unpack_subelements %parallel_loop3A_343, 0 {pack_format = #tpu.pack_format<interleaved>} : vector<32xbf16> -> vector<16xf32>
          %parallel_loop3A_345 = tpu.unpack_subelements %parallel_loop3A_343, 1 {pack_format = #tpu.pack_format<interleaved>} : vector<32xbf16> -> vector<16xf32>
          %parallel_loop3A_346 = arith.addf %parallel_loop3A_270, %parallel_loop3A_344 : vector<16xf32>
          %parallel_loop3A_347 = arith.addf %parallel_loop3A_271, %parallel_loop3A_345 : vector<16xf32>
          scf.yield %parallel_loop3A_341, %parallel_loop3A_342, %parallel_loop3A_346, %parallel_loop3A_347 : vector<16xf32>, vector<16xf32>, vector<16xf32>, vector<16xf32>
        } {sc.loop_unroll_factor = 8 : i64, sc.parallel_access}
        %add3A_125 = arith.addf %parallel_loop3A_124#0, %parallel_loop3A_124#1 : vector<16xf32>
        %add3A_126 = arith.addf %parallel_loop3A_124#2, %parallel_loop3A_124#3 : vector<16xf32>
        %add3A_127 = arith.addf %add3A_125, %add3A_126 : vector<16xf32>
        %neg3A = arith.constant 0.000000e+00 : f32
        %neg3A_128 = vector.broadcast %neg3A : f32 to vector<16xf32>
        %neg3A_129 = arith.subf %neg3A_128, %add3A_127 : vector<16xf32>
        %exp3A = math.exp %neg3A_129 : vector<16xf32>
        %add3A_130 = arith.constant 1.000000e+00 : f32
        %add3A_131 = vector.broadcast %add3A_130 : f32 to vector<16xf32>
        %add3A_132 = arith.addf %add3A_131, %exp3A : vector<16xf32>
        %div3A = arith.constant 1.000000e+00 : f32
        %div3A_133 = vector.broadcast %div3A : f32 to vector<16xf32>
        %div3A_134 = arith.divf %div3A_133, %add3A_132 : vector<16xf32>
        %mul3A_135 = arith.constant 80 : i32
        %mul3A_136 = arith.muli %add3A_89, %mul3A_135 : i32
        %add3A_137 = arith.constant 0 : i32
        %add3A_138 = arith.addi %mul3A_136, %add3A_137 : i32
        %swap3A = arith.index_cast %add3A_138 : i32 to index
        %swap3A_139 = tpu.vector_load %arg10[%swap3A] {strides = array<i32>} : memref<10000xf32, #tpu.memory_space<vmem>>, vector<16xf32>,
        tpu.vector_store %arg10[%swap3A], %div3A_134 {strides = array<i32>} : memref<10000xf32, #tpu.memory_space<vmem>>, vector<16xf32>,
        %add3A_140 = arith.constant 16 : i32
        %add3A_141 = vector.broadcast %add3A_140 : i32 to vector<16xi32>
        %add3A_142 = arith.addi %add3A_141, %iota3A : vector<16xi32>
        %broadcast_in_dim3A_143 = arith.constant 0.000000e+00 : f32
        %broadcast_in_dim3A_144 = vector.broadcast %broadcast_in_dim3A_143 : f32 to vector<16xf32>
        %parallel_loop3A_145 = arith.constant 0 : i32
        %parallel_loop3A_146 = arith.constant 16 : i32
        %parallel_loop3A_147 = arith.constant 1 : i32
        %parallel_loop3A_148 = arith.constant 2 : i32
        %parallel_loop3A_149 = arith.constant 2 : i32
        %parallel_loop3A_150:4 = scf.for %parallel_loop3A_267 = %parallel_loop3A_145 to %parallel_loop3A_146 step %parallel_loop3A_147 iter_args(%parallel_loop3A_268 = %broadcast_in_dim3A_144, %parallel_loop3A_269 = %broadcast_in_dim3A_144, %parallel_loop3A_270 = %broadcast_in_dim3A_144, %parallel_loop3A_271 = %broadcast_in_dim3A_144) -> (vector<16xf32>, vector<16xf32>, vector<16xf32>, vector<16xf32>)  : i32 {
          %parallel_loop3A_272 = vector.broadcast %parallel_loop3A_267 : i32 to vector<16xi32>
          %parallel_loop3A_273 = arith.addi %iota3A, %parallel_loop3A_272 : vector<16xi32>
          %parallel_loop3A_274 = arith.constant 0 : i32
          %parallel_loop3A_275 = arith.constant 0 : i32
          %parallel_loop3A_276 = tpu.memref_slice %arg8[%parallel_loop3A_148, %parallel_loop3A_274, %parallel_loop3A_275] : memref<3x80x64xf32, #tpu.memory_space<vmem>> -> memref<1x80x64xf32, #tpu.memory_space<vmem>>
          %parallel_loop3A_277 = tpu.memref_squeeze %parallel_loop3A_276 : memref<1x80x64xf32, #tpu.memory_space<vmem>> -> memref<80x64xf32, #tpu.memory_space<vmem>>
          %parallel_loop3A_278 = tpu.vector_load_idx %parallel_loop3A_277[%add3A_142, %parallel_loop3A_273] : memref<80x64xf32, #tpu.memory_space<vmem>>[vector<16xi32>, vector<16xi32>], vector<16xf32>,
          %parallel_loop3A_279 = arith.constant 0 : i32
          %parallel_loop3A_280 = arith.constant 0 : i32
          %parallel_loop3A_281 = tpu.memref_slice %arg9[%parallel_loop3A_149, %parallel_loop3A_279, %parallel_loop3A_280] : memref<3x80x64xf32, #tpu.memory_space<vmem>> -> memref<1x80x64xf32, #tpu.memory_space<vmem>>
          %parallel_loop3A_282 = tpu.memref_squeeze %parallel_loop3A_281 : memref<1x80x64xf32, #tpu.memory_space<vmem>> -> memref<80x64xf32, #tpu.memory_space<vmem>>
          %parallel_loop3A_283 = tpu.vector_load_idx %parallel_loop3A_282[%add3A_142, %parallel_loop3A_273] : memref<80x64xf32, #tpu.memory_space<vmem>>[vector<16xi32>, vector<16xi32>], vector<16xf32>,
          %parallel_loop3A_284 = vector.bitcast %parallel_loop3A_278 : vector<16xf32> to vector<32xbf16>
          %parallel_loop3A_285 = vector.bitcast %parallel_loop3A_283 : vector<16xf32> to vector<32xbf16>
          %parallel_loop3A_286 = arith.mulf %parallel_loop3A_284, %parallel_loop3A_285 : vector<32xbf16>
          %parallel_loop3A_287 = arith.constant 16 : i32
          %parallel_loop3A_288 = vector.broadcast %parallel_loop3A_287 : i32 to vector<16xi32>
          %parallel_loop3A_289 = arith.addi %parallel_loop3A_273, %parallel_loop3A_288 : vector<16xi32>
          %parallel_loop3A_290 = arith.constant 0 : i32
          %parallel_loop3A_291 = arith.constant 0 : i32
          %parallel_loop3A_292 = tpu.memref_slice %arg8[%parallel_loop3A_148, %parallel_loop3A_290, %parallel_loop3A_291] : memref<3x80x64xf32, #tpu.memory_space<vmem>> -> memref<1x80x64xf32, #tpu.memory_space<vmem>>
          %parallel_loop3A_293 = tpu.memref_squeeze %parallel_loop3A_292 : memref<1x80x64xf32, #tpu.memory_space<vmem>> -> memref<80x64xf32, #tpu.memory_space<vmem>>
          %parallel_loop3A_294 = tpu.vector_load_idx %parallel_loop3A_293[%add3A_142, %parallel_loop3A_289] : memref<80x64xf32, #tpu.memory_space<vmem>>[vector<16xi32>, vector<16xi32>], vector<16xf32>,
          %parallel_loop3A_295 = arith.constant 0 : i32
          %parallel_loop3A_296 = arith.constant 0 : i32
          %parallel_loop3A_297 = tpu.memref_slice %arg9[%parallel_loop3A_149, %parallel_loop3A_295, %parallel_loop3A_296] : memref<3x80x64xf32, #tpu.memory_space<vmem>> -> memref<1x80x64xf32, #tpu.memory_space<vmem>>
          %parallel_loop3A_298 = tpu.memref_squeeze %parallel_loop3A_297 : memref<1x80x64xf32, #tpu.memory_space<vmem>> -> memref<80x64xf32, #tpu.memory_space<vmem>>
          %parallel_loop3A_299 = tpu.vector_load_idx %parallel_loop3A_298[%add3A_142, %parallel_loop3A_289] : memref<80x64xf32, #tpu.memory_space<vmem>>[vector<16xi32>, vector<16xi32>], vector<16xf32>,
          %parallel_loop3A_300 = vector.bitcast %parallel_loop3A_294 : vector<16xf32> to vector<32xbf16>
          %parallel_loop3A_301 = vector.bitcast %parallel_loop3A_299 : vector<16xf32> to vector<32xbf16>
          %parallel_loop3A_302 = arith.mulf %parallel_loop3A_300, %parallel_loop3A_301 : vector<32xbf16>
          %parallel_loop3A_303 = arith.constant 32 : i32
          %parallel_loop3A_304 = vector.broadcast %parallel_loop3A_303 : i32 to vector<16xi32>
          %parallel_loop3A_305 = arith.addi %parallel_loop3A_273, %parallel_loop3A_304 : vector<16xi32>
          %parallel_loop3A_306 = arith.constant 0 : i32
          %parallel_loop3A_307 = arith.constant 0 : i32
          %parallel_loop3A_308 = tpu.memref_slice %arg8[%parallel_loop3A_148, %parallel_loop3A_306, %parallel_loop3A_307] : memref<3x80x64xf32, #tpu.memory_space<vmem>> -> memref<1x80x64xf32, #tpu.memory_space<vmem>>
          %parallel_loop3A_309 = tpu.memref_squeeze %parallel_loop3A_308 : memref<1x80x64xf32, #tpu.memory_space<vmem>> -> memref<80x64xf32, #tpu.memory_space<vmem>>
          %parallel_loop3A_310 = tpu.vector_load_idx %parallel_loop3A_309[%add3A_142, %parallel_loop3A_305] : memref<80x64xf32, #tpu.memory_space<vmem>>[vector<16xi32>, vector<16xi32>], vector<16xf32>,
          %parallel_loop3A_311 = arith.constant 0 : i32
          %parallel_loop3A_312 = arith.constant 0 : i32
          %parallel_loop3A_313 = tpu.memref_slice %arg9[%parallel_loop3A_149, %parallel_loop3A_311, %parallel_loop3A_312] : memref<3x80x64xf32, #tpu.memory_space<vmem>> -> memref<1x80x64xf32, #tpu.memory_space<vmem>>
          %parallel_loop3A_314 = tpu.memref_squeeze %parallel_loop3A_313 : memref<1x80x64xf32, #tpu.memory_space<vmem>> -> memref<80x64xf32, #tpu.memory_space<vmem>>
          %parallel_loop3A_315 = tpu.vector_load_idx %parallel_loop3A_314[%add3A_142, %parallel_loop3A_305] : memref<80x64xf32, #tpu.memory_space<vmem>>[vector<16xi32>, vector<16xi32>], vector<16xf32>,
          %parallel_loop3A_316 = vector.bitcast %parallel_loop3A_310 : vector<16xf32> to vector<32xbf16>
          %parallel_loop3A_317 = vector.bitcast %parallel_loop3A_315 : vector<16xf32> to vector<32xbf16>
          %parallel_loop3A_318 = arith.mulf %parallel_loop3A_316, %parallel_loop3A_317 : vector<32xbf16>
          %parallel_loop3A_319 = arith.constant 48 : i32
          %parallel_loop3A_320 = vector.broadcast %parallel_loop3A_319 : i32 to vector<16xi32>
          %parallel_loop3A_321 = arith.addi %parallel_loop3A_273, %parallel_loop3A_320 : vector<16xi32>
          %parallel_loop3A_322 = arith.constant 63 : i32
          %parallel_loop3A_323 = vector.broadcast %parallel_loop3A_322 : i32 to vector<16xi32>
          %parallel_loop3A_324 = arith.andi %parallel_loop3A_321, %parallel_loop3A_323 : vector<16xi32>
          %parallel_loop3A_325 = arith.constant 0 : i32
          %parallel_loop3A_326 = arith.constant 0 : i32
          %parallel_loop3A_327 = tpu.memref_slice %arg8[%parallel_loop3A_148, %parallel_loop3A_325, %parallel_loop3A_326] : memref<3x80x64xf32, #tpu.memory_space<vmem>> -> memref<1x80x64xf32, #tpu.memory_space<vmem>>
          %parallel_loop3A_328 = tpu.memref_squeeze %parallel_loop3A_327 : memref<1x80x64xf32, #tpu.memory_space<vmem>> -> memref<80x64xf32, #tpu.memory_space<vmem>>
          %parallel_loop3A_329 = tpu.vector_load_idx %parallel_loop3A_328[%add3A_142, %parallel_loop3A_324] : memref<80x64xf32, #tpu.memory_space<vmem>>[vector<16xi32>, vector<16xi32>], vector<16xf32>,
          %parallel_loop3A_330 = arith.constant 0 : i32
          %parallel_loop3A_331 = arith.constant 0 : i32
          %parallel_loop3A_332 = tpu.memref_slice %arg9[%parallel_loop3A_149, %parallel_loop3A_330, %parallel_loop3A_331] : memref<3x80x64xf32, #tpu.memory_space<vmem>> -> memref<1x80x64xf32, #tpu.memory_space<vmem>>
          %parallel_loop3A_333 = tpu.memref_squeeze %parallel_loop3A_332 : memref<1x80x64xf32, #tpu.memory_space<vmem>> -> memref<80x64xf32, #tpu.memory_space<vmem>>
          %parallel_loop3A_334 = tpu.vector_load_idx %parallel_loop3A_333[%add3A_142, %parallel_loop3A_324] : memref<80x64xf32, #tpu.memory_space<vmem>>[vector<16xi32>, vector<16xi32>], vector<16xf32>,
          %parallel_loop3A_335 = vector.bitcast %parallel_loop3A_329 : vector<16xf32> to vector<32xbf16>
          %parallel_loop3A_336 = vector.bitcast %parallel_loop3A_334 : vector<16xf32> to vector<32xbf16>
          %parallel_loop3A_337 = arith.mulf %parallel_loop3A_335, %parallel_loop3A_336 : vector<32xbf16>
          %parallel_loop3A_338 = arith.addf %parallel_loop3A_286, %parallel_loop3A_302 : vector<32xbf16>
          %parallel_loop3A_339 = tpu.unpack_subelements %parallel_loop3A_338, 0 {pack_format = #tpu.pack_format<interleaved>} : vector<32xbf16> -> vector<16xf32>
          %parallel_loop3A_340 = tpu.unpack_subelements %parallel_loop3A_338, 1 {pack_format = #tpu.pack_format<interleaved>} : vector<32xbf16> -> vector<16xf32>
          %parallel_loop3A_341 = arith.addf %parallel_loop3A_268, %parallel_loop3A_339 : vector<16xf32>
          %parallel_loop3A_342 = arith.addf %parallel_loop3A_269, %parallel_loop3A_340 : vector<16xf32>
          %parallel_loop3A_343 = arith.addf %parallel_loop3A_318, %parallel_loop3A_337 : vector<32xbf16>
          %parallel_loop3A_344 = tpu.unpack_subelements %parallel_loop3A_343, 0 {pack_format = #tpu.pack_format<interleaved>} : vector<32xbf16> -> vector<16xf32>
          %parallel_loop3A_345 = tpu.unpack_subelements %parallel_loop3A_343, 1 {pack_format = #tpu.pack_format<interleaved>} : vector<32xbf16> -> vector<16xf32>
          %parallel_loop3A_346 = arith.addf %parallel_loop3A_270, %parallel_loop3A_344 : vector<16xf32>
          %parallel_loop3A_347 = arith.addf %parallel_loop3A_271, %parallel_loop3A_345 : vector<16xf32>
          scf.yield %parallel_loop3A_341, %parallel_loop3A_342, %parallel_loop3A_346, %parallel_loop3A_347 : vector<16xf32>, vector<16xf32>, vector<16xf32>, vector<16xf32>
        } {sc.loop_unroll_factor = 8 : i64, sc.parallel_access}
        %add3A_151 = arith.addf %parallel_loop3A_150#0, %parallel_loop3A_150#1 : vector<16xf32>
        %add3A_152 = arith.addf %parallel_loop3A_150#2, %parallel_loop3A_150#3 : vector<16xf32>
        %add3A_153 = arith.addf %add3A_151, %add3A_152 : vector<16xf32>
        %neg3A_154 = arith.constant 0.000000e+00 : f32
        %neg3A_155 = vector.broadcast %neg3A_154 : f32 to vector<16xf32>
        %neg3A_156 = arith.subf %neg3A_155, %add3A_153 : vector<16xf32>
        %exp3A_157 = math.exp %neg3A_156 : vector<16xf32>
        %add3A_158 = arith.constant 1.000000e+00 : f32
        %add3A_159 = vector.broadcast %add3A_158 : f32 to vector<16xf32>
        %add3A_160 = arith.addf %add3A_159, %exp3A_157 : vector<16xf32>
        %div3A_161 = arith.constant 1.000000e+00 : f32
        %div3A_162 = vector.broadcast %div3A_161 : f32 to vector<16xf32>
        %div3A_163 = arith.divf %div3A_162, %add3A_160 : vector<16xf32>
        %mul3A_164 = arith.constant 80 : i32
        %mul3A_165 = arith.muli %add3A_89, %mul3A_164 : i32
        %add3A_166 = arith.constant 16 : i32
        %add3A_167 = arith.addi %mul3A_165, %add3A_166 : i32
        %swap3A_168 = arith.index_cast %add3A_167 : i32 to index
        %swap3A_169 = tpu.vector_load %arg10[%swap3A_168] {strides = array<i32>} : memref<10000xf32, #tpu.memory_space<vmem>>, vector<16xf32>,
        tpu.vector_store %arg10[%swap3A_168], %div3A_163 {strides = array<i32>} : memref<10000xf32, #tpu.memory_space<vmem>>, vector<16xf32>,
        %add3A_170 = arith.constant 32 : i32
        %add3A_171 = vector.broadcast %add3A_170 : i32 to vector<16xi32>
        %add3A_172 = arith.addi %add3A_171, %iota3A : vector<16xi32>
        %broadcast_in_dim3A_173 = arith.constant 0.000000e+00 : f32
        %broadcast_in_dim3A_174 = vector.broadcast %broadcast_in_dim3A_173 : f32 to vector<16xf32>
        %parallel_loop3A_175 = arith.constant 0 : i32
        %parallel_loop3A_176 = arith.constant 16 : i32
        %parallel_loop3A_177 = arith.constant 1 : i32
        %parallel_loop3A_178 = arith.constant 2 : i32
        %parallel_loop3A_179 = arith.constant 2 : i32
        %parallel_loop3A_180:4 = scf.for %parallel_loop3A_267 = %parallel_loop3A_175 to %parallel_loop3A_176 step %parallel_loop3A_177 iter_args(%parallel_loop3A_268 = %broadcast_in_dim3A_174, %parallel_loop3A_269 = %broadcast_in_dim3A_174, %parallel_loop3A_270 = %broadcast_in_dim3A_174, %parallel_loop3A_271 = %broadcast_in_dim3A_174) -> (vector<16xf32>, vector<16xf32>, vector<16xf32>, vector<16xf32>)  : i32 {
          %parallel_loop3A_272 = vector.broadcast %parallel_loop3A_267 : i32 to vector<16xi32>
          %parallel_loop3A_273 = arith.addi %iota3A, %parallel_loop3A_272 : vector<16xi32>
          %parallel_loop3A_274 = arith.constant 0 : i32
          %parallel_loop3A_275 = arith.constant 0 : i32
          %parallel_loop3A_276 = tpu.memref_slice %arg8[%parallel_loop3A_178, %parallel_loop3A_274, %parallel_loop3A_275] : memref<3x80x64xf32, #tpu.memory_space<vmem>> -> memref<1x80x64xf32, #tpu.memory_space<vmem>>
          %parallel_loop3A_277 = tpu.memref_squeeze %parallel_loop3A_276 : memref<1x80x64xf32, #tpu.memory_space<vmem>> -> memref<80x64xf32, #tpu.memory_space<vmem>>
          %parallel_loop3A_278 = tpu.vector_load_idx %parallel_loop3A_277[%add3A_172, %parallel_loop3A_273] : memref<80x64xf32, #tpu.memory_space<vmem>>[vector<16xi32>, vector<16xi32>], vector<16xf32>,
          %parallel_loop3A_279 = arith.constant 0 : i32
          %parallel_loop3A_280 = arith.constant 0 : i32
          %parallel_loop3A_281 = tpu.memref_slice %arg9[%parallel_loop3A_179, %parallel_loop3A_279, %parallel_loop3A_280] : memref<3x80x64xf32, #tpu.memory_space<vmem>> -> memref<1x80x64xf32, #tpu.memory_space<vmem>>
          %parallel_loop3A_282 = tpu.memref_squeeze %parallel_loop3A_281 : memref<1x80x64xf32, #tpu.memory_space<vmem>> -> memref<80x64xf32, #tpu.memory_space<vmem>>
          %parallel_loop3A_283 = tpu.vector_load_idx %parallel_loop3A_282[%add3A_172, %parallel_loop3A_273] : memref<80x64xf32, #tpu.memory_space<vmem>>[vector<16xi32>, vector<16xi32>], vector<16xf32>,
          %parallel_loop3A_284 = vector.bitcast %parallel_loop3A_278 : vector<16xf32> to vector<32xbf16>
          %parallel_loop3A_285 = vector.bitcast %parallel_loop3A_283 : vector<16xf32> to vector<32xbf16>
          %parallel_loop3A_286 = arith.mulf %parallel_loop3A_284, %parallel_loop3A_285 : vector<32xbf16>
          %parallel_loop3A_287 = arith.constant 16 : i32
          %parallel_loop3A_288 = vector.broadcast %parallel_loop3A_287 : i32 to vector<16xi32>
          %parallel_loop3A_289 = arith.addi %parallel_loop3A_273, %parallel_loop3A_288 : vector<16xi32>
          %parallel_loop3A_290 = arith.constant 0 : i32
          %parallel_loop3A_291 = arith.constant 0 : i32
          %parallel_loop3A_292 = tpu.memref_slice %arg8[%parallel_loop3A_178, %parallel_loop3A_290, %parallel_loop3A_291] : memref<3x80x64xf32, #tpu.memory_space<vmem>> -> memref<1x80x64xf32, #tpu.memory_space<vmem>>
          %parallel_loop3A_293 = tpu.memref_squeeze %parallel_loop3A_292 : memref<1x80x64xf32, #tpu.memory_space<vmem>> -> memref<80x64xf32, #tpu.memory_space<vmem>>
          %parallel_loop3A_294 = tpu.vector_load_idx %parallel_loop3A_293[%add3A_172, %parallel_loop3A_289] : memref<80x64xf32, #tpu.memory_space<vmem>>[vector<16xi32>, vector<16xi32>], vector<16xf32>,
          %parallel_loop3A_295 = arith.constant 0 : i32
          %parallel_loop3A_296 = arith.constant 0 : i32
          %parallel_loop3A_297 = tpu.memref_slice %arg9[%parallel_loop3A_179, %parallel_loop3A_295, %parallel_loop3A_296] : memref<3x80x64xf32, #tpu.memory_space<vmem>> -> memref<1x80x64xf32, #tpu.memory_space<vmem>>
          %parallel_loop3A_298 = tpu.memref_squeeze %parallel_loop3A_297 : memref<1x80x64xf32, #tpu.memory_space<vmem>> -> memref<80x64xf32, #tpu.memory_space<vmem>>
          %parallel_loop3A_299 = tpu.vector_load_idx %parallel_loop3A_298[%add3A_172, %parallel_loop3A_289] : memref<80x64xf32, #tpu.memory_space<vmem>>[vector<16xi32>, vector<16xi32>], vector<16xf32>,
          %parallel_loop3A_300 = vector.bitcast %parallel_loop3A_294 : vector<16xf32> to vector<32xbf16>
          %parallel_loop3A_301 = vector.bitcast %parallel_loop3A_299 : vector<16xf32> to vector<32xbf16>
          %parallel_loop3A_302 = arith.mulf %parallel_loop3A_300, %parallel_loop3A_301 : vector<32xbf16>
          %parallel_loop3A_303 = arith.constant 32 : i32
          %parallel_loop3A_304 = vector.broadcast %parallel_loop3A_303 : i32 to vector<16xi32>
          %parallel_loop3A_305 = arith.addi %parallel_loop3A_273, %parallel_loop3A_304 : vector<16xi32>
          %parallel_loop3A_306 = arith.constant 0 : i32
          %parallel_loop3A_307 = arith.constant 0 : i32
          %parallel_loop3A_308 = tpu.memref_slice %arg8[%parallel_loop3A_178, %parallel_loop3A_306, %parallel_loop3A_307] : memref<3x80x64xf32, #tpu.memory_space<vmem>> -> memref<1x80x64xf32, #tpu.memory_space<vmem>>
          %parallel_loop3A_309 = tpu.memref_squeeze %parallel_loop3A_308 : memref<1x80x64xf32, #tpu.memory_space<vmem>> -> memref<80x64xf32, #tpu.memory_space<vmem>>
          %parallel_loop3A_310 = tpu.vector_load_idx %parallel_loop3A_309[%add3A_172, %parallel_loop3A_305] : memref<80x64xf32, #tpu.memory_space<vmem>>[vector<16xi32>, vector<16xi32>], vector<16xf32>,
          %parallel_loop3A_311 = arith.constant 0 : i32
          %parallel_loop3A_312 = arith.constant 0 : i32
          %parallel_loop3A_313 = tpu.memref_slice %arg9[%parallel_loop3A_179, %parallel_loop3A_311, %parallel_loop3A_312] : memref<3x80x64xf32, #tpu.memory_space<vmem>> -> memref<1x80x64xf32, #tpu.memory_space<vmem>>
          %parallel_loop3A_314 = tpu.memref_squeeze %parallel_loop3A_313 : memref<1x80x64xf32, #tpu.memory_space<vmem>> -> memref<80x64xf32, #tpu.memory_space<vmem>>
          %parallel_loop3A_315 = tpu.vector_load_idx %parallel_loop3A_314[%add3A_172, %parallel_loop3A_305] : memref<80x64xf32, #tpu.memory_space<vmem>>[vector<16xi32>, vector<16xi32>], vector<16xf32>,
          %parallel_loop3A_316 = vector.bitcast %parallel_loop3A_310 : vector<16xf32> to vector<32xbf16>
          %parallel_loop3A_317 = vector.bitcast %parallel_loop3A_315 : vector<16xf32> to vector<32xbf16>
          %parallel_loop3A_318 = arith.mulf %parallel_loop3A_316, %parallel_loop3A_317 : vector<32xbf16>
          %parallel_loop3A_319 = arith.constant 48 : i32
          %parallel_loop3A_320 = vector.broadcast %parallel_loop3A_319 : i32 to vector<16xi32>
          %parallel_loop3A_321 = arith.addi %parallel_loop3A_273, %parallel_loop3A_320 : vector<16xi32>
          %parallel_loop3A_322 = arith.constant 63 : i32
          %parallel_loop3A_323 = vector.broadcast %parallel_loop3A_322 : i32 to vector<16xi32>
          %parallel_loop3A_324 = arith.andi %parallel_loop3A_321, %parallel_loop3A_323 : vector<16xi32>
          %parallel_loop3A_325 = arith.constant 0 : i32
          %parallel_loop3A_326 = arith.constant 0 : i32
          %parallel_loop3A_327 = tpu.memref_slice %arg8[%parallel_loop3A_178, %parallel_loop3A_325, %parallel_loop3A_326] : memref<3x80x64xf32, #tpu.memory_space<vmem>> -> memref<1x80x64xf32, #tpu.memory_space<vmem>>
          %parallel_loop3A_328 = tpu.memref_squeeze %parallel_loop3A_327 : memref<1x80x64xf32, #tpu.memory_space<vmem>> -> memref<80x64xf32, #tpu.memory_space<vmem>>
          %parallel_loop3A_329 = tpu.vector_load_idx %parallel_loop3A_328[%add3A_172, %parallel_loop3A_324] : memref<80x64xf32, #tpu.memory_space<vmem>>[vector<16xi32>, vector<16xi32>], vector<16xf32>,
          %parallel_loop3A_330 = arith.constant 0 : i32
          %parallel_loop3A_331 = arith.constant 0 : i32
          %parallel_loop3A_332 = tpu.memref_slice %arg9[%parallel_loop3A_179, %parallel_loop3A_330, %parallel_loop3A_331] : memref<3x80x64xf32, #tpu.memory_space<vmem>> -> memref<1x80x64xf32, #tpu.memory_space<vmem>>
          %parallel_loop3A_333 = tpu.memref_squeeze %parallel_loop3A_332 : memref<1x80x64xf32, #tpu.memory_space<vmem>> -> memref<80x64xf32, #tpu.memory_space<vmem>>
          %parallel_loop3A_334 = tpu.vector_load_idx %parallel_loop3A_333[%add3A_172, %parallel_loop3A_324] : memref<80x64xf32, #tpu.memory_space<vmem>>[vector<16xi32>, vector<16xi32>], vector<16xf32>,
          %parallel_loop3A_335 = vector.bitcast %parallel_loop3A_329 : vector<16xf32> to vector<32xbf16>
          %parallel_loop3A_336 = vector.bitcast %parallel_loop3A_334 : vector<16xf32> to vector<32xbf16>
          %parallel_loop3A_337 = arith.mulf %parallel_loop3A_335, %parallel_loop3A_336 : vector<32xbf16>
          %parallel_loop3A_338 = arith.addf %parallel_loop3A_286, %parallel_loop3A_302 : vector<32xbf16>
          %parallel_loop3A_339 = tpu.unpack_subelements %parallel_loop3A_338, 0 {pack_format = #tpu.pack_format<interleaved>} : vector<32xbf16> -> vector<16xf32>
          %parallel_loop3A_340 = tpu.unpack_subelements %parallel_loop3A_338, 1 {pack_format = #tpu.pack_format<interleaved>} : vector<32xbf16> -> vector<16xf32>
          %parallel_loop3A_341 = arith.addf %parallel_loop3A_268, %parallel_loop3A_339 : vector<16xf32>
          %parallel_loop3A_342 = arith.addf %parallel_loop3A_269, %parallel_loop3A_340 : vector<16xf32>
          %parallel_loop3A_343 = arith.addf %parallel_loop3A_318, %parallel_loop3A_337 : vector<32xbf16>
          %parallel_loop3A_344 = tpu.unpack_subelements %parallel_loop3A_343, 0 {pack_format = #tpu.pack_format<interleaved>} : vector<32xbf16> -> vector<16xf32>
          %parallel_loop3A_345 = tpu.unpack_subelements %parallel_loop3A_343, 1 {pack_format = #tpu.pack_format<interleaved>} : vector<32xbf16> -> vector<16xf32>
          %parallel_loop3A_346 = arith.addf %parallel_loop3A_270, %parallel_loop3A_344 : vector<16xf32>
          %parallel_loop3A_347 = arith.addf %parallel_loop3A_271, %parallel_loop3A_345 : vector<16xf32>
          scf.yield %parallel_loop3A_341, %parallel_loop3A_342, %parallel_loop3A_346, %parallel_loop3A_347 : vector<16xf32>, vector<16xf32>, vector<16xf32>, vector<16xf32>
        } {sc.loop_unroll_factor = 8 : i64, sc.parallel_access}
        %add3A_181 = arith.addf %parallel_loop3A_180#0, %parallel_loop3A_180#1 : vector<16xf32>
        %add3A_182 = arith.addf %parallel_loop3A_180#2, %parallel_loop3A_180#3 : vector<16xf32>
        %add3A_183 = arith.addf %add3A_181, %add3A_182 : vector<16xf32>
        %neg3A_184 = arith.constant 0.000000e+00 : f32
        %neg3A_185 = vector.broadcast %neg3A_184 : f32 to vector<16xf32>
        %neg3A_186 = arith.subf %neg3A_185, %add3A_183 : vector<16xf32>
        %exp3A_187 = math.exp %neg3A_186 : vector<16xf32>
        %add3A_188 = arith.constant 1.000000e+00 : f32
        %add3A_189 = vector.broadcast %add3A_188 : f32 to vector<16xf32>
        %add3A_190 = arith.addf %add3A_189, %exp3A_187 : vector<16xf32>
        %div3A_191 = arith.constant 1.000000e+00 : f32
        %div3A_192 = vector.broadcast %div3A_191 : f32 to vector<16xf32>
        %div3A_193 = arith.divf %div3A_192, %add3A_190 : vector<16xf32>
        %mul3A_194 = arith.constant 80 : i32
        %mul3A_195 = arith.muli %add3A_89, %mul3A_194 : i32
        %add3A_196 = arith.constant 32 : i32
        %add3A_197 = arith.addi %mul3A_195, %add3A_196 : i32
        %swap3A_198 = arith.index_cast %add3A_197 : i32 to index
        %swap3A_199 = tpu.vector_load %arg10[%swap3A_198] {strides = array<i32>} : memref<10000xf32, #tpu.memory_space<vmem>>, vector<16xf32>,
        tpu.vector_store %arg10[%swap3A_198], %div3A_193 {strides = array<i32>} : memref<10000xf32, #tpu.memory_space<vmem>>, vector<16xf32>,
        %add3A_200 = arith.constant 48 : i32
        %add3A_201 = vector.broadcast %add3A_200 : i32 to vector<16xi32>
        %add3A_202 = arith.addi %add3A_201, %iota3A : vector<16xi32>
        %broadcast_in_dim3A_203 = arith.constant 0.000000e+00 : f32
        %broadcast_in_dim3A_204 = vector.broadcast %broadcast_in_dim3A_203 : f32 to vector<16xf32>
        %parallel_loop3A_205 = arith.constant 0 : i32
        %parallel_loop3A_206 = arith.constant 16 : i32
        %parallel_loop3A_207 = arith.constant 1 : i32
        %parallel_loop3A_208 = arith.constant 2 : i32
        %parallel_loop3A_209 = arith.constant 2 : i32
        %parallel_loop3A_210:4 = scf.for %parallel_loop3A_267 = %parallel_loop3A_205 to %parallel_loop3A_206 step %parallel_loop3A_207 iter_args(%parallel_loop3A_268 = %broadcast_in_dim3A_204, %parallel_loop3A_269 = %broadcast_in_dim3A_204, %parallel_loop3A_270 = %broadcast_in_dim3A_204, %parallel_loop3A_271 = %broadcast_in_dim3A_204) -> (vector<16xf32>, vector<16xf32>, vector<16xf32>, vector<16xf32>)  : i32 {
          %parallel_loop3A_272 = vector.broadcast %parallel_loop3A_267 : i32 to vector<16xi32>
          %parallel_loop3A_273 = arith.addi %iota3A, %parallel_loop3A_272 : vector<16xi32>
          %parallel_loop3A_274 = arith.constant 0 : i32
          %parallel_loop3A_275 = arith.constant 0 : i32
          %parallel_loop3A_276 = tpu.memref_slice %arg8[%parallel_loop3A_208, %parallel_loop3A_274, %parallel_loop3A_275] : memref<3x80x64xf32, #tpu.memory_space<vmem>> -> memref<1x80x64xf32, #tpu.memory_space<vmem>>
          %parallel_loop3A_277 = tpu.memref_squeeze %parallel_loop3A_276 : memref<1x80x64xf32, #tpu.memory_space<vmem>> -> memref<80x64xf32, #tpu.memory_space<vmem>>
          %parallel_loop3A_278 = tpu.vector_load_idx %parallel_loop3A_277[%add3A_202, %parallel_loop3A_273] : memref<80x64xf32, #tpu.memory_space<vmem>>[vector<16xi32>, vector<16xi32>], vector<16xf32>,
          %parallel_loop3A_279 = arith.constant 0 : i32
          %parallel_loop3A_280 = arith.constant 0 : i32
          %parallel_loop3A_281 = tpu.memref_slice %arg9[%parallel_loop3A_209, %parallel_loop3A_279, %parallel_loop3A_280] : memref<3x80x64xf32, #tpu.memory_space<vmem>> -> memref<1x80x64xf32, #tpu.memory_space<vmem>>
          %parallel_loop3A_282 = tpu.memref_squeeze %parallel_loop3A_281 : memref<1x80x64xf32, #tpu.memory_space<vmem>> -> memref<80x64xf32, #tpu.memory_space<vmem>>
          %parallel_loop3A_283 = tpu.vector_load_idx %parallel_loop3A_282[%add3A_202, %parallel_loop3A_273] : memref<80x64xf32, #tpu.memory_space<vmem>>[vector<16xi32>, vector<16xi32>], vector<16xf32>,
          %parallel_loop3A_284 = vector.bitcast %parallel_loop3A_278 : vector<16xf32> to vector<32xbf16>
          %parallel_loop3A_285 = vector.bitcast %parallel_loop3A_283 : vector<16xf32> to vector<32xbf16>
          %parallel_loop3A_286 = arith.mulf %parallel_loop3A_284, %parallel_loop3A_285 : vector<32xbf16>
          %parallel_loop3A_287 = arith.constant 16 : i32
          %parallel_loop3A_288 = vector.broadcast %parallel_loop3A_287 : i32 to vector<16xi32>
          %parallel_loop3A_289 = arith.addi %parallel_loop3A_273, %parallel_loop3A_288 : vector<16xi32>
          %parallel_loop3A_290 = arith.constant 0 : i32
          %parallel_loop3A_291 = arith.constant 0 : i32
          %parallel_loop3A_292 = tpu.memref_slice %arg8[%parallel_loop3A_208, %parallel_loop3A_290, %parallel_loop3A_291] : memref<3x80x64xf32, #tpu.memory_space<vmem>> -> memref<1x80x64xf32, #tpu.memory_space<vmem>>
          %parallel_loop3A_293 = tpu.memref_squeeze %parallel_loop3A_292 : memref<1x80x64xf32, #tpu.memory_space<vmem>> -> memref<80x64xf32, #tpu.memory_space<vmem>>
          %parallel_loop3A_294 = tpu.vector_load_idx %parallel_loop3A_293[%add3A_202, %parallel_loop3A_289] : memref<80x64xf32, #tpu.memory_space<vmem>>[vector<16xi32>, vector<16xi32>], vector<16xf32>,
          %parallel_loop3A_295 = arith.constant 0 : i32
          %parallel_loop3A_296 = arith.constant 0 : i32
          %parallel_loop3A_297 = tpu.memref_slice %arg9[%parallel_loop3A_209, %parallel_loop3A_295, %parallel_loop3A_296] : memref<3x80x64xf32, #tpu.memory_space<vmem>> -> memref<1x80x64xf32, #tpu.memory_space<vmem>>
          %parallel_loop3A_298 = tpu.memref_squeeze %parallel_loop3A_297 : memref<1x80x64xf32, #tpu.memory_space<vmem>> -> memref<80x64xf32, #tpu.memory_space<vmem>>
          %parallel_loop3A_299 = tpu.vector_load_idx %parallel_loop3A_298[%add3A_202, %parallel_loop3A_289] : memref<80x64xf32, #tpu.memory_space<vmem>>[vector<16xi32>, vector<16xi32>], vector<16xf32>,
          %parallel_loop3A_300 = vector.bitcast %parallel_loop3A_294 : vector<16xf32> to vector<32xbf16>
          %parallel_loop3A_301 = vector.bitcast %parallel_loop3A_299 : vector<16xf32> to vector<32xbf16>
          %parallel_loop3A_302 = arith.mulf %parallel_loop3A_300, %parallel_loop3A_301 : vector<32xbf16>
          %parallel_loop3A_303 = arith.constant 32 : i32
          %parallel_loop3A_304 = vector.broadcast %parallel_loop3A_303 : i32 to vector<16xi32>
          %parallel_loop3A_305 = arith.addi %parallel_loop3A_273, %parallel_loop3A_304 : vector<16xi32>
          %parallel_loop3A_306 = arith.constant 0 : i32
          %parallel_loop3A_307 = arith.constant 0 : i32
          %parallel_loop3A_308 = tpu.memref_slice %arg8[%parallel_loop3A_208, %parallel_loop3A_306, %parallel_loop3A_307] : memref<3x80x64xf32, #tpu.memory_space<vmem>> -> memref<1x80x64xf32, #tpu.memory_space<vmem>>
          %parallel_loop3A_309 = tpu.memref_squeeze %parallel_loop3A_308 : memref<1x80x64xf32, #tpu.memory_space<vmem>> -> memref<80x64xf32, #tpu.memory_space<vmem>>
          %parallel_loop3A_310 = tpu.vector_load_idx %parallel_loop3A_309[%add3A_202, %parallel_loop3A_305] : memref<80x64xf32, #tpu.memory_space<vmem>>[vector<16xi32>, vector<16xi32>], vector<16xf32>,
          %parallel_loop3A_311 = arith.constant 0 : i32
          %parallel_loop3A_312 = arith.constant 0 : i32
          %parallel_loop3A_313 = tpu.memref_slice %arg9[%parallel_loop3A_209, %parallel_loop3A_311, %parallel_loop3A_312] : memref<3x80x64xf32, #tpu.memory_space<vmem>> -> memref<1x80x64xf32, #tpu.memory_space<vmem>>
          %parallel_loop3A_314 = tpu.memref_squeeze %parallel_loop3A_313 : memref<1x80x64xf32, #tpu.memory_space<vmem>> -> memref<80x64xf32, #tpu.memory_space<vmem>>
          %parallel_loop3A_315 = tpu.vector_load_idx %parallel_loop3A_314[%add3A_202, %parallel_loop3A_305] : memref<80x64xf32, #tpu.memory_space<vmem>>[vector<16xi32>, vector<16xi32>], vector<16xf32>,
          %parallel_loop3A_316 = vector.bitcast %parallel_loop3A_310 : vector<16xf32> to vector<32xbf16>
          %parallel_loop3A_317 = vector.bitcast %parallel_loop3A_315 : vector<16xf32> to vector<32xbf16>
          %parallel_loop3A_318 = arith.mulf %parallel_loop3A_316, %parallel_loop3A_317 : vector<32xbf16>
          %parallel_loop3A_319 = arith.constant 48 : i32
          %parallel_loop3A_320 = vector.broadcast %parallel_loop3A_319 : i32 to vector<16xi32>
          %parallel_loop3A_321 = arith.addi %parallel_loop3A_273, %parallel_loop3A_320 : vector<16xi32>
          %parallel_loop3A_322 = arith.constant 63 : i32
          %parallel_loop3A_323 = vector.broadcast %parallel_loop3A_322 : i32 to vector<16xi32>
          %parallel_loop3A_324 = arith.andi %parallel_loop3A_321, %parallel_loop3A_323 : vector<16xi32>
          %parallel_loop3A_325 = arith.constant 0 : i32
          %parallel_loop3A_326 = arith.constant 0 : i32
          %parallel_loop3A_327 = tpu.memref_slice %arg8[%parallel_loop3A_208, %parallel_loop3A_325, %parallel_loop3A_326] : memref<3x80x64xf32, #tpu.memory_space<vmem>> -> memref<1x80x64xf32, #tpu.memory_space<vmem>>
          %parallel_loop3A_328 = tpu.memref_squeeze %parallel_loop3A_327 : memref<1x80x64xf32, #tpu.memory_space<vmem>> -> memref<80x64xf32, #tpu.memory_space<vmem>>
          %parallel_loop3A_329 = tpu.vector_load_idx %parallel_loop3A_328[%add3A_202, %parallel_loop3A_324] : memref<80x64xf32, #tpu.memory_space<vmem>>[vector<16xi32>, vector<16xi32>], vector<16xf32>,
          %parallel_loop3A_330 = arith.constant 0 : i32
          %parallel_loop3A_331 = arith.constant 0 : i32
          %parallel_loop3A_332 = tpu.memref_slice %arg9[%parallel_loop3A_209, %parallel_loop3A_330, %parallel_loop3A_331] : memref<3x80x64xf32, #tpu.memory_space<vmem>> -> memref<1x80x64xf32, #tpu.memory_space<vmem>>
          %parallel_loop3A_333 = tpu.memref_squeeze %parallel_loop3A_332 : memref<1x80x64xf32, #tpu.memory_space<vmem>> -> memref<80x64xf32, #tpu.memory_space<vmem>>
          %parallel_loop3A_334 = tpu.vector_load_idx %parallel_loop3A_333[%add3A_202, %parallel_loop3A_324] : memref<80x64xf32, #tpu.memory_space<vmem>>[vector<16xi32>, vector<16xi32>], vector<16xf32>,
          %parallel_loop3A_335 = vector.bitcast %parallel_loop3A_329 : vector<16xf32> to vector<32xbf16>
          %parallel_loop3A_336 = vector.bitcast %parallel_loop3A_334 : vector<16xf32> to vector<32xbf16>
          %parallel_loop3A_337 = arith.mulf %parallel_loop3A_335, %parallel_loop3A_336 : vector<32xbf16>
          %parallel_loop3A_338 = arith.addf %parallel_loop3A_286, %parallel_loop3A_302 : vector<32xbf16>
          %parallel_loop3A_339 = tpu.unpack_subelements %parallel_loop3A_338, 0 {pack_format = #tpu.pack_format<interleaved>} : vector<32xbf16> -> vector<16xf32>
          %parallel_loop3A_340 = tpu.unpack_subelements %parallel_loop3A_338, 1 {pack_format = #tpu.pack_format<interleaved>} : vector<32xbf16> -> vector<16xf32>
          %parallel_loop3A_341 = arith.addf %parallel_loop3A_268, %parallel_loop3A_339 : vector<16xf32>
          %parallel_loop3A_342 = arith.addf %parallel_loop3A_269, %parallel_loop3A_340 : vector<16xf32>
          %parallel_loop3A_343 = arith.addf %parallel_loop3A_318, %parallel_loop3A_337 : vector<32xbf16>
          %parallel_loop3A_344 = tpu.unpack_subelements %parallel_loop3A_343, 0 {pack_format = #tpu.pack_format<interleaved>} : vector<32xbf16> -> vector<16xf32>
          %parallel_loop3A_345 = tpu.unpack_subelements %parallel_loop3A_343, 1 {pack_format = #tpu.pack_format<interleaved>} : vector<32xbf16> -> vector<16xf32>
          %parallel_loop3A_346 = arith.addf %parallel_loop3A_270, %parallel_loop3A_344 : vector<16xf32>
          %parallel_loop3A_347 = arith.addf %parallel_loop3A_271, %parallel_loop3A_345 : vector<16xf32>
          scf.yield %parallel_loop3A_341, %parallel_loop3A_342, %parallel_loop3A_346, %parallel_loop3A_347 : vector<16xf32>, vector<16xf32>, vector<16xf32>, vector<16xf32>
        } {sc.loop_unroll_factor = 8 : i64, sc.parallel_access}
        %add3A_211 = arith.addf %parallel_loop3A_210#0, %parallel_loop3A_210#1 : vector<16xf32>
        %add3A_212 = arith.addf %parallel_loop3A_210#2, %parallel_loop3A_210#3 : vector<16xf32>
        %add3A_213 = arith.addf %add3A_211, %add3A_212 : vector<16xf32>
        %neg3A_214 = arith.constant 0.000000e+00 : f32
        %neg3A_215 = vector.broadcast %neg3A_214 : f32 to vector<16xf32>
        %neg3A_216 = arith.subf %neg3A_215, %add3A_213 : vector<16xf32>
        %exp3A_217 = math.exp %neg3A_216 : vector<16xf32>
        %add3A_218 = arith.constant 1.000000e+00 : f32
        %add3A_219 = vector.broadcast %add3A_218 : f32 to vector<16xf32>
        %add3A_220 = arith.addf %add3A_219, %exp3A_217 : vector<16xf32>
        %div3A_221 = arith.constant 1.000000e+00 : f32
        %div3A_222 = vector.broadcast %div3A_221 : f32 to vector<16xf32>
        %div3A_223 = arith.divf %div3A_222, %add3A_220 : vector<16xf32>
        %mul3A_224 = arith.constant 80 : i32
        %mul3A_225 = arith.muli %add3A_89, %mul3A_224 : i32
        %add3A_226 = arith.constant 48 : i32
        %add3A_227 = arith.addi %mul3A_225, %add3A_226 : i32
        %swap3A_228 = arith.index_cast %add3A_227 : i32 to index
        %swap3A_229 = tpu.vector_load %arg10[%swap3A_228] {strides = array<i32>} : memref<10000xf32, #tpu.memory_space<vmem>>, vector<16xf32>,
        tpu.vector_store %arg10[%swap3A_228], %div3A_223 {strides = array<i32>} : memref<10000xf32, #tpu.memory_space<vmem>>, vector<16xf32>,
        %add3A_230 = arith.constant 64 : i32
        %add3A_231 = vector.broadcast %add3A_230 : i32 to vector<16xi32>
        %add3A_232 = arith.addi %add3A_231, %iota3A : vector<16xi32>
        %broadcast_in_dim3A_233 = arith.constant 0.000000e+00 : f32
        %broadcast_in_dim3A_234 = vector.broadcast %broadcast_in_dim3A_233 : f32 to vector<16xf32>
        %parallel_loop3A_235 = arith.constant 0 : i32
        %parallel_loop3A_236 = arith.constant 16 : i32
        %parallel_loop3A_237 = arith.constant 1 : i32
        %parallel_loop3A_238 = arith.constant 2 : i32
        %parallel_loop3A_239 = arith.constant 2 : i32
        %parallel_loop3A_240:4 = scf.for %parallel_loop3A_267 = %parallel_loop3A_235 to %parallel_loop3A_236 step %parallel_loop3A_237 iter_args(%parallel_loop3A_268 = %broadcast_in_dim3A_234, %parallel_loop3A_269 = %broadcast_in_dim3A_234, %parallel_loop3A_270 = %broadcast_in_dim3A_234, %parallel_loop3A_271 = %broadcast_in_dim3A_234) -> (vector<16xf32>, vector<16xf32>, vector<16xf32>, vector<16xf32>)  : i32 {
          %parallel_loop3A_272 = vector.broadcast %parallel_loop3A_267 : i32 to vector<16xi32>
          %parallel_loop3A_273 = arith.addi %iota3A, %parallel_loop3A_272 : vector<16xi32>
          %parallel_loop3A_274 = arith.constant 0 : i32
          %parallel_loop3A_275 = arith.constant 0 : i32
          %parallel_loop3A_276 = tpu.memref_slice %arg8[%parallel_loop3A_238, %parallel_loop3A_274, %parallel_loop3A_275] : memref<3x80x64xf32, #tpu.memory_space<vmem>> -> memref<1x80x64xf32, #tpu.memory_space<vmem>>
          %parallel_loop3A_277 = tpu.memref_squeeze %parallel_loop3A_276 : memref<1x80x64xf32, #tpu.memory_space<vmem>> -> memref<80x64xf32, #tpu.memory_space<vmem>>
          %parallel_loop3A_278 = tpu.vector_load_idx %parallel_loop3A_277[%add3A_232, %parallel_loop3A_273] : memref<80x64xf32, #tpu.memory_space<vmem>>[vector<16xi32>, vector<16xi32>], vector<16xf32>,
          %parallel_loop3A_279 = arith.constant 0 : i32
          %parallel_loop3A_280 = arith.constant 0 : i32
          %parallel_loop3A_281 = tpu.memref_slice %arg9[%parallel_loop3A_239, %parallel_loop3A_279, %parallel_loop3A_280] : memref<3x80x64xf32, #tpu.memory_space<vmem>> -> memref<1x80x64xf32, #tpu.memory_space<vmem>>
          %parallel_loop3A_282 = tpu.memref_squeeze %parallel_loop3A_281 : memref<1x80x64xf32, #tpu.memory_space<vmem>> -> memref<80x64xf32, #tpu.memory_space<vmem>>
          %parallel_loop3A_283 = tpu.vector_load_idx %parallel_loop3A_282[%add3A_232, %parallel_loop3A_273] : memref<80x64xf32, #tpu.memory_space<vmem>>[vector<16xi32>, vector<16xi32>], vector<16xf32>,
          %parallel_loop3A_284 = vector.bitcast %parallel_loop3A_278 : vector<16xf32> to vector<32xbf16>
          %parallel_loop3A_285 = vector.bitcast %parallel_loop3A_283 : vector<16xf32> to vector<32xbf16>
          %parallel_loop3A_286 = arith.mulf %parallel_loop3A_284, %parallel_loop3A_285 : vector<32xbf16>
          %parallel_loop3A_287 = arith.constant 16 : i32
          %parallel_loop3A_288 = vector.broadcast %parallel_loop3A_287 : i32 to vector<16xi32>
          %parallel_loop3A_289 = arith.addi %parallel_loop3A_273, %parallel_loop3A_288 : vector<16xi32>
          %parallel_loop3A_290 = arith.constant 0 : i32
          %parallel_loop3A_291 = arith.constant 0 : i32
          %parallel_loop3A_292 = tpu.memref_slice %arg8[%parallel_loop3A_238, %parallel_loop3A_290, %parallel_loop3A_291] : memref<3x80x64xf32, #tpu.memory_space<vmem>> -> memref<1x80x64xf32, #tpu.memory_space<vmem>>
          %parallel_loop3A_293 = tpu.memref_squeeze %parallel_loop3A_292 : memref<1x80x64xf32, #tpu.memory_space<vmem>> -> memref<80x64xf32, #tpu.memory_space<vmem>>
          %parallel_loop3A_294 = tpu.vector_load_idx %parallel_loop3A_293[%add3A_232, %parallel_loop3A_289] : memref<80x64xf32, #tpu.memory_space<vmem>>[vector<16xi32>, vector<16xi32>], vector<16xf32>,
          %parallel_loop3A_295 = arith.constant 0 : i32
          %parallel_loop3A_296 = arith.constant 0 : i32
          %parallel_loop3A_297 = tpu.memref_slice %arg9[%parallel_loop3A_239, %parallel_loop3A_295, %parallel_loop3A_296] : memref<3x80x64xf32, #tpu.memory_space<vmem>> -> memref<1x80x64xf32, #tpu.memory_space<vmem>>
          %parallel_loop3A_298 = tpu.memref_squeeze %parallel_loop3A_297 : memref<1x80x64xf32, #tpu.memory_space<vmem>> -> memref<80x64xf32, #tpu.memory_space<vmem>>
          %parallel_loop3A_299 = tpu.vector_load_idx %parallel_loop3A_298[%add3A_232, %parallel_loop3A_289] : memref<80x64xf32, #tpu.memory_space<vmem>>[vector<16xi32>, vector<16xi32>], vector<16xf32>,
          %parallel_loop3A_300 = vector.bitcast %parallel_loop3A_294 : vector<16xf32> to vector<32xbf16>
          %parallel_loop3A_301 = vector.bitcast %parallel_loop3A_299 : vector<16xf32> to vector<32xbf16>
          %parallel_loop3A_302 = arith.mulf %parallel_loop3A_300, %parallel_loop3A_301 : vector<32xbf16>
          %parallel_loop3A_303 = arith.constant 32 : i32
          %parallel_loop3A_304 = vector.broadcast %parallel_loop3A_303 : i32 to vector<16xi32>
          %parallel_loop3A_305 = arith.addi %parallel_loop3A_273, %parallel_loop3A_304 : vector<16xi32>
          %parallel_loop3A_306 = arith.constant 0 : i32
          %parallel_loop3A_307 = arith.constant 0 : i32
          %parallel_loop3A_308 = tpu.memref_slice %arg8[%parallel_loop3A_238, %parallel_loop3A_306, %parallel_loop3A_307] : memref<3x80x64xf32, #tpu.memory_space<vmem>> -> memref<1x80x64xf32, #tpu.memory_space<vmem>>
          %parallel_loop3A_309 = tpu.memref_squeeze %parallel_loop3A_308 : memref<1x80x64xf32, #tpu.memory_space<vmem>> -> memref<80x64xf32, #tpu.memory_space<vmem>>
          %parallel_loop3A_310 = tpu.vector_load_idx %parallel_loop3A_309[%add3A_232, %parallel_loop3A_305] : memref<80x64xf32, #tpu.memory_space<vmem>>[vector<16xi32>, vector<16xi32>], vector<16xf32>,
          %parallel_loop3A_311 = arith.constant 0 : i32
          %parallel_loop3A_312 = arith.constant 0 : i32
          %parallel_loop3A_313 = tpu.memref_slice %arg9[%parallel_loop3A_239, %parallel_loop3A_311, %parallel_loop3A_312] : memref<3x80x64xf32, #tpu.memory_space<vmem>> -> memref<1x80x64xf32, #tpu.memory_space<vmem>>
          %parallel_loop3A_314 = tpu.memref_squeeze %parallel_loop3A_313 : memref<1x80x64xf32, #tpu.memory_space<vmem>> -> memref<80x64xf32, #tpu.memory_space<vmem>>
          %parallel_loop3A_315 = tpu.vector_load_idx %parallel_loop3A_314[%add3A_232, %parallel_loop3A_305] : memref<80x64xf32, #tpu.memory_space<vmem>>[vector<16xi32>, vector<16xi32>], vector<16xf32>,
          %parallel_loop3A_316 = vector.bitcast %parallel_loop3A_310 : vector<16xf32> to vector<32xbf16>
          %parallel_loop3A_317 = vector.bitcast %parallel_loop3A_315 : vector<16xf32> to vector<32xbf16>
          %parallel_loop3A_318 = arith.mulf %parallel_loop3A_316, %parallel_loop3A_317 : vector<32xbf16>
          %parallel_loop3A_319 = arith.constant 48 : i32
          %parallel_loop3A_320 = vector.broadcast %parallel_loop3A_319 : i32 to vector<16xi32>
          %parallel_loop3A_321 = arith.addi %parallel_loop3A_273, %parallel_loop3A_320 : vector<16xi32>
          %parallel_loop3A_322 = arith.constant 63 : i32
          %parallel_loop3A_323 = vector.broadcast %parallel_loop3A_322 : i32 to vector<16xi32>
          %parallel_loop3A_324 = arith.andi %parallel_loop3A_321, %parallel_loop3A_323 : vector<16xi32>
          %parallel_loop3A_325 = arith.constant 0 : i32
          %parallel_loop3A_326 = arith.constant 0 : i32
          %parallel_loop3A_327 = tpu.memref_slice %arg8[%parallel_loop3A_238, %parallel_loop3A_325, %parallel_loop3A_326] : memref<3x80x64xf32, #tpu.memory_space<vmem>> -> memref<1x80x64xf32, #tpu.memory_space<vmem>>
          %parallel_loop3A_328 = tpu.memref_squeeze %parallel_loop3A_327 : memref<1x80x64xf32, #tpu.memory_space<vmem>> -> memref<80x64xf32, #tpu.memory_space<vmem>>
          %parallel_loop3A_329 = tpu.vector_load_idx %parallel_loop3A_328[%add3A_232, %parallel_loop3A_324] : memref<80x64xf32, #tpu.memory_space<vmem>>[vector<16xi32>, vector<16xi32>], vector<16xf32>,
          %parallel_loop3A_330 = arith.constant 0 : i32
          %parallel_loop3A_331 = arith.constant 0 : i32
          %parallel_loop3A_332 = tpu.memref_slice %arg9[%parallel_loop3A_239, %parallel_loop3A_330, %parallel_loop3A_331] : memref<3x80x64xf32, #tpu.memory_space<vmem>> -> memref<1x80x64xf32, #tpu.memory_space<vmem>>
          %parallel_loop3A_333 = tpu.memref_squeeze %parallel_loop3A_332 : memref<1x80x64xf32, #tpu.memory_space<vmem>> -> memref<80x64xf32, #tpu.memory_space<vmem>>
          %parallel_loop3A_334 = tpu.vector_load_idx %parallel_loop3A_333[%add3A_232, %parallel_loop3A_324] : memref<80x64xf32, #tpu.memory_space<vmem>>[vector<16xi32>, vector<16xi32>], vector<16xf32>,
          %parallel_loop3A_335 = vector.bitcast %parallel_loop3A_329 : vector<16xf32> to vector<32xbf16>
          %parallel_loop3A_336 = vector.bitcast %parallel_loop3A_334 : vector<16xf32> to vector<32xbf16>
          %parallel_loop3A_337 = arith.mulf %parallel_loop3A_335, %parallel_loop3A_336 : vector<32xbf16>
          %parallel_loop3A_338 = arith.addf %parallel_loop3A_286, %parallel_loop3A_302 : vector<32xbf16>
          %parallel_loop3A_339 = tpu.unpack_subelements %parallel_loop3A_338, 0 {pack_format = #tpu.pack_format<interleaved>} : vector<32xbf16> -> vector<16xf32>
          %parallel_loop3A_340 = tpu.unpack_subelements %parallel_loop3A_338, 1 {pack_format = #tpu.pack_format<interleaved>} : vector<32xbf16> -> vector<16xf32>
          %parallel_loop3A_341 = arith.addf %parallel_loop3A_268, %parallel_loop3A_339 : vector<16xf32>
          %parallel_loop3A_342 = arith.addf %parallel_loop3A_269, %parallel_loop3A_340 : vector<16xf32>
          %parallel_loop3A_343 = arith.addf %parallel_loop3A_318, %parallel_loop3A_337 : vector<32xbf16>
          %parallel_loop3A_344 = tpu.unpack_subelements %parallel_loop3A_343, 0 {pack_format = #tpu.pack_format<interleaved>} : vector<32xbf16> -> vector<16xf32>
          %parallel_loop3A_345 = tpu.unpack_subelements %parallel_loop3A_343, 1 {pack_format = #tpu.pack_format<interleaved>} : vector<32xbf16> -> vector<16xf32>
          %parallel_loop3A_346 = arith.addf %parallel_loop3A_270, %parallel_loop3A_344 : vector<16xf32>
          %parallel_loop3A_347 = arith.addf %parallel_loop3A_271, %parallel_loop3A_345 : vector<16xf32>
          scf.yield %parallel_loop3A_341, %parallel_loop3A_342, %parallel_loop3A_346, %parallel_loop3A_347 : vector<16xf32>, vector<16xf32>, vector<16xf32>, vector<16xf32>
        } {sc.loop_unroll_factor = 8 : i64, sc.parallel_access}
        %add3A_241 = arith.addf %parallel_loop3A_240#0, %parallel_loop3A_240#1 : vector<16xf32>
        %add3A_242 = arith.addf %parallel_loop3A_240#2, %parallel_loop3A_240#3 : vector<16xf32>
        %add3A_243 = arith.addf %add3A_241, %add3A_242 : vector<16xf32>
        %neg3A_244 = arith.constant 0.000000e+00 : f32
        %neg3A_245 = vector.broadcast %neg3A_244 : f32 to vector<16xf32>
        %neg3A_246 = arith.subf %neg3A_245, %add3A_243 : vector<16xf32>
        %exp3A_247 = math.exp %neg3A_246 : vector<16xf32>
        %add3A_248 = arith.constant 1.000000e+00 : f32
        %add3A_249 = vector.broadcast %add3A_248 : f32 to vector<16xf32>
        %add3A_250 = arith.addf %add3A_249, %exp3A_247 : vector<16xf32>
        %div3A_251 = arith.constant 1.000000e+00 : f32
        %div3A_252 = vector.broadcast %div3A_251 : f32 to vector<16xf32>
        %div3A_253 = arith.divf %div3A_252, %add3A_250 : vector<16xf32>
        %mul3A_254 = arith.constant 80 : i32
        %mul3A_255 = arith.muli %add3A_89, %mul3A_254 : i32
        %add3A_256 = arith.constant 64 : i32
        %add3A_257 = arith.addi %mul3A_255, %add3A_256 : i32
        %swap3A_258 = arith.index_cast %add3A_257 : i32 to index
        %swap3A_259 = tpu.vector_load %arg10[%swap3A_258] {strides = array<i32>} : memref<10000xf32, #tpu.memory_space<vmem>>, vector<16xf32>,
        tpu.vector_store %arg10[%swap3A_258], %div3A_253 {strides = array<i32>} : memref<10000xf32, #tpu.memory_space<vmem>>, vector<16xf32>,
        %add3A_260 = arith.constant 3 : i32
        %add3A_261 = arith.addi %add3A_89, %add3A_260 : i32
        %lt3A_262 = arith.constant 125 : i32
        %lt3A_263 = arith.cmpi slt, %add3A_261, %lt3A_262 : i32
        %convert_element_type3A_264 = arith.extui %lt3A_263 : i1 to i32
        %cond3A_265 = arith.constant 0 : i32
        %cond3A_266 = arith.cmpi ne, %convert_element_type3A_264, %cond3A_265 : i32
        scf.if %cond3A_266 {
          %add3A_267 = arith.constant 3 : i32
          %add3A_268 = arith.addi %add3A_89, %add3A_267 : i32
          %mul3A_269 = arith.constant 80 : i32
          %mul3A_270 = arith.muli %add3A_268, %mul3A_269 : i32
          %mul3A_271 = arith.constant 80 : i32
          %mul3A_272 = arith.muli %add3A_268, %mul3A_271 : i32
          %dma_start3A_273 = arith.constant 2 : i32
          %dma_start3A_274 = arith.constant 0 : i32
          %dma_start3A_275 = arith.constant 0 : i32
          %dma_start3A_276 = tpu.memref_slice %arg8[%dma_start3A_273, %dma_start3A_274, %dma_start3A_275] : memref<3x80x64xf32, #tpu.memory_space<vmem>> -> memref<1x80x64xf32, #tpu.memory_space<vmem>>
          %dma_start3A_277 = tpu.memref_squeeze %dma_start3A_276 : memref<1x80x64xf32, #tpu.memory_space<vmem>> -> memref<80x64xf32, #tpu.memory_space<vmem>>
          %dma_start3A_278 = tpu.memref_slice %arg6[%mul3A_270] : memref<10000xi32, #tpu.memory_space<vmem>> -> memref<80xi32, #tpu.memory_space<vmem>>
          %dma_start3A_279 = arith.constant 0 : i32
          %dma_start3A_280 = arith.constant 0 : i32
          %dma_start3A_281 = tpu.memref_slice %arg11[%dma_start3A_279, %dma_start3A_280] : memref<10000x64xf32, #tpu.memory_space<vmem_shared>> -> memref<10000x64xf32, #tpu.memory_space<vmem_shared>>
          tpu.enqueue_indirect_dma source(%dma_start3A_281 : memref<10000x64xf32, #tpu.memory_space<vmem_shared>>) target(%dma_start3A_277 : memref<80x64xf32, #tpu.memory_space<vmem>>) offsets(%dma_start3A_278 : memref<80xi32, #tpu.memory_space<vmem>>) semaphore(%arg16 : memref<!tpu.dma_semaphore, #tpu.memory_space<semaphore_mem>>)
          %dma_start3A_282 = arith.constant 2 : i32
          %dma_start3A_283 = arith.constant 0 : i32
          %dma_start3A_284 = arith.constant 0 : i32
          %dma_start3A_285 = tpu.memref_slice %arg9[%dma_start3A_282, %dma_start3A_283, %dma_start3A_284] : memref<3x80x64xf32, #tpu.memory_space<vmem>> -> memref<1x80x64xf32, #tpu.memory_space<vmem>>
          %dma_start3A_286 = tpu.memref_squeeze %dma_start3A_285 : memref<1x80x64xf32, #tpu.memory_space<vmem>> -> memref<80x64xf32, #tpu.memory_space<vmem>>
          %dma_start3A_287 = tpu.memref_slice %arg7[%mul3A_272] : memref<10000xi32, #tpu.memory_space<vmem>> -> memref<80xi32, #tpu.memory_space<vmem>>
          %dma_start3A_288 = arith.constant 0 : i32
          %dma_start3A_289 = arith.constant 0 : i32
          %dma_start3A_290 = tpu.memref_slice %arg11[%dma_start3A_288, %dma_start3A_289] : memref<10000x64xf32, #tpu.memory_space<vmem_shared>> -> memref<10000x64xf32, #tpu.memory_space<vmem_shared>>
          tpu.enqueue_indirect_dma source(%dma_start3A_290 : memref<10000x64xf32, #tpu.memory_space<vmem_shared>>) target(%dma_start3A_286 : memref<80x64xf32, #tpu.memory_space<vmem>>) offsets(%dma_start3A_287 : memref<80xi32, #tpu.memory_space<vmem>>) semaphore(%arg17 : memref<!tpu.dma_semaphore, #tpu.memory_space<semaphore_mem>>)
        } else {
        }
      } else {
      }
    }
    %scan3A_69 = arith.constant 42 : i32
    "tpu.region"() ({
      %run_scoped3A = tpu.sem_alloc : memref<!tpu.dma_semaphore, #tpu.memory_space<semaphore_mem>>
      %dma_start3A_70 = tpu.memref_slice %arg5[%mul3A_2] : memref<320000xf32, #tpu.memory_space<hbm>> -> memref<10000xf32, #tpu.memory_space<hbm>>
      %dma_start3A_71 = tpu.memref_slice %arg5[%mul3A_2] : memref<320000xf32, #tpu.memory_space<hbm>> -> memref<10000xf32, #tpu.memory_space<hbm>>
      tpu.enqueue_dma source(%arg10 : memref<10000xf32, #tpu.memory_space<vmem>>) target(%dma_start3A_71 : memref<10000xf32, #tpu.memory_space<hbm>>) target_semaphore(%run_scoped3A : memref<!tpu.dma_semaphore, #tpu.memory_space<semaphore_mem>>)
      %dma_wait3A = tpu.memref_slice %arg5[%mul3A_2] : memref<320000xf32, #tpu.memory_space<hbm>> -> memref<10000xf32, #tpu.memory_space<hbm>>
      %dma_wait3A_72 = tpu.memref_slice %arg5[%mul3A_2] : memref<320000xf32, #tpu.memory_space<hbm>> -> memref<10000xf32, #tpu.memory_space<hbm>>
      tpu.wait_dma2 semaphore(%run_scoped3A : memref<!tpu.dma_semaphore, #tpu.memory_space<semaphore_mem>>) src(%arg10 : memref<10000xf32, #tpu.memory_space<vmem>>) dst(%dma_wait3A_72 : memref<10000xf32, #tpu.memory_space<hbm>>)
      tpu.yield
    }) : () -> ()
    return
  }
}

</mosaic_0001>

<sc_bundles>
// kernel: _decode.3.cloned.1.call-start
scs
__scs_entry_jumppad:
0x0: {  	(pc) =	sbr.rel $0x88, $3  }
0x1: {  	(tag) =	ssettag $0x0;
	lr =	simm.s32 $0x1  }
0x2: {  	[smem:$0x3F9E] =	sst lr;
	_ =	strace $0xD0000000  }
0x3: {  	_ = 	snop  }
0x4: {  	_ = 	snop  }
0x5: {  	_ = 	snop  }
0x6: {  	_ = 	snop  }
0x7: {  	_ = 	snop  }
__scs_overlays_trampoline_lowered:
0x8: {  	[smem:$0x3FAD] =	sst s0  }
0x9: {  	[smem:$0x3FAE] =	sst s1  }
0xa: {  	[smem:$0x3FAF] =	sst s2  }
0xb: {  	[smem:$0x3FB0] =	sst s3  }
0xc: {  	[smem:$0x3FB1] =	sst s4  }
0xd: {  	[smem:$0x3FB2] =	sst s5  }
0xe: {  	[smem:$0x3FB3] =	sst s6  }
0xf: {  	[smem:$0x3FB4] =	sst s7  }
0x10: {  	[smem:$0x3FB5] =	sst s8  }
0x11: {  	[smem:$0x3FB6] =	sst s9;
	s0 =	simm.s32 @!p0 $0x0  }
0x12: {  	s1 =	sld [smem:$0x3F9C];
	s0 =	simm.s32 @p0 $0x1  }
0x13: {  	[smem:$0x3FB7] =	sst s0;
	s0 =	simm.s32 @!p1 $0x0  }
0x14: {  	s2 =	sld [smem:$0x3F9B];
	s0 =	simm.s32 @p1 $0x1  }
0x15: {  	[smem:$0x3FB8] =	sst s0;
	s0 =	simm.s32 @!p2 $0x0  }
0x16: {  	s3 =	sld [smem:$0x3FDB];
	s0 =	simm.s32 @p2 $0x1  }
0x17: {  	s4 =	simm.s32 $0x1BF5;
	[smem:$0x3FBA] =	sst s0  }
0x18: {  	s0 =	sld [smem:$0x3F9D];
	_ =	swait.ge [sflag:s4], $0x0  }
0x19: {  	s7 =	sld [smem:$0x3F9E]  }
0x1a: {  	s8 =	sadd.s32 $0xFFFFE003, lr  }
0x1b: {  	s9 =	sadd.s32 $0xFFFFFEF7, lr;
	s5 =	simm.s32 $0xFFFFFFFF;
	p2 =	slt.u32 s8, $0xFFFFF086  }
0x1c: {  	p1 =	slt.u32 s9, $0xF7A;
	s5 =	simm.s32 @!p2 $0x0  }
0x1d: {  	s5 =	simm.s32 @p1 $0x1;
	p0 =	seq.s32 s7, s2  }
0x1e: {  	s7 =	smul.u32 @!p0 $0xF7A, s2;
	p2 =	seq.s32 @!p0 s5, $0x0  }
0x1f: {  	s9 =	smul.u32 $0xF7A, s1;
	s8 =	simm.s32 @!p0 $0x1BF5;
	p2 =	por !p2, p0  }
0x20: {  	[sflag:s8] =	ssyncset.s32 @!p0 $0xFFFFF086;
	s6 =	sadd.s32 @!p0 s3, s7;
	s7 =	simm.s32 @!p0 $0x108  }
0x21: {  	s3 =	sadd.s32 s3, s9;
	s6 =	sadd.s32 @!p0 $0x88, s6;
	s7 =	simm.s32 @p2 $0x1082  }
0x22: {  	[simem:s7], [sflag:s8] =	dma.local @!p0 [hbm:s6], $0xF7A  }
0x23: {  	s9 =	sor.u32 $0xD0000000, s2;
	s6 =	simm.s32 $0x108;
	_ =	swait.ge @!p0 [sflag:s8], $0x0  }
0x24: {  	s3 =	sadd.s32 $0x88, s3;
	s6 =	simm.s32 @!p1 $0x1082;
	[sflag:s4] =	ssyncset.s32 $0xFFFFF086  }
0x25: {  	[simem:s6], [sflag:s4] =	dma.local [hbm:s3], $0xF7A  }
0x26: {  	[smem:$0x3F9E] =	sst s1;
	(tag) =	ssettag s2;
	_ =	strace s9  }
0x27: {  	s1 =	sld [smem:$0x3FAE]  }
0x28: {  	s2 =	sld [smem:$0x3FAF]  }
0x29: {  	s4 =	sld [smem:$0x3FB1]  }
0x2a: {  	p0 =	seq.s32 s5, $0x0;
	s5 =	sld [smem:$0x3FB2]  }
0x2b: {  	s6 =	sld [smem:$0x3FB3]  }
0x2c: {  	s7 =	sld [smem:$0x3FB4]  }
0x2d: {  	s3 =	simm.s32 $0x108;
	s8 =	sld [smem:$0x3FB5]  }
0x2e: {  	s3 =	simm.s32 @!p0 $0x1082;
	s9 =	sld [smem:$0x3FB6]  }
0x2f: {  	lr =	sadd.s32 s0, s3;
	s0 =	sld [smem:$0x3FAD]  }
0x30: {  	s3 =	sld [smem:$0x3FB0]  }
0x31: {  	[smem:$0x3FB9] =	sst s10  }
0x32: {  	s10 =	sld [smem:$0x3FB7];
	_ =	sdelay $0x3  }
0x33: {  	p0 =	seq.s32 s10, $0x1;
	s10 =	sld [smem:$0x3FB9];
	_ =	sdelay $0x3  }
0x34: {  	[smem:$0x3FB9] =	sst s10  }
0x35: {  	s10 =	sld [smem:$0x3FB8];
	_ =	sdelay $0x3  }
0x36: {  	p1 =	seq.s32 s10, $0x1;
	s10 =	sld [smem:$0x3FB9];
	_ =	sdelay $0x3  }
0x37: {  	[smem:$0x3FB9] =	sst s10  }
0x38: {  	s10 =	sld [smem:$0x3FBA]  }
0x39: {  	_ = 	snop;
	(pc) =	sbr.ind lr, $3  }
0x3a: {  	_ = 	snop  }
0x3b: {  	_ = 	snop  }
0x3c: {  	p2 =	seq.s32 s10, $0x1;
	s10 =	sld [smem:$0x3FB9]  }
0x3d: {  	_ =	shalt  }
0x3e: {  	_ =	shalt  }
0x3f: {  	_ =	shalt  }
0x40: {  	_ =	shalt  }
0x41: {  	_ =	shalt  }
0x42: {  	_ =	shalt  }
0x43: {  	_ =	shalt  }
0x44: {  	_ =	shalt  }
0x45: {  	_ =	shalt  }
0x46: {  	_ =	shalt  }
0x47: {  	_ =	shalt  }
0x48: {  	_ =	shalt  }
0x49: {  	_ =	shalt  }
0x4a: {  	_ =	shalt  }
0x4b: {  	_ =	shalt  }
0x4c: {  	_ =	shalt  }
0x4d: {  	_ =	shalt  }
0x4e: {  	_ =	shalt  }
0x4f: {  	_ =	shalt  }
0x50: {  	_ =	shalt  }
0x51: {  	_ =	shalt  }
0x52: {  	_ =	shalt  }
0x53: {  	_ =	shalt  }
0x54: {  	_ =	shalt  }
0x55: {  	_ =	shalt  }
0x56: {  	_ =	shalt  }
0x57: {  	_ =	shalt  }
0x58: {  	_ =	shalt  }
0x59: {  	_ =	shalt  }
0x5a: {  	_ =	shalt  }
0x5b: {  	_ =	shalt  }
0x5c: {  	_ =	shalt  }
0x5d: {  	_ =	shalt  }
0x5e: {  	_ =	shalt  }
0x5f: {  	_ =	shalt  }
0x60: {  	_ =	shalt  }
0x61: {  	_ =	shalt  }
0x62: {  	_ =	shalt  }
0x63: {  	_ =	shalt  }
0x64: {  	_ =	shalt  }
0x65: {  	_ =	shalt  }
0x66: {  	_ =	shalt  }
0x67: {  	_ =	shalt  }
0x68: {  	_ =	shalt  }
0x69: {  	_ =	shalt  }
0x6a: {  	_ =	shalt  }
0x6b: {  	_ =	shalt  }
0x6c: {  	_ =	shalt  }
0x6d: {  	_ =	shalt  }
0x6e: {  	_ =	shalt  }
0x6f: {  	_ =	shalt  }
0x70: {  	_ =	shalt  }
0x71: {  	_ =	shalt  }
0x72: {  	_ =	shalt  }
0x73: {  	_ =	shalt  }
0x74: {  	_ =	shalt  }
0x75: {  	_ =	shalt  }
0x76: {  	_ =	shalt  }
0x77: {  	_ =	shalt  }
0x78: {  	_ =	shalt  }
0x79: {  	_ =	shalt  }
0x7a: {  	_ =	shalt  }
0x7b: {  	_ =	shalt  }
0x7c: {  	_ =	shalt  }
0x7d: {  	_ =	shalt  }
0x7e: {  	_ =	shalt  }
0x7f: {  	_ =	shalt  }
0x80: {  	_ =	shalt  }
0x81: {  	_ =	shalt  }
0x82: {  	_ =	shalt  }
0x83: {  	_ =	shalt  }
0x84: {  	_ =	shalt  }
0x85: {  	_ =	shalt  }
0x86: {  	_ =	shalt  }
0x87: {  	_ =	shalt  }
.Lfunc_end0:
.L_simem_size_0:
called_computation_lowered:
.L_overlay_start_0:
0x88: {  	s2 =	sld [smem:$0x3FD9]  }
0x89: {  	s3 =	sld [smem:$0x3FFE];
	_ =	sdelay $0x1  }
0x8a: {  	s1 =	srdreg.scid  }
0x8b: {  	s0 =	sand.u32 $0x1, s1  }
0x8c: {  	s17 =	sshll.u32 s0, $0xA;
	s2 =	sadd.s32 s3, s2  }
0x8d: {  	s2 =	sadd.s32 s2, s17  }
0x8e: {  	[smem:$0x3FC5] =	sst s2  }
0x8f: {  	_ = 	snop  }
0x90: {  	s2 =	sld [smem:$0x3FC8]  }
0x91: {  	s18 =	sld [smem:$0x3FC7]  }
0x92: {  	s4 =	sld [smem:$0x3FD0];
	(tm) =	ssettm $0x1  }
0x93: {  	s5 =	sld [smem:$0x3FFB];
	_ =	sdelay $0x3  }
0x94: {  	_ =	strace s5  }
0x95: {  	s5 =	sld [smem:$0x3FFC];
	_ =	sdelay $0x3  }
0x96: {  	_ =	strace s5  }
0x97: {  	s5 =	sld [smem:$0x3FFD];
	_ =	sdelay $0x3  }
0x98: {  	_ =	strace s5  }
0x99: {  	_ =	strace $0x8FFFFFFF  }
0x9a: {  	s19 =	sld [smem:$0x3FDB];
	_ =	sdelay $0x1  }
0x9b: {  	s6 =	simm.s32 $_scs_section_size  }
0x9c: {  	s7 =	simm.s32 $_size__tile_overlayer_lowered;
	s8 =	simm.s32 $_tile_overlayer_lowered  }
0x9d: {  	s22 =	simm.s32 $0x1BFF;
	s21 =	sshll.u32 s8, $0x1;
	s5 =	sadd.s32 s6, s19  }
0x9e: {  	s9 =	simm.s32 $0x0;
	s20 =	sshll.u32 s7, $0x1;
	s7 =	sadd.s32 s21, s5  }
0x9f: {  	[timem:s9], [sflag:s22] =	dma.local [hbm:s7], s20  }
0xa0: {  	_ =	swait.ge [sflag:s22], s20  }
0xa1: {  	s6 =	ssub.s32 $0x0, s20;
	[sflag:s22] =	ssyncset.done $0x0  }
0xa2: {  	[sflag:s22] =	ssyncadd.s32 s6;
	_ =	sdelay $0x1  }
0xa3: {  	s23 =	simm.s32 $0x1B8B  }
0xa4: {  	_ =	swait.ge [sflag:s23], $0x1  }
0xa5: {  	[sflag:s23] =	ssyncset.done $0x0  }
0xa6: {  	s25 =	simm.s32 $0x1B8E;
	s24 =	sld [smem:$0x3FFE];
	[sflag:s23] =	ssyncadd.s32 $0xFFFFFFFF  }
0xa7: {  	s26 =	simm.s32 $execute0_lowered;
	[smem:$0x3FD2] =	sst s25  }
0xa8: {  	s7 =	sshll.u32 s26, $0x1;
	_ =	strace $0x80000046;
	[dreg:$0x1] =	wrdreg $0xFFFFFFFF  }
0xa9: {  	s28 =	simm.s32 $_size_execute0_lowered;
	s5 =	sadd.s32 s5, s7;
	[dreg:$0x0] =	wrdreg $0x0  }
0xaa: {  	s7 =	sshll.u32 s28, $0x1;
	[dreg:$0x2] =	wrdreg s5  }
0xab: {  	[dreg:$0x3] =	wrdreg s7  }
0xac: {  	[dreg:$0x4] =	wrdreg $0xC0  }
0xad: {  	_ =	task [dreg:s9], $0x5FFFF  }
0xae: {  	[dreg:$0x1] =	wrdreg $0xFFFFFFFF  }
0xaf: {  	[dreg:$0x0] =	wrdreg $0x60  }
0xb0: {  	[dreg:$0x2] =	wrdreg s24  }
0xb1: {  	[dreg:$0x3] =	wrdreg s2  }
0xb2: {  	[dreg:$0x4] =	wrdreg s18  }
0xb3: {  	[dreg:$0x5] =	wrdreg s4  }
0xb4: {  	[dreg:$0x6] =	wrdreg $0xED300  }
0xb5: {  	[dreg:$0x7] =	wrdreg $0x9  }
0xb6: {  	_ =	task.clear_ibuf [dreg:s9], $0x8FFFF;
	_ =	strace $0x90000046  }
0xb7: {  	s29 =	simm.s32 $0x9;
	_ =	strace $0x80000048  }
0xb8: {  	_ =	swait.ge [sflag:s29], $0x1  }
0xb9: {  	[sflag:s29] =	ssyncadd.s32 $0xFFFFFFFF  }
0xba: {  	_ =	strace $0x90000048  }
0xbb: {  	_ =	sfence  }
0xbc: {  	s30 =	sld [smem:$0x0];
	_ =	sdelay $0x2  }
0xbd: {  	s31 =	sshll.u32 s1, $0xD;
	s1 =	sshrl.u32 s1, $0x2  }
0xbe: {  	s3 =	sand.u32 $0x4000, s31;
	s1 =	sadd.s32 s1, s30  }
0xbf: {  	s0 =	sor.u32 s3, s0;
	s1 =	sshll.u32 s1, $0x11  }
0xc0: {  	s0 =	sor.u32 s1, s0  }
0xc1: {  	s0 =	sadd.s32 $0x8F2B, s0  }
0xc2: {  	[sflag:s0] =	ssyncadd.remote.s32 $0x1  }
0xc3: {  	_ =	sfence.sel $0xFFFF  }
0xc4: {  	[dreg:$0x0] =	wrdreg $0xFFFFFFFF;
	(pc) =	sbr.abs _section_cstart, $3  }
0xc5: {  	[dreg:$0x1] =	wrdreg $0xFFFFFFFF  }
0xc6: {  	_ =	task.clear_ibuf [dreg:s9], $0x2FFFF;
	_ =	strace $0x9FFFFFFF  }
0xc7: {  	(tm) =	ssettm $0x7FFFFFFF  }
tec
execute0_lowered:
.L_overlay_start_1:
0x0: {  	(tag) =	ssettag $0x1  }
0x1: {  	v0 =	vimm.s32 $0xC3824100;
	vm0 =	vcmask $0xF00;
	vm10 =	vcmask $0x1310  }
0x2: {  	vm9 =	vcmask $0x1714;
	v2 =	vimm.s32 $0x7C7;
	vm14 =	vcmask $0x300  }
0x3: {  	vm7 =	vcmask $0x1B18;
	vm13 =	vcmask $0x704;
	vm12 =	vcmask $0xB08  }
0x4: {  	vm8 =	vcmask $0x1F1C;
	vm11 =	vcmask $0xF0C;
	vm6 =	vcmask $0x2320  }
0x5: {  	vm5 =	vcmask $0x2724;
	vm4 =	vcmask $0x2B28;
	vm3 =	vcmask $0x2F2C  }
0x6: {  	vm1 =	vcmask $0x3330;
	vm2 =	vcmask $0x3734;
	vm15 =	vcmask $0x3B38  }
0x7: {  	v12 =	vimm.s32 $0xBC7;
	v13 =	vimm.s32 $0xFC7;
	v14 =	vimm.s32 $0x13C7  }
0x8: {  	v0 =	vunpack.c.0.s8.s32 v0;
	v2 =	vsel vm14, $0x400, v2;
	v12 =	vsel vm14, $0x800, v12  }
0x9: {  	v13 =	vsel vm14, $0xC00, v13;
	v14 =	vsel vm14, $0x1000, v14;
	v2 =	vsel vm13, $0x441, v2  }
0xa: {  	v12 =	vsel vm13, $0x841, v12;
	v13 =	vsel vm13, $0xC41, v13;
	v14 =	vsel vm13, $0x1041, v14  }
0xb: {  	v0 =	vand.u32 $0xFF, v0;
	v2 =	vsel vm12, $0x482, v2;
	v12 =	vsel vm12, $0x882, v12  }
0xc: {  	v13 =	vsel vm12, $0xC82, v13;
	v14 =	vsel vm12, $0x1082, v14;
	v1 =	vnsel vm0, $0x3C7, v0  }
0xd: {  	v0 =	vlaneseq.u32;
	v2 =	vsel vm11, $0x4C3, v2;
	v12 =	vsel vm11, $0x8C3, v12  }
0xe: {  	v13 =	vsel vm11, $0xCC3, v13;
	v14 =	vsel vm11, $0x10C3, v14;
	v1 =	vsel vm10, $0x104, v1  }
0xf: {  	v2 =	vsel vm10, $0x504, v2;
	v4 =	vor.u32 $0x20, v0;
	v8 =	vmul.u32 $0x40, v0  }
0x10: {  	v12 =	vsel vm10, $0x904, v12;
	v13 =	vsel vm10, $0xD04, v13;
	v14 =	vsel vm10, $0x1104, v14  }
0x11: {  	s0 =	rddreg [dreg:$0x0];
	v1 =	vsel vm9, $0x145, v1;
	v2 =	vsel vm9, $0x545, v2;
	v12 =	vsel vm9, $0x945, v12  }
0x12: {  	s3 =	rddreg [dreg:$0x1];
	v13 =	vsel vm9, $0xD45, v13;
	v14 =	vsel vm9, $0x1145, v14;
	v1 =	vsel vm7, $0x186, v1  }
0x13: {  	s7 =	rddreg [dreg:$0x2];
	v2 =	vsel vm7, $0x586, v2;
	v12 =	vsel vm7, $0x986, v12;
	v13 =	vsel vm7, $0xD86, v13  }
0x14: {  	s8 =	rddreg [dreg:$0x3];
	v14 =	vsel vm7, $0x1186, v14;
	v1 =	vsel vm8, $0x1C7, v1;
	v2 =	vsel vm8, $0x5C7, v2  }
0x15: {  	s1 =	rddreg [dreg:$0x4];
	v12 =	vsel vm8, $0x9C7, v12;
	v13 =	vsel vm8, $0xDC7, v13;
	v14 =	vsel vm8, $0x11C7, v14  }
0x16: {  	s2 =	simm.s32 $0x0;
	s12 =	stileid.u32;
	s5 =	srdreg.scid;
	v1 =	vsel vm6, $0x200, v1;
	v2 =	vsel vm6, $0x600, v2;
	v12 =	vsel vm6, $0xA00, v12  }
0x17: {  	s13 =	simm.s32 $0x50;
	s14 =	simm.s32 $0x4E20;
	s15 =	simm.s32 $0x8A20;
	v13 =	vsel vm6, $0xE00, v13;
	v14 =	vsel vm6, $0x1200, v14;
	v1 =	vsel vm5, $0x241, v1  }
0x18: {  	s16 =	simm.s32 $0x6220;
	s18 =	simm.s32 $0x9E20;
	s20 =	simm.s32 $0x7620;
	v3 =	vsel vm5, $0x641, v2;
	v2 =	vmul.u32 $0x41, v0;
	v12 =	vsel vm5, $0xA41, v12  }
0x19: {  	s22 =	simm.s32 $0xB220;
	s23 =	simm.s32 $0x1;
	s28 =	simm.s32 $0xC620;
	v13 =	vsel vm5, $0xE41, v13;
	v14 =	vsel vm5, $0x1241, v14;
	v1 =	vsel vm4, $0x282, v1  }
0x1a: {  	s29 =	simm.s32 $0x5;
	s30 =	simm.s32 $0x6;
	s31 =	simm.s32 $0x0;
	v5 =	vsel vm4, $0x682, v3;
	v3 =	vor.u32 $0x10, v0;
	v12 =	vsel vm4, $0xA82, v12  }
0x1b: {  	[smem:$0x7FF] =	sst s2;
	s4 =	smul.u32 $0x9C40, s12;
	s5 =	sand.u32 $0x1, s5;
	v13 =	vsel vm4, $0xE82, v13;
	v14 =	vsel vm4, $0x1282, v14;
	v1 =	vsel vm3, $0x2C3, v1  }
0x1c: {  	s6 =	sshll.u32 s12, $0x1;
	s26 =	sshll.u32 s12, $0x6;
	s12 =	simm.s32 $0x2710;
	v7 =	vsel vm3, $0x6C3, v5;
	v5 =	vor.u32 $0x30, v0;
	v6 =	vadd.s32 $0x10, v2  }
0x1d: {  	_ =	strace $0x80000047;
	s10 =	ssub.s32 $0x2, s5;
	s5 =	sor.u32 s5, s6;
	v10 =	vor.u32 $0x400, v2;
	v11 =	vadd.s32 $0x410, v2;
	v12 =	vsel vm3, $0xAC3, v12  }
0x1e: {  	s9 =	sshrl.u32 s4, $0x3;
	s24 =	sshrl.u32 s10, $0x1;
	s25 =	smul.u32 $0x4E2, s5;
	v13 =	vsel vm3, $0xEC3, v13;
	v14 =	vsel vm3, $0x12C3, v14;
	v1 =	vsel vm1, $0x304, v1  }
.Ltmp0:
0x1f: {  	s11 =	sadd.s32 s4, s1;
	s5 =	sor.u32 $0x1C07, s26;
	v9 =	vsel vm1, $0x704, v7;
	v7 =	vadd.s32 $0x20, v2;
	v12 =	vsel vm1, $0xB04, v12;
	(pc) =	sbr.rel .LBB2_1-.Ltmp0, $4  }
0x20: {  	s26 =	simm.s32 $0x4;
	s0 =	sadd.s32 s9, s0;
	s10 =	ssub.s32 s10, s24;
	v13 =	vsel vm1, $0xF04, v13;
	v14 =	vsel vm1, $0x1304, v14;
	v1 =	vsel vm2, $0x345, v1  }
0x21: {  	s24 =	simm.s32 $0x2;
	s4 =	sadd.s32 $0x400, s0;
	s6 =	sadd.s32 s3, s25;
	v9 =	vsel vm2, $0x745, v9;
	v12 =	vsel vm2, $0xB45, v12;
	v13 =	vsel vm2, $0xF45, v13  }
0x22: {  	s7 =	sadd.s32 s7, s25;
	s8 =	sadd.s32 s8, s25;
	s9 =	smax.u32 s10, $0x1;
	v14 =	vsel vm2, $0x1345, v14;
	v1 =	vsel vm15, $0x386, v1;
	v9 =	vsel vm15, $0x786, v9  }
0x23: {  	s10 =	sshrl.u32 s11, $0x3;
	s11 =	simm.s32 $0x7;
	s25 =	simm.s32 $0x3;
	v12 =	vsel vm15, $0xB86, v12;
	v13 =	vsel vm15, $0xF86, v13;
	v14 =	vsel vm15, $0x1386, v14  }
.LBB2_34:
0x24: {  	s31 =	sadd.s32 $0x1, s31  }
0x25: {  	p0 =	sne.s32 s31, s9  }
.Ltmp1:
0x26: {  	_ = 	snop;
	(pc) =	sbr.rel @!p0 .LBB2_35-.Ltmp1, $4  }
0x27: {  	[hbm4b:s8+s2] =	stream.linear.scatter [tilespmem:s28], [sflag:$0x7], $0x2710, $0x38;
	[tilespmem:$0x18970] =	vst v63  }
0x28: {  	_ =	swait.ge [sflag:s11], $0x2710  }
0x29: {  	[sflag:s11] =	ssyncset.done $0x0  }
0x2a: {  	[sflag:s11] =	ssyncadd.s32 $0xFFFFD8F0  }
.LBB2_1:
0x2b: {  	[spmem:s10], [sflag:s5] =	dma.local [hbm:s4], $0x1388  }
0x2c: {  	_ =	swait.ge [sflag:s11], $0x1388  }
0x2d: {  	[sflag:s11] =	ssyncset.done $0x0  }
0x2e: {  	[sflag:s11] =	ssyncadd.s32 $0xFFFFEC78  }
0x2f: {  	[tilespmem:s2], [sflag:$0x7] =	stream.linear.gather [hbm4b:s6+s2], $0x2710, $0x38;
	[tilespmem:$0x18970] =	vst v63  }
0x30: {  	_ =	swait.ge [sflag:s11], $0x2710  }
0x31: {  	[sflag:s11] =	ssyncset.done $0x0  }
0x32: {  	[sflag:s11] =	ssyncadd.s32 $0xFFFFD8F0  }
0x33: {  	[tilespmem:s12], [sflag:$0x7] =	stream.linear.gather [hbm4b:s7+s2], $0x2710, $0x38;
	[tilespmem:$0x18970] =	vst v63  }
0x34: {  	_ =	swait.ge [sflag:s11], $0x2710  }
0x35: {  	[sflag:s11] =	ssyncset.done $0x0  }
0x36: {  	[sflag:s11] =	ssyncadd.s32 $0xFFFFD8F0  }
0x37: {  	[bflag:$0x0] =	sbarrier.arrive $0xFFFF  }
0x38: {  	[tilespmem:s14], [sflag:$0x1] =	stream.indirect.gather [spmem:s1], $0x40, s2, s13, $0xb8;
	[tilespmem:$0x18970] =	vst v63  }
0x39: {  	_ = 	snop  }
0x3a: {  	[tilespmem:s15], [sflag:$0x2] =	stream.indirect.gather [spmem:s1], $0x40, s12, s13, $0xb8;
	[tilespmem:$0x18970] =	vst v63  }
0x3b: {  	_ = 	snop  }
0x3c: {  	[tilespmem:s16], [sflag:$0x3] =	stream.indirect.gather [spmem:s1], $0x40, s13, s13, $0xb8;
	[tilespmem:$0x18970] =	vst v63  }
0x3d: {  	s0 =	simm.s32 $0x2760  }
0x3e: {  	[tilespmem:s18], [sflag:$0x4] =	stream.indirect.gather [spmem:s1], $0x40, s0, s13, $0xb8;
	[tilespmem:$0x18970] =	vst v63  }
0x3f: {  	s19 =	simm.s32 $0xA0  }
0x40: {  	[tilespmem:s20], [sflag:$0x5] =	stream.indirect.gather [spmem:s1], $0x40, s19, s13, $0xb8;
	[tilespmem:$0x18970] =	vst v63  }
0x41: {  	s21 =	simm.s32 $0x27B0;
	s0 =	simm.s32 $0x0  }
0x42: {  	[tilespmem:s22], [sflag:$0x6] =	stream.indirect.gather [spmem:s1], $0x40, s21, s13, $0xb8;
	[tilespmem:$0x18970] =	vst v63  }
.LBB2_2:
0x43: {  	_ =	swait.ge [sflag:s23], $0x1400  }
0x44: {  	[sflag:s23] =	ssyncset.done $0x0  }
0x45: {  	[sflag:s23] =	ssyncadd.s32 $0xFFFFEC00  }
0x46: {  	_ =	swait.ge [sflag:s24], $0x1400  }
0x47: {  	v15 =	vimm.f32 $0.0e+00;
	[sflag:s24] =	ssyncset.done $0x0  }
0x48: {  	s3 =	simm.s32 $0x0;
	p0 =	por $0x1, $0x1;
	v16 =	vimm.f32 $0.0e+00;
	v17 =	vimm.f32 $0.0e+00;
	v18 =	vimm.f32 $0.0e+00;
	[sflag:s24] =	ssyncadd.s32 $0xFFFFEC00  }
.LBB2_3:
0x49: {  	s17 =	sor.u32 $0x1, s3  }
0x4a: {  	v25 =	vadd.s32 s17, v2;
	_ =	sdelay $0x1  }
0x4b: {  	v27 =	vadd.s32 s17, v6;
	_ =	sdelay $0x1  }
0x4c: {  	v29 =	vadd.s32 s17, v7  }
0x4d: {  	s19 =	sor.u32 $0x2, s3;
	v31 =	vld.idx.msk [tilespmem:v25+s14+$0x0], $0xffff  }
0x4e: {  	v33 =	vadd.s32 s19, v2;
	v25 =	vld.idx.msk [tilespmem:v25+s15+$0x0], $0xffff  }
0x4f: {  	v32 =	vld.idx.msk [tilespmem:v27+s14+$0x0], $0xffff  }
0x50: {  	v35 =	vadd.s32 s19, v6;
	v27 =	vld.idx.msk [tilespmem:v27+s15+$0x0], $0xffff  }
0x51: {  	v34 =	vld.idx.msk [tilespmem:v29+s14+$0x0], $0xffff  }
0x52: {  	v37 =	vadd.s32 s19, v7;
	v29 =	vld.idx.msk [tilespmem:v29+s15+$0x0], $0xffff  }
0x53: {  	v19 =	vadd.s32 s3, v0;
	s21 =	sor.u32 $0x3, s3;
	v39 =	vld.idx.msk [tilespmem:v33+s14+$0x0], $0xffff  }
0x54: {  	v19 =	vand.u32 $0x18, v19;
	v41 =	vadd.s32 s21, v2;
	v33 =	vld.idx.msk [tilespmem:v33+s15+$0x0], $0xffff  }
0x55: {  	v20 =	vadd.s32 s3, v3;
	v19 =	vor.u32 v1, v19;
	v40 =	vld.idx.msk [tilespmem:v35+s14+$0x0], $0xffff  }
0x56: {  	v20 =	vand.u32 $0x38, v20;
	v35 =	vld.idx.msk [tilespmem:v35+s15+$0x0], $0xffff  }
0x57: {  	v21 =	vadd.s32 s3, v4;
	v20 =	vor.u32 v1, v20;
	v42 =	vld.idx.msk [tilespmem:v37+s14+$0x0], $0xffff  }
0x58: {  	v21 =	vand.u32 $0x38, v21;
	v37 =	vld.idx.msk [tilespmem:v37+s15+$0x0], $0xffff  }
0x59: {  	v22 =	vadd.s32 s3, v5;
	v21 =	vor.u32 v1, v21;
	v47 =	vld.idx.msk [tilespmem:v41+s14+$0x0], $0xffff  }
0x5a: {  	v22 =	vand.u32 $0x38, v22;
	v23 =	vld.idx.msk [tilespmem:v19+s14+$0x0], $0xffff  }
0x5b: {  	v30 =	vadd.s32 s17, v5;
	v22 =	vor.u32 v1, v22;
	v19 =	vld.idx.msk [tilespmem:v19+s15+$0x0], $0xffff  }
0x5c: {  	v30 =	vand.u32 $0x3F, v30;
	v24 =	vld.idx.msk [tilespmem:v20+s14+$0x0], $0xffff  }
0x5d: {  	v38 =	vadd.s32 s19, v5;
	v30 =	vor.u32 v8, v30;
	v20 =	vld.idx.msk [tilespmem:v20+s15+$0x0], $0xffff  }
0x5e: {  	v38 =	vand.u32 $0x3F, v38;
	v26 =	vld.idx.msk [tilespmem:v21+s14+$0x0], $0xffff  }
0x5f: {  	s19 =	sor.u32 $0x4, s3;
	v38 =	vor.u32 v8, v38;
	v21 =	vld.idx.msk [tilespmem:v21+s15+$0x0], $0xffff  }
0x60: {  	v48 =	vadd.s32 s19, v5;
	v28 =	vld.idx.msk [tilespmem:v22+s14+$0x0], $0xffff  }
0x61: {  	v58 =	vadd.s32 s19, v2;
	v48 =	vand.u32 $0x3F, v48;
	v22 =	vld.idx.msk [tilespmem:v22+s15+$0x0], $0xffff  }
0x62: {  	v48 =	vor.u32 v8, v48;
	v36 =	vld.idx.msk [tilespmem:v30+s14+$0x0], $0xffff  }
0x63: {  	v43 =	vadd.s32 s21, v6;
	v45 =	vadd.s32 s21, v7;
	v46 =	vadd.s32 s21, v5;
	s21 =	sor.u32 $0x5, s3;
	v30 =	vld.idx.msk [tilespmem:v30+s15+$0x0], $0xffff  }
0x64: {  	v63 =	vadd.s32 s21, v2;
	v44 =	vld.idx.msk [tilespmem:v38+s14+$0x0], $0xffff  }
0x65: {  	v54 =	vadd.s32 s21, v7;
	v38 =	vld.idx.msk [tilespmem:v38+s15+$0x0], $0xffff  }
0x66: {  	v46 =	vand.u32 $0x3F, v46;
	v25 =	vmul.bf16 v25, v31;
	v31 =	vld.idx.msk [tilespmem:v58+s14+$0x0], $0xffff  }
0x67: {  	v57 =	vor.u32 v8, v46;
	v46 =	vmul.bf16 v29, v34;
	v29 =	vld.idx.msk [tilespmem:v48+s14+$0x0], $0xffff  }
0x68: {  	v53 =	vmul.bf16 v35, v40;
	v35 =	vld.idx.msk [tilespmem:v48+s15+$0x0], $0xffff  }
0x69: {  	v27 =	vmul.bf16 v27, v32;
	v32 =	vld.idx.msk [tilespmem:v63+s15+$0x0], $0xffff  }
0x6a: {  	v34 =	vld.idx.msk [tilespmem:v54+s14+$0x0], $0xffff  }
0x6b: {  	v61 =	vadd.s32 s19, v7;
	v19 =	vmul.bf16 v19, v23;
	v23 =	vld.idx.msk [tilespmem:v41+s15+$0x0], $0xffff  }
0x6c: {  	v41 =	vld.idx.msk [tilespmem:v43+s14+$0x0], $0xffff  }
0x6d: {  	v21 =	vmul.bf16 v21, v26;
	v26 =	vld.idx.msk [tilespmem:v45+s14+$0x0], $0xffff  }
0x6e: {  	v45 =	vld.idx.msk [tilespmem:v45+s15+$0x0], $0xffff  }
0x6f: {  	v60 =	vadd.s32 s19, v6;
	v22 =	vmul.bf16 v22, v28;
	v28 =	vld.idx.msk [tilespmem:v57+s14+$0x0], $0xffff  }
0x70: {  	v51 =	vadd.s32 s21, v6;
	v55 =	vadd.s32 s21, v5;
	v20 =	vmul.bf16 v20, v24;
	v24 =	vld.idx.msk [tilespmem:v61+s15+$0x0], $0xffff  }
0x71: {  	s19 =	sor.u32 $0x6, s3;
	v52 =	vmul.bf16 v33, v39;
	v40 =	vand.u32 $0x3F, v55;
	v49 =	vmul.bf16 v30, v36;
	v30 =	vld.idx.msk [tilespmem:v61+s14+$0x0], $0xffff  }
0x72: {  	s21 =	sor.u32 $0x7, s3;
	v48 =	vadd.s32 s19, v6;
	v25 =	vadd.bf16 v27, v25;
	v19 =	vadd.bf16 v20, v19;
	v20 =	vld.idx.msk [tilespmem:v43+s15+$0x0], $0xffff  }
0x73: {  	v55 =	vadd.s32 s21, v2;
	v61 =	vadd.s32 s19, v2;
	v21 =	vadd.bf16 v22, v21;
	v22 =	vld.idx.msk [tilespmem:v57+s15+$0x0], $0xffff  }
0x74: {  	v43 =	vld.idx.msk [tilespmem:v58+s15+$0x0], $0xffff;
	v57 =	vor.u32 v8, v40;
	v58 =	vmul.bf16 v37, v42;
	v50 =	vunpack.i.u.bf16.f32 v25  }
0x75: {  	v27 =	vld.idx.msk [tilespmem:v60+s15+$0x0], $0xffff;
	v59 =	vunpack.i.l.bf16.f32 v19;
	v19 =	vunpack.i.u.bf16.f32 v19;
	v62 =	vunpack.i.l.bf16.f32 v21  }
0x76: {  	v36 =	vld.idx.msk [tilespmem:v51+s15+$0x0], $0xffff;
	v21 =	vunpack.i.u.bf16.f32 v21;
	v18 =	vadd.f32 v59, v18;
	v17 =	vadd.f32 v19, v17  }
0x77: {  	v25 =	vunpack.i.l.bf16.f32 v25;
	v16 =	vadd.f32 v62, v16;
	v19 =	vld.idx.msk [tilespmem:v60+s14+$0x0], $0xffff;
	v15 =	vadd.f32 v21, v15  }
0x78: {  	v21 =	vadd.bf16 v49, v46;
	v46 =	vld.idx.msk [tilespmem:v63+s14+$0x0], $0xffff;
	v59 =	vmul.bf16 v38, v44;
	v47 =	vmul.bf16 v23, v47  }
0x79: {  	v38 =	vld.idx.msk [tilespmem:v51+s14+$0x0], $0xffff;
	v26 =	vmul.bf16 v45, v26;
	v51 =	vadd.s32 s19, v7;
	v18 =	vadd.f32 v25, v18  }
0x7a: {  	v23 =	vld.idx.msk [tilespmem:v54+s15+$0x0], $0xffff;
	v17 =	vadd.f32 v50, v17;
	v56 =	vunpack.i.l.bf16.f32 v21;
	v25 =	vadd.bf16 v53, v52  }
0x7b: {  	v21 =	vunpack.i.u.bf16.f32 v21;
	v63 =	vadd.bf16 v59, v58;
	v20 =	vmul.bf16 v20, v41;
	v41 =	vld.idx.msk [tilespmem:v57+s14+$0x0], $0xffff  }
0x7c: {  	v22 =	vmul.bf16 v22, v28;
	v50 =	vld.idx.msk [tilespmem:v57+s15+$0x0], $0xffff;
	v52 =	vadd.s32 s19, v5;
	v31 =	vmul.bf16 v43, v31  }
0x7d: {  	v16 =	vadd.f32 v56, v16;
	v15 =	vadd.f32 v21, v15;
	v21 =	vld.idx.msk [tilespmem:v61+s14+$0x0], $0xffff;
	v42 =	vand.u32 $0x3F, v52  }
0x7e: {  	v56 =	vadd.s32 s21, v6;
	v60 =	vunpack.i.l.bf16.f32 v25;
	v22 =	vadd.bf16 v22, v26;
	v26 =	vld.idx.msk [tilespmem:v48+s14+$0x0], $0xffff  }
0x7f: {  	v62 =	vunpack.i.u.bf16.f32 v25;
	v25 =	vunpack.i.l.bf16.f32 v63;
	v20 =	vadd.bf16 v20, v47;
	v47 =	vld.idx.msk [tilespmem:v55+s15+$0x0], $0xffff  }
0x80: {  	v49 =	vunpack.i.u.bf16.f32 v63;
	v53 =	vor.u32 v8, v42;
	v16 =	vadd.f32 v25, v16;
	v25 =	vld.idx.msk [tilespmem:v61+s15+$0x0], $0xffff  }
0x81: {  	v63 =	vadd.s32 s21, v5;
	v18 =	vadd.f32 v60, v18;
	v19 =	vmul.bf16 v27, v19;
	v27 =	vld.idx.msk [tilespmem:v48+s15+$0x0], $0xffff  }
0x82: {  	v15 =	vadd.f32 v49, v15;
	v40 =	vld.idx.msk [tilespmem:v51+s14+$0x0], $0xffff;
	v54 =	vunpack.i.u.bf16.f32 v20;
	v20 =	vunpack.i.l.bf16.f32 v20  }
0x83: {  	v18 =	vadd.f32 v20, v18;
	v20 =	vunpack.i.u.bf16.f32 v22;
	v19 =	vadd.bf16 v19, v31;
	v31 =	vld.idx.msk [tilespmem:v51+s15+$0x0], $0xffff  }
0x84: {  	v17 =	vadd.f32 v62, v17;
	v62 =	vadd.s32 s21, v7;
	v15 =	vadd.f32 v20, v15;
	v20 =	vld.idx.msk [tilespmem:v55+s14+$0x0], $0xffff  }
0x85: {  	v57 =	vmul.bf16 v24, v30;
	v58 =	vmul.bf16 v35, v29;
	v45 =	vand.u32 $0x3F, v63;
	v49 =	vld.idx.msk [tilespmem:v56+s14+$0x0], $0xffff  }
0x86: {  	v23 =	vmul.bf16 v23, v34;
	v30 =	vor.u32 v8, v45;
	v22 =	vunpack.i.l.bf16.f32 v22;
	v33 =	vld.idx.msk [tilespmem:v56+s15+$0x0], $0xffff  }
0x87: {  	v17 =	vadd.f32 v54, v17;
	v28 =	vmul.bf16 v50, v41;
	v16 =	vadd.f32 v22, v16;
	v59 =	vld.idx.msk [tilespmem:v53+s14+$0x0], $0xffff  }
0x88: {  	v22 =	vadd.bf16 v58, v57;
	v60 =	vunpack.i.l.bf16.f32 v19;
	v61 =	vld.idx.msk [tilespmem:v53+s15+$0x0], $0xffff;
	v19 =	vunpack.i.u.bf16.f32 v19  }
0x89: {  	v48 =	vmul.bf16 v36, v38;
	v52 =	vadd.bf16 v28, v23;
	v17 =	vadd.f32 v19, v17;
	v51 =	vld.idx.msk [tilespmem:v62+s14+$0x0], $0xffff  }
0x8a: {  	v19 =	vmul.bf16 v32, v46;
	v50 =	vunpack.i.l.bf16.f32 v22;
	v22 =	vunpack.i.u.bf16.f32 v22;
	v53 =	vld.idx.msk [tilespmem:v62+s15+$0x0], $0xffff  }
0x8b: {  	v18 =	vadd.f32 v60, v18;
	v21 =	vmul.bf16 v25, v21;
	v15 =	vadd.f32 v22, v15;
	v55 =	vld.idx.msk [tilespmem:v30+s14+$0x0], $0xffff  }
0x8c: {  	v26 =	vmul.bf16 v27, v26;
	v56 =	vld.idx.msk [tilespmem:v30+s15+$0x0], $0xffff;
	v57 =	vunpack.i.u.bf16.f32 v52;
	v19 =	vadd.bf16 v48, v19  }
0x8d: {  	v16 =	vadd.f32 v50, v16;
	v58 =	vmul.bf16 v31, v40;
	v15 =	vadd.f32 v57, v15  }
0x8e: {  	v20 =	vmul.bf16 v47, v20;
	v54 =	vunpack.i.u.bf16.f32 v19;
	v19 =	vunpack.i.l.bf16.f32 v19  }
0x8f: {  	v60 =	vmul.bf16 v33, v49;
	v59 =	vmul.bf16 v61, v59;
	v18 =	vadd.f32 v19, v18  }
0x90: {  	v17 =	vadd.f32 v54, v17;
	v19 =	vunpack.i.l.bf16.f32 v52;
	v61 =	vmul.bf16 v53, v51  }
0x91: {  	v16 =	vadd.f32 v19, v16;
	v19 =	vadd.bf16 v26, v21;
	v62 =	vmul.bf16 v56, v55  }
0x92: {  	v20 =	vadd.bf16 v60, v20;
	v21 =	vadd.bf16 v59, v58  }
0x93: {  	p1 =	por p0, p0;
	v26 =	vunpack.i.l.bf16.f32 v19;
	v19 =	vunpack.i.u.bf16.f32 v19;
	v22 =	vadd.bf16 v62, v61  }
.Ltmp2:
0x94: {  	v17 =	vadd.f32 v19, v17;
	v19 =	vunpack.i.u.bf16.f32 v21;
	v21 =	vunpack.i.l.bf16.f32 v21;
	(pc) =	sbr.rel @p1 .LBB2_3-.Ltmp2, $4  }
0x95: {  	v63 =	vunpack.i.l.bf16.f32 v20;
	v18 =	vadd.f32 v26, v18;
	v16 =	vadd.f32 v21, v16  }
0x96: {  	v15 =	vadd.f32 v19, v15;
	v19 =	vunpack.i.u.bf16.f32 v20;
	v20 =	vunpack.i.l.bf16.f32 v22  }
0x97: {  	v18 =	vadd.f32 v63, v18;
	v17 =	vadd.f32 v19, v17;
	v19 =	vunpack.i.u.bf16.f32 v22  }
0x98: {  	p0 =	por $0x0, $0x0;
	s3 =	simm.s32 $0x8;
	v16 =	vadd.f32 v20, v16;
	v15 =	vadd.f32 v19, v15  }
0x99: {  	_ = 	snop  }
0x9a: {  	v17 =	vadd.f32 v17, v18;
	v15 =	vadd.f32 v15, v16;
	_ =	sdelay $0x1  }
0x9b: {  	v15 =	vadd.f32 v15, v17;
	_ =	sdelay $0x1  }
0x9c: {  	v15 =	vsub.f32 $0.0e+00, v15;
	_ =	sdelay $0x1  }
0x9d: {  	v15 =	vmul.f32 $1.442695020e+00, v15;
	_ =	sdelay $0x1  }
0x9e: {  	(erf) = vpow2.f32 v15;
	_ =	sdelay $0x8  }
0x9f: {  	v15 =	vpop (erf)  }
0xa0: {  	v15 =	vadd.f32 $1.000000000e+00, v15;
	_ =	sdelay $0x1  }
0xa1: {  	(erf) = vrcp.f32 v15;
	_ =	sdelay $0x7  }
0xa2: {  	s3 =	smul.u32 $0xF0, s0  }
0xa3: {  	v18 =	vimm.f32 $0.0e+00;
	v16 =	vpop (erf)  }
0xa4: {  	s17 =	simm.s32 $0x0;
	p0 =	por $0x1, $0x1;
	v19 =	vimm.f32 $0.0e+00;
	v17 =	vimm.f32 $0.0e+00;
	v15 =	vimm.f32 $0.0e+00;
	[tilespmem:s3+$0xC620] =	vst v16  }
.LBB2_5:
0xa5: {  	s19 =	sor.u32 $0x1, s17  }
0xa6: {  	v26 =	vadd.s32 s19, v10;
	_ =	sdelay $0x1  }
0xa7: {  	v28 =	vadd.s32 s19, v11  }
0xa8: {  	s21 =	sor.u32 $0x2, s17  }
0xa9: {  	v35 =	vadd.s32 s21, v10  }
0xaa: {  	v32 =	vld.idx.msk [tilespmem:v26+s14+$0x0], $0xffff  }
0xab: {  	v16 =	vadd.s32 s17, v0;
	v37 =	vadd.s32 s21, v11;
	v26 =	vld.idx.msk [tilespmem:v26+s15+$0x0], $0xffff  }
0xac: {  	v16 =	vand.u32 $0x18, v16;
	v34 =	vld.idx.msk [tilespmem:v28+s14+$0x0], $0xffff  }
0xad: {  	v20 =	vadd.s32 s17, v3;
	v16 =	vor.u32 v9, v16;
	v28 =	vld.idx.msk [tilespmem:v28+s15+$0x0], $0xffff  }
0xae: {  	v20 =	vand.u32 $0x38, v20;
	v41 =	vld.idx.msk [tilespmem:v35+s14+$0x0], $0xffff  }
0xaf: {  	v22 =	vadd.s32 s17, v5;
	v20 =	vor.u32 v9, v20;
	v35 =	vld.idx.msk [tilespmem:v35+s15+$0x0], $0xffff  }
0xb0: {  	v22 =	vand.u32 $0x38, v22;
	v42 =	vld.idx.msk [tilespmem:v37+s14+$0x0], $0xffff  }
0xb1: {  	v21 =	vadd.s32 s17, v4;
	v22 =	vor.u32 v9, v22;
	v37 =	vld.idx.msk [tilespmem:v37+s15+$0x0], $0xffff  }
0xb2: {  	v21 =	vand.u32 $0x38, v21;
	v23 =	vld.idx.msk [tilespmem:v16+s14+$0x0], $0xffff  }
0xb3: {  	v21 =	vor.u32 v9, v21;
	v24 =	vld.idx.msk [tilespmem:v16+s15+$0x0], $0xffff  }
0xb4: {  	v25 =	vld.idx.msk [tilespmem:v20+s14+$0x0], $0xffff;
	v16 =	vadd.s32 $0x420, v2  }
0xb5: {  	v20 =	vld.idx.msk [tilespmem:v20+s15+$0x0], $0xffff;
	v31 =	vadd.s32 s19, v16  }
0xb6: {  	v29 =	vld.idx.msk [tilespmem:v22+s14+$0x0], $0xffff  }
0xb7: {  	v30 =	vld.idx.msk [tilespmem:v22+s15+$0x0], $0xffff;
	v22 =	vadd.s32 s19, v5;
	v39 =	vadd.s32 s21, v16  }
0xb8: {  	v27 =	vld.idx.msk [tilespmem:v21+s14+$0x0], $0xffff;
	v33 =	vand.u32 $0x3F, v22;
	v22 =	vor.u32 $0x400, v8  }
0xb9: {  	v40 =	vadd.s32 s21, v5;
	v21 =	vld.idx.msk [tilespmem:v21+s15+$0x0], $0xffff;
	v33 =	vor.u32 v22, v33  }
0xba: {  	v40 =	vand.u32 $0x3F, v40;
	v36 =	vld.idx.msk [tilespmem:v31+s14+$0x0], $0xffff  }
0xbb: {  	v40 =	vor.u32 v22, v40;
	v31 =	vld.idx.msk [tilespmem:v31+s15+$0x0], $0xffff  }
0xbc: {  	s21 =	sor.u32 $0x3, s17;
	v44 =	vld.idx.msk [tilespmem:v39+s14+$0x0], $0xffff  }
0xbd: {  	v43 =	vadd.s32 s21, v10;
	v39 =	vld.idx.msk [tilespmem:v39+s15+$0x0], $0xffff  }
0xbe: {  	v38 =	vld.idx.msk [tilespmem:v33+s14+$0x0], $0xffff  }
0xbf: {  	v45 =	vadd.s32 s21, v11;
	v33 =	vld.idx.msk [tilespmem:v33+s15+$0x0], $0xffff  }
0xc0: {  	v46 =	vld.idx.msk [tilespmem:v40+s14+$0x0], $0xffff  }
0xc1: {  	v47 =	vadd.s32 s21, v16;
	v40 =	vld.idx.msk [tilespmem:v40+s15+$0x0], $0xffff  }
0xc2: {  	v48 =	vadd.s32 s21, v5;
	s21 =	sor.u32 $0x4, s17;
	v49 =	vld.idx.msk [tilespmem:v43+s14+$0x0], $0xffff  }
0xc3: {  	v58 =	vadd.s32 s21, v10;
	v23 =	vmul.bf16 v24, v23;
	v20 =	vmul.bf16 v20, v25;
	v24 =	vld.idx.msk [tilespmem:v43+s15+$0x0], $0xffff  }
0xc4: {  	v43 =	vld.idx.msk [tilespmem:v45+s14+$0x0], $0xffff  }
0xc5: {  	v60 =	vadd.s32 s21, v11;
	v20 =	vadd.bf16 v20, v23;
	v23 =	vld.idx.msk [tilespmem:v45+s15+$0x0], $0xffff  }
0xc6: {  	v48 =	vand.u32 $0x3F, v48;
	v61 =	vadd.s32 s21, v16;
	v21 =	vmul.bf16 v21, v27;
	v27 =	vld.idx.msk [tilespmem:v47+s14+$0x0], $0xffff  }
0xc7: {  	v57 =	vor.u32 v22, v48;
	v47 =	vld.idx.msk [tilespmem:v47+s15+$0x0], $0xffff  }
0xc8: {  	v50 =	vadd.s32 s21, v5;
	s21 =	sor.u32 $0x5, s17;
	v26 =	vmul.bf16 v26, v32;
	v28 =	vmul.bf16 v28, v34;
	v32 =	vld.idx.msk [tilespmem:v58+s14+$0x0], $0xffff  }
0xc9: {  	v50 =	vand.u32 $0x3F, v50;
	v63 =	vadd.s32 s21, v10;
	v29 =	vmul.bf16 v30, v29;
	v45 =	vld.idx.msk [tilespmem:v58+s15+$0x0], $0xffff  }
0xca: {  	v53 =	vadd.s32 s21, v11;
	v54 =	vmul.bf16 v35, v41;
	v26 =	vadd.bf16 v28, v26;
	v28 =	vld.idx.msk [tilespmem:v60+s15+$0x0], $0xffff  }
0xcb: {  	v55 =	vmul.bf16 v37, v42;
	v56 =	vadd.s32 s21, v16;
	v21 =	vadd.bf16 v29, v21;
	v29 =	vld.idx.msk [tilespmem:v61+s15+$0x0], $0xffff  }
0xcc: {  	v50 =	vor.u32 v22, v50;
	v52 =	vunpack.i.u.bf16.f32 v26;
	v26 =	vunpack.i.l.bf16.f32 v26;
	v30 =	vld.idx.msk [tilespmem:v57+s14+$0x0], $0xffff  }
0xcd: {  	v59 =	vunpack.i.l.bf16.f32 v20;
	v25 =	vld.idx.msk [tilespmem:v57+s15+$0x0], $0xffff;
	v20 =	vunpack.i.u.bf16.f32 v20;
	v62 =	vunpack.i.l.bf16.f32 v21  }
0xce: {  	v21 =	vunpack.i.u.bf16.f32 v21;
	v48 =	vld.idx.msk [tilespmem:v63+s14+$0x0], $0xffff;
	v19 =	vadd.f32 v59, v19;
	v18 =	vadd.f32 v20, v18  }
0xcf: {  	v57 =	vadd.s32 s21, v5;
	v34 =	vld.idx.msk [tilespmem:v63+s15+$0x0], $0xffff;
	s21 =	sor.u32 $0x6, s17;
	v17 =	vadd.f32 v62, v17;
	v15 =	vadd.f32 v21, v15  }
0xd0: {  	v20 =	vld.idx.msk [tilespmem:v60+s14+$0x0], $0xffff;
	v42 =	vand.u32 $0x3F, v57;
	v62 =	vadd.s32 s21, v10;
	v21 =	vmul.bf16 v31, v36  }
0xd1: {  	v37 =	vld.idx.msk [tilespmem:v50+s15+$0x0], $0xffff;
	v59 =	vor.u32 v22, v42;
	v60 =	vmul.bf16 v39, v44;
	v19 =	vadd.f32 v26, v19  }
0xd2: {  	v31 =	vld.idx.msk [tilespmem:v50+s14+$0x0], $0xffff;
	v51 =	vmul.bf16 v33, v38;
	v18 =	vadd.f32 v52, v18;
	v26 =	vadd.bf16 v55, v54  }
0xd3: {  	v33 =	vld.idx.msk [tilespmem:v61+s14+$0x0], $0xffff;
	v61 =	vmul.bf16 v40, v46;
	v23 =	vmul.bf16 v23, v43;
	v52 =	vadd.s32 s21, v5  }
0xd4: {  	v36 =	vld.idx.msk [tilespmem:v56+s14+$0x0], $0xffff;
	v44 =	vand.u32 $0x3F, v52;
	v32 =	vmul.bf16 v45, v32;
	v21 =	vadd.bf16 v51, v21  }
0xd5: {  	v40 =	vld.idx.msk [tilespmem:v53+s14+$0x0], $0xffff;
	v63 =	vadd.bf16 v61, v60;
	v25 =	vmul.bf16 v25, v30;
	v51 =	vadd.s32 s21, v16  }
0xd6: {  	v38 =	vld.idx.msk [tilespmem:v53+s15+$0x0], $0xffff;
	v53 =	vor.u32 v22, v44;
	v58 =	vunpack.i.l.bf16.f32 v21;
	v21 =	vunpack.i.u.bf16.f32 v21  }
0xd7: {  	v20 =	vmul.bf16 v28, v20;
	v43 =	vld.idx.msk [tilespmem:v59+s14+$0x0], $0xffff;
	v15 =	vadd.f32 v21, v15;
	v21 =	vunpack.i.l.bf16.f32 v26  }
0xd8: {  	v30 =	vld.idx.msk [tilespmem:v59+s15+$0x0], $0xffff;
	v17 =	vadd.f32 v58, v17;
	v19 =	vadd.f32 v21, v19;
	v21 =	vunpack.i.u.bf16.f32 v26  }
0xd9: {  	v26 =	vunpack.i.l.bf16.f32 v63;
	v18 =	vadd.f32 v21, v18;
	v21 =	vmul.bf16 v24, v49;
	v24 =	vld.idx.msk [tilespmem:v56+s15+$0x0], $0xffff  }
0xda: {  	v27 =	vmul.bf16 v47, v27;
	v17 =	vadd.f32 v26, v17;
	v26 =	vld.idx.msk [tilespmem:v62+s15+$0x0], $0xffff  }
0xdb: {  	v50 =	vunpack.i.u.bf16.f32 v63;
	v20 =	vadd.bf16 v20, v32;
	v49 =	vadd.s32 s21, v11;
	v42 =	vld.idx.msk [tilespmem:v51+s14+$0x0], $0xffff  }
0xdc: {  	v25 =	vadd.bf16 v25, v27;
	v57 =	vmul.bf16 v29, v33;
	v58 =	vmul.bf16 v37, v31;
	s21 =	sor.u32 $0x7, s17;
	v32 =	vld.idx.msk [tilespmem:v51+s15+$0x0], $0xffff  }
0xdd: {  	v15 =	vadd.f32 v50, v15;
	v59 =	vld.idx.msk [tilespmem:v53+s14+$0x0], $0xffff;
	v60 =	vunpack.i.l.bf16.f32 v20;
	v55 =	vadd.s32 s21, v10  }
0xde: {  	v61 =	vld.idx.msk [tilespmem:v53+s15+$0x0], $0xffff;
	v20 =	vunpack.i.u.bf16.f32 v20;
	v51 =	vmul.bf16 v38, v40;
	v21 =	vadd.bf16 v23, v21  }
0xdf: {  	v56 =	vadd.s32 s21, v11;
	v63 =	vadd.s32 s21, v5;
	v23 =	vld.idx.msk [tilespmem:v62+s14+$0x0], $0xffff;
	v62 =	vadd.s32 s21, v16  }
0xe0: {  	v30 =	vmul.bf16 v30, v43;
	v54 =	vunpack.i.u.bf16.f32 v21;
	v21 =	vunpack.i.l.bf16.f32 v21;
	v27 =	vld.idx.msk [tilespmem:v49+s14+$0x0], $0xffff  }
0xe1: {  	v28 =	vld.idx.msk [tilespmem:v49+s15+$0x0], $0xffff;
	v19 =	vadd.f32 v21, v19;
	v18 =	vadd.f32 v54, v18;
	v21 =	vunpack.i.u.bf16.f32 v25  }
0xe2: {  	v25 =	vunpack.i.l.bf16.f32 v25;
	v49 =	vand.u32 $0x3F, v63;
	v15 =	vadd.f32 v21, v15;
	v21 =	vld.idx.msk [tilespmem:v55+s14+$0x0], $0xffff  }
0xe3: {  	v24 =	vmul.bf16 v24, v36;
	v17 =	vadd.f32 v25, v17;
	v50 =	vld.idx.msk [tilespmem:v55+s15+$0x0], $0xffff;
	v33 =	vor.u32 v22, v49  }
0xe4: {  	v25 =	vadd.bf16 v58, v57;
	v52 =	vld.idx.msk [tilespmem:v56+s14+$0x0], $0xffff;
	v18 =	vadd.f32 v20, v18;
	v20 =	vmul.bf16 v34, v48  }
0xe5: {  	v59 =	vmul.bf16 v61, v59;
	v35 =	vld.idx.msk [tilespmem:v56+s15+$0x0], $0xffff;
	v19 =	vadd.f32 v60, v19;
	v24 =	vadd.bf16 v30, v24  }
0xe6: {  	v54 =	vld.idx.msk [tilespmem:v62+s14+$0x0], $0xffff;
	v53 =	vunpack.i.l.bf16.f32 v25;
	v25 =	vunpack.i.u.bf16.f32 v25;
	v20 =	vadd.bf16 v51, v20  }
0xe7: {  	v23 =	vmul.bf16 v26, v23;
	v55 =	vld.idx.msk [tilespmem:v62+s15+$0x0], $0xffff;
	v17 =	vadd.f32 v53, v17;
	v15 =	vadd.f32 v25, v15  }
0xe8: {  	v27 =	vmul.bf16 v28, v27;
	v56 =	vunpack.i.u.bf16.f32 v20;
	v20 =	vunpack.i.l.bf16.f32 v20;
	v57 =	vld.idx.msk [tilespmem:v33+s14+$0x0], $0xffff  }
0xe9: {  	v58 =	vld.idx.msk [tilespmem:v33+s15+$0x0], $0xffff;
	v21 =	vmul.bf16 v50, v21;
	v19 =	vadd.f32 v20, v19;
	v20 =	vunpack.i.l.bf16.f32 v24  }
0xea: {  	v17 =	vadd.f32 v20, v17;
	v20 =	vadd.bf16 v27, v23;
	v23 =	vunpack.i.u.bf16.f32 v24  }
0xeb: {  	v60 =	vmul.bf16 v35, v52;
	v15 =	vadd.f32 v23, v15;
	v23 =	vmul.bf16 v32, v42  }
0xec: {  	v18 =	vadd.f32 v56, v18;
	v62 =	vmul.bf16 v55, v54  }
0xed: {  	v21 =	vadd.bf16 v60, v21;
	v61 =	vunpack.i.l.bf16.f32 v20;
	v23 =	vadd.bf16 v59, v23  }
0xee: {  	p1 =	por p0, p0;
	v20 =	vunpack.i.u.bf16.f32 v20;
	v19 =	vadd.f32 v61, v19;
	v63 =	vmul.bf16 v58, v57  }
.Ltmp3:
0xef: {  	v18 =	vadd.f32 v20, v18;
	v20 =	vunpack.i.u.bf16.f32 v23;
	v23 =	vunpack.i.l.bf16.f32 v23;
	(pc) =	sbr.rel @p1 .LBB2_5-.Ltmp3, $4  }
0xf0: {  	v24 =	vadd.bf16 v63, v62;
	v17 =	vadd.f32 v23, v17;
	v23 =	vunpack.i.l.bf16.f32 v21  }
0xf1: {  	v15 =	vadd.f32 v20, v15;
	v20 =	vunpack.i.u.bf16.f32 v21;
	v19 =	vadd.f32 v23, v19  }
0xf2: {  	v18 =	vadd.f32 v20, v18;
	v20 =	vunpack.i.u.bf16.f32 v24;
	v21 =	vunpack.i.l.bf16.f32 v24  }
0xf3: {  	p0 =	por $0x0, $0x0;
	s17 =	simm.s32 $0x8;
	v17 =	vadd.f32 v21, v17;
	v15 =	vadd.f32 v20, v15  }
0xf4: {  	_ = 	snop  }
0xf5: {  	v18 =	vadd.f32 v18, v19;
	v15 =	vadd.f32 v15, v17;
	_ =	sdelay $0x1  }
0xf6: {  	v15 =	vadd.f32 v15, v18;
	_ =	sdelay $0x1  }
0xf7: {  	v15 =	vsub.f32 $0.0e+00, v15;
	_ =	sdelay $0x1  }
0xf8: {  	v15 =	vmul.f32 $1.442695020e+00, v15;
	_ =	sdelay $0x1  }
0xf9: {  	(erf) = vpow2.f32 v15;
	_ =	sdelay $0x8  }
0xfa: {  	v15 =	vpop (erf)  }
0xfb: {  	v15 =	vadd.f32 $1.000000000e+00, v15;
	_ =	sdelay $0x1  }
0xfc: {  	(erf) = vrcp.f32 v15;
	_ =	sdelay $0x8  }
0xfd: {  	v20 =	vimm.f32 $0.0e+00;
	v15 =	vpop (erf)  }
0xfe: {  	s17 =	simm.s32 $0x0;
	p0 =	por $0x1, $0x1;
	v21 =	vimm.f32 $0.0e+00;
	v23 =	vimm.f32 $0.0e+00;
	v18 =	vimm.f32 $0.0e+00;
	[tilespmem:s3+$0xC630] =	vst v15  }
.LBB2_7:
0xff: {  	v15 =	vadd.s32 s17, v0  }
0x100: {  	v15 =	vand.u32 $0x18, v15  }
0x101: {  	v17 =	vadd.s32 s17, v3;
	v15 =	vor.u32 v12, v15  }
0x102: {  	v17 =	vand.u32 $0x38, v17  }
0x103: {  	v19 =	vadd.s32 s17, v4;
	v17 =	vor.u32 v12, v17  }
0x104: {  	v19 =	vand.u32 $0x38, v19  }
0x105: {  	v24 =	vadd.s32 s17, v5;
	v19 =	vor.u32 v12, v19  }
0x106: {  	s19 =	sor.u32 $0x1, s17;
	v24 =	vand.u32 $0x38, v24;
	v26 =	vld.idx.msk [tilespmem:v15+s14+$0x0], $0xffff  }
0x107: {  	v25 =	vadd.s32 s19, v5;
	v24 =	vor.u32 v12, v24;
	v27 =	vld.idx.msk [tilespmem:v15+s15+$0x0], $0xffff  }
0x108: {  	s21 =	sor.u32 $0x2, s17;
	v37 =	vand.u32 $0x3F, v25;
	v25 =	vor.u32 $0x800, v8;
	v28 =	vld.idx.msk [tilespmem:v17+s14+$0x0], $0xffff  }
0x109: {  	v44 =	vadd.s32 s21, v5;
	v37 =	vor.u32 v25, v37;
	v29 =	vld.idx.msk [tilespmem:v17+s15+$0x0], $0xffff  }
0x10a: {  	v44 =	vand.u32 $0x3F, v44;
	v31 =	vld.idx.msk [tilespmem:v19+s14+$0x0], $0xffff  }
0x10b: {  	v44 =	vor.u32 v25, v44;
	v32 =	vld.idx.msk [tilespmem:v19+s15+$0x0], $0xffff  }
0x10c: {  	v15 =	vor.u32 $0x800, v2;
	v34 =	vld.idx.msk [tilespmem:v24+s14+$0x0], $0xffff  }
0x10d: {  	v24 =	vld.idx.msk [tilespmem:v24+s15+$0x0], $0xffff;
	v30 =	vadd.s32 s19, v15  }
0x10e: {  	v17 =	vadd.s32 $0x810, v2;
	v42 =	vld.idx.msk [tilespmem:v37+s14+$0x0], $0xffff  }
0x10f: {  	v33 =	vadd.s32 s19, v17;
	v37 =	vld.idx.msk [tilespmem:v37+s15+$0x0], $0xffff  }
0x110: {  	v19 =	vadd.s32 $0x820, v2;
	v50 =	vld.idx.msk [tilespmem:v44+s14+$0x0], $0xffff  }
0x111: {  	v35 =	vadd.s32 s19, v19;
	v44 =	vld.idx.msk [tilespmem:v44+s15+$0x0], $0xffff  }
0x112: {  	v36 =	vld.idx.msk [tilespmem:v30+s14+$0x0], $0xffff  }
0x113: {  	v39 =	vadd.s32 s21, v15;
	v30 =	vld.idx.msk [tilespmem:v30+s15+$0x0], $0xffff  }
0x114: {  	v38 =	vld.idx.msk [tilespmem:v33+s14+$0x0], $0xffff  }
0x115: {  	v41 =	vadd.s32 s21, v17;
	v33 =	vld.idx.msk [tilespmem:v33+s15+$0x0], $0xffff  }
0x116: {  	v40 =	vld.idx.msk [tilespmem:v35+s14+$0x0], $0xffff  }
0x117: {  	v43 =	vadd.s32 s21, v19;
	v35 =	vld.idx.msk [tilespmem:v35+s15+$0x0], $0xffff  }
0x118: {  	s21 =	sor.u32 $0x3, s17;
	v45 =	vld.idx.msk [tilespmem:v39+s14+$0x0], $0xffff  }
0x119: {  	v47 =	vadd.s32 s21, v15;
	v39 =	vld.idx.msk [tilespmem:v39+s15+$0x0], $0xffff  }
0x11a: {  	v46 =	vld.idx.msk [tilespmem:v41+s14+$0x0], $0xffff  }
0x11b: {  	v49 =	vadd.s32 s21, v17;
	v41 =	vld.idx.msk [tilespmem:v41+s15+$0x0], $0xffff  }
0x11c: {  	v48 =	vld.idx.msk [tilespmem:v43+s14+$0x0], $0xffff  }
0x11d: {  	v51 =	vadd.s32 s21, v19;
	v43 =	vld.idx.msk [tilespmem:v43+s15+$0x0], $0xffff  }
0x11e: {  	v52 =	vadd.s32 s21, v5;
	s21 =	sor.u32 $0x4, s17;
	v53 =	vld.idx.msk [tilespmem:v47+s14+$0x0], $0xffff  }
0x11f: {  	v59 =	vadd.s32 s21, v15;
	v26 =	vmul.bf16 v27, v26;
	v27 =	vmul.bf16 v29, v28;
	v28 =	vld.idx.msk [tilespmem:v47+s15+$0x0], $0xffff  }
0x120: {  	v62 =	vadd.s32 s21, v19;
	v47 =	vld.idx.msk [tilespmem:v49+s14+$0x0], $0xffff  }
0x121: {  	v52 =	vand.u32 $0x3F, v52;
	v26 =	vadd.bf16 v27, v26;
	v27 =	vld.idx.msk [tilespmem:v49+s15+$0x0], $0xffff  }
0x122: {  	v58 =	vor.u32 v25, v52;
	v31 =	vmul.bf16 v32, v31;
	v32 =	vld.idx.msk [tilespmem:v51+s14+$0x0], $0xffff  }
0x123: {  	v61 =	vadd.s32 s21, v17;
	v54 =	vadd.s32 s21, v5;
	s21 =	sor.u32 $0x5, s17;
	v51 =	vld.idx.msk [tilespmem:v51+s15+$0x0], $0xffff  }
0x124: {  	v56 =	vadd.s32 s21, v15;
	v24 =	vmul.bf16 v24, v34;
	v49 =	vld.idx.msk [tilespmem:v59+s15+$0x0], $0xffff  }
0x125: {  	v54 =	vand.u32 $0x3F, v54;
	v57 =	vmul.bf16 v37, v42;
	v37 =	vld.idx.msk [tilespmem:v62+s14+$0x0], $0xffff  }
0x126: {  	v54 =	vor.u32 v25, v54;
	v24 =	vadd.bf16 v24, v31;
	v31 =	vld.idx.msk [tilespmem:v62+s15+$0x0], $0xffff  }
0x127: {  	v42 =	vadd.s32 s21, v17;
	v62 =	vadd.s32 s21, v5;
	v60 =	vunpack.i.l.bf16.f32 v26;
	v34 =	vld.idx.msk [tilespmem:v58+s14+$0x0], $0xffff  }
0x128: {  	v29 =	vld.idx.msk [tilespmem:v58+s15+$0x0], $0xffff;
	v26 =	vunpack.i.u.bf16.f32 v26;
	v63 =	vunpack.i.l.bf16.f32 v24;
	v23 =	vadd.f32 v60, v23  }
0x129: {  	v24 =	vunpack.i.u.bf16.f32 v24;
	v52 =	vld.idx.msk [tilespmem:v56+s14+$0x0], $0xffff;
	v21 =	vadd.f32 v26, v21;
	v20 =	vadd.f32 v63, v20  }
0x12a: {  	v26 =	vld.idx.msk [tilespmem:v61+s14+$0x0], $0xffff;
	v18 =	vadd.f32 v24, v18;
	v30 =	vmul.bf16 v30, v36;
	v33 =	vmul.bf16 v33, v38  }
0x12b: {  	v36 =	vld.idx.msk [tilespmem:v59+s14+$0x0], $0xffff;
	v24 =	vmul.bf16 v35, v40;
	v60 =	vmul.bf16 v41, v46;
	v46 =	vand.u32 $0x3F, v62  }
0x12c: {  	v59 =	vmul.bf16 v39, v45;
	v38 =	vld.idx.msk [tilespmem:v56+s15+$0x0], $0xffff;
	v56 =	vor.u32 v25, v46;
	v30 =	vadd.bf16 v33, v30  }
0x12d: {  	v27 =	vmul.bf16 v27, v47;
	v33 =	vld.idx.msk [tilespmem:v61+s15+$0x0], $0xffff;
	v24 =	vadd.bf16 v57, v24;
	v61 =	vadd.s32 s21, v19  }
0x12e: {  	v35 =	vld.idx.msk [tilespmem:v54+s14+$0x0], $0xffff;
	v57 =	vmul.bf16 v43, v48;
	v58 =	vunpack.i.u.bf16.f32 v30;
	v30 =	vunpack.i.l.bf16.f32 v30  }
0x12f: {  	v41 =	vld.idx.msk [tilespmem:v54+s15+$0x0], $0xffff;
	v29 =	vmul.bf16 v29, v34;
	v63 =	vunpack.i.l.bf16.f32 v24;
	v23 =	vadd.f32 v30, v23  }
0x130: {  	s21 =	sor.u32 $0x6, s17;
	v21 =	vadd.f32 v58, v21;
	v30 =	vadd.bf16 v60, v59;
	v58 =	vmul.bf16 v44, v50;
	v44 =	vld.idx.msk [tilespmem:v42+s14+$0x0], $0xffff  }
0x131: {  	v24 =	vunpack.i.u.bf16.f32 v24;
	v20 =	vadd.f32 v63, v20;
	v42 =	vld.idx.msk [tilespmem:v42+s15+$0x0], $0xffff;
	v59 =	vadd.s32 s21, v15  }
0x132: {  	v18 =	vadd.f32 v24, v18;
	v63 =	vadd.s32 s21, v19;
	v47 =	vld.idx.msk [tilespmem:v56+s14+$0x0], $0xffff;
	v24 =	vunpack.i.l.bf16.f32 v30  }
0x133: {  	v34 =	vld.idx.msk [tilespmem:v56+s15+$0x0], $0xffff;
	v60 =	vadd.bf16 v58, v57;
	v23 =	vadd.f32 v24, v23;
	v24 =	vunpack.i.u.bf16.f32 v30  }
0x134: {  	v32 =	vmul.bf16 v51, v32;
	v36 =	vmul.bf16 v49, v36;
	v40 =	vld.idx.msk [tilespmem:v61+s14+$0x0], $0xffff;
	v21 =	vadd.f32 v24, v21  }
0x135: {  	v24 =	vmul.bf16 v28, v53;
	v28 =	vld.idx.msk [tilespmem:v61+s15+$0x0], $0xffff;
	v61 =	vadd.s32 s21, v17;
	v30 =	vunpack.i.l.bf16.f32 v60  }
0x136: {  	v26 =	vmul.bf16 v33, v26;
	v53 =	vadd.s32 s21, v5;
	s21 =	sor.u32 $0x7, s17;
	v20 =	vadd.f32 v30, v20;
	v30 =	vld.idx.msk [tilespmem:v59+s15+$0x0], $0xffff  }
0x137: {  	v29 =	vadd.bf16 v29, v32;
	v56 =	vadd.s32 s21, v15;
	v46 =	vld.idx.msk [tilespmem:v63+s14+$0x0], $0xffff  }
0x138: {  	v26 =	vadd.bf16 v26, v36;
	v36 =	vld.idx.msk [tilespmem:v63+s15+$0x0], $0xffff;
	v24 =	vadd.bf16 v27, v24  }
0x139: {  	v62 =	vunpack.i.u.bf16.f32 v60;
	v48 =	vand.u32 $0x3F, v53;
	v57 =	vadd.s32 s21, v17;
	v27 =	vld.idx.msk [tilespmem:v59+s14+$0x0], $0xffff  }
0x13a: {  	v18 =	vadd.f32 v62, v18;
	v55 =	vunpack.i.u.bf16.f32 v24;
	v24 =	vunpack.i.l.bf16.f32 v24;
	v32 =	vld.idx.msk [tilespmem:v61+s14+$0x0], $0xffff  }
0x13b: {  	v62 =	vadd.s32 s21, v19;
	v33 =	vld.idx.msk [tilespmem:v61+s15+$0x0], $0xffff;
	v23 =	vadd.f32 v24, v23;
	v24 =	vunpack.i.u.bf16.f32 v29  }
0x13c: {  	v54 =	vor.u32 v25, v48;
	v18 =	vadd.f32 v24, v18;
	v24 =	vld.idx.msk [tilespmem:v56+s14+$0x0], $0xffff  }
0x13d: {  	v63 =	vadd.s32 s21, v5;
	v51 =	vld.idx.msk [tilespmem:v56+s15+$0x0], $0xffff  }
0x13e: {  	v58 =	vmul.bf16 v31, v37;
	v59 =	vmul.bf16 v41, v35;
	v50 =	vand.u32 $0x3F, v63;
	v53 =	vld.idx.msk [tilespmem:v57+s14+$0x0], $0xffff  }
0x13f: {  	v60 =	vunpack.i.l.bf16.f32 v26;
	v26 =	vunpack.i.u.bf16.f32 v26;
	v37 =	vor.u32 v25, v50;
	v39 =	vld.idx.msk [tilespmem:v57+s15+$0x0], $0xffff  }
0x140: {  	v34 =	vmul.bf16 v34, v47;
	v21 =	vadd.f32 v55, v21;
	v29 =	vunpack.i.l.bf16.f32 v29;
	v55 =	vld.idx.msk [tilespmem:v62+s14+$0x0], $0xffff  }
0x141: {  	v28 =	vmul.bf16 v28, v40;
	v20 =	vadd.f32 v29, v20;
	v29 =	vadd.bf16 v59, v58;
	v35 =	vld.idx.msk [tilespmem:v54+s14+$0x0], $0xffff  }
0x142: {  	v61 =	vld.idx.msk [tilespmem:v54+s15+$0x0], $0xffff;
	v21 =	vadd.f32 v26, v21;
	v26 =	vmul.bf16 v38, v52;
	v52 =	vmul.bf16 v42, v44  }
0x143: {  	v56 =	vld.idx.msk [tilespmem:v62+s15+$0x0], $0xffff;
	v23 =	vadd.f32 v60, v23;
	v28 =	vadd.bf16 v34, v28;
	v27 =	vmul.bf16 v30, v27  }
0x144: {  	v54 =	vunpack.i.l.bf16.f32 v29;
	v29 =	vunpack.i.u.bf16.f32 v29;
	v58 =	vld.idx.msk [tilespmem:v37+s14+$0x0], $0xffff;
	v26 =	vadd.bf16 v52, v26  }
0x145: {  	v59 =	vld.idx.msk [tilespmem:v37+s15+$0x0], $0xffff;
	v20 =	vadd.f32 v54, v20;
	v18 =	vadd.f32 v29, v18;
	v32 =	vmul.bf16 v33, v32  }
0x146: {  	v57 =	vunpack.i.u.bf16.f32 v26;
	v26 =	vunpack.i.l.bf16.f32 v26;
	v24 =	vmul.bf16 v51, v24  }
0x147: {  	v23 =	vadd.f32 v26, v23;
	v26 =	vunpack.i.l.bf16.f32 v28;
	v60 =	vmul.bf16 v61, v35  }
0x148: {  	v20 =	vadd.f32 v26, v20;
	v26 =	vadd.bf16 v32, v27;
	v27 =	vunpack.i.u.bf16.f32 v28  }
0x149: {  	v61 =	vmul.bf16 v39, v53;
	v18 =	vadd.f32 v27, v18;
	v27 =	vmul.bf16 v36, v46  }
0x14a: {  	v62 =	vmul.bf16 v56, v55;
	v21 =	vadd.f32 v57, v21;
	v63 =	vmul.bf16 v59, v58  }
0x14b: {  	v24 =	vadd.bf16 v61, v24;
	v27 =	vadd.bf16 v60, v27  }
0x14c: {  	p1 =	por p0, p0;
	v32 =	vunpack.i.l.bf16.f32 v26;
	v26 =	vunpack.i.u.bf16.f32 v26;
	v28 =	vadd.bf16 v63, v62  }
.Ltmp4:
0x14d: {  	v21 =	vadd.f32 v26, v21;
	v26 =	vunpack.i.u.bf16.f32 v27;
	v27 =	vunpack.i.l.bf16.f32 v27;
	(pc) =	sbr.rel @p1 .LBB2_7-.Ltmp4, $4  }
0x14e: {  	v23 =	vadd.f32 v32, v23;
	v20 =	vadd.f32 v27, v20;
	v27 =	vunpack.i.l.bf16.f32 v24  }
0x14f: {  	v18 =	vadd.f32 v26, v18;
	v24 =	vunpack.i.u.bf16.f32 v24;
	v26 =	vunpack.i.l.bf16.f32 v28  }
0x150: {  	v23 =	vadd.f32 v27, v23;
	v21 =	vadd.f32 v24, v21;
	v24 =	vunpack.i.u.bf16.f32 v28  }
0x151: {  	p0 =	por $0x0, $0x0;
	s17 =	simm.s32 $0x8;
	v20 =	vadd.f32 v26, v20;
	v18 =	vadd.f32 v24, v18  }
0x152: {  	_ = 	snop  }
0x153: {  	v21 =	vadd.f32 v21, v23;
	v18 =	vadd.f32 v18, v20;
	_ =	sdelay $0x1  }
0x154: {  	v18 =	vadd.f32 v18, v21;
	_ =	sdelay $0x1  }
0x155: {  	v18 =	vsub.f32 $0.0e+00, v18;
	_ =	sdelay $0x1  }
0x156: {  	v18 =	vmul.f32 $1.442695020e+00, v18;
	_ =	sdelay $0x1  }
0x157: {  	(erf) = vpow2.f32 v18;
	_ =	sdelay $0x8  }
0x158: {  	v18 =	vpop (erf)  }
0x159: {  	v18 =	vadd.f32 $1.000000000e+00, v18;
	_ =	sdelay $0x1  }
0x15a: {  	(erf) = vrcp.f32 v18;
	_ =	sdelay $0x8  }
0x15b: {  	v24 =	vimm.f32 $0.0e+00;
	v18 =	vpop (erf)  }
0x15c: {  	s17 =	simm.s32 $0x0;
	p0 =	por $0x1, $0x1;
	v26 =	vimm.f32 $0.0e+00;
	v28 =	vimm.f32 $0.0e+00;
	v21 =	vimm.f32 $0.0e+00;
	[tilespmem:s3+$0xC640] =	vst v18  }
.LBB2_9:
0x15d: {  	v18 =	vadd.s32 s17, v0  }
0x15e: {  	v18 =	vand.u32 $0x18, v18  }
0x15f: {  	v20 =	vadd.s32 s17, v3;
	v18 =	vor.u32 v13, v18  }
0x160: {  	v20 =	vand.u32 $0x38, v20  }
0x161: {  	v23 =	vadd.s32 s17, v4;
	v20 =	vor.u32 v13, v20  }
0x162: {  	v23 =	vand.u32 $0x38, v23  }
0x163: {  	v27 =	vadd.s32 s17, v5;
	v23 =	vor.u32 v13, v23  }
0x164: {  	v27 =	vand.u32 $0x38, v27;
	v29 =	vld.idx.msk [tilespmem:v18+s14+$0x0], $0xffff  }
0x165: {  	v27 =	vor.u32 v13, v27;
	v30 =	vld.idx.msk [tilespmem:v18+s15+$0x0], $0xffff  }
0x166: {  	s19 =	sor.u32 $0x1, s17;
	v31 =	vld.idx.msk [tilespmem:v20+s14+$0x0], $0xffff;
	v18 =	vor.u32 $0xC00, v2  }
0x167: {  	v32 =	vld.idx.msk [tilespmem:v20+s15+$0x0], $0xffff;
	v33 =	vadd.s32 s19, v18  }
0x168: {  	v34 =	vld.idx.msk [tilespmem:v23+s14+$0x0], $0xffff;
	v20 =	vadd.s32 $0xC10, v2  }
0x169: {  	v35 =	vld.idx.msk [tilespmem:v23+s15+$0x0], $0xffff;
	v36 =	vadd.s32 s19, v20  }
0x16a: {  	v37 =	vld.idx.msk [tilespmem:v27+s14+$0x0], $0xffff;
	v23 =	vadd.s32 $0xC20, v2  }
0x16b: {  	v38 =	vld.idx.msk [tilespmem:v27+s15+$0x0], $0xffff;
	v39 =	vadd.s32 s19, v23  }
0x16c: {  	s21 =	sor.u32 $0x2, s17;
	v40 =	vld.idx.msk [tilespmem:v33+s14+$0x0], $0xffff  }
0x16d: {  	v43 =	vadd.s32 s21, v18;
	v33 =	vld.idx.msk [tilespmem:v33+s15+$0x0], $0xffff  }
0x16e: {  	v42 =	vld.idx.msk [tilespmem:v36+s14+$0x0], $0xffff  }
0x16f: {  	v45 =	vadd.s32 s21, v20;
	v36 =	vld.idx.msk [tilespmem:v36+s15+$0x0], $0xffff  }
0x170: {  	v44 =	vld.idx.msk [tilespmem:v39+s14+$0x0], $0xffff  }
0x171: {  	v27 =	vadd.s32 s19, v5;
	v47 =	vadd.s32 s21, v23;
	v39 =	vld.idx.msk [tilespmem:v39+s15+$0x0], $0xffff  }
0x172: {  	v41 =	vand.u32 $0x3F, v27;
	v27 =	vor.u32 $0xC00, v8;
	v49 =	vld.idx.msk [tilespmem:v43+s14+$0x0], $0xffff  }
0x173: {  	v48 =	vadd.s32 s21, v5;
	v41 =	vor.u32 v27, v41;
	v43 =	vld.idx.msk [tilespmem:v43+s15+$0x0], $0xffff  }
0x174: {  	v48 =	vand.u32 $0x3F, v48;
	v50 =	vld.idx.msk [tilespmem:v45+s14+$0x0], $0xffff  }
0x175: {  	v48 =	vor.u32 v27, v48;
	v45 =	vld.idx.msk [tilespmem:v45+s15+$0x0], $0xffff  }
0x176: {  	s21 =	sor.u32 $0x3, s17;
	v52 =	vld.idx.msk [tilespmem:v47+s14+$0x0], $0xffff  }
0x177: {  	v51 =	vadd.s32 s21, v18;
	v47 =	vld.idx.msk [tilespmem:v47+s15+$0x0], $0xffff  }
0x178: {  	v46 =	vld.idx.msk [tilespmem:v41+s14+$0x0], $0xffff  }
0x179: {  	v53 =	vadd.s32 s21, v20;
	v41 =	vld.idx.msk [tilespmem:v41+s15+$0x0], $0xffff  }
0x17a: {  	v54 =	vld.idx.msk [tilespmem:v48+s14+$0x0], $0xffff  }
0x17b: {  	v55 =	vadd.s32 s21, v23;
	v56 =	vadd.s32 s21, v5;
	v48 =	vld.idx.msk [tilespmem:v48+s15+$0x0], $0xffff  }
0x17c: {  	s21 =	sor.u32 $0x4, s17;
	v56 =	vand.u32 $0x3F, v56;
	v57 =	vld.idx.msk [tilespmem:v51+s14+$0x0], $0xffff  }
0x17d: {  	v61 =	vadd.s32 s21, v23;
	v29 =	vmul.bf16 v30, v29;
	v30 =	vmul.bf16 v32, v31;
	v31 =	vld.idx.msk [tilespmem:v51+s15+$0x0], $0xffff  }
0x17e: {  	v62 =	vor.u32 v27, v56;
	v51 =	vld.idx.msk [tilespmem:v53+s14+$0x0], $0xffff  }
0x17f: {  	v60 =	vadd.s32 s21, v20;
	v58 =	vadd.s32 s21, v5;
	v29 =	vadd.bf16 v30, v29;
	v30 =	vld.idx.msk [tilespmem:v53+s15+$0x0], $0xffff  }
0x180: {  	v58 =	vand.u32 $0x3F, v58;
	v34 =	vmul.bf16 v35, v34;
	v37 =	vmul.bf16 v38, v37;
	v35 =	vld.idx.msk [tilespmem:v55+s14+$0x0], $0xffff  }
0x181: {  	v58 =	vor.u32 v27, v58;
	v55 =	vld.idx.msk [tilespmem:v55+s15+$0x0], $0xffff  }
0x182: {  	v53 =	vadd.s32 s21, v18;
	v34 =	vadd.bf16 v37, v34;
	v37 =	vld.idx.msk [tilespmem:v61+s15+$0x0], $0xffff  }
0x183: {  	v38 =	vld.idx.msk [tilespmem:v62+s14+$0x0], $0xffff  }
0x184: {  	v63 =	vunpack.i.l.bf16.f32 v29;
	v32 =	vld.idx.msk [tilespmem:v62+s15+$0x0], $0xffff;
	v29 =	vunpack.i.u.bf16.f32 v29;
	v62 =	vunpack.i.l.bf16.f32 v34  }
0x185: {  	s21 =	sor.u32 $0x5, s17;
	v34 =	vunpack.i.u.bf16.f32 v34;
	v28 =	vadd.f32 v63, v28;
	v26 =	vadd.f32 v29, v26;
	v29 =	vld.idx.msk [tilespmem:v60+s14+$0x0], $0xffff  }
0x186: {  	v24 =	vadd.f32 v62, v24;
	v62 =	vadd.s32 s21, v5;
	v63 =	vmul.bf16 v39, v44;
	v39 =	vld.idx.msk [tilespmem:v58+s14+$0x0], $0xffff  }
0x187: {  	v33 =	vmul.bf16 v33, v40;
	v36 =	vmul.bf16 v36, v42;
	v42 =	vadd.s32 s21, v18;
	v40 =	vld.idx.msk [tilespmem:v53+s14+$0x0], $0xffff  }
0x188: {  	v52 =	vmul.bf16 v47, v52;
	v56 =	vmul.bf16 v41, v46;
	v41 =	vld.idx.msk [tilespmem:v61+s14+$0x0], $0xffff;
	v46 =	vadd.s32 s21, v20  }
0x189: {  	v61 =	vmul.bf16 v45, v50;
	v45 =	vld.idx.msk [tilespmem:v58+s15+$0x0], $0xffff;
	v58 =	vmul.bf16 v48, v54;
	v33 =	vadd.bf16 v36, v33  }
0x18a: {  	v50 =	vand.u32 $0x3F, v62;
	v31 =	vmul.bf16 v31, v57;
	v36 =	vld.idx.msk [tilespmem:v60+s15+$0x0], $0xffff;
	v60 =	vmul.bf16 v43, v49  }
0x18b: {  	v53 =	vld.idx.msk [tilespmem:v53+s15+$0x0], $0xffff;
	v49 =	vadd.s32 s21, v23;
	v59 =	vunpack.i.u.bf16.f32 v33;
	v33 =	vunpack.i.l.bf16.f32 v33  }
0x18c: {  	v43 =	vor.u32 v27, v50;
	v28 =	vadd.f32 v33, v28;
	v33 =	vadd.bf16 v56, v63;
	v56 =	vld.idx.msk [tilespmem:v42+s14+$0x0], $0xffff  }
0x18d: {  	v21 =	vadd.f32 v34, v21;
	v30 =	vmul.bf16 v30, v51;
	v35 =	vmul.bf16 v55, v35;
	s21 =	sor.u32 $0x6, s17;
	v42 =	vld.idx.msk [tilespmem:v42+s15+$0x0], $0xffff  }
0x18e: {  	v62 =	vadd.bf16 v58, v52;
	v32 =	vmul.bf16 v32, v38;
	v58 =	vadd.s32 s21, v23;
	v48 =	vld.idx.msk [tilespmem:v46+s14+$0x0], $0xffff  }
0x18f: {  	v30 =	vadd.bf16 v30, v31;
	v34 =	vadd.bf16 v61, v60;
	v60 =	vadd.s32 s21, v18;
	v46 =	vld.idx.msk [tilespmem:v46+s15+$0x0], $0xffff  }
0x190: {  	v26 =	vadd.f32 v59, v26;
	v57 =	vunpack.i.u.bf16.f32 v62;
	v32 =	vadd.bf16 v32, v35;
	v44 =	vld.idx.msk [tilespmem:v49+s14+$0x0], $0xffff  }
0x191: {  	v59 =	vunpack.i.l.bf16.f32 v34;
	v61 =	vunpack.i.u.bf16.f32 v34;
	v63 =	vunpack.i.l.bf16.f32 v33;
	v51 =	vld.idx.msk [tilespmem:v43+s14+$0x0], $0xffff  }
0x192: {  	v33 =	vunpack.i.u.bf16.f32 v33;
	v28 =	vadd.f32 v59, v28;
	v38 =	vld.idx.msk [tilespmem:v43+s15+$0x0], $0xffff;
	v59 =	vadd.s32 s21, v5  }
0x193: {  	v24 =	vadd.f32 v63, v24;
	v21 =	vadd.f32 v33, v21;
	v33 =	vld.idx.msk [tilespmem:v49+s15+$0x0], $0xffff;
	v63 =	vadd.s32 s21, v20  }
0x194: {  	v34 =	vunpack.i.l.bf16.f32 v62;
	v40 =	vmul.bf16 v53, v40;
	v52 =	vand.u32 $0x3F, v59;
	v31 =	vld.idx.msk [tilespmem:v60+s14+$0x0], $0xffff  }
0x195: {  	v29 =	vmul.bf16 v36, v29;
	v24 =	vadd.f32 v34, v24;
	v34 =	vld.idx.msk [tilespmem:v60+s15+$0x0], $0xffff;
	v60 =	vor.u32 v27, v52  }
0x196: {  	v26 =	vadd.f32 v61, v26;
	v61 =	vunpack.i.u.bf16.f32 v30;
	v30 =	vunpack.i.l.bf16.f32 v30;
	s21 =	sor.u32 $0x7, s17;
	v50 =	vld.idx.msk [tilespmem:v58+s14+$0x0], $0xffff  }
0x197: {  	v62 =	vadd.s32 s21, v18;
	v28 =	vadd.f32 v30, v28;
	v29 =	vadd.bf16 v29, v40;
	v40 =	vld.idx.msk [tilespmem:v58+s15+$0x0], $0xffff  }
0x198: {  	v26 =	vadd.f32 v61, v26;
	v30 =	vunpack.i.u.bf16.f32 v32;
	v32 =	vunpack.i.l.bf16.f32 v32;
	v35 =	vld.idx.msk [tilespmem:v63+s14+$0x0], $0xffff  }
0x199: {  	v43 =	vadd.s32 s21, v20;
	v59 =	vadd.s32 s21, v23;
	v21 =	vadd.f32 v57, v21;
	v36 =	vld.idx.msk [tilespmem:v63+s15+$0x0], $0xffff  }
0x19a: {  	v57 =	vmul.bf16 v45, v39;
	v58 =	vunpack.i.l.bf16.f32 v29;
	v29 =	vunpack.i.u.bf16.f32 v29;
	v39 =	vld.idx.msk [tilespmem:v60+s14+$0x0], $0xffff  }
0x19b: {  	v24 =	vadd.f32 v32, v24;
	v21 =	vadd.f32 v30, v21;
	v45 =	vld.idx.msk [tilespmem:v60+s15+$0x0], $0xffff;
	v60 =	vadd.s32 s21, v5  }
0x19c: {  	v26 =	vadd.f32 v29, v26;
	v63 =	vmul.bf16 v37, v41;
	v30 =	vld.idx.msk [tilespmem:v62+s14+$0x0], $0xffff;
	v61 =	vand.u32 $0x3F, v60  }
0x19d: {  	v38 =	vmul.bf16 v38, v51;
	v33 =	vmul.bf16 v33, v44;
	v62 =	vld.idx.msk [tilespmem:v62+s15+$0x0], $0xffff;
	v41 =	vor.u32 v27, v61  }
0x19e: {  	v29 =	vmul.bf16 v42, v56;
	v53 =	vld.idx.msk [tilespmem:v59+s14+$0x0], $0xffff;
	v32 =	vadd.bf16 v57, v63;
	v63 =	vmul.bf16 v46, v48  }
0x19f: {  	v28 =	vadd.f32 v58, v28;
	v48 =	vld.idx.msk [tilespmem:v43+s14+$0x0], $0xffff;
	v54 =	vadd.bf16 v38, v33;
	v31 =	vmul.bf16 v34, v31  }
0x1a0: {  	v43 =	vld.idx.msk [tilespmem:v43+s15+$0x0], $0xffff;
	v52 =	vunpack.i.l.bf16.f32 v32;
	v32 =	vunpack.i.u.bf16.f32 v32;
	v29 =	vadd.bf16 v63, v29  }
0x1a1: {  	v55 =	vld.idx.msk [tilespmem:v59+s15+$0x0], $0xffff;
	v24 =	vadd.f32 v52, v24;
	v21 =	vadd.f32 v32, v21;
	v35 =	vmul.bf16 v36, v35  }
0x1a2: {  	v56 =	vunpack.i.u.bf16.f32 v29;
	v29 =	vunpack.i.l.bf16.f32 v29;
	v30 =	vmul.bf16 v62, v30;
	v57 =	vld.idx.msk [tilespmem:v41+s14+$0x0], $0xffff  }
0x1a3: {  	v28 =	vadd.f32 v29, v28;
	v29 =	vunpack.i.l.bf16.f32 v54;
	v59 =	vmul.bf16 v45, v39;
	v58 =	vld.idx.msk [tilespmem:v41+s15+$0x0], $0xffff  }
0x1a4: {  	v24 =	vadd.f32 v29, v24;
	v29 =	vadd.bf16 v35, v31;
	v31 =	vunpack.i.u.bf16.f32 v54  }
0x1a5: {  	v60 =	vmul.bf16 v43, v48;
	v21 =	vadd.f32 v31, v21;
	v31 =	vmul.bf16 v40, v50  }
0x1a6: {  	v62 =	vmul.bf16 v55, v53;
	v26 =	vadd.f32 v56, v26  }
0x1a7: {  	v30 =	vadd.bf16 v60, v30;
	v61 =	vunpack.i.l.bf16.f32 v29;
	v31 =	vadd.bf16 v59, v31  }
0x1a8: {  	p1 =	por p0, p0;
	v29 =	vunpack.i.u.bf16.f32 v29;
	v28 =	vadd.f32 v61, v28;
	v63 =	vmul.bf16 v58, v57  }
.Ltmp5:
0x1a9: {  	v26 =	vadd.f32 v29, v26;
	v29 =	vunpack.i.u.bf16.f32 v31;
	v31 =	vunpack.i.l.bf16.f32 v31;
	(pc) =	sbr.rel @p1 .LBB2_9-.Ltmp5, $4  }
0x1aa: {  	v24 =	vadd.f32 v31, v24;
	v31 =	vunpack.i.l.bf16.f32 v30;
	v32 =	vadd.bf16 v63, v62  }
0x1ab: {  	v21 =	vadd.f32 v29, v21;
	v29 =	vunpack.i.u.bf16.f32 v30;
	v28 =	vadd.f32 v31, v28  }
0x1ac: {  	v26 =	vadd.f32 v29, v26;
	v29 =	vunpack.i.u.bf16.f32 v32;
	v30 =	vunpack.i.l.bf16.f32 v32  }
0x1ad: {  	p0 =	por $0x0, $0x0;
	s17 =	simm.s32 $0x8;
	v24 =	vadd.f32 v30, v24;
	v21 =	vadd.f32 v29, v21  }
0x1ae: {  	_ = 	snop  }
0x1af: {  	v26 =	vadd.f32 v26, v28;
	v21 =	vadd.f32 v21, v24;
	_ =	sdelay $0x1  }
0x1b0: {  	v21 =	vadd.f32 v21, v26;
	_ =	sdelay $0x1  }
0x1b1: {  	v21 =	vsub.f32 $0.0e+00, v21;
	_ =	sdelay $0x1  }
0x1b2: {  	v21 =	vmul.f32 $1.442695020e+00, v21;
	_ =	sdelay $0x1  }
0x1b3: {  	(erf) = vpow2.f32 v21;
	_ =	sdelay $0x8  }
0x1b4: {  	v21 =	vpop (erf)  }
0x1b5: {  	v21 =	vadd.f32 $1.000000000e+00, v21;
	_ =	sdelay $0x1  }
0x1b6: {  	(erf) = vrcp.f32 v21;
	_ =	sdelay $0x8  }
0x1b7: {  	v29 =	vimm.f32 $0.0e+00;
	v21 =	vpop (erf)  }
0x1b8: {  	s17 =	simm.s32 $0x0;
	p0 =	por $0x1, $0x1;
	v30 =	vimm.f32 $0.0e+00;
	v31 =	vimm.f32 $0.0e+00;
	v32 =	vimm.f32 $0.0e+00;
	[tilespmem:s3+$0xC650] =	vst v21  }
.LBB2_11:
0x1b9: {  	v21 =	vadd.s32 s17, v0  }
0x1ba: {  	v21 =	vand.u32 $0x18, v21  }
0x1bb: {  	v24 =	vadd.s32 s17, v3;
	v21 =	vor.u32 v14, v21  }
0x1bc: {  	v24 =	vand.u32 $0x38, v24  }
0x1bd: {  	v26 =	vadd.s32 s17, v4;
	v24 =	vor.u32 v14, v24  }
0x1be: {  	v26 =	vand.u32 $0x38, v26  }
0x1bf: {  	v28 =	vadd.s32 s17, v5;
	v26 =	vor.u32 v14, v26  }
0x1c0: {  	v28 =	vand.u32 $0x38, v28;
	v33 =	vld.idx.msk [tilespmem:v21+s14+$0x0], $0xffff  }
0x1c1: {  	v28 =	vor.u32 v14, v28;
	v34 =	vld.idx.msk [tilespmem:v21+s15+$0x0], $0xffff  }
0x1c2: {  	s19 =	sor.u32 $0x1, s17;
	v35 =	vld.idx.msk [tilespmem:v24+s14+$0x0], $0xffff;
	v21 =	vor.u32 $0x1000, v2  }
0x1c3: {  	v36 =	vld.idx.msk [tilespmem:v24+s15+$0x0], $0xffff;
	v37 =	vadd.s32 s19, v21  }
0x1c4: {  	v38 =	vld.idx.msk [tilespmem:v26+s14+$0x0], $0xffff;
	v24 =	vadd.s32 $0x1010, v2  }
0x1c5: {  	v39 =	vld.idx.msk [tilespmem:v26+s15+$0x0], $0xffff;
	v40 =	vadd.s32 s19, v24  }
0x1c6: {  	v41 =	vld.idx.msk [tilespmem:v28+s14+$0x0], $0xffff;
	v26 =	vadd.s32 $0x1020, v2  }
0x1c7: {  	v42 =	vld.idx.msk [tilespmem:v28+s15+$0x0], $0xffff;
	v43 =	vadd.s32 s19, v26  }
0x1c8: {  	s21 =	sor.u32 $0x2, s17;
	v44 =	vld.idx.msk [tilespmem:v37+s14+$0x0], $0xffff  }
0x1c9: {  	v47 =	vadd.s32 s21, v21;
	v37 =	vld.idx.msk [tilespmem:v37+s15+$0x0], $0xffff  }
0x1ca: {  	v46 =	vld.idx.msk [tilespmem:v40+s14+$0x0], $0xffff  }
0x1cb: {  	v49 =	vadd.s32 s21, v24;
	v40 =	vld.idx.msk [tilespmem:v40+s15+$0x0], $0xffff  }
0x1cc: {  	v48 =	vld.idx.msk [tilespmem:v43+s14+$0x0], $0xffff  }
0x1cd: {  	v28 =	vadd.s32 s19, v5;
	v51 =	vadd.s32 s21, v26;
	v43 =	vld.idx.msk [tilespmem:v43+s15+$0x0], $0xffff  }
0x1ce: {  	v45 =	vand.u32 $0x3F, v28;
	v28 =	vor.u32 $0x1000, v8;
	v53 =	vld.idx.msk [tilespmem:v47+s14+$0x0], $0xffff  }
0x1cf: {  	v52 =	vadd.s32 s21, v5;
	v45 =	vor.u32 v28, v45;
	v47 =	vld.idx.msk [tilespmem:v47+s15+$0x0], $0xffff  }
0x1d0: {  	v52 =	vand.u32 $0x3F, v52;
	v54 =	vld.idx.msk [tilespmem:v49+s14+$0x0], $0xffff  }
0x1d1: {  	v52 =	vor.u32 v28, v52;
	v49 =	vld.idx.msk [tilespmem:v49+s15+$0x0], $0xffff  }
0x1d2: {  	s21 =	sor.u32 $0x3, s17;
	v56 =	vld.idx.msk [tilespmem:v51+s14+$0x0], $0xffff  }
0x1d3: {  	v55 =	vadd.s32 s21, v21;
	v51 =	vld.idx.msk [tilespmem:v51+s15+$0x0], $0xffff  }
0x1d4: {  	v50 =	vld.idx.msk [tilespmem:v45+s14+$0x0], $0xffff  }
0x1d5: {  	v57 =	vadd.s32 s21, v24;
	v45 =	vld.idx.msk [tilespmem:v45+s15+$0x0], $0xffff  }
0x1d6: {  	v58 =	vld.idx.msk [tilespmem:v52+s14+$0x0], $0xffff  }
0x1d7: {  	v59 =	vadd.s32 s21, v26;
	v60 =	vadd.s32 s21, v5;
	v52 =	vld.idx.msk [tilespmem:v52+s15+$0x0], $0xffff  }
0x1d8: {  	v60 =	vand.u32 $0x3F, v60;
	v61 =	vld.idx.msk [tilespmem:v55+s14+$0x0], $0xffff  }
0x1d9: {  	v33 =	vmul.bf16 v34, v33;
	v62 =	vmul.bf16 v36, v35;
	v36 =	vor.u32 v28, v60;
	v35 =	vld.idx.msk [tilespmem:v55+s15+$0x0], $0xffff  }
0x1da: {  	s21 =	sor.u32 $0x4, s17;
	v38 =	vmul.bf16 v39, v38;
	v55 =	vld.idx.msk [tilespmem:v57+s14+$0x0], $0xffff  }
0x1db: {  	v41 =	vmul.bf16 v42, v41;
	v60 =	vadd.s32 s21, v24;
	v33 =	vadd.bf16 v62, v33;
	v34 =	vld.idx.msk [tilespmem:v57+s15+$0x0], $0xffff  }
0x1dc: {  	v57 =	vadd.s32 s21, v21;
	v39 =	vld.idx.msk [tilespmem:v59+s14+$0x0], $0xffff  }
0x1dd: {  	v59 =	vld.idx.msk [tilespmem:v59+s15+$0x0], $0xffff;
	v38 =	vadd.bf16 v41, v38;
	v62 =	vadd.s32 s21, v5;
	v42 =	vunpack.i.l.bf16.f32 v33  }
0x1de: {  	v41 =	vadd.s32 s21, v26;
	v62 =	vand.u32 $0x3F, v62;
	v32 =	vadd.f32 v42, v32;
	v42 =	vld.idx.msk [tilespmem:v36+s14+$0x0], $0xffff  }
0x1df: {  	v33 =	vunpack.i.u.bf16.f32 v33;
	v62 =	vor.u32 v28, v62;
	v36 =	vld.idx.msk [tilespmem:v36+s15+$0x0], $0xffff  }
0x1e0: {  	v31 =	vadd.f32 v33, v31;
	v33 =	vld.idx.msk [tilespmem:v60+s14+$0x0], $0xffff;
	v40 =	vmul.bf16 v40, v46;
	v46 =	vunpack.i.l.bf16.f32 v38  }
0x1e1: {  	s21 =	sor.u32 $0x5, s17;
	v37 =	vmul.bf16 v37, v44;
	v38 =	vunpack.i.u.bf16.f32 v38;
	v44 =	vld.idx.msk [tilespmem:v57+s14+$0x0], $0xffff;
	v30 =	vadd.f32 v46, v30  }
0x1e2: {  	v57 =	vld.idx.msk [tilespmem:v57+s15+$0x0], $0xffff;
	v46 =	vadd.s32 s21, v21;
	v29 =	vadd.f32 v38, v29;
	v63 =	vmul.bf16 v45, v50  }
0x1e3: {  	v45 =	vld.idx.msk [tilespmem:v41+s14+$0x0], $0xffff;
	v35 =	vmul.bf16 v35, v61;
	v34 =	vmul.bf16 v34, v55;
	v37 =	vadd.bf16 v40, v37  }
0x1e4: {  	v38 =	vmul.bf16 v43, v48;
	v41 =	vld.idx.msk [tilespmem:v41+s15+$0x0], $0xffff;
	v50 =	vadd.s32 s21, v24;
	v39 =	vmul.bf16 v59, v39  }
0x1e5: {  	v40 =	vld.idx.msk [tilespmem:v60+s15+$0x0], $0xffff;
	v34 =	vadd.bf16 v34, v35;
	v60 =	vunpack.i.u.bf16.f32 v37;
	v37 =	vunpack.i.l.bf16.f32 v37  }
0x1e6: {  	v43 =	vld.idx.msk [tilespmem:v62+s14+$0x0], $0xffff;
	v32 =	vadd.f32 v37, v32;
	v37 =	vadd.bf16 v63, v38;
	v38 =	vmul.bf16 v47, v53  }
0x1e7: {  	v47 =	vmul.bf16 v49, v54;
	v49 =	vld.idx.msk [tilespmem:v62+s15+$0x0], $0xffff;
	v53 =	vadd.s32 s21, v26;
	v54 =	vadd.s32 s21, v5  }
0x1e8: {  	v36 =	vmul.bf16 v36, v42;
	v31 =	vadd.f32 v60, v31;
	v60 =	vld.idx.msk [tilespmem:v46+s14+$0x0], $0xffff;
	v54 =	vand.u32 $0x3F, v54  }
0x1e9: {  	v46 =	vld.idx.msk [tilespmem:v46+s15+$0x0], $0xffff;
	v48 =	vunpack.i.l.bf16.f32 v37;
	v38 =	vadd.bf16 v47, v38;
	v47 =	vor.u32 v28, v54  }
0x1ea: {  	v62 =	vmul.bf16 v52, v58;
	s21 =	sor.u32 $0x6, s17;
	v52 =	vld.idx.msk [tilespmem:v50+s14+$0x0], $0xffff;
	v30 =	vadd.f32 v48, v30;
	v48 =	vmul.bf16 v51, v56  }
0x1eb: {  	v61 =	vunpack.i.u.bf16.f32 v34;
	v50 =	vld.idx.msk [tilespmem:v50+s15+$0x0], $0xffff;
	v37 =	vunpack.i.u.bf16.f32 v37;
	v54 =	vadd.s32 s21, v21  }
0x1ec: {  	v63 =	vunpack.i.l.bf16.f32 v38;
	v58 =	vunpack.i.u.bf16.f32 v38;
	v38 =	vadd.bf16 v62, v48;
	v48 =	vld.idx.msk [tilespmem:v53+s14+$0x0], $0xffff  }
0x1ed: {  	v34 =	vunpack.i.l.bf16.f32 v34;
	v29 =	vadd.f32 v37, v29;
	v51 =	vadd.s32 s21, v24;
	v37 =	vld.idx.msk [tilespmem:v53+s15+$0x0], $0xffff  }
0x1ee: {  	v36 =	vadd.bf16 v36, v39;
	v44 =	vmul.bf16 v57, v44;
	v33 =	vmul.bf16 v40, v33;
	v55 =	vld.idx.msk [tilespmem:v47+s14+$0x0], $0xffff  }
0x1ef: {  	v32 =	vadd.f32 v63, v32;
	v63 =	vadd.s32 s21, v5;
	v42 =	vld.idx.msk [tilespmem:v47+s15+$0x0], $0xffff;
	v47 =	vadd.s32 s21, v26  }
0x1f0: {  	v56 =	vand.u32 $0x3F, v63;
	v62 =	vunpack.i.u.bf16.f32 v38;
	v38 =	vunpack.i.l.bf16.f32 v38;
	v35 =	vld.idx.msk [tilespmem:v54+s14+$0x0], $0xffff  }
0x1f1: {  	v31 =	vadd.f32 v58, v31;
	v59 =	vor.u32 v28, v56;
	v30 =	vadd.f32 v38, v30;
	v38 =	vld.idx.msk [tilespmem:v54+s15+$0x0], $0xffff  }
0x1f2: {  	v33 =	vadd.bf16 v33, v44;
	s21 =	sor.u32 $0x7, s17;
	v32 =	vadd.f32 v34, v32;
	v39 =	vld.idx.msk [tilespmem:v51+s14+$0x0], $0xffff  }
0x1f3: {  	v31 =	vadd.f32 v61, v31;
	v29 =	vadd.f32 v62, v29;
	v40 =	vld.idx.msk [tilespmem:v51+s15+$0x0], $0xffff;
	v51 =	vadd.s32 s21, v21  }
0x1f4: {  	v62 =	vunpack.i.u.bf16.f32 v36;
	v36 =	vunpack.i.l.bf16.f32 v36;
	v53 =	vadd.s32 s21, v26;
	v54 =	vld.idx.msk [tilespmem:v47+s14+$0x0], $0xffff  }
0x1f5: {  	v61 =	vadd.s32 s21, v5;
	v30 =	vadd.f32 v36, v30;
	v36 =	vmul.bf16 v41, v45;
	v44 =	vld.idx.msk [tilespmem:v47+s15+$0x0], $0xffff  }
0x1f6: {  	v41 =	vmul.bf16 v49, v43;
	v29 =	vadd.f32 v62, v29;
	v62 =	vand.u32 $0x3F, v61;
	v43 =	vld.idx.msk [tilespmem:v59+s14+$0x0], $0xffff  }
0x1f7: {  	v63 =	vunpack.i.l.bf16.f32 v33;
	v45 =	vor.u32 v28, v62;
	v49 =	vld.idx.msk [tilespmem:v59+s15+$0x0], $0xffff  }
0x1f8: {  	v56 =	vmul.bf16 v50, v52;
	v32 =	vadd.f32 v63, v32;
	v34 =	vld.idx.msk [tilespmem:v51+s14+$0x0], $0xffff  }
0x1f9: {  	v63 =	vmul.bf16 v46, v60;
	v47 =	vadd.s32 s21, v24;
	v36 =	vadd.bf16 v41, v36;
	v41 =	vld.idx.msk [tilespmem:v51+s15+$0x0], $0xffff  }
0x1fa: {  	v33 =	vunpack.i.u.bf16.f32 v33;
	v59 =	vld.idx.msk [tilespmem:v53+s14+$0x0], $0xffff  }
0x1fb: {  	v31 =	vadd.f32 v33, v31;
	v37 =	vmul.bf16 v37, v48;
	v33 =	vadd.bf16 v56, v63;
	v61 =	vld.idx.msk [tilespmem:v53+s15+$0x0], $0xffff  }
0x1fc: {  	v42 =	vmul.bf16 v42, v55;
	v35 =	vmul.bf16 v38, v35;
	v63 =	vld.idx.msk [tilespmem:v45+s14+$0x0], $0xffff  }
0x1fd: {  	v62 =	vunpack.i.u.bf16.f32 v33;
	v33 =	vunpack.i.l.bf16.f32 v33;
	v39 =	vmul.bf16 v40, v39;
	v48 =	vld.idx.msk [tilespmem:v45+s15+$0x0], $0xffff  }
0x1fe: {  	v58 =	vunpack.i.l.bf16.f32 v36;
	v60 =	vadd.bf16 v42, v37;
	v32 =	vadd.f32 v33, v32;
	v57 =	vld.idx.msk [tilespmem:v47+s14+$0x0], $0xffff  }
0x1ff: {  	v36 =	vunpack.i.u.bf16.f32 v36;
	v31 =	vadd.f32 v62, v31;
	v30 =	vadd.f32 v58, v30;
	v47 =	vld.idx.msk [tilespmem:v47+s15+$0x0], $0xffff  }
0x200: {  	v29 =	vadd.f32 v36, v29;
	v51 =	vadd.bf16 v39, v35;
	v42 =	vunpack.i.l.bf16.f32 v60  }
0x201: {  	v52 =	vunpack.i.u.bf16.f32 v60;
	v53 =	vmul.bf16 v44, v54;
	v54 =	vmul.bf16 v49, v43  }
0x202: {  	v30 =	vadd.f32 v42, v30;
	v29 =	vadd.f32 v52, v29;
	v56 =	vunpack.i.l.bf16.f32 v51  }
0x203: {  	v34 =	vmul.bf16 v41, v34;
	v35 =	vadd.bf16 v54, v53;
	v58 =	vmul.bf16 v48, v63  }
0x204: {  	v33 =	vunpack.i.u.bf16.f32 v51;
	v55 =	vmul.bf16 v47, v57;
	v57 =	vmul.bf16 v61, v59  }
0x205: {  	p1 =	por p0, p0;
	v32 =	vadd.f32 v56, v32;
	v31 =	vadd.f32 v33, v31;
	v59 =	vunpack.i.u.bf16.f32 v35  }
.Ltmp6:
0x206: {  	v35 =	vunpack.i.l.bf16.f32 v35;
	v34 =	vadd.bf16 v55, v34;
	v36 =	vadd.bf16 v58, v57;
	(pc) =	sbr.rel @p1 .LBB2_11-.Ltmp6, $4  }
0x207: {  	v30 =	vadd.f32 v35, v30;
	v29 =	vadd.f32 v59, v29  }
0x208: {  	v60 =	vunpack.i.l.bf16.f32 v34;
	v61 =	vunpack.i.u.bf16.f32 v34;
	v62 =	vunpack.i.u.bf16.f32 v36  }
0x209: {  	v63 =	vunpack.i.l.bf16.f32 v36;
	v32 =	vadd.f32 v60, v32;
	v31 =	vadd.f32 v61, v31  }
0x20a: {  	p0 =	por $0x0, $0x0;
	s17 =	simm.s32 $0x8;
	v30 =	vadd.f32 v63, v30;
	v29 =	vadd.f32 v62, v29  }
0x20b: {  	_ = 	snop  }
0x20c: {  	v31 =	vadd.f32 v31, v32;
	v29 =	vadd.f32 v29, v30;
	_ =	sdelay $0x1  }
0x20d: {  	v29 =	vadd.f32 v29, v31;
	_ =	sdelay $0x1  }
0x20e: {  	v29 =	vsub.f32 $0.0e+00, v29;
	_ =	sdelay $0x1  }
0x20f: {  	v29 =	vmul.f32 $1.442695020e+00, v29;
	_ =	sdelay $0x1  }
0x210: {  	(erf) = vpow2.f32 v29;
	_ =	sdelay $0x8  }
0x211: {  	v29 =	vpop (erf)  }
0x212: {  	v29 =	vadd.f32 $1.000000000e+00, v29;
	_ =	sdelay $0x1  }
0x213: {  	(erf) = vrcp.f32 v29;
	_ =	sdelay $0x8  }
0x214: {  	p0 =	seq.s32 s0, $0x29;
	v29 =	vpop (erf)  }
0x215: {  	s17 =	sadd.s32 @!p0 $0xF0, s3;
	s19 =	simm.s32 @!p0 $0x50;
	s21 =	simm.s32 @!p0 $0x4E20;
	[tilespmem:s3+$0xC660] =	vst v29  }
0x216: {  	[tilespmem:s21], [sflag:$0x1] =	stream.indirect.gather @!p0 [spmem:s1], $0x40, s17, s19, $0xb8;
	[tilespmem:$0x18970] =	vst v63  }
0x217: {  	s17 =	sadd.s32 @!p0 $0x2800, s3;
	s21 =	simm.s32 @!p0 $0x8A20  }
0x218: {  	[tilespmem:s21], [sflag:$0x2] =	stream.indirect.gather @!p0 [spmem:s1], $0x40, s17, s19, $0xb8;
	[tilespmem:$0x18970] =	vst v63  }
0x219: {  	_ =	swait.ge [sflag:s25], $0x1400  }
0x21a: {  	[sflag:s25] =	ssyncset.done $0x0  }
0x21b: {  	[sflag:s25] =	ssyncadd.s32 $0xFFFFEC00  }
0x21c: {  	_ =	swait.ge [sflag:s26], $0x1400  }
0x21d: {  	v32 =	vimm.f32 $0.0e+00;
	[sflag:s26] =	ssyncset.done $0x0  }
0x21e: {  	p1 =	por $0x1, $0x1;
	v30 =	vimm.f32 $0.0e+00;
	v31 =	vimm.f32 $0.0e+00;
	v29 =	vimm.f32 $0.0e+00;
	s17 =	simm.s32 $0x0;
	[sflag:s26] =	ssyncadd.s32 $0xFFFFEC00  }
.LBB2_13:
0x21f: {  	s19 =	sor.u32 $0x1, s17  }
0x220: {  	v39 =	vadd.s32 s19, v2;
	_ =	sdelay $0x1  }
0x221: {  	v41 =	vadd.s32 s19, v6;
	_ =	sdelay $0x1  }
0x222: {  	v43 =	vadd.s32 s19, v7  }
0x223: {  	s21 =	sor.u32 $0x2, s17;
	v45 =	vld.idx.msk [tilespmem:v39+s16+$0x0], $0xffff  }
0x224: {  	v47 =	vadd.s32 s21, v2;
	v39 =	vld.idx.msk [tilespmem:v39+s18+$0x0], $0xffff  }
0x225: {  	v46 =	vld.idx.msk [tilespmem:v41+s16+$0x0], $0xffff  }
0x226: {  	v49 =	vadd.s32 s21, v6;
	v41 =	vld.idx.msk [tilespmem:v41+s18+$0x0], $0xffff  }
0x227: {  	v48 =	vld.idx.msk [tilespmem:v43+s16+$0x0], $0xffff  }
0x228: {  	v33 =	vadd.s32 s17, v0;
	v51 =	vadd.s32 s21, v7;
	v43 =	vld.idx.msk [tilespmem:v43+s18+$0x0], $0xffff  }
0x229: {  	v33 =	vand.u32 $0x18, v33;
	v53 =	vld.idx.msk [tilespmem:v47+s16+$0x0], $0xffff  }
0x22a: {  	v34 =	vadd.s32 s17, v3;
	v33 =	vor.u32 v1, v33;
	v47 =	vld.idx.msk [tilespmem:v47+s18+$0x0], $0xffff  }
0x22b: {  	v34 =	vand.u32 $0x38, v34;
	v54 =	vld.idx.msk [tilespmem:v49+s16+$0x0], $0xffff  }
0x22c: {  	v35 =	vadd.s32 s17, v4;
	v34 =	vor.u32 v1, v34;
	v49 =	vld.idx.msk [tilespmem:v49+s18+$0x0], $0xffff  }
0x22d: {  	v35 =	vand.u32 $0x38, v35;
	v56 =	vld.idx.msk [tilespmem:v51+s16+$0x0], $0xffff  }
0x22e: {  	v36 =	vadd.s32 s17, v5;
	v35 =	vor.u32 v1, v35;
	v51 =	vld.idx.msk [tilespmem:v51+s18+$0x0], $0xffff  }
0x22f: {  	v36 =	vand.u32 $0x38, v36;
	v37 =	vld.idx.msk [tilespmem:v33+s16+$0x0], $0xffff  }
0x230: {  	v36 =	vor.u32 v1, v36;
	v33 =	vld.idx.msk [tilespmem:v33+s18+$0x0], $0xffff  }
0x231: {  	v44 =	vadd.s32 s19, v5;
	v52 =	vadd.s32 s21, v5;
	s21 =	sor.u32 $0x3, s17;
	v38 =	vld.idx.msk [tilespmem:v34+s16+$0x0], $0xffff  }
0x232: {  	v44 =	vand.u32 $0x3F, v44;
	v55 =	vadd.s32 s21, v2;
	v34 =	vld.idx.msk [tilespmem:v34+s18+$0x0], $0xffff  }
0x233: {  	v44 =	vor.u32 v8, v44;
	v40 =	vld.idx.msk [tilespmem:v35+s16+$0x0], $0xffff  }
0x234: {  	v52 =	vand.u32 $0x3F, v52;
	v35 =	vld.idx.msk [tilespmem:v35+s18+$0x0], $0xffff  }
0x235: {  	v52 =	vor.u32 v8, v52;
	v42 =	vld.idx.msk [tilespmem:v36+s16+$0x0], $0xffff  }
0x236: {  	v36 =	vld.idx.msk [tilespmem:v36+s18+$0x0], $0xffff  }
0x237: {  	v61 =	vld.idx.msk [tilespmem:v55+s16+$0x0], $0xffff  }
0x238: {  	v57 =	vadd.s32 s21, v6;
	v50 =	vld.idx.msk [tilespmem:v44+s16+$0x0], $0xffff  }
0x239: {  	v59 =	vadd.s32 s21, v7;
	v44 =	vld.idx.msk [tilespmem:v44+s18+$0x0], $0xffff  }
0x23a: {  	v60 =	vadd.s32 s21, v5;
	s21 =	sor.u32 $0x4, s17;
	v58 =	vld.idx.msk [tilespmem:v52+s16+$0x0], $0xffff  }
0x23b: {  	v60 =	vand.u32 $0x3F, v60;
	v62 =	vadd.s32 s21, v5;
	v52 =	vld.idx.msk [tilespmem:v52+s18+$0x0], $0xffff  }
0x23c: {  	v33 =	vmul.bf16 v33, v37;
	v34 =	vmul.bf16 v34, v38;
	v37 =	vld.idx.msk [tilespmem:v55+s18+$0x0], $0xffff;
	v38 =	vor.u32 v8, v60  }
0x23d: {  	v62 =	vand.u32 $0x3F, v62;
	v55 =	vld.idx.msk [tilespmem:v57+s16+$0x0], $0xffff  }
0x23e: {  	v35 =	vmul.bf16 v35, v40;
	v40 =	vld.idx.msk [tilespmem:v59+s16+$0x0], $0xffff;
	v60 =	vadd.s32 s21, v6;
	v33 =	vadd.bf16 v34, v33  }
0x23f: {  	v62 =	vor.u32 v8, v62;
	v59 =	vld.idx.msk [tilespmem:v59+s18+$0x0], $0xffff  }
0x240: {  	v39 =	vmul.bf16 v39, v45;
	v36 =	vmul.bf16 v36, v42;
	v34 =	vld.idx.msk [tilespmem:v57+s18+$0x0], $0xffff;
	v42 =	vunpack.i.l.bf16.f32 v33  }
0x241: {  	v41 =	vmul.bf16 v41, v46;
	v57 =	vadd.s32 s21, v2;
	v32 =	vadd.f32 v42, v32;
	v42 =	vld.idx.msk [tilespmem:v38+s16+$0x0], $0xffff  }
0x242: {  	v35 =	vadd.bf16 v36, v35;
	v33 =	vunpack.i.u.bf16.f32 v33;
	v36 =	vld.idx.msk [tilespmem:v38+s18+$0x0], $0xffff  }
0x243: {  	v39 =	vadd.bf16 v41, v39;
	v31 =	vadd.f32 v33, v31;
	v33 =	vld.idx.msk [tilespmem:v60+s16+$0x0], $0xffff  }
0x244: {  	v46 =	vunpack.i.l.bf16.f32 v35;
	v35 =	vunpack.i.u.bf16.f32 v35;
	v38 =	vadd.s32 s21, v7;
	v41 =	vld.idx.msk [tilespmem:v60+s18+$0x0], $0xffff  }
0x245: {  	s21 =	sor.u32 $0x5, s17;
	v29 =	vadd.f32 v35, v29;
	v35 =	vmul.bf16 v43, v48;
	v43 =	vld.idx.msk [tilespmem:v62+s16+$0x0], $0xffff  }
0x246: {  	v63 =	vmul.bf16 v44, v50;
	v30 =	vadd.f32 v46, v30;
	v46 =	vadd.s32 s21, v2;
	v45 =	vld.idx.msk [tilespmem:v57+s16+$0x0], $0xffff  }
0x247: {  	v60 =	vunpack.i.u.bf16.f32 v39;
	v39 =	vunpack.i.l.bf16.f32 v39;
	v50 =	vadd.s32 s21, v6;
	v57 =	vld.idx.msk [tilespmem:v57+s18+$0x0], $0xffff  }
0x248: {  	v32 =	vadd.f32 v39, v32;
	v39 =	vmul.bf16 v47, v53;
	v47 =	vmul.bf16 v49, v54;
	v49 =	vld.idx.msk [tilespmem:v62+s18+$0x0], $0xffff  }
0x249: {  	v61 =	vmul.bf16 v37, v61;
	v40 =	vmul.bf16 v59, v40;
	v44 =	vld.idx.msk [tilespmem:v38+s16+$0x0], $0xffff  }
0x24a: {  	v35 =	vadd.bf16 v63, v35;
	v53 =	vadd.s32 s21, v7;
	v54 =	vadd.s32 s21, v5;
	v38 =	vld.idx.msk [tilespmem:v38+s18+$0x0], $0xffff  }
0x24b: {  	v31 =	vadd.f32 v60, v31;
	v34 =	vmul.bf16 v34, v55;
	v54 =	vand.u32 $0x3F, v54;
	v60 =	vld.idx.msk [tilespmem:v46+s16+$0x0], $0xffff  }
0x24c: {  	v48 =	vunpack.i.l.bf16.f32 v35;
	v39 =	vadd.bf16 v47, v39;
	v47 =	vor.u32 v8, v54;
	v46 =	vld.idx.msk [tilespmem:v46+s18+$0x0], $0xffff  }
0x24d: {  	v62 =	vmul.bf16 v52, v58;
	s21 =	sor.u32 $0x6, s17;
	v30 =	vadd.f32 v48, v30;
	v48 =	vmul.bf16 v51, v56;
	v52 =	vld.idx.msk [tilespmem:v50+s16+$0x0], $0xffff  }
0x24e: {  	v35 =	vunpack.i.u.bf16.f32 v35;
	v54 =	vadd.s32 s21, v2;
	v34 =	vadd.bf16 v34, v61;
	v50 =	vld.idx.msk [tilespmem:v50+s18+$0x0], $0xffff  }
0x24f: {  	v63 =	vunpack.i.l.bf16.f32 v39;
	v58 =	vunpack.i.u.bf16.f32 v39;
	v39 =	vadd.bf16 v62, v48;
	v48 =	vld.idx.msk [tilespmem:v53+s16+$0x0], $0xffff  }
0x250: {  	v29 =	vadd.f32 v35, v29;
	v51 =	vadd.s32 s21, v6;
	v36 =	vmul.bf16 v36, v42;
	v37 =	vld.idx.msk [tilespmem:v53+s18+$0x0], $0xffff  }
0x251: {  	v33 =	vmul.bf16 v41, v33;
	v61 =	vunpack.i.u.bf16.f32 v34;
	v32 =	vadd.f32 v63, v32;
	v55 =	vld.idx.msk [tilespmem:v47+s16+$0x0], $0xffff  }
0x252: {  	v31 =	vadd.f32 v58, v31;
	v63 =	vadd.s32 s21, v5;
	v42 =	vld.idx.msk [tilespmem:v47+s18+$0x0], $0xffff;
	v47 =	vadd.s32 s21, v7  }
0x253: {  	v56 =	vand.u32 $0x3F, v63;
	v62 =	vunpack.i.u.bf16.f32 v39;
	v39 =	vunpack.i.l.bf16.f32 v39;
	v35 =	vld.idx.msk [tilespmem:v54+s16+$0x0], $0xffff  }
0x254: {  	v45 =	vmul.bf16 v57, v45;
	v59 =	vor.u32 v8, v56;
	v30 =	vadd.f32 v39, v30;
	v39 =	vld.idx.msk [tilespmem:v54+s18+$0x0], $0xffff  }
0x255: {  	v36 =	vadd.bf16 v36, v40;
	s21 =	sor.u32 $0x7, s17;
	v31 =	vadd.f32 v61, v31;
	v40 =	vld.idx.msk [tilespmem:v51+s16+$0x0], $0xffff  }
0x256: {  	v33 =	vadd.bf16 v33, v45;
	v29 =	vadd.f32 v62, v29;
	v41 =	vld.idx.msk [tilespmem:v51+s18+$0x0], $0xffff;
	v51 =	vadd.s32 s21, v2  }
0x257: {  	v62 =	vunpack.i.u.bf16.f32 v36;
	v36 =	vunpack.i.l.bf16.f32 v36;
	v53 =	vadd.s32 s21, v7;
	v54 =	vld.idx.msk [tilespmem:v47+s16+$0x0], $0xffff  }
0x258: {  	v61 =	vadd.s32 s21, v5;
	v30 =	vadd.f32 v36, v30;
	v36 =	vmul.bf16 v38, v44;
	v45 =	vld.idx.msk [tilespmem:v47+s18+$0x0], $0xffff  }
0x259: {  	v38 =	vmul.bf16 v49, v43;
	v29 =	vadd.f32 v62, v29;
	v62 =	vand.u32 $0x3F, v61;
	v43 =	vld.idx.msk [tilespmem:v59+s16+$0x0], $0xffff  }
0x25a: {  	v34 =	vunpack.i.l.bf16.f32 v34;
	v44 =	vor.u32 v8, v62;
	v49 =	vld.idx.msk [tilespmem:v59+s18+$0x0], $0xffff  }
0x25b: {  	v32 =	vadd.f32 v34, v32;
	v63 =	vunpack.i.l.bf16.f32 v33;
	v34 =	vld.idx.msk [tilespmem:v51+s16+$0x0], $0xffff  }
0x25c: {  	v33 =	vunpack.i.u.bf16.f32 v33;
	v47 =	vadd.s32 s21, v6;
	v36 =	vadd.bf16 v38, v36;
	v38 =	vld.idx.msk [tilespmem:v51+s18+$0x0], $0xffff  }
0x25d: {  	v56 =	vmul.bf16 v50, v52;
	v32 =	vadd.f32 v63, v32;
	v63 =	vmul.bf16 v46, v60;
	v59 =	vld.idx.msk [tilespmem:v53+s16+$0x0], $0xffff  }
0x25e: {  	v31 =	vadd.f32 v33, v31;
	v37 =	vmul.bf16 v37, v48;
	v42 =	vmul.bf16 v42, v55;
	v61 =	vld.idx.msk [tilespmem:v53+s18+$0x0], $0xffff  }
0x25f: {  	v33 =	vadd.bf16 v56, v63;
	v35 =	vmul.bf16 v39, v35;
	v40 =	vmul.bf16 v41, v40;
	v63 =	vld.idx.msk [tilespmem:v44+s16+$0x0], $0xffff  }
0x260: {  	v58 =	vunpack.i.l.bf16.f32 v36;
	v36 =	vunpack.i.u.bf16.f32 v36;
	v60 =	vadd.bf16 v42, v37;
	v51 =	vld.idx.msk [tilespmem:v44+s18+$0x0], $0xffff  }
0x261: {  	v62 =	vunpack.i.u.bf16.f32 v33;
	v33 =	vunpack.i.l.bf16.f32 v33;
	v30 =	vadd.f32 v58, v30;
	v57 =	vld.idx.msk [tilespmem:v47+s16+$0x0], $0xffff  }
0x262: {  	v29 =	vadd.f32 v36, v29;
	v32 =	vadd.f32 v33, v32;
	v47 =	vld.idx.msk [tilespmem:v47+s18+$0x0], $0xffff  }
0x263: {  	v31 =	vadd.f32 v62, v31;
	v52 =	vadd.bf16 v40, v35;
	v48 =	vunpack.i.l.bf16.f32 v60  }
0x264: {  	v53 =	vunpack.i.u.bf16.f32 v60;
	v54 =	vmul.bf16 v45, v54;
	v55 =	vmul.bf16 v49, v43  }
0x265: {  	v30 =	vadd.f32 v48, v30;
	v29 =	vadd.f32 v53, v29;
	v40 =	vunpack.i.l.bf16.f32 v52  }
0x266: {  	v34 =	vmul.bf16 v38, v34;
	v35 =	vadd.bf16 v55, v54;
	v58 =	vmul.bf16 v51, v63  }
0x267: {  	v33 =	vunpack.i.u.bf16.f32 v52;
	v56 =	vmul.bf16 v47, v57;
	v57 =	vmul.bf16 v61, v59  }
0x268: {  	p2 =	por p1, p1;
	v32 =	vadd.f32 v40, v32;
	v31 =	vadd.f32 v33, v31;
	v59 =	vunpack.i.u.bf16.f32 v35  }
.Ltmp7:
0x269: {  	v35 =	vunpack.i.l.bf16.f32 v35;
	v34 =	vadd.bf16 v56, v34;
	v36 =	vadd.bf16 v58, v57;
	(pc) =	sbr.rel @p2 .LBB2_13-.Ltmp7, $4  }
0x26a: {  	v30 =	vadd.f32 v35, v30;
	v29 =	vadd.f32 v59, v29  }
0x26b: {  	v60 =	vunpack.i.l.bf16.f32 v34;
	v61 =	vunpack.i.u.bf16.f32 v34;
	v62 =	vunpack.i.u.bf16.f32 v36  }
0x26c: {  	v63 =	vunpack.i.l.bf16.f32 v36;
	v32 =	vadd.f32 v60, v32;
	v31 =	vadd.f32 v61, v31  }
0x26d: {  	p1 =	por $0x0, $0x0;
	s17 =	simm.s32 $0x8;
	v30 =	vadd.f32 v63, v30;
	v29 =	vadd.f32 v62, v29  }
0x26e: {  	_ = 	snop  }
0x26f: {  	v31 =	vadd.f32 v31, v32;
	v29 =	vadd.f32 v29, v30;
	_ =	sdelay $0x1  }
0x270: {  	v29 =	vadd.f32 v29, v31;
	_ =	sdelay $0x1  }
0x271: {  	v29 =	vsub.f32 $0.0e+00, v29;
	_ =	sdelay $0x1  }
0x272: {  	v29 =	vmul.f32 $1.442695020e+00, v29;
	_ =	sdelay $0x1  }
0x273: {  	(erf) = vpow2.f32 v29;
	_ =	sdelay $0x8  }
0x274: {  	v29 =	vpop (erf)  }
0x275: {  	v29 =	vadd.f32 $1.000000000e+00, v29;
	_ =	sdelay $0x1  }
0x276: {  	(erf) = vrcp.f32 v29;
	_ =	sdelay $0x8  }
0x277: {  	v32 =	vimm.f32 $0.0e+00;
	v30 =	vpop (erf)  }
0x278: {  	s17 =	simm.s32 $0x0;
	p1 =	por $0x1, $0x1;
	v31 =	vimm.f32 $0.0e+00;
	v29 =	vimm.f32 $0.0e+00;
	[tilespmem:s3+$0xC670] =	vst v30;
	v30 =	vimm.f32 $0.0e+00  }
.LBB2_15:
0x279: {  	s19 =	sor.u32 $0x1, s17  }
0x27a: {  	v39 =	vadd.s32 s19, v10;
	_ =	sdelay $0x1  }
0x27b: {  	v41 =	vadd.s32 s19, v11;
	_ =	sdelay $0x1  }
0x27c: {  	v43 =	vadd.s32 s19, v16  }
0x27d: {  	s21 =	sor.u32 $0x2, s17;
	v45 =	vld.idx.msk [tilespmem:v39+s16+$0x0], $0xffff  }
0x27e: {  	v47 =	vadd.s32 s21, v10;
	v39 =	vld.idx.msk [tilespmem:v39+s18+$0x0], $0xffff  }
0x27f: {  	v46 =	vld.idx.msk [tilespmem:v41+s16+$0x0], $0xffff  }
0x280: {  	v49 =	vadd.s32 s21, v11;
	v41 =	vld.idx.msk [tilespmem:v41+s18+$0x0], $0xffff  }
0x281: {  	v48 =	vld.idx.msk [tilespmem:v43+s16+$0x0], $0xffff  }
0x282: {  	v33 =	vadd.s32 s17, v0;
	v51 =	vadd.s32 s21, v16;
	v43 =	vld.idx.msk [tilespmem:v43+s18+$0x0], $0xffff  }
0x283: {  	v33 =	vand.u32 $0x18, v33;
	v53 =	vld.idx.msk [tilespmem:v47+s16+$0x0], $0xffff  }
0x284: {  	v34 =	vadd.s32 s17, v3;
	v33 =	vor.u32 v9, v33;
	v47 =	vld.idx.msk [tilespmem:v47+s18+$0x0], $0xffff  }
0x285: {  	v34 =	vand.u32 $0x38, v34;
	v54 =	vld.idx.msk [tilespmem:v49+s16+$0x0], $0xffff  }
0x286: {  	v35 =	vadd.s32 s17, v4;
	v34 =	vor.u32 v9, v34;
	v49 =	vld.idx.msk [tilespmem:v49+s18+$0x0], $0xffff  }
0x287: {  	v35 =	vand.u32 $0x38, v35;
	v56 =	vld.idx.msk [tilespmem:v51+s16+$0x0], $0xffff  }
0x288: {  	v36 =	vadd.s32 s17, v5;
	v35 =	vor.u32 v9, v35;
	v51 =	vld.idx.msk [tilespmem:v51+s18+$0x0], $0xffff  }
0x289: {  	v36 =	vand.u32 $0x38, v36;
	v37 =	vld.idx.msk [tilespmem:v33+s16+$0x0], $0xffff  }
0x28a: {  	v36 =	vor.u32 v9, v36;
	v33 =	vld.idx.msk [tilespmem:v33+s18+$0x0], $0xffff  }
0x28b: {  	v44 =	vadd.s32 s19, v5;
	v52 =	vadd.s32 s21, v5;
	s21 =	sor.u32 $0x3, s17;
	v38 =	vld.idx.msk [tilespmem:v34+s16+$0x0], $0xffff  }
0x28c: {  	v44 =	vand.u32 $0x3F, v44;
	v55 =	vadd.s32 s21, v10;
	v34 =	vld.idx.msk [tilespmem:v34+s18+$0x0], $0xffff  }
0x28d: {  	v44 =	vor.u32 v22, v44;
	v40 =	vld.idx.msk [tilespmem:v35+s16+$0x0], $0xffff  }
0x28e: {  	v52 =	vand.u32 $0x3F, v52;
	v35 =	vld.idx.msk [tilespmem:v35+s18+$0x0], $0xffff  }
0x28f: {  	v52 =	vor.u32 v22, v52;
	v42 =	vld.idx.msk [tilespmem:v36+s16+$0x0], $0xffff  }
0x290: {  	v36 =	vld.idx.msk [tilespmem:v36+s18+$0x0], $0xffff  }
0x291: {  	v61 =	vld.idx.msk [tilespmem:v55+s16+$0x0], $0xffff  }
0x292: {  	v57 =	vadd.s32 s21, v11;
	v50 =	vld.idx.msk [tilespmem:v44+s16+$0x0], $0xffff  }
0x293: {  	v59 =	vadd.s32 s21, v16;
	v44 =	vld.idx.msk [tilespmem:v44+s18+$0x0], $0xffff  }
0x294: {  	v60 =	vadd.s32 s21, v5;
	s21 =	sor.u32 $0x4, s17;
	v58 =	vld.idx.msk [tilespmem:v52+s16+$0x0], $0xffff  }
0x295: {  	v60 =	vand.u32 $0x3F, v60;
	v62 =	vadd.s32 s21, v5;
	v52 =	vld.idx.msk [tilespmem:v52+s18+$0x0], $0xffff  }
0x296: {  	v33 =	vmul.bf16 v33, v37;
	v34 =	vmul.bf16 v34, v38;
	v37 =	vld.idx.msk [tilespmem:v55+s18+$0x0], $0xffff;
	v38 =	vor.u32 v22, v60  }
0x297: {  	v62 =	vand.u32 $0x3F, v62;
	v55 =	vld.idx.msk [tilespmem:v57+s16+$0x0], $0xffff  }
0x298: {  	v35 =	vmul.bf16 v35, v40;
	v40 =	vld.idx.msk [tilespmem:v59+s16+$0x0], $0xffff;
	v60 =	vadd.s32 s21, v11;
	v33 =	vadd.bf16 v34, v33  }
0x299: {  	v62 =	vor.u32 v22, v62;
	v59 =	vld.idx.msk [tilespmem:v59+s18+$0x0], $0xffff  }
0x29a: {  	v39 =	vmul.bf16 v39, v45;
	v36 =	vmul.bf16 v36, v42;
	v34 =	vld.idx.msk [tilespmem:v57+s18+$0x0], $0xffff;
	v42 =	vunpack.i.l.bf16.f32 v33  }
0x29b: {  	v41 =	vmul.bf16 v41, v46;
	v57 =	vadd.s32 s21, v10;
	v32 =	vadd.f32 v42, v32;
	v42 =	vld.idx.msk [tilespmem:v38+s16+$0x0], $0xffff  }
0x29c: {  	v35 =	vadd.bf16 v36, v35;
	v33 =	vunpack.i.u.bf16.f32 v33;
	v36 =	vld.idx.msk [tilespmem:v38+s18+$0x0], $0xffff  }
0x29d: {  	v39 =	vadd.bf16 v41, v39;
	v31 =	vadd.f32 v33, v31;
	v33 =	vld.idx.msk [tilespmem:v60+s16+$0x0], $0xffff  }
0x29e: {  	v46 =	vunpack.i.l.bf16.f32 v35;
	v35 =	vunpack.i.u.bf16.f32 v35;
	v38 =	vadd.s32 s21, v16;
	v41 =	vld.idx.msk [tilespmem:v60+s18+$0x0], $0xffff  }
0x29f: {  	s21 =	sor.u32 $0x5, s17;
	v29 =	vadd.f32 v35, v29;
	v35 =	vmul.bf16 v43, v48;
	v43 =	vld.idx.msk [tilespmem:v62+s16+$0x0], $0xffff  }
0x2a0: {  	v63 =	vmul.bf16 v44, v50;
	v30 =	vadd.f32 v46, v30;
	v46 =	vadd.s32 s21, v10;
	v45 =	vld.idx.msk [tilespmem:v57+s16+$0x0], $0xffff  }
0x2a1: {  	v60 =	vunpack.i.u.bf16.f32 v39;
	v39 =	vunpack.i.l.bf16.f32 v39;
	v50 =	vadd.s32 s21, v11;
	v57 =	vld.idx.msk [tilespmem:v57+s18+$0x0], $0xffff  }
0x2a2: {  	v32 =	vadd.f32 v39, v32;
	v39 =	vmul.bf16 v47, v53;
	v47 =	vmul.bf16 v49, v54;
	v49 =	vld.idx.msk [tilespmem:v62+s18+$0x0], $0xffff  }
0x2a3: {  	v61 =	vmul.bf16 v37, v61;
	v40 =	vmul.bf16 v59, v40;
	v44 =	vld.idx.msk [tilespmem:v38+s16+$0x0], $0xffff  }
0x2a4: {  	v35 =	vadd.bf16 v63, v35;
	v53 =	vadd.s32 s21, v16;
	v54 =	vadd.s32 s21, v5;
	v38 =	vld.idx.msk [tilespmem:v38+s18+$0x0], $0xffff  }
0x2a5: {  	v31 =	vadd.f32 v60, v31;
	v34 =	vmul.bf16 v34, v55;
	v54 =	vand.u32 $0x3F, v54;
	v60 =	vld.idx.msk [tilespmem:v46+s16+$0x0], $0xffff  }
0x2a6: {  	v48 =	vunpack.i.l.bf16.f32 v35;
	v39 =	vadd.bf16 v47, v39;
	v47 =	vor.u32 v22, v54;
	v46 =	vld.idx.msk [tilespmem:v46+s18+$0x0], $0xffff  }
0x2a7: {  	v62 =	vmul.bf16 v52, v58;
	s21 =	sor.u32 $0x6, s17;
	v30 =	vadd.f32 v48, v30;
	v48 =	vmul.bf16 v51, v56;
	v52 =	vld.idx.msk [tilespmem:v50+s16+$0x0], $0xffff  }
0x2a8: {  	v35 =	vunpack.i.u.bf16.f32 v35;
	v54 =	vadd.s32 s21, v10;
	v34 =	vadd.bf16 v34, v61;
	v50 =	vld.idx.msk [tilespmem:v50+s18+$0x0], $0xffff  }
0x2a9: {  	v63 =	vunpack.i.l.bf16.f32 v39;
	v58 =	vunpack.i.u.bf16.f32 v39;
	v39 =	vadd.bf16 v62, v48;
	v48 =	vld.idx.msk [tilespmem:v53+s16+$0x0], $0xffff  }
0x2aa: {  	v29 =	vadd.f32 v35, v29;
	v51 =	vadd.s32 s21, v11;
	v36 =	vmul.bf16 v36, v42;
	v37 =	vld.idx.msk [tilespmem:v53+s18+$0x0], $0xffff  }
0x2ab: {  	v33 =	vmul.bf16 v41, v33;
	v61 =	vunpack.i.u.bf16.f32 v34;
	v32 =	vadd.f32 v63, v32;
	v55 =	vld.idx.msk [tilespmem:v47+s16+$0x0], $0xffff  }
0x2ac: {  	v31 =	vadd.f32 v58, v31;
	v63 =	vadd.s32 s21, v5;
	v42 =	vld.idx.msk [tilespmem:v47+s18+$0x0], $0xffff;
	v47 =	vadd.s32 s21, v16  }
0x2ad: {  	v56 =	vand.u32 $0x3F, v63;
	v62 =	vunpack.i.u.bf16.f32 v39;
	v39 =	vunpack.i.l.bf16.f32 v39;
	v35 =	vld.idx.msk [tilespmem:v54+s16+$0x0], $0xffff  }
0x2ae: {  	v45 =	vmul.bf16 v57, v45;
	v59 =	vor.u32 v22, v56;
	v30 =	vadd.f32 v39, v30;
	v39 =	vld.idx.msk [tilespmem:v54+s18+$0x0], $0xffff  }
0x2af: {  	v36 =	vadd.bf16 v36, v40;
	s21 =	sor.u32 $0x7, s17;
	v31 =	vadd.f32 v61, v31;
	v40 =	vld.idx.msk [tilespmem:v51+s16+$0x0], $0xffff  }
0x2b0: {  	v33 =	vadd.bf16 v33, v45;
	v29 =	vadd.f32 v62, v29;
	v41 =	vld.idx.msk [tilespmem:v51+s18+$0x0], $0xffff;
	v51 =	vadd.s32 s21, v10  }
0x2b1: {  	v62 =	vunpack.i.u.bf16.f32 v36;
	v36 =	vunpack.i.l.bf16.f32 v36;
	v53 =	vadd.s32 s21, v16;
	v54 =	vld.idx.msk [tilespmem:v47+s16+$0x0], $0xffff  }
0x2b2: {  	v61 =	vadd.s32 s21, v5;
	v30 =	vadd.f32 v36, v30;
	v36 =	vmul.bf16 v38, v44;
	v45 =	vld.idx.msk [tilespmem:v47+s18+$0x0], $0xffff  }
0x2b3: {  	v38 =	vmul.bf16 v49, v43;
	v29 =	vadd.f32 v62, v29;
	v62 =	vand.u32 $0x3F, v61;
	v43 =	vld.idx.msk [tilespmem:v59+s16+$0x0], $0xffff  }
0x2b4: {  	v34 =	vunpack.i.l.bf16.f32 v34;
	v44 =	vor.u32 v22, v62;
	v49 =	vld.idx.msk [tilespmem:v59+s18+$0x0], $0xffff  }
0x2b5: {  	v32 =	vadd.f32 v34, v32;
	v63 =	vunpack.i.l.bf16.f32 v33;
	v34 =	vld.idx.msk [tilespmem:v51+s16+$0x0], $0xffff  }
0x2b6: {  	v33 =	vunpack.i.u.bf16.f32 v33;
	v47 =	vadd.s32 s21, v11;
	v36 =	vadd.bf16 v38, v36;
	v38 =	vld.idx.msk [tilespmem:v51+s18+$0x0], $0xffff  }
0x2b7: {  	v56 =	vmul.bf16 v50, v52;
	v32 =	vadd.f32 v63, v32;
	v63 =	vmul.bf16 v46, v60;
	v59 =	vld.idx.msk [tilespmem:v53+s16+$0x0], $0xffff  }
0x2b8: {  	v31 =	vadd.f32 v33, v31;
	v37 =	vmul.bf16 v37, v48;
	v42 =	vmul.bf16 v42, v55;
	v61 =	vld.idx.msk [tilespmem:v53+s18+$0x0], $0xffff  }
0x2b9: {  	v33 =	vadd.bf16 v56, v63;
	v35 =	vmul.bf16 v39, v35;
	v40 =	vmul.bf16 v41, v40;
	v63 =	vld.idx.msk [tilespmem:v44+s16+$0x0], $0xffff  }
0x2ba: {  	v58 =	vunpack.i.l.bf16.f32 v36;
	v36 =	vunpack.i.u.bf16.f32 v36;
	v60 =	vadd.bf16 v42, v37;
	v51 =	vld.idx.msk [tilespmem:v44+s18+$0x0], $0xffff  }
0x2bb: {  	v62 =	vunpack.i.u.bf16.f32 v33;
	v33 =	vunpack.i.l.bf16.f32 v33;
	v30 =	vadd.f32 v58, v30;
	v57 =	vld.idx.msk [tilespmem:v47+s16+$0x0], $0xffff  }
0x2bc: {  	v29 =	vadd.f32 v36, v29;
	v32 =	vadd.f32 v33, v32;
	v47 =	vld.idx.msk [tilespmem:v47+s18+$0x0], $0xffff  }
0x2bd: {  	v31 =	vadd.f32 v62, v31;
	v52 =	vadd.bf16 v40, v35;
	v48 =	vunpack.i.l.bf16.f32 v60  }
0x2be: {  	v53 =	vunpack.i.u.bf16.f32 v60;
	v54 =	vmul.bf16 v45, v54;
	v55 =	vmul.bf16 v49, v43  }
0x2bf: {  	v30 =	vadd.f32 v48, v30;
	v29 =	vadd.f32 v53, v29;
	v40 =	vunpack.i.l.bf16.f32 v52  }
0x2c0: {  	v34 =	vmul.bf16 v38, v34;
	v35 =	vadd.bf16 v55, v54;
	v58 =	vmul.bf16 v51, v63  }
0x2c1: {  	v33 =	vunpack.i.u.bf16.f32 v52;
	v56 =	vmul.bf16 v47, v57;
	v57 =	vmul.bf16 v61, v59  }
0x2c2: {  	p2 =	por p1, p1;
	v32 =	vadd.f32 v40, v32;
	v31 =	vadd.f32 v33, v31;
	v59 =	vunpack.i.u.bf16.f32 v35  }
.Ltmp8:
0x2c3: {  	v35 =	vunpack.i.l.bf16.f32 v35;
	v34 =	vadd.bf16 v56, v34;
	v36 =	vadd.bf16 v58, v57;
	(pc) =	sbr.rel @p2 .LBB2_15-.Ltmp8, $4  }
0x2c4: {  	v30 =	vadd.f32 v35, v30;
	v29 =	vadd.f32 v59, v29  }
0x2c5: {  	v60 =	vunpack.i.l.bf16.f32 v34;
	v61 =	vunpack.i.u.bf16.f32 v34;
	v62 =	vunpack.i.u.bf16.f32 v36  }
0x2c6: {  	v63 =	vunpack.i.l.bf16.f32 v36;
	v32 =	vadd.f32 v60, v32;
	v31 =	vadd.f32 v61, v31  }
0x2c7: {  	p1 =	por $0x0, $0x0;
	s17 =	simm.s32 $0x8;
	v30 =	vadd.f32 v63, v30;
	v29 =	vadd.f32 v62, v29  }
0x2c8: {  	_ = 	snop  }
0x2c9: {  	v31 =	vadd.f32 v31, v32;
	v29 =	vadd.f32 v29, v30;
	_ =	sdelay $0x1  }
0x2ca: {  	v29 =	vadd.f32 v29, v31;
	_ =	sdelay $0x1  }
0x2cb: {  	v29 =	vsub.f32 $0.0e+00, v29;
	_ =	sdelay $0x1  }
0x2cc: {  	v29 =	vmul.f32 $1.442695020e+00, v29;
	_ =	sdelay $0x1  }
0x2cd: {  	(erf) = vpow2.f32 v29;
	_ =	sdelay $0x8  }
0x2ce: {  	v29 =	vpop (erf)  }
0x2cf: {  	v29 =	vadd.f32 $1.000000000e+00, v29;
	_ =	sdelay $0x1  }
0x2d0: {  	(erf) = vrcp.f32 v29;
	_ =	sdelay $0x8  }
0x2d1: {  	v32 =	vimm.f32 $0.0e+00;
	v30 =	vpop (erf)  }
0x2d2: {  	s17 =	simm.s32 $0x0;
	p1 =	por $0x1, $0x1;
	v31 =	vimm.f32 $0.0e+00;
	v29 =	vimm.f32 $0.0e+00;
	[tilespmem:s3+$0xC680] =	vst v30;
	v30 =	vimm.f32 $0.0e+00  }
.LBB2_17:
0x2d3: {  	s19 =	sor.u32 $0x1, s17  }
0x2d4: {  	v39 =	vadd.s32 s19, v15;
	_ =	sdelay $0x1  }
0x2d5: {  	v41 =	vadd.s32 s19, v17;
	_ =	sdelay $0x1  }
0x2d6: {  	v43 =	vadd.s32 s19, v19  }
0x2d7: {  	s21 =	sor.u32 $0x2, s17;
	v45 =	vld.idx.msk [tilespmem:v39+s16+$0x0], $0xffff  }
0x2d8: {  	v47 =	vadd.s32 s21, v15;
	v39 =	vld.idx.msk [tilespmem:v39+s18+$0x0], $0xffff  }
0x2d9: {  	v46 =	vld.idx.msk [tilespmem:v41+s16+$0x0], $0xffff  }
0x2da: {  	v49 =	vadd.s32 s21, v17;
	v41 =	vld.idx.msk [tilespmem:v41+s18+$0x0], $0xffff  }
0x2db: {  	v48 =	vld.idx.msk [tilespmem:v43+s16+$0x0], $0xffff  }
0x2dc: {  	v33 =	vadd.s32 s17, v0;
	v51 =	vadd.s32 s21, v19;
	v43 =	vld.idx.msk [tilespmem:v43+s18+$0x0], $0xffff  }
0x2dd: {  	v33 =	vand.u32 $0x18, v33;
	v53 =	vld.idx.msk [tilespmem:v47+s16+$0x0], $0xffff  }
0x2de: {  	v34 =	vadd.s32 s17, v3;
	v33 =	vor.u32 v12, v33;
	v47 =	vld.idx.msk [tilespmem:v47+s18+$0x0], $0xffff  }
0x2df: {  	v34 =	vand.u32 $0x38, v34;
	v54 =	vld.idx.msk [tilespmem:v49+s16+$0x0], $0xffff  }
0x2e0: {  	v35 =	vadd.s32 s17, v4;
	v34 =	vor.u32 v12, v34;
	v49 =	vld.idx.msk [tilespmem:v49+s18+$0x0], $0xffff  }
0x2e1: {  	v35 =	vand.u32 $0x38, v35;
	v56 =	vld.idx.msk [tilespmem:v51+s16+$0x0], $0xffff  }
0x2e2: {  	v36 =	vadd.s32 s17, v5;
	v35 =	vor.u32 v12, v35;
	v51 =	vld.idx.msk [tilespmem:v51+s18+$0x0], $0xffff  }
0x2e3: {  	v36 =	vand.u32 $0x38, v36;
	v37 =	vld.idx.msk [tilespmem:v33+s16+$0x0], $0xffff  }
0x2e4: {  	v36 =	vor.u32 v12, v36;
	v33 =	vld.idx.msk [tilespmem:v33+s18+$0x0], $0xffff  }
0x2e5: {  	v44 =	vadd.s32 s19, v5;
	v52 =	vadd.s32 s21, v5;
	s21 =	sor.u32 $0x3, s17;
	v38 =	vld.idx.msk [tilespmem:v34+s16+$0x0], $0xffff  }
0x2e6: {  	v44 =	vand.u32 $0x3F, v44;
	v55 =	vadd.s32 s21, v15;
	v34 =	vld.idx.msk [tilespmem:v34+s18+$0x0], $0xffff  }
0x2e7: {  	v44 =	vor.u32 v25, v44;
	v40 =	vld.idx.msk [tilespmem:v35+s16+$0x0], $0xffff  }
0x2e8: {  	v52 =	vand.u32 $0x3F, v52;
	v35 =	vld.idx.msk [tilespmem:v35+s18+$0x0], $0xffff  }
0x2e9: {  	v52 =	vor.u32 v25, v52;
	v42 =	vld.idx.msk [tilespmem:v36+s16+$0x0], $0xffff  }
0x2ea: {  	v36 =	vld.idx.msk [tilespmem:v36+s18+$0x0], $0xffff  }
0x2eb: {  	v61 =	vld.idx.msk [tilespmem:v55+s16+$0x0], $0xffff  }
0x2ec: {  	v57 =	vadd.s32 s21, v17;
	v50 =	vld.idx.msk [tilespmem:v44+s16+$0x0], $0xffff  }
0x2ed: {  	v59 =	vadd.s32 s21, v19;
	v44 =	vld.idx.msk [tilespmem:v44+s18+$0x0], $0xffff  }
0x2ee: {  	v60 =	vadd.s32 s21, v5;
	s21 =	sor.u32 $0x4, s17;
	v58 =	vld.idx.msk [tilespmem:v52+s16+$0x0], $0xffff  }
0x2ef: {  	v60 =	vand.u32 $0x3F, v60;
	v62 =	vadd.s32 s21, v5;
	v52 =	vld.idx.msk [tilespmem:v52+s18+$0x0], $0xffff  }
0x2f0: {  	v33 =	vmul.bf16 v33, v37;
	v34 =	vmul.bf16 v34, v38;
	v37 =	vld.idx.msk [tilespmem:v55+s18+$0x0], $0xffff;
	v38 =	vor.u32 v25, v60  }
0x2f1: {  	v62 =	vand.u32 $0x3F, v62;
	v55 =	vld.idx.msk [tilespmem:v57+s16+$0x0], $0xffff  }
0x2f2: {  	v35 =	vmul.bf16 v35, v40;
	v40 =	vld.idx.msk [tilespmem:v59+s16+$0x0], $0xffff;
	v60 =	vadd.s32 s21, v17;
	v33 =	vadd.bf16 v34, v33  }
0x2f3: {  	v62 =	vor.u32 v25, v62;
	v59 =	vld.idx.msk [tilespmem:v59+s18+$0x0], $0xffff  }
0x2f4: {  	v39 =	vmul.bf16 v39, v45;
	v36 =	vmul.bf16 v36, v42;
	v34 =	vld.idx.msk [tilespmem:v57+s18+$0x0], $0xffff;
	v42 =	vunpack.i.l.bf16.f32 v33  }
0x2f5: {  	v41 =	vmul.bf16 v41, v46;
	v57 =	vadd.s32 s21, v15;
	v32 =	vadd.f32 v42, v32;
	v42 =	vld.idx.msk [tilespmem:v38+s16+$0x0], $0xffff  }
0x2f6: {  	v35 =	vadd.bf16 v36, v35;
	v33 =	vunpack.i.u.bf16.f32 v33;
	v36 =	vld.idx.msk [tilespmem:v38+s18+$0x0], $0xffff  }
0x2f7: {  	v39 =	vadd.bf16 v41, v39;
	v31 =	vadd.f32 v33, v31;
	v33 =	vld.idx.msk [tilespmem:v60+s16+$0x0], $0xffff  }
0x2f8: {  	v46 =	vunpack.i.l.bf16.f32 v35;
	v35 =	vunpack.i.u.bf16.f32 v35;
	v38 =	vadd.s32 s21, v19;
	v41 =	vld.idx.msk [tilespmem:v60+s18+$0x0], $0xffff  }
0x2f9: {  	s21 =	sor.u32 $0x5, s17;
	v29 =	vadd.f32 v35, v29;
	v35 =	vmul.bf16 v43, v48;
	v43 =	vld.idx.msk [tilespmem:v62+s16+$0x0], $0xffff  }
0x2fa: {  	v63 =	vmul.bf16 v44, v50;
	v30 =	vadd.f32 v46, v30;
	v46 =	vadd.s32 s21, v15;
	v45 =	vld.idx.msk [tilespmem:v57+s16+$0x0], $0xffff  }
0x2fb: {  	v60 =	vunpack.i.u.bf16.f32 v39;
	v39 =	vunpack.i.l.bf16.f32 v39;
	v50 =	vadd.s32 s21, v17;
	v57 =	vld.idx.msk [tilespmem:v57+s18+$0x0], $0xffff  }
0x2fc: {  	v32 =	vadd.f32 v39, v32;
	v39 =	vmul.bf16 v47, v53;
	v47 =	vmul.bf16 v49, v54;
	v49 =	vld.idx.msk [tilespmem:v62+s18+$0x0], $0xffff  }
0x2fd: {  	v61 =	vmul.bf16 v37, v61;
	v40 =	vmul.bf16 v59, v40;
	v44 =	vld.idx.msk [tilespmem:v38+s16+$0x0], $0xffff  }
0x2fe: {  	v35 =	vadd.bf16 v63, v35;
	v53 =	vadd.s32 s21, v19;
	v54 =	vadd.s32 s21, v5;
	v38 =	vld.idx.msk [tilespmem:v38+s18+$0x0], $0xffff  }
0x2ff: {  	v31 =	vadd.f32 v60, v31;
	v34 =	vmul.bf16 v34, v55;
	v54 =	vand.u32 $0x3F, v54;
	v60 =	vld.idx.msk [tilespmem:v46+s16+$0x0], $0xffff  }
0x300: {  	v48 =	vunpack.i.l.bf16.f32 v35;
	v39 =	vadd.bf16 v47, v39;
	v47 =	vor.u32 v25, v54;
	v46 =	vld.idx.msk [tilespmem:v46+s18+$0x0], $0xffff  }
0x301: {  	v62 =	vmul.bf16 v52, v58;
	s21 =	sor.u32 $0x6, s17;
	v30 =	vadd.f32 v48, v30;
	v48 =	vmul.bf16 v51, v56;
	v52 =	vld.idx.msk [tilespmem:v50+s16+$0x0], $0xffff  }
0x302: {  	v35 =	vunpack.i.u.bf16.f32 v35;
	v54 =	vadd.s32 s21, v15;
	v34 =	vadd.bf16 v34, v61;
	v50 =	vld.idx.msk [tilespmem:v50+s18+$0x0], $0xffff  }
0x303: {  	v63 =	vunpack.i.l.bf16.f32 v39;
	v58 =	vunpack.i.u.bf16.f32 v39;
	v39 =	vadd.bf16 v62, v48;
	v48 =	vld.idx.msk [tilespmem:v53+s16+$0x0], $0xffff  }
0x304: {  	v29 =	vadd.f32 v35, v29;
	v51 =	vadd.s32 s21, v17;
	v36 =	vmul.bf16 v36, v42;
	v37 =	vld.idx.msk [tilespmem:v53+s18+$0x0], $0xffff  }
0x305: {  	v33 =	vmul.bf16 v41, v33;
	v61 =	vunpack.i.u.bf16.f32 v34;
	v32 =	vadd.f32 v63, v32;
	v55 =	vld.idx.msk [tilespmem:v47+s16+$0x0], $0xffff  }
0x306: {  	v31 =	vadd.f32 v58, v31;
	v63 =	vadd.s32 s21, v5;
	v42 =	vld.idx.msk [tilespmem:v47+s18+$0x0], $0xffff;
	v47 =	vadd.s32 s21, v19  }
0x307: {  	v56 =	vand.u32 $0x3F, v63;
	v62 =	vunpack.i.u.bf16.f32 v39;
	v39 =	vunpack.i.l.bf16.f32 v39;
	v35 =	vld.idx.msk [tilespmem:v54+s16+$0x0], $0xffff  }
0x308: {  	v45 =	vmul.bf16 v57, v45;
	v59 =	vor.u32 v25, v56;
	v30 =	vadd.f32 v39, v30;
	v39 =	vld.idx.msk [tilespmem:v54+s18+$0x0], $0xffff  }
0x309: {  	v36 =	vadd.bf16 v36, v40;
	s21 =	sor.u32 $0x7, s17;
	v31 =	vadd.f32 v61, v31;
	v40 =	vld.idx.msk [tilespmem:v51+s16+$0x0], $0xffff  }
0x30a: {  	v33 =	vadd.bf16 v33, v45;
	v29 =	vadd.f32 v62, v29;
	v41 =	vld.idx.msk [tilespmem:v51+s18+$0x0], $0xffff;
	v51 =	vadd.s32 s21, v15  }
0x30b: {  	v62 =	vunpack.i.u.bf16.f32 v36;
	v36 =	vunpack.i.l.bf16.f32 v36;
	v53 =	vadd.s32 s21, v19;
	v54 =	vld.idx.msk [tilespmem:v47+s16+$0x0], $0xffff  }
0x30c: {  	v61 =	vadd.s32 s21, v5;
	v30 =	vadd.f32 v36, v30;
	v36 =	vmul.bf16 v38, v44;
	v45 =	vld.idx.msk [tilespmem:v47+s18+$0x0], $0xffff  }
0x30d: {  	v38 =	vmul.bf16 v49, v43;
	v29 =	vadd.f32 v62, v29;
	v62 =	vand.u32 $0x3F, v61;
	v43 =	vld.idx.msk [tilespmem:v59+s16+$0x0], $0xffff  }
0x30e: {  	v34 =	vunpack.i.l.bf16.f32 v34;
	v44 =	vor.u32 v25, v62;
	v49 =	vld.idx.msk [tilespmem:v59+s18+$0x0], $0xffff  }
0x30f: {  	v32 =	vadd.f32 v34, v32;
	v63 =	vunpack.i.l.bf16.f32 v33;
	v34 =	vld.idx.msk [tilespmem:v51+s16+$0x0], $0xffff  }
0x310: {  	v33 =	vunpack.i.u.bf16.f32 v33;
	v47 =	vadd.s32 s21, v17;
	v36 =	vadd.bf16 v38, v36;
	v38 =	vld.idx.msk [tilespmem:v51+s18+$0x0], $0xffff  }
0x311: {  	v56 =	vmul.bf16 v50, v52;
	v32 =	vadd.f32 v63, v32;
	v63 =	vmul.bf16 v46, v60;
	v59 =	vld.idx.msk [tilespmem:v53+s16+$0x0], $0xffff  }
0x312: {  	v31 =	vadd.f32 v33, v31;
	v37 =	vmul.bf16 v37, v48;
	v42 =	vmul.bf16 v42, v55;
	v61 =	vld.idx.msk [tilespmem:v53+s18+$0x0], $0xffff  }
0x313: {  	v33 =	vadd.bf16 v56, v63;
	v35 =	vmul.bf16 v39, v35;
	v40 =	vmul.bf16 v41, v40;
	v63 =	vld.idx.msk [tilespmem:v44+s16+$0x0], $0xffff  }
0x314: {  	v58 =	vunpack.i.l.bf16.f32 v36;
	v36 =	vunpack.i.u.bf16.f32 v36;
	v60 =	vadd.bf16 v42, v37;
	v51 =	vld.idx.msk [tilespmem:v44+s18+$0x0], $0xffff  }
0x315: {  	v62 =	vunpack.i.u.bf16.f32 v33;
	v33 =	vunpack.i.l.bf16.f32 v33;
	v30 =	vadd.f32 v58, v30;
	v57 =	vld.idx.msk [tilespmem:v47+s16+$0x0], $0xffff  }
0x316: {  	v29 =	vadd.f32 v36, v29;
	v32 =	vadd.f32 v33, v32;
	v47 =	vld.idx.msk [tilespmem:v47+s18+$0x0], $0xffff  }
0x317: {  	v31 =	vadd.f32 v62, v31;
	v52 =	vadd.bf16 v40, v35;
	v48 =	vunpack.i.l.bf16.f32 v60  }
0x318: {  	v53 =	vunpack.i.u.bf16.f32 v60;
	v54 =	vmul.bf16 v45, v54;
	v55 =	vmul.bf16 v49, v43  }
0x319: {  	v30 =	vadd.f32 v48, v30;
	v29 =	vadd.f32 v53, v29;
	v40 =	vunpack.i.l.bf16.f32 v52  }
0x31a: {  	v34 =	vmul.bf16 v38, v34;
	v35 =	vadd.bf16 v55, v54;
	v58 =	vmul.bf16 v51, v63  }
0x31b: {  	v33 =	vunpack.i.u.bf16.f32 v52;
	v56 =	vmul.bf16 v47, v57;
	v57 =	vmul.bf16 v61, v59  }
0x31c: {  	p2 =	por p1, p1;
	v32 =	vadd.f32 v40, v32;
	v31 =	vadd.f32 v33, v31;
	v59 =	vunpack.i.u.bf16.f32 v35  }
.Ltmp9:
0x31d: {  	v35 =	vunpack.i.l.bf16.f32 v35;
	v34 =	vadd.bf16 v56, v34;
	v36 =	vadd.bf16 v58, v57;
	(pc) =	sbr.rel @p2 .LBB2_17-.Ltmp9, $4  }
0x31e: {  	v30 =	vadd.f32 v35, v30;
	v29 =	vadd.f32 v59, v29  }
0x31f: {  	v60 =	vunpack.i.l.bf16.f32 v34;
	v61 =	vunpack.i.u.bf16.f32 v34;
	v62 =	vunpack.i.u.bf16.f32 v36  }
0x320: {  	v63 =	vunpack.i.l.bf16.f32 v36;
	v32 =	vadd.f32 v60, v32;
	v31 =	vadd.f32 v61, v31  }
0x321: {  	p1 =	por $0x0, $0x0;
	s17 =	simm.s32 $0x8;
	v30 =	vadd.f32 v63, v30;
	v29 =	vadd.f32 v62, v29  }
0x322: {  	_ = 	snop  }
0x323: {  	v31 =	vadd.f32 v31, v32;
	v29 =	vadd.f32 v29, v30;
	_ =	sdelay $0x1  }
0x324: {  	v29 =	vadd.f32 v29, v31;
	_ =	sdelay $0x1  }
0x325: {  	v29 =	vsub.f32 $0.0e+00, v29;
	_ =	sdelay $0x1  }
0x326: {  	v29 =	vmul.f32 $1.442695020e+00, v29;
	_ =	sdelay $0x1  }
0x327: {  	(erf) = vpow2.f32 v29;
	_ =	sdelay $0x8  }
0x328: {  	v29 =	vpop (erf)  }
0x329: {  	v29 =	vadd.f32 $1.000000000e+00, v29;
	_ =	sdelay $0x1  }
0x32a: {  	(erf) = vrcp.f32 v29;
	_ =	sdelay $0x8  }
0x32b: {  	v32 =	vimm.f32 $0.0e+00;
	v30 =	vpop (erf)  }
0x32c: {  	s17 =	simm.s32 $0x0;
	p1 =	por $0x1, $0x1;
	v31 =	vimm.f32 $0.0e+00;
	v29 =	vimm.f32 $0.0e+00;
	[tilespmem:s3+$0xC690] =	vst v30;
	v30 =	vimm.f32 $0.0e+00  }
.LBB2_19:
0x32d: {  	s19 =	sor.u32 $0x1, s17  }
0x32e: {  	v39 =	vadd.s32 s19, v18;
	_ =	sdelay $0x1  }
0x32f: {  	v41 =	vadd.s32 s19, v20;
	_ =	sdelay $0x1  }
0x330: {  	v43 =	vadd.s32 s19, v23  }
0x331: {  	s21 =	sor.u32 $0x2, s17;
	v45 =	vld.idx.msk [tilespmem:v39+s16+$0x0], $0xffff  }
0x332: {  	v47 =	vadd.s32 s21, v18;
	v39 =	vld.idx.msk [tilespmem:v39+s18+$0x0], $0xffff  }
0x333: {  	v46 =	vld.idx.msk [tilespmem:v41+s16+$0x0], $0xffff  }
0x334: {  	v49 =	vadd.s32 s21, v20;
	v41 =	vld.idx.msk [tilespmem:v41+s18+$0x0], $0xffff  }
0x335: {  	v48 =	vld.idx.msk [tilespmem:v43+s16+$0x0], $0xffff  }
0x336: {  	v33 =	vadd.s32 s17, v0;
	v51 =	vadd.s32 s21, v23;
	v43 =	vld.idx.msk [tilespmem:v43+s18+$0x0], $0xffff  }
0x337: {  	v33 =	vand.u32 $0x18, v33;
	v53 =	vld.idx.msk [tilespmem:v47+s16+$0x0], $0xffff  }
0x338: {  	v34 =	vadd.s32 s17, v3;
	v33 =	vor.u32 v13, v33;
	v47 =	vld.idx.msk [tilespmem:v47+s18+$0x0], $0xffff  }
0x339: {  	v34 =	vand.u32 $0x38, v34;
	v54 =	vld.idx.msk [tilespmem:v49+s16+$0x0], $0xffff  }
0x33a: {  	v35 =	vadd.s32 s17, v4;
	v34 =	vor.u32 v13, v34;
	v49 =	vld.idx.msk [tilespmem:v49+s18+$0x0], $0xffff  }
0x33b: {  	v35 =	vand.u32 $0x38, v35;
	v56 =	vld.idx.msk [tilespmem:v51+s16+$0x0], $0xffff  }
0x33c: {  	v36 =	vadd.s32 s17, v5;
	v35 =	vor.u32 v13, v35;
	v51 =	vld.idx.msk [tilespmem:v51+s18+$0x0], $0xffff  }
0x33d: {  	v36 =	vand.u32 $0x38, v36;
	v37 =	vld.idx.msk [tilespmem:v33+s16+$0x0], $0xffff  }
0x33e: {  	v36 =	vor.u32 v13, v36;
	v33 =	vld.idx.msk [tilespmem:v33+s18+$0x0], $0xffff  }
0x33f: {  	v44 =	vadd.s32 s19, v5;
	v52 =	vadd.s32 s21, v5;
	s21 =	sor.u32 $0x3, s17;
	v38 =	vld.idx.msk [tilespmem:v34+s16+$0x0], $0xffff  }
0x340: {  	v44 =	vand.u32 $0x3F, v44;
	v55 =	vadd.s32 s21, v18;
	v34 =	vld.idx.msk [tilespmem:v34+s18+$0x0], $0xffff  }
0x341: {  	v44 =	vor.u32 v27, v44;
	v40 =	vld.idx.msk [tilespmem:v35+s16+$0x0], $0xffff  }
0x342: {  	v52 =	vand.u32 $0x3F, v52;
	v35 =	vld.idx.msk [tilespmem:v35+s18+$0x0], $0xffff  }
0x343: {  	v52 =	vor.u32 v27, v52;
	v42 =	vld.idx.msk [tilespmem:v36+s16+$0x0], $0xffff  }
0x344: {  	v36 =	vld.idx.msk [tilespmem:v36+s18+$0x0], $0xffff  }
0x345: {  	v61 =	vld.idx.msk [tilespmem:v55+s16+$0x0], $0xffff  }
0x346: {  	v57 =	vadd.s32 s21, v20;
	v50 =	vld.idx.msk [tilespmem:v44+s16+$0x0], $0xffff  }
0x347: {  	v59 =	vadd.s32 s21, v23;
	v44 =	vld.idx.msk [tilespmem:v44+s18+$0x0], $0xffff  }
0x348: {  	v60 =	vadd.s32 s21, v5;
	s21 =	sor.u32 $0x4, s17;
	v58 =	vld.idx.msk [tilespmem:v52+s16+$0x0], $0xffff  }
0x349: {  	v60 =	vand.u32 $0x3F, v60;
	v62 =	vadd.s32 s21, v5;
	v52 =	vld.idx.msk [tilespmem:v52+s18+$0x0], $0xffff  }
0x34a: {  	v33 =	vmul.bf16 v33, v37;
	v34 =	vmul.bf16 v34, v38;
	v37 =	vld.idx.msk [tilespmem:v55+s18+$0x0], $0xffff;
	v38 =	vor.u32 v27, v60  }
0x34b: {  	v62 =	vand.u32 $0x3F, v62;
	v55 =	vld.idx.msk [tilespmem:v57+s16+$0x0], $0xffff  }
0x34c: {  	v35 =	vmul.bf16 v35, v40;
	v40 =	vld.idx.msk [tilespmem:v59+s16+$0x0], $0xffff;
	v60 =	vadd.s32 s21, v20;
	v33 =	vadd.bf16 v34, v33  }
0x34d: {  	v62 =	vor.u32 v27, v62;
	v59 =	vld.idx.msk [tilespmem:v59+s18+$0x0], $0xffff  }
0x34e: {  	v39 =	vmul.bf16 v39, v45;
	v36 =	vmul.bf16 v36, v42;
	v34 =	vld.idx.msk [tilespmem:v57+s18+$0x0], $0xffff;
	v42 =	vunpack.i.l.bf16.f32 v33  }
0x34f: {  	v41 =	vmul.bf16 v41, v46;
	v57 =	vadd.s32 s21, v18;
	v32 =	vadd.f32 v42, v32;
	v42 =	vld.idx.msk [tilespmem:v38+s16+$0x0], $0xffff  }
0x350: {  	v35 =	vadd.bf16 v36, v35;
	v33 =	vunpack.i.u.bf16.f32 v33;
	v36 =	vld.idx.msk [tilespmem:v38+s18+$0x0], $0xffff  }
0x351: {  	v39 =	vadd.bf16 v41, v39;
	v31 =	vadd.f32 v33, v31;
	v33 =	vld.idx.msk [tilespmem:v60+s16+$0x0], $0xffff  }
0x352: {  	v46 =	vunpack.i.l.bf16.f32 v35;
	v35 =	vunpack.i.u.bf16.f32 v35;
	v38 =	vadd.s32 s21, v23;
	v41 =	vld.idx.msk [tilespmem:v60+s18+$0x0], $0xffff  }
0x353: {  	s21 =	sor.u32 $0x5, s17;
	v29 =	vadd.f32 v35, v29;
	v35 =	vmul.bf16 v43, v48;
	v43 =	vld.idx.msk [tilespmem:v62+s16+$0x0], $0xffff  }
0x354: {  	v63 =	vmul.bf16 v44, v50;
	v30 =	vadd.f32 v46, v30;
	v46 =	vadd.s32 s21, v18;
	v45 =	vld.idx.msk [tilespmem:v57+s16+$0x0], $0xffff  }
0x355: {  	v60 =	vunpack.i.u.bf16.f32 v39;
	v39 =	vunpack.i.l.bf16.f32 v39;
	v50 =	vadd.s32 s21, v20;
	v57 =	vld.idx.msk [tilespmem:v57+s18+$0x0], $0xffff  }
0x356: {  	v32 =	vadd.f32 v39, v32;
	v39 =	vmul.bf16 v47, v53;
	v47 =	vmul.bf16 v49, v54;
	v49 =	vld.idx.msk [tilespmem:v62+s18+$0x0], $0xffff  }
0x357: {  	v61 =	vmul.bf16 v37, v61;
	v40 =	vmul.bf16 v59, v40;
	v44 =	vld.idx.msk [tilespmem:v38+s16+$0x0], $0xffff  }
0x358: {  	v35 =	vadd.bf16 v63, v35;
	v53 =	vadd.s32 s21, v23;
	v54 =	vadd.s32 s21, v5;
	v38 =	vld.idx.msk [tilespmem:v38+s18+$0x0], $0xffff  }
0x359: {  	v31 =	vadd.f32 v60, v31;
	v34 =	vmul.bf16 v34, v55;
	v54 =	vand.u32 $0x3F, v54;
	v60 =	vld.idx.msk [tilespmem:v46+s16+$0x0], $0xffff  }
0x35a: {  	v48 =	vunpack.i.l.bf16.f32 v35;
	v39 =	vadd.bf16 v47, v39;
	v47 =	vor.u32 v27, v54;
	v46 =	vld.idx.msk [tilespmem:v46+s18+$0x0], $0xffff  }
0x35b: {  	v62 =	vmul.bf16 v52, v58;
	s21 =	sor.u32 $0x6, s17;
	v30 =	vadd.f32 v48, v30;
	v48 =	vmul.bf16 v51, v56;
	v52 =	vld.idx.msk [tilespmem:v50+s16+$0x0], $0xffff  }
0x35c: {  	v35 =	vunpack.i.u.bf16.f32 v35;
	v54 =	vadd.s32 s21, v18;
	v34 =	vadd.bf16 v34, v61;
	v50 =	vld.idx.msk [tilespmem:v50+s18+$0x0], $0xffff  }
0x35d: {  	v63 =	vunpack.i.l.bf16.f32 v39;
	v58 =	vunpack.i.u.bf16.f32 v39;
	v39 =	vadd.bf16 v62, v48;
	v48 =	vld.idx.msk [tilespmem:v53+s16+$0x0], $0xffff  }
0x35e: {  	v29 =	vadd.f32 v35, v29;
	v51 =	vadd.s32 s21, v20;
	v36 =	vmul.bf16 v36, v42;
	v37 =	vld.idx.msk [tilespmem:v53+s18+$0x0], $0xffff  }
0x35f: {  	v33 =	vmul.bf16 v41, v33;
	v61 =	vunpack.i.u.bf16.f32 v34;
	v32 =	vadd.f32 v63, v32;
	v55 =	vld.idx.msk [tilespmem:v47+s16+$0x0], $0xffff  }
0x360: {  	v31 =	vadd.f32 v58, v31;
	v63 =	vadd.s32 s21, v5;
	v42 =	vld.idx.msk [tilespmem:v47+s18+$0x0], $0xffff;
	v47 =	vadd.s32 s21, v23  }
0x361: {  	v56 =	vand.u32 $0x3F, v63;
	v62 =	vunpack.i.u.bf16.f32 v39;
	v39 =	vunpack.i.l.bf16.f32 v39;
	v35 =	vld.idx.msk [tilespmem:v54+s16+$0x0], $0xffff  }
0x362: {  	v45 =	vmul.bf16 v57, v45;
	v59 =	vor.u32 v27, v56;
	v30 =	vadd.f32 v39, v30;
	v39 =	vld.idx.msk [tilespmem:v54+s18+$0x0], $0xffff  }
0x363: {  	v36 =	vadd.bf16 v36, v40;
	s21 =	sor.u32 $0x7, s17;
	v31 =	vadd.f32 v61, v31;
	v40 =	vld.idx.msk [tilespmem:v51+s16+$0x0], $0xffff  }
0x364: {  	v33 =	vadd.bf16 v33, v45;
	v29 =	vadd.f32 v62, v29;
	v41 =	vld.idx.msk [tilespmem:v51+s18+$0x0], $0xffff;
	v51 =	vadd.s32 s21, v18  }
0x365: {  	v62 =	vunpack.i.u.bf16.f32 v36;
	v36 =	vunpack.i.l.bf16.f32 v36;
	v53 =	vadd.s32 s21, v23;
	v54 =	vld.idx.msk [tilespmem:v47+s16+$0x0], $0xffff  }
0x366: {  	v61 =	vadd.s32 s21, v5;
	v30 =	vadd.f32 v36, v30;
	v36 =	vmul.bf16 v38, v44;
	v45 =	vld.idx.msk [tilespmem:v47+s18+$0x0], $0xffff  }
0x367: {  	v38 =	vmul.bf16 v49, v43;
	v29 =	vadd.f32 v62, v29;
	v62 =	vand.u32 $0x3F, v61;
	v43 =	vld.idx.msk [tilespmem:v59+s16+$0x0], $0xffff  }
0x368: {  	v34 =	vunpack.i.l.bf16.f32 v34;
	v44 =	vor.u32 v27, v62;
	v49 =	vld.idx.msk [tilespmem:v59+s18+$0x0], $0xffff  }
0x369: {  	v32 =	vadd.f32 v34, v32;
	v63 =	vunpack.i.l.bf16.f32 v33;
	v34 =	vld.idx.msk [tilespmem:v51+s16+$0x0], $0xffff  }
0x36a: {  	v33 =	vunpack.i.u.bf16.f32 v33;
	v47 =	vadd.s32 s21, v20;
	v36 =	vadd.bf16 v38, v36;
	v38 =	vld.idx.msk [tilespmem:v51+s18+$0x0], $0xffff  }
0x36b: {  	v56 =	vmul.bf16 v50, v52;
	v32 =	vadd.f32 v63, v32;
	v63 =	vmul.bf16 v46, v60;
	v59 =	vld.idx.msk [tilespmem:v53+s16+$0x0], $0xffff  }
0x36c: {  	v31 =	vadd.f32 v33, v31;
	v37 =	vmul.bf16 v37, v48;
	v42 =	vmul.bf16 v42, v55;
	v61 =	vld.idx.msk [tilespmem:v53+s18+$0x0], $0xffff  }
0x36d: {  	v33 =	vadd.bf16 v56, v63;
	v35 =	vmul.bf16 v39, v35;
	v40 =	vmul.bf16 v41, v40;
	v63 =	vld.idx.msk [tilespmem:v44+s16+$0x0], $0xffff  }
0x36e: {  	v58 =	vunpack.i.l.bf16.f32 v36;
	v36 =	vunpack.i.u.bf16.f32 v36;
	v60 =	vadd.bf16 v42, v37;
	v51 =	vld.idx.msk [tilespmem:v44+s18+$0x0], $0xffff  }
0x36f: {  	v62 =	vunpack.i.u.bf16.f32 v33;
	v33 =	vunpack.i.l.bf16.f32 v33;
	v30 =	vadd.f32 v58, v30;
	v57 =	vld.idx.msk [tilespmem:v47+s16+$0x0], $0xffff  }
0x370: {  	v29 =	vadd.f32 v36, v29;
	v32 =	vadd.f32 v33, v32;
	v47 =	vld.idx.msk [tilespmem:v47+s18+$0x0], $0xffff  }
0x371: {  	v31 =	vadd.f32 v62, v31;
	v52 =	vadd.bf16 v40, v35;
	v48 =	vunpack.i.l.bf16.f32 v60  }
0x372: {  	v53 =	vunpack.i.u.bf16.f32 v60;
	v54 =	vmul.bf16 v45, v54;
	v55 =	vmul.bf16 v49, v43  }
0x373: {  	v30 =	vadd.f32 v48, v30;
	v29 =	vadd.f32 v53, v29;
	v40 =	vunpack.i.l.bf16.f32 v52  }
0x374: {  	v34 =	vmul.bf16 v38, v34;
	v35 =	vadd.bf16 v55, v54;
	v58 =	vmul.bf16 v51, v63  }
0x375: {  	v33 =	vunpack.i.u.bf16.f32 v52;
	v56 =	vmul.bf16 v47, v57;
	v57 =	vmul.bf16 v61, v59  }
0x376: {  	p2 =	por p1, p1;
	v32 =	vadd.f32 v40, v32;
	v31 =	vadd.f32 v33, v31;
	v59 =	vunpack.i.u.bf16.f32 v35  }
.Ltmp10:
0x377: {  	v35 =	vunpack.i.l.bf16.f32 v35;
	v34 =	vadd.bf16 v56, v34;
	v36 =	vadd.bf16 v58, v57;
	(pc) =	sbr.rel @p2 .LBB2_19-.Ltmp10, $4  }
0x378: {  	v30 =	vadd.f32 v35, v30;
	v29 =	vadd.f32 v59, v29  }
0x379: {  	v60 =	vunpack.i.l.bf16.f32 v34;
	v61 =	vunpack.i.u.bf16.f32 v34;
	v62 =	vunpack.i.u.bf16.f32 v36  }
0x37a: {  	v63 =	vunpack.i.l.bf16.f32 v36;
	v32 =	vadd.f32 v60, v32;
	v31 =	vadd.f32 v61, v31  }
0x37b: {  	p1 =	por $0x0, $0x0;
	s17 =	simm.s32 $0x8;
	v30 =	vadd.f32 v63, v30;
	v29 =	vadd.f32 v62, v29  }
0x37c: {  	_ = 	snop  }
0x37d: {  	v31 =	vadd.f32 v31, v32;
	v29 =	vadd.f32 v29, v30;
	_ =	sdelay $0x1  }
0x37e: {  	v29 =	vadd.f32 v29, v31;
	_ =	sdelay $0x1  }
0x37f: {  	v29 =	vsub.f32 $0.0e+00, v29;
	_ =	sdelay $0x1  }
0x380: {  	v29 =	vmul.f32 $1.442695020e+00, v29;
	_ =	sdelay $0x1  }
0x381: {  	(erf) = vpow2.f32 v29;
	_ =	sdelay $0x8  }
0x382: {  	v29 =	vpop (erf)  }
0x383: {  	v29 =	vadd.f32 $1.000000000e+00, v29;
	_ =	sdelay $0x1  }
0x384: {  	(erf) = vrcp.f32 v29;
	_ =	sdelay $0x8  }
0x385: {  	v32 =	vimm.f32 $0.0e+00;
	v30 =	vpop (erf)  }
0x386: {  	s17 =	simm.s32 $0x0;
	p1 =	por $0x1, $0x1;
	v31 =	vimm.f32 $0.0e+00;
	v29 =	vimm.f32 $0.0e+00;
	[tilespmem:s3+$0xC6A0] =	vst v30;
	v30 =	vimm.f32 $0.0e+00  }
.LBB2_21:
0x387: {  	s19 =	sor.u32 $0x1, s17  }
0x388: {  	v39 =	vadd.s32 s19, v21;
	_ =	sdelay $0x1  }
0x389: {  	v41 =	vadd.s32 s19, v24;
	_ =	sdelay $0x1  }
0x38a: {  	v43 =	vadd.s32 s19, v26  }
0x38b: {  	s21 =	sor.u32 $0x2, s17;
	v45 =	vld.idx.msk [tilespmem:v39+s16+$0x0], $0xffff  }
0x38c: {  	v47 =	vadd.s32 s21, v21;
	v39 =	vld.idx.msk [tilespmem:v39+s18+$0x0], $0xffff  }
0x38d: {  	v46 =	vld.idx.msk [tilespmem:v41+s16+$0x0], $0xffff  }
0x38e: {  	v49 =	vadd.s32 s21, v24;
	v41 =	vld.idx.msk [tilespmem:v41+s18+$0x0], $0xffff  }
0x38f: {  	v48 =	vld.idx.msk [tilespmem:v43+s16+$0x0], $0xffff  }
0x390: {  	v33 =	vadd.s32 s17, v0;
	v51 =	vadd.s32 s21, v26;
	v43 =	vld.idx.msk [tilespmem:v43+s18+$0x0], $0xffff  }
0x391: {  	v33 =	vand.u32 $0x18, v33;
	v53 =	vld.idx.msk [tilespmem:v47+s16+$0x0], $0xffff  }
0x392: {  	v34 =	vadd.s32 s17, v3;
	v33 =	vor.u32 v14, v33;
	v47 =	vld.idx.msk [tilespmem:v47+s18+$0x0], $0xffff  }
0x393: {  	v34 =	vand.u32 $0x38, v34;
	v54 =	vld.idx.msk [tilespmem:v49+s16+$0x0], $0xffff  }
0x394: {  	v35 =	vadd.s32 s17, v4;
	v34 =	vor.u32 v14, v34;
	v49 =	vld.idx.msk [tilespmem:v49+s18+$0x0], $0xffff  }
0x395: {  	v35 =	vand.u32 $0x38, v35;
	v56 =	vld.idx.msk [tilespmem:v51+s16+$0x0], $0xffff  }
0x396: {  	v36 =	vadd.s32 s17, v5;
	v35 =	vor.u32 v14, v35;
	v51 =	vld.idx.msk [tilespmem:v51+s18+$0x0], $0xffff  }
0x397: {  	v36 =	vand.u32 $0x38, v36;
	v37 =	vld.idx.msk [tilespmem:v33+s16+$0x0], $0xffff  }
0x398: {  	v36 =	vor.u32 v14, v36;
	v33 =	vld.idx.msk [tilespmem:v33+s18+$0x0], $0xffff  }
0x399: {  	v44 =	vadd.s32 s19, v5;
	v52 =	vadd.s32 s21, v5;
	s21 =	sor.u32 $0x3, s17;
	v38 =	vld.idx.msk [tilespmem:v34+s16+$0x0], $0xffff  }
0x39a: {  	v44 =	vand.u32 $0x3F, v44;
	v55 =	vadd.s32 s21, v21;
	v34 =	vld.idx.msk [tilespmem:v34+s18+$0x0], $0xffff  }
0x39b: {  	v44 =	vor.u32 v28, v44;
	v40 =	vld.idx.msk [tilespmem:v35+s16+$0x0], $0xffff  }
0x39c: {  	v52 =	vand.u32 $0x3F, v52;
	v35 =	vld.idx.msk [tilespmem:v35+s18+$0x0], $0xffff  }
0x39d: {  	v52 =	vor.u32 v28, v52;
	v42 =	vld.idx.msk [tilespmem:v36+s16+$0x0], $0xffff  }
0x39e: {  	v36 =	vld.idx.msk [tilespmem:v36+s18+$0x0], $0xffff  }
0x39f: {  	v61 =	vld.idx.msk [tilespmem:v55+s16+$0x0], $0xffff  }
0x3a0: {  	v57 =	vadd.s32 s21, v24;
	v50 =	vld.idx.msk [tilespmem:v44+s16+$0x0], $0xffff  }
0x3a1: {  	v59 =	vadd.s32 s21, v26;
	v44 =	vld.idx.msk [tilespmem:v44+s18+$0x0], $0xffff  }
0x3a2: {  	v60 =	vadd.s32 s21, v5;
	s21 =	sor.u32 $0x4, s17;
	v58 =	vld.idx.msk [tilespmem:v52+s16+$0x0], $0xffff  }
0x3a3: {  	v60 =	vand.u32 $0x3F, v60;
	v62 =	vadd.s32 s21, v5;
	v52 =	vld.idx.msk [tilespmem:v52+s18+$0x0], $0xffff  }
0x3a4: {  	v33 =	vmul.bf16 v33, v37;
	v34 =	vmul.bf16 v34, v38;
	v37 =	vld.idx.msk [tilespmem:v55+s18+$0x0], $0xffff;
	v38 =	vor.u32 v28, v60  }
0x3a5: {  	v62 =	vand.u32 $0x3F, v62;
	v55 =	vld.idx.msk [tilespmem:v57+s16+$0x0], $0xffff  }
0x3a6: {  	v35 =	vmul.bf16 v35, v40;
	v40 =	vld.idx.msk [tilespmem:v59+s16+$0x0], $0xffff;
	v60 =	vadd.s32 s21, v24;
	v33 =	vadd.bf16 v34, v33  }
0x3a7: {  	v62 =	vor.u32 v28, v62;
	v59 =	vld.idx.msk [tilespmem:v59+s18+$0x0], $0xffff  }
0x3a8: {  	v39 =	vmul.bf16 v39, v45;
	v36 =	vmul.bf16 v36, v42;
	v34 =	vld.idx.msk [tilespmem:v57+s18+$0x0], $0xffff;
	v42 =	vunpack.i.l.bf16.f32 v33  }
0x3a9: {  	v41 =	vmul.bf16 v41, v46;
	v57 =	vadd.s32 s21, v21;
	v32 =	vadd.f32 v42, v32;
	v42 =	vld.idx.msk [tilespmem:v38+s16+$0x0], $0xffff  }
0x3aa: {  	v35 =	vadd.bf16 v36, v35;
	v33 =	vunpack.i.u.bf16.f32 v33;
	v36 =	vld.idx.msk [tilespmem:v38+s18+$0x0], $0xffff  }
0x3ab: {  	v39 =	vadd.bf16 v41, v39;
	v31 =	vadd.f32 v33, v31;
	v33 =	vld.idx.msk [tilespmem:v60+s16+$0x0], $0xffff  }
0x3ac: {  	v46 =	vunpack.i.l.bf16.f32 v35;
	v35 =	vunpack.i.u.bf16.f32 v35;
	v38 =	vadd.s32 s21, v26;
	v41 =	vld.idx.msk [tilespmem:v60+s18+$0x0], $0xffff  }
0x3ad: {  	s21 =	sor.u32 $0x5, s17;
	v29 =	vadd.f32 v35, v29;
	v35 =	vmul.bf16 v43, v48;
	v43 =	vld.idx.msk [tilespmem:v62+s16+$0x0], $0xffff  }
0x3ae: {  	v63 =	vmul.bf16 v44, v50;
	v30 =	vadd.f32 v46, v30;
	v46 =	vadd.s32 s21, v21;
	v45 =	vld.idx.msk [tilespmem:v57+s16+$0x0], $0xffff  }
0x3af: {  	v60 =	vunpack.i.u.bf16.f32 v39;
	v39 =	vunpack.i.l.bf16.f32 v39;
	v50 =	vadd.s32 s21, v24;
	v57 =	vld.idx.msk [tilespmem:v57+s18+$0x0], $0xffff  }
0x3b0: {  	v32 =	vadd.f32 v39, v32;
	v39 =	vmul.bf16 v47, v53;
	v47 =	vmul.bf16 v49, v54;
	v49 =	vld.idx.msk [tilespmem:v62+s18+$0x0], $0xffff  }
0x3b1: {  	v61 =	vmul.bf16 v37, v61;
	v40 =	vmul.bf16 v59, v40;
	v44 =	vld.idx.msk [tilespmem:v38+s16+$0x0], $0xffff  }
0x3b2: {  	v35 =	vadd.bf16 v63, v35;
	v53 =	vadd.s32 s21, v26;
	v54 =	vadd.s32 s21, v5;
	v38 =	vld.idx.msk [tilespmem:v38+s18+$0x0], $0xffff  }
0x3b3: {  	v31 =	vadd.f32 v60, v31;
	v34 =	vmul.bf16 v34, v55;
	v54 =	vand.u32 $0x3F, v54;
	v60 =	vld.idx.msk [tilespmem:v46+s16+$0x0], $0xffff  }
0x3b4: {  	v48 =	vunpack.i.l.bf16.f32 v35;
	v39 =	vadd.bf16 v47, v39;
	v47 =	vor.u32 v28, v54;
	v46 =	vld.idx.msk [tilespmem:v46+s18+$0x0], $0xffff  }
0x3b5: {  	v62 =	vmul.bf16 v52, v58;
	s21 =	sor.u32 $0x6, s17;
	v30 =	vadd.f32 v48, v30;
	v48 =	vmul.bf16 v51, v56;
	v52 =	vld.idx.msk [tilespmem:v50+s16+$0x0], $0xffff  }
0x3b6: {  	v35 =	vunpack.i.u.bf16.f32 v35;
	v54 =	vadd.s32 s21, v21;
	v34 =	vadd.bf16 v34, v61;
	v50 =	vld.idx.msk [tilespmem:v50+s18+$0x0], $0xffff  }
0x3b7: {  	v63 =	vunpack.i.l.bf16.f32 v39;
	v58 =	vunpack.i.u.bf16.f32 v39;
	v39 =	vadd.bf16 v62, v48;
	v48 =	vld.idx.msk [tilespmem:v53+s16+$0x0], $0xffff  }
0x3b8: {  	v29 =	vadd.f32 v35, v29;
	v51 =	vadd.s32 s21, v24;
	v36 =	vmul.bf16 v36, v42;
	v37 =	vld.idx.msk [tilespmem:v53+s18+$0x0], $0xffff  }
0x3b9: {  	v33 =	vmul.bf16 v41, v33;
	v61 =	vunpack.i.u.bf16.f32 v34;
	v32 =	vadd.f32 v63, v32;
	v55 =	vld.idx.msk [tilespmem:v47+s16+$0x0], $0xffff  }
0x3ba: {  	v31 =	vadd.f32 v58, v31;
	v63 =	vadd.s32 s21, v5;
	v42 =	vld.idx.msk [tilespmem:v47+s18+$0x0], $0xffff;
	v47 =	vadd.s32 s21, v26  }
0x3bb: {  	v56 =	vand.u32 $0x3F, v63;
	v62 =	vunpack.i.u.bf16.f32 v39;
	v39 =	vunpack.i.l.bf16.f32 v39;
	v35 =	vld.idx.msk [tilespmem:v54+s16+$0x0], $0xffff  }
0x3bc: {  	v45 =	vmul.bf16 v57, v45;
	v59 =	vor.u32 v28, v56;
	v30 =	vadd.f32 v39, v30;
	v39 =	vld.idx.msk [tilespmem:v54+s18+$0x0], $0xffff  }
0x3bd: {  	v36 =	vadd.bf16 v36, v40;
	s21 =	sor.u32 $0x7, s17;
	v31 =	vadd.f32 v61, v31;
	v40 =	vld.idx.msk [tilespmem:v51+s16+$0x0], $0xffff  }
0x3be: {  	v33 =	vadd.bf16 v33, v45;
	v29 =	vadd.f32 v62, v29;
	v41 =	vld.idx.msk [tilespmem:v51+s18+$0x0], $0xffff;
	v51 =	vadd.s32 s21, v21  }
0x3bf: {  	v62 =	vunpack.i.u.bf16.f32 v36;
	v36 =	vunpack.i.l.bf16.f32 v36;
	v53 =	vadd.s32 s21, v26;
	v54 =	vld.idx.msk [tilespmem:v47+s16+$0x0], $0xffff  }
0x3c0: {  	v61 =	vadd.s32 s21, v5;
	v30 =	vadd.f32 v36, v30;
	v36 =	vmul.bf16 v38, v44;
	v45 =	vld.idx.msk [tilespmem:v47+s18+$0x0], $0xffff  }
0x3c1: {  	v38 =	vmul.bf16 v49, v43;
	v29 =	vadd.f32 v62, v29;
	v62 =	vand.u32 $0x3F, v61;
	v43 =	vld.idx.msk [tilespmem:v59+s16+$0x0], $0xffff  }
0x3c2: {  	v34 =	vunpack.i.l.bf16.f32 v34;
	v44 =	vor.u32 v28, v62;
	v49 =	vld.idx.msk [tilespmem:v59+s18+$0x0], $0xffff  }
0x3c3: {  	v32 =	vadd.f32 v34, v32;
	v63 =	vunpack.i.l.bf16.f32 v33;
	v34 =	vld.idx.msk [tilespmem:v51+s16+$0x0], $0xffff  }
0x3c4: {  	v33 =	vunpack.i.u.bf16.f32 v33;
	v47 =	vadd.s32 s21, v24;
	v36 =	vadd.bf16 v38, v36;
	v38 =	vld.idx.msk [tilespmem:v51+s18+$0x0], $0xffff  }
0x3c5: {  	v56 =	vmul.bf16 v50, v52;
	v32 =	vadd.f32 v63, v32;
	v63 =	vmul.bf16 v46, v60;
	v59 =	vld.idx.msk [tilespmem:v53+s16+$0x0], $0xffff  }
0x3c6: {  	v31 =	vadd.f32 v33, v31;
	v37 =	vmul.bf16 v37, v48;
	v42 =	vmul.bf16 v42, v55;
	v61 =	vld.idx.msk [tilespmem:v53+s18+$0x0], $0xffff  }
0x3c7: {  	v33 =	vadd.bf16 v56, v63;
	v35 =	vmul.bf16 v39, v35;
	v40 =	vmul.bf16 v41, v40;
	v63 =	vld.idx.msk [tilespmem:v44+s16+$0x0], $0xffff  }
0x3c8: {  	v58 =	vunpack.i.l.bf16.f32 v36;
	v36 =	vunpack.i.u.bf16.f32 v36;
	v60 =	vadd.bf16 v42, v37;
	v51 =	vld.idx.msk [tilespmem:v44+s18+$0x0], $0xffff  }
0x3c9: {  	v62 =	vunpack.i.u.bf16.f32 v33;
	v33 =	vunpack.i.l.bf16.f32 v33;
	v30 =	vadd.f32 v58, v30;
	v57 =	vld.idx.msk [tilespmem:v47+s16+$0x0], $0xffff  }
0x3ca: {  	v29 =	vadd.f32 v36, v29;
	v32 =	vadd.f32 v33, v32;
	v47 =	vld.idx.msk [tilespmem:v47+s18+$0x0], $0xffff  }
0x3cb: {  	v31 =	vadd.f32 v62, v31;
	v52 =	vadd.bf16 v40, v35;
	v48 =	vunpack.i.l.bf16.f32 v60  }
0x3cc: {  	v53 =	vunpack.i.u.bf16.f32 v60;
	v54 =	vmul.bf16 v45, v54;
	v55 =	vmul.bf16 v49, v43  }
0x3cd: {  	v30 =	vadd.f32 v48, v30;
	v29 =	vadd.f32 v53, v29;
	v40 =	vunpack.i.l.bf16.f32 v52  }
0x3ce: {  	v34 =	vmul.bf16 v38, v34;
	v35 =	vadd.bf16 v55, v54;
	v58 =	vmul.bf16 v51, v63  }
0x3cf: {  	v33 =	vunpack.i.u.bf16.f32 v52;
	v56 =	vmul.bf16 v47, v57;
	v57 =	vmul.bf16 v61, v59  }
0x3d0: {  	p2 =	por p1, p1;
	v32 =	vadd.f32 v40, v32;
	v31 =	vadd.f32 v33, v31;
	v59 =	vunpack.i.u.bf16.f32 v35  }
.Ltmp11:
0x3d1: {  	v35 =	vunpack.i.l.bf16.f32 v35;
	v34 =	vadd.bf16 v56, v34;
	v36 =	vadd.bf16 v58, v57;
	(pc) =	sbr.rel @p2 .LBB2_21-.Ltmp11, $4  }
0x3d2: {  	v30 =	vadd.f32 v35, v30;
	v29 =	vadd.f32 v59, v29  }
0x3d3: {  	v60 =	vunpack.i.l.bf16.f32 v34;
	v61 =	vunpack.i.u.bf16.f32 v34;
	v62 =	vunpack.i.u.bf16.f32 v36  }
0x3d4: {  	v63 =	vunpack.i.l.bf16.f32 v36;
	v32 =	vadd.f32 v60, v32;
	v31 =	vadd.f32 v61, v31  }
0x3d5: {  	p1 =	por $0x0, $0x0;
	s17 =	simm.s32 $0x8;
	v30 =	vadd.f32 v63, v30;
	v29 =	vadd.f32 v62, v29  }
0x3d6: {  	_ = 	snop  }
0x3d7: {  	v31 =	vadd.f32 v31, v32;
	v29 =	vadd.f32 v29, v30;
	_ =	sdelay $0x1  }
0x3d8: {  	v29 =	vadd.f32 v29, v31;
	_ =	sdelay $0x1  }
0x3d9: {  	v29 =	vsub.f32 $0.0e+00, v29;
	_ =	sdelay $0x1  }
0x3da: {  	v29 =	vmul.f32 $1.442695020e+00, v29;
	_ =	sdelay $0x1  }
0x3db: {  	(erf) = vpow2.f32 v29;
	_ =	sdelay $0x8  }
0x3dc: {  	v29 =	vpop (erf)  }
0x3dd: {  	v29 =	vadd.f32 $1.000000000e+00, v29;
	_ =	sdelay $0x1  }
0x3de: {  	(erf) = vrcp.f32 v29;
	_ =	sdelay $0x5  }
.Ltmp12:
0x3df: {  	_ = 	snop;
	(pc) =	sbr.rel @p0 .LBB2_34-.Ltmp12, $3  }
0x3e0: {  	_ =	sdelay $0x1  }
0x3e1: {  	v29 =	vpop (erf)  }
0x3e2: {  	[tilespmem:s3+$0xC6B0] =	vst v29  }
0x3e3: {  	s17 =	sadd.s32 $0x140, s3  }
0x3e4: {  	[tilespmem:s16], [sflag:$0x3] =	stream.indirect.gather [spmem:s1], $0x40, s17, s13, $0xb8;
	[tilespmem:$0x18970] =	vst v63  }
0x3e5: {  	s21 =	sadd.s32 $0x2850, s3  }
0x3e6: {  	[tilespmem:s18], [sflag:$0x4] =	stream.indirect.gather [spmem:s1], $0x40, s21, s13, $0xb8;
	[tilespmem:$0x18970] =	vst v63  }
0x3e7: {  	_ =	swait.ge [sflag:s29], $0x1400  }
0x3e8: {  	[sflag:s29] =	ssyncset.done $0x0  }
0x3e9: {  	[sflag:s29] =	ssyncadd.s32 $0xFFFFEC00  }
0x3ea: {  	_ =	swait.ge [sflag:s30], $0x1400  }
0x3eb: {  	v29 =	vimm.f32 $0.0e+00;
	[sflag:s30] =	ssyncset.done $0x0  }
0x3ec: {  	p0 =	por $0x1, $0x1;
	v30 =	vimm.f32 $0.0e+00;
	v31 =	vimm.f32 $0.0e+00;
	v32 =	vimm.f32 $0.0e+00;
	s17 =	simm.s32 $0x0;
	[sflag:s30] =	ssyncadd.s32 $0xFFFFEC00  }
.LBB2_24:
0x3ed: {  	s19 =	sor.u32 $0x1, s17  }
0x3ee: {  	v39 =	vadd.s32 s19, v2;
	_ =	sdelay $0x1  }
0x3ef: {  	v41 =	vadd.s32 s19, v6;
	_ =	sdelay $0x1  }
0x3f0: {  	v43 =	vadd.s32 s19, v7  }
0x3f1: {  	s21 =	sor.u32 $0x2, s17;
	v45 =	vld.idx.msk [tilespmem:v39+s20+$0x0], $0xffff  }
0x3f2: {  	v47 =	vadd.s32 s21, v2;
	v39 =	vld.idx.msk [tilespmem:v39+s22+$0x0], $0xffff  }
0x3f3: {  	v46 =	vld.idx.msk [tilespmem:v41+s20+$0x0], $0xffff  }
0x3f4: {  	v49 =	vadd.s32 s21, v6;
	v41 =	vld.idx.msk [tilespmem:v41+s22+$0x0], $0xffff  }
0x3f5: {  	v48 =	vld.idx.msk [tilespmem:v43+s20+$0x0], $0xffff  }
0x3f6: {  	v33 =	vadd.s32 s17, v0;
	v51 =	vadd.s32 s21, v7;
	v43 =	vld.idx.msk [tilespmem:v43+s22+$0x0], $0xffff  }
0x3f7: {  	v33 =	vand.u32 $0x18, v33;
	v53 =	vld.idx.msk [tilespmem:v47+s20+$0x0], $0xffff  }
0x3f8: {  	v34 =	vadd.s32 s17, v3;
	v33 =	vor.u32 v1, v33;
	v47 =	vld.idx.msk [tilespmem:v47+s22+$0x0], $0xffff  }
0x3f9: {  	v34 =	vand.u32 $0x38, v34;
	v54 =	vld.idx.msk [tilespmem:v49+s20+$0x0], $0xffff  }
0x3fa: {  	v35 =	vadd.s32 s17, v4;
	v34 =	vor.u32 v1, v34;
	v49 =	vld.idx.msk [tilespmem:v49+s22+$0x0], $0xffff  }
0x3fb: {  	v35 =	vand.u32 $0x38, v35;
	v56 =	vld.idx.msk [tilespmem:v51+s20+$0x0], $0xffff  }
0x3fc: {  	v36 =	vadd.s32 s17, v5;
	v35 =	vor.u32 v1, v35;
	v51 =	vld.idx.msk [tilespmem:v51+s22+$0x0], $0xffff  }
0x3fd: {  	v36 =	vand.u32 $0x38, v36;
	v37 =	vld.idx.msk [tilespmem:v33+s20+$0x0], $0xffff  }
0x3fe: {  	v36 =	vor.u32 v1, v36;
	v33 =	vld.idx.msk [tilespmem:v33+s22+$0x0], $0xffff  }
0x3ff: {  	v44 =	vadd.s32 s19, v5;
	v52 =	vadd.s32 s21, v5;
	s21 =	sor.u32 $0x3, s17;
	v38 =	vld.idx.msk [tilespmem:v34+s20+$0x0], $0xffff  }
0x400: {  	v44 =	vand.u32 $0x3F, v44;
	v55 =	vadd.s32 s21, v2;
	v34 =	vld.idx.msk [tilespmem:v34+s22+$0x0], $0xffff  }
0x401: {  	v44 =	vor.u32 v8, v44;
	v40 =	vld.idx.msk [tilespmem:v35+s20+$0x0], $0xffff  }
0x402: {  	v52 =	vand.u32 $0x3F, v52;
	v35 =	vld.idx.msk [tilespmem:v35+s22+$0x0], $0xffff  }
0x403: {  	v52 =	vor.u32 v8, v52;
	v42 =	vld.idx.msk [tilespmem:v36+s20+$0x0], $0xffff  }
0x404: {  	v36 =	vld.idx.msk [tilespmem:v36+s22+$0x0], $0xffff  }
0x405: {  	v61 =	vld.idx.msk [tilespmem:v55+s20+$0x0], $0xffff  }
0x406: {  	v57 =	vadd.s32 s21, v6;
	v50 =	vld.idx.msk [tilespmem:v44+s20+$0x0], $0xffff  }
0x407: {  	v59 =	vadd.s32 s21, v7;
	v44 =	vld.idx.msk [tilespmem:v44+s22+$0x0], $0xffff  }
0x408: {  	v60 =	vadd.s32 s21, v5;
	s21 =	sor.u32 $0x4, s17;
	v58 =	vld.idx.msk [tilespmem:v52+s20+$0x0], $0xffff  }
0x409: {  	v60 =	vand.u32 $0x3F, v60;
	v62 =	vadd.s32 s21, v5;
	v52 =	vld.idx.msk [tilespmem:v52+s22+$0x0], $0xffff  }
0x40a: {  	v33 =	vmul.bf16 v33, v37;
	v34 =	vmul.bf16 v34, v38;
	v37 =	vld.idx.msk [tilespmem:v55+s22+$0x0], $0xffff;
	v38 =	vor.u32 v8, v60  }
0x40b: {  	v62 =	vand.u32 $0x3F, v62;
	v55 =	vld.idx.msk [tilespmem:v57+s20+$0x0], $0xffff  }
0x40c: {  	v35 =	vmul.bf16 v35, v40;
	v40 =	vld.idx.msk [tilespmem:v59+s20+$0x0], $0xffff;
	v60 =	vadd.s32 s21, v6;
	v33 =	vadd.bf16 v34, v33  }
0x40d: {  	v62 =	vor.u32 v8, v62;
	v59 =	vld.idx.msk [tilespmem:v59+s22+$0x0], $0xffff  }
0x40e: {  	v39 =	vmul.bf16 v39, v45;
	v36 =	vmul.bf16 v36, v42;
	v34 =	vld.idx.msk [tilespmem:v57+s22+$0x0], $0xffff;
	v42 =	vunpack.i.l.bf16.f32 v33  }
0x40f: {  	v41 =	vmul.bf16 v41, v46;
	v57 =	vadd.s32 s21, v2;
	v32 =	vadd.f32 v42, v32;
	v42 =	vld.idx.msk [tilespmem:v38+s20+$0x0], $0xffff  }
0x410: {  	v35 =	vadd.bf16 v36, v35;
	v33 =	vunpack.i.u.bf16.f32 v33;
	v36 =	vld.idx.msk [tilespmem:v38+s22+$0x0], $0xffff  }
0x411: {  	v39 =	vadd.bf16 v41, v39;
	v31 =	vadd.f32 v33, v31;
	v33 =	vld.idx.msk [tilespmem:v60+s20+$0x0], $0xffff  }
0x412: {  	v46 =	vunpack.i.l.bf16.f32 v35;
	v35 =	vunpack.i.u.bf16.f32 v35;
	v38 =	vadd.s32 s21, v7;
	v41 =	vld.idx.msk [tilespmem:v60+s22+$0x0], $0xffff  }
0x413: {  	s21 =	sor.u32 $0x5, s17;
	v29 =	vadd.f32 v35, v29;
	v35 =	vmul.bf16 v43, v48;
	v43 =	vld.idx.msk [tilespmem:v62+s20+$0x0], $0xffff  }
0x414: {  	v63 =	vmul.bf16 v44, v50;
	v30 =	vadd.f32 v46, v30;
	v46 =	vadd.s32 s21, v2;
	v45 =	vld.idx.msk [tilespmem:v57+s20+$0x0], $0xffff  }
0x415: {  	v60 =	vunpack.i.u.bf16.f32 v39;
	v39 =	vunpack.i.l.bf16.f32 v39;
	v50 =	vadd.s32 s21, v6;
	v57 =	vld.idx.msk [tilespmem:v57+s22+$0x0], $0xffff  }
0x416: {  	v32 =	vadd.f32 v39, v32;
	v39 =	vmul.bf16 v47, v53;
	v47 =	vmul.bf16 v49, v54;
	v49 =	vld.idx.msk [tilespmem:v62+s22+$0x0], $0xffff  }
0x417: {  	v61 =	vmul.bf16 v37, v61;
	v40 =	vmul.bf16 v59, v40;
	v44 =	vld.idx.msk [tilespmem:v38+s20+$0x0], $0xffff  }
0x418: {  	v35 =	vadd.bf16 v63, v35;
	v53 =	vadd.s32 s21, v7;
	v54 =	vadd.s32 s21, v5;
	v38 =	vld.idx.msk [tilespmem:v38+s22+$0x0], $0xffff  }
0x419: {  	v31 =	vadd.f32 v60, v31;
	v34 =	vmul.bf16 v34, v55;
	v54 =	vand.u32 $0x3F, v54;
	v60 =	vld.idx.msk [tilespmem:v46+s20+$0x0], $0xffff  }
0x41a: {  	v48 =	vunpack.i.l.bf16.f32 v35;
	v39 =	vadd.bf16 v47, v39;
	v47 =	vor.u32 v8, v54;
	v46 =	vld.idx.msk [tilespmem:v46+s22+$0x0], $0xffff  }
0x41b: {  	v62 =	vmul.bf16 v52, v58;
	s21 =	sor.u32 $0x6, s17;
	v30 =	vadd.f32 v48, v30;
	v48 =	vmul.bf16 v51, v56;
	v52 =	vld.idx.msk [tilespmem:v50+s20+$0x0], $0xffff  }
0x41c: {  	v35 =	vunpack.i.u.bf16.f32 v35;
	v54 =	vadd.s32 s21, v2;
	v34 =	vadd.bf16 v34, v61;
	v50 =	vld.idx.msk [tilespmem:v50+s22+$0x0], $0xffff  }
0x41d: {  	v63 =	vunpack.i.l.bf16.f32 v39;
	v58 =	vunpack.i.u.bf16.f32 v39;
	v39 =	vadd.bf16 v62, v48;
	v48 =	vld.idx.msk [tilespmem:v53+s20+$0x0], $0xffff  }
0x41e: {  	v29 =	vadd.f32 v35, v29;
	v51 =	vadd.s32 s21, v6;
	v36 =	vmul.bf16 v36, v42;
	v37 =	vld.idx.msk [tilespmem:v53+s22+$0x0], $0xffff  }
0x41f: {  	v33 =	vmul.bf16 v41, v33;
	v61 =	vunpack.i.u.bf16.f32 v34;
	v32 =	vadd.f32 v63, v32;
	v55 =	vld.idx.msk [tilespmem:v47+s20+$0x0], $0xffff  }
0x420: {  	v31 =	vadd.f32 v58, v31;
	v63 =	vadd.s32 s21, v5;
	v42 =	vld.idx.msk [tilespmem:v47+s22+$0x0], $0xffff;
	v47 =	vadd.s32 s21, v7  }
0x421: {  	v56 =	vand.u32 $0x3F, v63;
	v62 =	vunpack.i.u.bf16.f32 v39;
	v39 =	vunpack.i.l.bf16.f32 v39;
	v35 =	vld.idx.msk [tilespmem:v54+s20+$0x0], $0xffff  }
0x422: {  	v45 =	vmul.bf16 v57, v45;
	v59 =	vor.u32 v8, v56;
	v30 =	vadd.f32 v39, v30;
	v39 =	vld.idx.msk [tilespmem:v54+s22+$0x0], $0xffff  }
0x423: {  	v36 =	vadd.bf16 v36, v40;
	s21 =	sor.u32 $0x7, s17;
	v31 =	vadd.f32 v61, v31;
	v40 =	vld.idx.msk [tilespmem:v51+s20+$0x0], $0xffff  }
0x424: {  	v33 =	vadd.bf16 v33, v45;
	v29 =	vadd.f32 v62, v29;
	v41 =	vld.idx.msk [tilespmem:v51+s22+$0x0], $0xffff;
	v51 =	vadd.s32 s21, v2  }
0x425: {  	v62 =	vunpack.i.u.bf16.f32 v36;
	v36 =	vunpack.i.l.bf16.f32 v36;
	v53 =	vadd.s32 s21, v7;
	v54 =	vld.idx.msk [tilespmem:v47+s20+$0x0], $0xffff  }
0x426: {  	v61 =	vadd.s32 s21, v5;
	v30 =	vadd.f32 v36, v30;
	v36 =	vmul.bf16 v38, v44;
	v45 =	vld.idx.msk [tilespmem:v47+s22+$0x0], $0xffff  }
0x427: {  	v38 =	vmul.bf16 v49, v43;
	v29 =	vadd.f32 v62, v29;
	v62 =	vand.u32 $0x3F, v61;
	v43 =	vld.idx.msk [tilespmem:v59+s20+$0x0], $0xffff  }
0x428: {  	v34 =	vunpack.i.l.bf16.f32 v34;
	v44 =	vor.u32 v8, v62;
	v49 =	vld.idx.msk [tilespmem:v59+s22+$0x0], $0xffff  }
0x429: {  	v32 =	vadd.f32 v34, v32;
	v63 =	vunpack.i.l.bf16.f32 v33;
	v34 =	vld.idx.msk [tilespmem:v51+s20+$0x0], $0xffff  }
0x42a: {  	v33 =	vunpack.i.u.bf16.f32 v33;
	v47 =	vadd.s32 s21, v6;
	v36 =	vadd.bf16 v38, v36;
	v38 =	vld.idx.msk [tilespmem:v51+s22+$0x0], $0xffff  }
0x42b: {  	v56 =	vmul.bf16 v50, v52;
	v32 =	vadd.f32 v63, v32;
	v63 =	vmul.bf16 v46, v60;
	v59 =	vld.idx.msk [tilespmem:v53+s20+$0x0], $0xffff  }
0x42c: {  	v31 =	vadd.f32 v33, v31;
	v37 =	vmul.bf16 v37, v48;
	v42 =	vmul.bf16 v42, v55;
	v61 =	vld.idx.msk [tilespmem:v53+s22+$0x0], $0xffff  }
0x42d: {  	v33 =	vadd.bf16 v56, v63;
	v35 =	vmul.bf16 v39, v35;
	v40 =	vmul.bf16 v41, v40;
	v63 =	vld.idx.msk [tilespmem:v44+s20+$0x0], $0xffff  }
0x42e: {  	v58 =	vunpack.i.l.bf16.f32 v36;
	v36 =	vunpack.i.u.bf16.f32 v36;
	v60 =	vadd.bf16 v42, v37;
	v51 =	vld.idx.msk [tilespmem:v44+s22+$0x0], $0xffff  }
0x42f: {  	v62 =	vunpack.i.u.bf16.f32 v33;
	v33 =	vunpack.i.l.bf16.f32 v33;
	v30 =	vadd.f32 v58, v30;
	v57 =	vld.idx.msk [tilespmem:v47+s20+$0x0], $0xffff  }
0x430: {  	v29 =	vadd.f32 v36, v29;
	v32 =	vadd.f32 v33, v32;
	v47 =	vld.idx.msk [tilespmem:v47+s22+$0x0], $0xffff  }
0x431: {  	v31 =	vadd.f32 v62, v31;
	v52 =	vadd.bf16 v40, v35;
	v48 =	vunpack.i.l.bf16.f32 v60  }
0x432: {  	v53 =	vunpack.i.u.bf16.f32 v60;
	v54 =	vmul.bf16 v45, v54;
	v55 =	vmul.bf16 v49, v43  }
0x433: {  	v30 =	vadd.f32 v48, v30;
	v29 =	vadd.f32 v53, v29;
	v40 =	vunpack.i.l.bf16.f32 v52  }
0x434: {  	v34 =	vmul.bf16 v38, v34;
	v35 =	vadd.bf16 v55, v54;
	v58 =	vmul.bf16 v51, v63  }
0x435: {  	v33 =	vunpack.i.u.bf16.f32 v52;
	v56 =	vmul.bf16 v47, v57;
	v57 =	vmul.bf16 v61, v59  }
0x436: {  	p1 =	por p0, p0;
	v32 =	vadd.f32 v40, v32;
	v31 =	vadd.f32 v33, v31;
	v59 =	vunpack.i.u.bf16.f32 v35  }
.Ltmp13:
0x437: {  	v35 =	vunpack.i.l.bf16.f32 v35;
	v34 =	vadd.bf16 v56, v34;
	v36 =	vadd.bf16 v58, v57;
	(pc) =	sbr.rel @p1 .LBB2_24-.Ltmp13, $4  }
0x438: {  	v30 =	vadd.f32 v35, v30;
	v29 =	vadd.f32 v59, v29  }
0x439: {  	v60 =	vunpack.i.l.bf16.f32 v34;
	v61 =	vunpack.i.u.bf16.f32 v34;
	v62 =	vunpack.i.u.bf16.f32 v36  }
0x43a: {  	v63 =	vunpack.i.l.bf16.f32 v36;
	v32 =	vadd.f32 v60, v32;
	v31 =	vadd.f32 v61, v31  }
0x43b: {  	p0 =	por $0x0, $0x0;
	s17 =	simm.s32 $0x8;
	v30 =	vadd.f32 v63, v30;
	v29 =	vadd.f32 v62, v29  }
0x43c: {  	_ = 	snop  }
0x43d: {  	v31 =	vadd.f32 v31, v32;
	v29 =	vadd.f32 v29, v30;
	_ =	sdelay $0x1  }
0x43e: {  	v29 =	vadd.f32 v29, v31;
	_ =	sdelay $0x1  }
0x43f: {  	v29 =	vsub.f32 $0.0e+00, v29;
	_ =	sdelay $0x1  }
0x440: {  	v29 =	vmul.f32 $1.442695020e+00, v29;
	_ =	sdelay $0x1  }
0x441: {  	(erf) = vpow2.f32 v29;
	_ =	sdelay $0x8  }
0x442: {  	v29 =	vpop (erf)  }
0x443: {  	v29 =	vadd.f32 $1.000000000e+00, v29;
	_ =	sdelay $0x1  }
0x444: {  	(erf) = vrcp.f32 v29;
	_ =	sdelay $0x8  }
0x445: {  	v32 =	vimm.f32 $0.0e+00;
	v30 =	vpop (erf)  }
0x446: {  	s17 =	simm.s32 $0x0;
	p0 =	por $0x1, $0x1;
	v31 =	vimm.f32 $0.0e+00;
	v29 =	vimm.f32 $0.0e+00;
	[tilespmem:s3+$0xC6C0] =	vst v30;
	v30 =	vimm.f32 $0.0e+00  }
.LBB2_26:
0x447: {  	s19 =	sor.u32 $0x1, s17  }
0x448: {  	v39 =	vadd.s32 s19, v10;
	_ =	sdelay $0x1  }
0x449: {  	v41 =	vadd.s32 s19, v11;
	_ =	sdelay $0x1  }
0x44a: {  	v43 =	vadd.s32 s19, v16  }
0x44b: {  	s21 =	sor.u32 $0x2, s17;
	v45 =	vld.idx.msk [tilespmem:v39+s20+$0x0], $0xffff  }
0x44c: {  	v47 =	vadd.s32 s21, v10;
	v39 =	vld.idx.msk [tilespmem:v39+s22+$0x0], $0xffff  }
0x44d: {  	v46 =	vld.idx.msk [tilespmem:v41+s20+$0x0], $0xffff  }
0x44e: {  	v49 =	vadd.s32 s21, v11;
	v41 =	vld.idx.msk [tilespmem:v41+s22+$0x0], $0xffff  }
0x44f: {  	v48 =	vld.idx.msk [tilespmem:v43+s20+$0x0], $0xffff  }
0x450: {  	v33 =	vadd.s32 s17, v0;
	v51 =	vadd.s32 s21, v16;
	v43 =	vld.idx.msk [tilespmem:v43+s22+$0x0], $0xffff  }
0x451: {  	v33 =	vand.u32 $0x18, v33;
	v53 =	vld.idx.msk [tilespmem:v47+s20+$0x0], $0xffff  }
0x452: {  	v34 =	vadd.s32 s17, v3;
	v33 =	vor.u32 v9, v33;
	v47 =	vld.idx.msk [tilespmem:v47+s22+$0x0], $0xffff  }
0x453: {  	v34 =	vand.u32 $0x38, v34;
	v54 =	vld.idx.msk [tilespmem:v49+s20+$0x0], $0xffff  }
0x454: {  	v35 =	vadd.s32 s17, v4;
	v34 =	vor.u32 v9, v34;
	v49 =	vld.idx.msk [tilespmem:v49+s22+$0x0], $0xffff  }
0x455: {  	v35 =	vand.u32 $0x38, v35;
	v56 =	vld.idx.msk [tilespmem:v51+s20+$0x0], $0xffff  }
0x456: {  	v36 =	vadd.s32 s17, v5;
	v35 =	vor.u32 v9, v35;
	v51 =	vld.idx.msk [tilespmem:v51+s22+$0x0], $0xffff  }
0x457: {  	v36 =	vand.u32 $0x38, v36;
	v37 =	vld.idx.msk [tilespmem:v33+s20+$0x0], $0xffff  }
0x458: {  	v36 =	vor.u32 v9, v36;
	v33 =	vld.idx.msk [tilespmem:v33+s22+$0x0], $0xffff  }
0x459: {  	v44 =	vadd.s32 s19, v5;
	v52 =	vadd.s32 s21, v5;
	s21 =	sor.u32 $0x3, s17;
	v38 =	vld.idx.msk [tilespmem:v34+s20+$0x0], $0xffff  }
0x45a: {  	v44 =	vand.u32 $0x3F, v44;
	v55 =	vadd.s32 s21, v10;
	v34 =	vld.idx.msk [tilespmem:v34+s22+$0x0], $0xffff  }
0x45b: {  	v44 =	vor.u32 v22, v44;
	v40 =	vld.idx.msk [tilespmem:v35+s20+$0x0], $0xffff  }
0x45c: {  	v52 =	vand.u32 $0x3F, v52;
	v35 =	vld.idx.msk [tilespmem:v35+s22+$0x0], $0xffff  }
0x45d: {  	v52 =	vor.u32 v22, v52;
	v42 =	vld.idx.msk [tilespmem:v36+s20+$0x0], $0xffff  }
0x45e: {  	v36 =	vld.idx.msk [tilespmem:v36+s22+$0x0], $0xffff  }
0x45f: {  	v61 =	vld.idx.msk [tilespmem:v55+s20+$0x0], $0xffff  }
0x460: {  	v57 =	vadd.s32 s21, v11;
	v50 =	vld.idx.msk [tilespmem:v44+s20+$0x0], $0xffff  }
0x461: {  	v59 =	vadd.s32 s21, v16;
	v44 =	vld.idx.msk [tilespmem:v44+s22+$0x0], $0xffff  }
0x462: {  	v60 =	vadd.s32 s21, v5;
	s21 =	sor.u32 $0x4, s17;
	v58 =	vld.idx.msk [tilespmem:v52+s20+$0x0], $0xffff  }
0x463: {  	v60 =	vand.u32 $0x3F, v60;
	v62 =	vadd.s32 s21, v5;
	v52 =	vld.idx.msk [tilespmem:v52+s22+$0x0], $0xffff  }
0x464: {  	v33 =	vmul.bf16 v33, v37;
	v34 =	vmul.bf16 v34, v38;
	v37 =	vld.idx.msk [tilespmem:v55+s22+$0x0], $0xffff;
	v38 =	vor.u32 v22, v60  }
0x465: {  	v62 =	vand.u32 $0x3F, v62;
	v55 =	vld.idx.msk [tilespmem:v57+s20+$0x0], $0xffff  }
0x466: {  	v35 =	vmul.bf16 v35, v40;
	v40 =	vld.idx.msk [tilespmem:v59+s20+$0x0], $0xffff;
	v60 =	vadd.s32 s21, v11;
	v33 =	vadd.bf16 v34, v33  }
0x467: {  	v62 =	vor.u32 v22, v62;
	v59 =	vld.idx.msk [tilespmem:v59+s22+$0x0], $0xffff  }
0x468: {  	v39 =	vmul.bf16 v39, v45;
	v36 =	vmul.bf16 v36, v42;
	v34 =	vld.idx.msk [tilespmem:v57+s22+$0x0], $0xffff;
	v42 =	vunpack.i.l.bf16.f32 v33  }
0x469: {  	v41 =	vmul.bf16 v41, v46;
	v57 =	vadd.s32 s21, v10;
	v32 =	vadd.f32 v42, v32;
	v42 =	vld.idx.msk [tilespmem:v38+s20+$0x0], $0xffff  }
0x46a: {  	v35 =	vadd.bf16 v36, v35;
	v33 =	vunpack.i.u.bf16.f32 v33;
	v36 =	vld.idx.msk [tilespmem:v38+s22+$0x0], $0xffff  }
0x46b: {  	v39 =	vadd.bf16 v41, v39;
	v31 =	vadd.f32 v33, v31;
	v33 =	vld.idx.msk [tilespmem:v60+s20+$0x0], $0xffff  }
0x46c: {  	v46 =	vunpack.i.l.bf16.f32 v35;
	v35 =	vunpack.i.u.bf16.f32 v35;
	v38 =	vadd.s32 s21, v16;
	v41 =	vld.idx.msk [tilespmem:v60+s22+$0x0], $0xffff  }
0x46d: {  	s21 =	sor.u32 $0x5, s17;
	v29 =	vadd.f32 v35, v29;
	v35 =	vmul.bf16 v43, v48;
	v43 =	vld.idx.msk [tilespmem:v62+s20+$0x0], $0xffff  }
0x46e: {  	v63 =	vmul.bf16 v44, v50;
	v30 =	vadd.f32 v46, v30;
	v46 =	vadd.s32 s21, v10;
	v45 =	vld.idx.msk [tilespmem:v57+s20+$0x0], $0xffff  }
0x46f: {  	v60 =	vunpack.i.u.bf16.f32 v39;
	v39 =	vunpack.i.l.bf16.f32 v39;
	v50 =	vadd.s32 s21, v11;
	v57 =	vld.idx.msk [tilespmem:v57+s22+$0x0], $0xffff  }
0x470: {  	v32 =	vadd.f32 v39, v32;
	v39 =	vmul.bf16 v47, v53;
	v47 =	vmul.bf16 v49, v54;
	v49 =	vld.idx.msk [tilespmem:v62+s22+$0x0], $0xffff  }
0x471: {  	v61 =	vmul.bf16 v37, v61;
	v40 =	vmul.bf16 v59, v40;
	v44 =	vld.idx.msk [tilespmem:v38+s20+$0x0], $0xffff  }
0x472: {  	v35 =	vadd.bf16 v63, v35;
	v53 =	vadd.s32 s21, v16;
	v54 =	vadd.s32 s21, v5;
	v38 =	vld.idx.msk [tilespmem:v38+s22+$0x0], $0xffff  }
0x473: {  	v31 =	vadd.f32 v60, v31;
	v34 =	vmul.bf16 v34, v55;
	v54 =	vand.u32 $0x3F, v54;
	v60 =	vld.idx.msk [tilespmem:v46+s20+$0x0], $0xffff  }
0x474: {  	v48 =	vunpack.i.l.bf16.f32 v35;
	v39 =	vadd.bf16 v47, v39;
	v47 =	vor.u32 v22, v54;
	v46 =	vld.idx.msk [tilespmem:v46+s22+$0x0], $0xffff  }
0x475: {  	v62 =	vmul.bf16 v52, v58;
	s21 =	sor.u32 $0x6, s17;
	v30 =	vadd.f32 v48, v30;
	v48 =	vmul.bf16 v51, v56;
	v52 =	vld.idx.msk [tilespmem:v50+s20+$0x0], $0xffff  }
0x476: {  	v35 =	vunpack.i.u.bf16.f32 v35;
	v54 =	vadd.s32 s21, v10;
	v34 =	vadd.bf16 v34, v61;
	v50 =	vld.idx.msk [tilespmem:v50+s22+$0x0], $0xffff  }
0x477: {  	v63 =	vunpack.i.l.bf16.f32 v39;
	v58 =	vunpack.i.u.bf16.f32 v39;
	v39 =	vadd.bf16 v62, v48;
	v48 =	vld.idx.msk [tilespmem:v53+s20+$0x0], $0xffff  }
0x478: {  	v29 =	vadd.f32 v35, v29;
	v51 =	vadd.s32 s21, v11;
	v36 =	vmul.bf16 v36, v42;
	v37 =	vld.idx.msk [tilespmem:v53+s22+$0x0], $0xffff  }
0x479: {  	v33 =	vmul.bf16 v41, v33;
	v61 =	vunpack.i.u.bf16.f32 v34;
	v32 =	vadd.f32 v63, v32;
	v55 =	vld.idx.msk [tilespmem:v47+s20+$0x0], $0xffff  }
0x47a: {  	v31 =	vadd.f32 v58, v31;
	v63 =	vadd.s32 s21, v5;
	v42 =	vld.idx.msk [tilespmem:v47+s22+$0x0], $0xffff;
	v47 =	vadd.s32 s21, v16  }
0x47b: {  	v56 =	vand.u32 $0x3F, v63;
	v62 =	vunpack.i.u.bf16.f32 v39;
	v39 =	vunpack.i.l.bf16.f32 v39;
	v35 =	vld.idx.msk [tilespmem:v54+s20+$0x0], $0xffff  }
0x47c: {  	v45 =	vmul.bf16 v57, v45;
	v59 =	vor.u32 v22, v56;
	v30 =	vadd.f32 v39, v30;
	v39 =	vld.idx.msk [tilespmem:v54+s22+$0x0], $0xffff  }
0x47d: {  	v36 =	vadd.bf16 v36, v40;
	s21 =	sor.u32 $0x7, s17;
	v31 =	vadd.f32 v61, v31;
	v40 =	vld.idx.msk [tilespmem:v51+s20+$0x0], $0xffff  }
0x47e: {  	v33 =	vadd.bf16 v33, v45;
	v29 =	vadd.f32 v62, v29;
	v41 =	vld.idx.msk [tilespmem:v51+s22+$0x0], $0xffff;
	v51 =	vadd.s32 s21, v10  }
0x47f: {  	v62 =	vunpack.i.u.bf16.f32 v36;
	v36 =	vunpack.i.l.bf16.f32 v36;
	v53 =	vadd.s32 s21, v16;
	v54 =	vld.idx.msk [tilespmem:v47+s20+$0x0], $0xffff  }
0x480: {  	v61 =	vadd.s32 s21, v5;
	v30 =	vadd.f32 v36, v30;
	v36 =	vmul.bf16 v38, v44;
	v45 =	vld.idx.msk [tilespmem:v47+s22+$0x0], $0xffff  }
0x481: {  	v38 =	vmul.bf16 v49, v43;
	v29 =	vadd.f32 v62, v29;
	v62 =	vand.u32 $0x3F, v61;
	v43 =	vld.idx.msk [tilespmem:v59+s20+$0x0], $0xffff  }
0x482: {  	v34 =	vunpack.i.l.bf16.f32 v34;
	v44 =	vor.u32 v22, v62;
	v49 =	vld.idx.msk [tilespmem:v59+s22+$0x0], $0xffff  }
0x483: {  	v32 =	vadd.f32 v34, v32;
	v63 =	vunpack.i.l.bf16.f32 v33;
	v34 =	vld.idx.msk [tilespmem:v51+s20+$0x0], $0xffff  }
0x484: {  	v33 =	vunpack.i.u.bf16.f32 v33;
	v47 =	vadd.s32 s21, v11;
	v36 =	vadd.bf16 v38, v36;
	v38 =	vld.idx.msk [tilespmem:v51+s22+$0x0], $0xffff  }
0x485: {  	v56 =	vmul.bf16 v50, v52;
	v32 =	vadd.f32 v63, v32;
	v63 =	vmul.bf16 v46, v60;
	v59 =	vld.idx.msk [tilespmem:v53+s20+$0x0], $0xffff  }
0x486: {  	v31 =	vadd.f32 v33, v31;
	v37 =	vmul.bf16 v37, v48;
	v42 =	vmul.bf16 v42, v55;
	v61 =	vld.idx.msk [tilespmem:v53+s22+$0x0], $0xffff  }
0x487: {  	v33 =	vadd.bf16 v56, v63;
	v35 =	vmul.bf16 v39, v35;
	v40 =	vmul.bf16 v41, v40;
	v63 =	vld.idx.msk [tilespmem:v44+s20+$0x0], $0xffff  }
0x488: {  	v58 =	vunpack.i.l.bf16.f32 v36;
	v36 =	vunpack.i.u.bf16.f32 v36;
	v60 =	vadd.bf16 v42, v37;
	v51 =	vld.idx.msk [tilespmem:v44+s22+$0x0], $0xffff  }
0x489: {  	v62 =	vunpack.i.u.bf16.f32 v33;
	v33 =	vunpack.i.l.bf16.f32 v33;
	v30 =	vadd.f32 v58, v30;
	v57 =	vld.idx.msk [tilespmem:v47+s20+$0x0], $0xffff  }
0x48a: {  	v29 =	vadd.f32 v36, v29;
	v32 =	vadd.f32 v33, v32;
	v47 =	vld.idx.msk [tilespmem:v47+s22+$0x0], $0xffff  }
0x48b: {  	v31 =	vadd.f32 v62, v31;
	v52 =	vadd.bf16 v40, v35;
	v48 =	vunpack.i.l.bf16.f32 v60  }
0x48c: {  	v53 =	vunpack.i.u.bf16.f32 v60;
	v54 =	vmul.bf16 v45, v54;
	v55 =	vmul.bf16 v49, v43  }
0x48d: {  	v30 =	vadd.f32 v48, v30;
	v29 =	vadd.f32 v53, v29;
	v40 =	vunpack.i.l.bf16.f32 v52  }
0x48e: {  	v34 =	vmul.bf16 v38, v34;
	v35 =	vadd.bf16 v55, v54;
	v58 =	vmul.bf16 v51, v63  }
0x48f: {  	v33 =	vunpack.i.u.bf16.f32 v52;
	v56 =	vmul.bf16 v47, v57;
	v57 =	vmul.bf16 v61, v59  }
0x490: {  	p1 =	por p0, p0;
	v32 =	vadd.f32 v40, v32;
	v31 =	vadd.f32 v33, v31;
	v59 =	vunpack.i.u.bf16.f32 v35  }
.Ltmp14:
0x491: {  	v35 =	vunpack.i.l.bf16.f32 v35;
	v34 =	vadd.bf16 v56, v34;
	v36 =	vadd.bf16 v58, v57;
	(pc) =	sbr.rel @p1 .LBB2_26-.Ltmp14, $4  }
0x492: {  	v30 =	vadd.f32 v35, v30;
	v29 =	vadd.f32 v59, v29  }
0x493: {  	v60 =	vunpack.i.l.bf16.f32 v34;
	v61 =	vunpack.i.u.bf16.f32 v34;
	v62 =	vunpack.i.u.bf16.f32 v36  }
0x494: {  	v63 =	vunpack.i.l.bf16.f32 v36;
	v32 =	vadd.f32 v60, v32;
	v31 =	vadd.f32 v61, v31  }
0x495: {  	p0 =	por $0x0, $0x0;
	s17 =	simm.s32 $0x8;
	v30 =	vadd.f32 v63, v30;
	v29 =	vadd.f32 v62, v29  }
0x496: {  	_ = 	snop  }
0x497: {  	v16 =	vadd.f32 v31, v32;
	v22 =	vadd.f32 v29, v30;
	_ =	sdelay $0x1  }
0x498: {  	v16 =	vadd.f32 v22, v16;
	_ =	sdelay $0x1  }
0x499: {  	v16 =	vsub.f32 $0.0e+00, v16;
	_ =	sdelay $0x1  }
0x49a: {  	v16 =	vmul.f32 $1.442695020e+00, v16;
	_ =	sdelay $0x1  }
0x49b: {  	(erf) = vpow2.f32 v16;
	_ =	sdelay $0x8  }
0x49c: {  	v16 =	vpop (erf)  }
0x49d: {  	v16 =	vadd.f32 $1.000000000e+00, v16;
	_ =	sdelay $0x1  }
0x49e: {  	(erf) = vrcp.f32 v16;
	_ =	sdelay $0x8  }
0x49f: {  	v29 =	vimm.f32 $0.0e+00;
	v22 =	vpop (erf)  }
0x4a0: {  	s17 =	simm.s32 $0x0;
	p0 =	por $0x1, $0x1;
	v30 =	vimm.f32 $0.0e+00;
	v16 =	vimm.f32 $0.0e+00;
	[tilespmem:s3+$0xC6D0] =	vst v22;
	v22 =	vimm.f32 $0.0e+00  }
.LBB2_28:
0x4a1: {  	s19 =	sor.u32 $0x1, s17  }
0x4a2: {  	v37 =	vadd.s32 s19, v15;
	_ =	sdelay $0x1  }
0x4a3: {  	v39 =	vadd.s32 s19, v17;
	_ =	sdelay $0x1  }
0x4a4: {  	v41 =	vadd.s32 s19, v19  }
0x4a5: {  	s21 =	sor.u32 $0x2, s17;
	v43 =	vld.idx.msk [tilespmem:v37+s20+$0x0], $0xffff  }
0x4a6: {  	v45 =	vadd.s32 s21, v15;
	v37 =	vld.idx.msk [tilespmem:v37+s22+$0x0], $0xffff  }
0x4a7: {  	v44 =	vld.idx.msk [tilespmem:v39+s20+$0x0], $0xffff  }
0x4a8: {  	v47 =	vadd.s32 s21, v17;
	v39 =	vld.idx.msk [tilespmem:v39+s22+$0x0], $0xffff  }
0x4a9: {  	v46 =	vld.idx.msk [tilespmem:v41+s20+$0x0], $0xffff  }
0x4aa: {  	v31 =	vadd.s32 s17, v0;
	v49 =	vadd.s32 s21, v19;
	v41 =	vld.idx.msk [tilespmem:v41+s22+$0x0], $0xffff  }
0x4ab: {  	v31 =	vand.u32 $0x18, v31;
	v51 =	vld.idx.msk [tilespmem:v45+s20+$0x0], $0xffff  }
0x4ac: {  	v32 =	vadd.s32 s17, v3;
	v31 =	vor.u32 v12, v31;
	v45 =	vld.idx.msk [tilespmem:v45+s22+$0x0], $0xffff  }
0x4ad: {  	v32 =	vand.u32 $0x38, v32;
	v52 =	vld.idx.msk [tilespmem:v47+s20+$0x0], $0xffff  }
0x4ae: {  	v33 =	vadd.s32 s17, v4;
	v32 =	vor.u32 v12, v32;
	v47 =	vld.idx.msk [tilespmem:v47+s22+$0x0], $0xffff  }
0x4af: {  	v33 =	vand.u32 $0x38, v33;
	v54 =	vld.idx.msk [tilespmem:v49+s20+$0x0], $0xffff  }
0x4b0: {  	v34 =	vadd.s32 s17, v5;
	v33 =	vor.u32 v12, v33;
	v49 =	vld.idx.msk [tilespmem:v49+s22+$0x0], $0xffff  }
0x4b1: {  	v34 =	vand.u32 $0x38, v34;
	v35 =	vld.idx.msk [tilespmem:v31+s20+$0x0], $0xffff  }
0x4b2: {  	v34 =	vor.u32 v12, v34;
	v31 =	vld.idx.msk [tilespmem:v31+s22+$0x0], $0xffff  }
0x4b3: {  	v42 =	vadd.s32 s19, v5;
	v50 =	vadd.s32 s21, v5;
	s21 =	sor.u32 $0x3, s17;
	v36 =	vld.idx.msk [tilespmem:v32+s20+$0x0], $0xffff  }
0x4b4: {  	v42 =	vand.u32 $0x3F, v42;
	v53 =	vadd.s32 s21, v15;
	v32 =	vld.idx.msk [tilespmem:v32+s22+$0x0], $0xffff  }
0x4b5: {  	v42 =	vor.u32 v25, v42;
	v38 =	vld.idx.msk [tilespmem:v33+s20+$0x0], $0xffff  }
0x4b6: {  	v50 =	vand.u32 $0x3F, v50;
	v33 =	vld.idx.msk [tilespmem:v33+s22+$0x0], $0xffff  }
0x4b7: {  	v50 =	vor.u32 v25, v50;
	v40 =	vld.idx.msk [tilespmem:v34+s20+$0x0], $0xffff  }
0x4b8: {  	v34 =	vld.idx.msk [tilespmem:v34+s22+$0x0], $0xffff  }
0x4b9: {  	v59 =	vld.idx.msk [tilespmem:v53+s20+$0x0], $0xffff  }
0x4ba: {  	v55 =	vadd.s32 s21, v17;
	v48 =	vld.idx.msk [tilespmem:v42+s20+$0x0], $0xffff  }
0x4bb: {  	v57 =	vadd.s32 s21, v19;
	v58 =	vadd.s32 s21, v5;
	v42 =	vld.idx.msk [tilespmem:v42+s22+$0x0], $0xffff  }
0x4bc: {  	v58 =	vand.u32 $0x3F, v58;
	v56 =	vld.idx.msk [tilespmem:v50+s20+$0x0], $0xffff  }
0x4bd: {  	s21 =	sor.u32 $0x4, s17;
	v60 =	vor.u32 v25, v58;
	v50 =	vld.idx.msk [tilespmem:v50+s22+$0x0], $0xffff  }
0x4be: {  	v58 =	vadd.s32 s21, v17;
	v31 =	vmul.bf16 v31, v35;
	v35 =	vld.idx.msk [tilespmem:v53+s22+$0x0], $0xffff  }
0x4bf: {  	v53 =	vld.idx.msk [tilespmem:v55+s20+$0x0], $0xffff  }
0x4c0: {  	v37 =	vmul.bf16 v37, v43;
	v33 =	vmul.bf16 v33, v38;
	v38 =	vld.idx.msk [tilespmem:v57+s20+$0x0], $0xffff  }
0x4c1: {  	v39 =	vmul.bf16 v39, v44;
	v32 =	vmul.bf16 v32, v36;
	v57 =	vld.idx.msk [tilespmem:v57+s22+$0x0], $0xffff  }
0x4c2: {  	v34 =	vmul.bf16 v34, v40;
	v40 =	vld.idx.msk [tilespmem:v60+s20+$0x0], $0xffff;
	v36 =	vadd.s32 s21, v19  }
0x4c3: {  	v62 =	vmul.bf16 v41, v46;
	v37 =	vadd.bf16 v39, v37;
	v39 =	vld.idx.msk [tilespmem:v58+s22+$0x0], $0xffff;
	v31 =	vadd.bf16 v32, v31  }
0x4c4: {  	v63 =	vmul.bf16 v42, v48;
	v32 =	vld.idx.msk [tilespmem:v55+s22+$0x0], $0xffff;
	v55 =	vadd.s32 s21, v15;
	v33 =	vadd.bf16 v34, v33  }
0x4c5: {  	v34 =	vld.idx.msk [tilespmem:v60+s22+$0x0], $0xffff;
	v60 =	vadd.s32 s21, v5;
	s21 =	sor.u32 $0x5, s17;
	v61 =	vunpack.i.l.bf16.f32 v31;
	v31 =	vunpack.i.u.bf16.f32 v31  }
0x4c6: {  	v60 =	vand.u32 $0x3F, v60;
	v48 =	vadd.s32 s21, v17;
	v29 =	vadd.f32 v31, v29;
	v31 =	vld.idx.msk [tilespmem:v58+s20+$0x0], $0xffff  }
0x4c7: {  	v44 =	vunpack.i.l.bf16.f32 v33;
	v33 =	vunpack.i.u.bf16.f32 v33;
	v30 =	vadd.f32 v61, v30;
	v42 =	vld.idx.msk [tilespmem:v36+s20+$0x0], $0xffff  }
0x4c8: {  	v60 =	vor.u32 v25, v60;
	v22 =	vadd.f32 v44, v22;
	v16 =	vadd.f32 v33, v16;
	v36 =	vld.idx.msk [tilespmem:v36+s22+$0x0], $0xffff  }
0x4c9: {  	v33 =	vadd.bf16 v63, v62;
	v61 =	vmul.bf16 v45, v51;
	v62 =	vmul.bf16 v47, v52;
	v43 =	vld.idx.msk [tilespmem:v55+s20+$0x0], $0xffff  }
0x4ca: {  	v44 =	vadd.s32 s21, v15;
	v58 =	vunpack.i.u.bf16.f32 v37;
	v37 =	vunpack.i.l.bf16.f32 v37;
	v55 =	vld.idx.msk [tilespmem:v55+s22+$0x0], $0xffff  }
0x4cb: {  	v30 =	vadd.f32 v37, v30;
	v37 =	vadd.bf16 v62, v61;
	v62 =	vmul.bf16 v50, v56;
	v50 =	vld.idx.msk [tilespmem:v48+s20+$0x0], $0xffff  }
0x4cc: {  	v51 =	vadd.s32 s21, v19;
	v63 =	vadd.s32 s21, v5;
	v48 =	vld.idx.msk [tilespmem:v48+s22+$0x0], $0xffff  }
0x4cd: {  	v52 =	vand.u32 $0x3F, v63;
	v41 =	vld.idx.msk [tilespmem:v60+s20+$0x0], $0xffff  }
0x4ce: {  	s21 =	sor.u32 $0x6, s17;
	v59 =	vmul.bf16 v35, v59;
	v38 =	vmul.bf16 v57, v38;
	v45 =	vor.u32 v25, v52;
	v47 =	vld.idx.msk [tilespmem:v60+s22+$0x0], $0xffff  }
0x4cf: {  	v29 =	vadd.f32 v58, v29;
	v61 =	vmul.bf16 v49, v54;
	v52 =	vadd.s32 s21, v15;
	v58 =	vld.idx.msk [tilespmem:v44+s20+$0x0], $0xffff  }
0x4d0: {  	v32 =	vmul.bf16 v32, v53;
	v60 =	vunpack.i.l.bf16.f32 v33;
	v33 =	vunpack.i.u.bf16.f32 v33;
	v44 =	vld.idx.msk [tilespmem:v44+s22+$0x0], $0xffff  }
0x4d1: {  	v63 =	vunpack.i.l.bf16.f32 v37;
	v56 =	vunpack.i.u.bf16.f32 v37;
	v37 =	vadd.bf16 v62, v61;
	v46 =	vld.idx.msk [tilespmem:v51+s20+$0x0], $0xffff  }
0x4d2: {  	v62 =	vadd.s32 s21, v19;
	v32 =	vadd.bf16 v32, v59;
	v22 =	vadd.f32 v60, v22;
	v35 =	vld.idx.msk [tilespmem:v51+s22+$0x0], $0xffff  }
0x4d3: {  	v34 =	vmul.bf16 v34, v40;
	v16 =	vadd.f32 v33, v16;
	v30 =	vadd.f32 v63, v30;
	v53 =	vld.idx.msk [tilespmem:v45+s20+$0x0], $0xffff  }
0x4d4: {  	v60 =	vadd.s32 s21, v17;
	v63 =	vadd.s32 s21, v5;
	v31 =	vmul.bf16 v39, v31;
	v40 =	vld.idx.msk [tilespmem:v45+s22+$0x0], $0xffff  }
0x4d5: {  	v61 =	vunpack.i.u.bf16.f32 v37;
	v37 =	vunpack.i.l.bf16.f32 v37;
	v54 =	vand.u32 $0x3F, v63;
	v33 =	vld.idx.msk [tilespmem:v52+s20+$0x0], $0xffff  }
0x4d6: {  	v22 =	vadd.f32 v37, v22;
	v37 =	vld.idx.msk [tilespmem:v52+s22+$0x0], $0xffff;
	v57 =	vor.u32 v25, v54;
	v43 =	vmul.bf16 v55, v43  }
0x4d7: {  	v34 =	vadd.bf16 v34, v38;
	v29 =	vadd.f32 v56, v29;
	s21 =	sor.u32 $0x7, s17;
	v59 =	vunpack.i.u.bf16.f32 v32;
	v52 =	vld.idx.msk [tilespmem:v62+s20+$0x0], $0xffff  }
0x4d8: {  	v32 =	vunpack.i.l.bf16.f32 v32;
	v49 =	vadd.s32 s21, v15;
	v31 =	vadd.bf16 v31, v43;
	v43 =	vld.idx.msk [tilespmem:v62+s22+$0x0], $0xffff  }
0x4d9: {  	v51 =	vadd.s32 s21, v19;
	v16 =	vadd.f32 v61, v16;
	v30 =	vadd.f32 v32, v30;
	v38 =	vld.idx.msk [tilespmem:v60+s20+$0x0], $0xffff  }
0x4da: {  	v29 =	vadd.f32 v59, v29;
	v45 =	vadd.s32 s21, v17;
	v61 =	vmul.bf16 v36, v42;
	v39 =	vld.idx.msk [tilespmem:v60+s22+$0x0], $0xffff  }
0x4db: {  	v62 =	vmul.bf16 v47, v41;
	v60 =	vunpack.i.u.bf16.f32 v34;
	v34 =	vunpack.i.l.bf16.f32 v34;
	v41 =	vld.idx.msk [tilespmem:v57+s20+$0x0], $0xffff  }
0x4dc: {  	v35 =	vmul.bf16 v35, v46;
	v22 =	vadd.f32 v34, v22;
	v47 =	vld.idx.msk [tilespmem:v57+s22+$0x0], $0xffff;
	v57 =	vadd.s32 s21, v5  }
0x4dd: {  	v63 =	vunpack.i.l.bf16.f32 v31;
	v16 =	vadd.f32 v60, v16;
	v32 =	vld.idx.msk [tilespmem:v49+s20+$0x0], $0xffff;
	v59 =	vand.u32 $0x3F, v57  }
0x4de: {  	v34 =	vadd.bf16 v62, v61;
	v31 =	vunpack.i.u.bf16.f32 v31;
	v60 =	vld.idx.msk [tilespmem:v49+s22+$0x0], $0xffff;
	v42 =	vor.u32 v25, v59  }
0x4df: {  	v61 =	vmul.bf16 v48, v50;
	v49 =	vld.idx.msk [tilespmem:v51+s20+$0x0], $0xffff;
	v29 =	vadd.f32 v31, v29;
	v31 =	vmul.bf16 v44, v58  }
0x4e0: {  	v30 =	vadd.f32 v63, v30;
	v62 =	vld.idx.msk [tilespmem:v45+s20+$0x0], $0xffff;
	v40 =	vmul.bf16 v40, v53;
	v63 =	vunpack.i.l.bf16.f32 v34  }
0x4e1: {  	v45 =	vld.idx.msk [tilespmem:v45+s22+$0x0], $0xffff;
	v34 =	vunpack.i.u.bf16.f32 v34;
	v22 =	vadd.f32 v63, v22;
	v31 =	vadd.bf16 v61, v31  }
0x4e2: {  	v51 =	vld.idx.msk [tilespmem:v51+s22+$0x0], $0xffff;
	v33 =	vmul.bf16 v37, v33;
	v16 =	vadd.f32 v34, v16;
	v50 =	vadd.bf16 v40, v35  }
0x4e3: {  	v57 =	vmul.bf16 v43, v52;
	v38 =	vmul.bf16 v39, v38;
	v53 =	vunpack.i.u.bf16.f32 v31;
	v54 =	vld.idx.msk [tilespmem:v42+s20+$0x0], $0xffff  }
0x4e4: {  	v31 =	vunpack.i.l.bf16.f32 v31;
	v56 =	vunpack.i.u.bf16.f32 v50;
	v32 =	vmul.bf16 v60, v32;
	v55 =	vld.idx.msk [tilespmem:v42+s22+$0x0], $0xffff  }
0x4e5: {  	v30 =	vadd.f32 v31, v30;
	v31 =	vunpack.i.l.bf16.f32 v50;
	v58 =	vmul.bf16 v47, v41  }
0x4e6: {  	v59 =	vmul.bf16 v45, v62;
	v22 =	vadd.f32 v31, v22;
	v31 =	vadd.bf16 v38, v33  }
0x4e7: {  	v60 =	vmul.bf16 v51, v49;
	v29 =	vadd.f32 v53, v29;
	v16 =	vadd.f32 v56, v16  }
0x4e8: {  	v33 =	vadd.bf16 v58, v57;
	v32 =	vadd.bf16 v59, v32;
	v38 =	vunpack.i.l.bf16.f32 v31  }
0x4e9: {  	p1 =	por p0, p0;
	v31 =	vunpack.i.u.bf16.f32 v31;
	v30 =	vadd.f32 v38, v30;
	v61 =	vmul.bf16 v55, v54  }
.Ltmp15:
0x4ea: {  	v29 =	vadd.f32 v31, v29;
	v31 =	vunpack.i.u.bf16.f32 v33;
	v33 =	vunpack.i.l.bf16.f32 v33;
	(pc) =	sbr.rel @p1 .LBB2_28-.Ltmp15, $4  }
0x4eb: {  	v62 =	vunpack.i.l.bf16.f32 v32;
	v22 =	vadd.f32 v33, v22;
	v34 =	vadd.bf16 v61, v60  }
0x4ec: {  	v16 =	vadd.f32 v31, v16;
	v31 =	vunpack.i.u.bf16.f32 v32;
	v30 =	vadd.f32 v62, v30  }
0x4ed: {  	v29 =	vadd.f32 v31, v29;
	v31 =	vunpack.i.u.bf16.f32 v34;
	v63 =	vunpack.i.l.bf16.f32 v34  }
0x4ee: {  	p0 =	por $0x0, $0x0;
	s17 =	simm.s32 $0x8;
	v22 =	vadd.f32 v63, v22;
	v16 =	vadd.f32 v31, v16  }
0x4ef: {  	_ = 	snop  }
0x4f0: {  	v15 =	vadd.f32 v29, v30;
	v16 =	vadd.f32 v16, v22;
	_ =	sdelay $0x1  }
0x4f1: {  	v15 =	vadd.f32 v16, v15;
	_ =	sdelay $0x1  }
0x4f2: {  	v15 =	vsub.f32 $0.0e+00, v15;
	_ =	sdelay $0x1  }
0x4f3: {  	v15 =	vmul.f32 $1.442695020e+00, v15;
	_ =	sdelay $0x1  }
0x4f4: {  	(erf) = vpow2.f32 v15;
	_ =	sdelay $0x8  }
0x4f5: {  	v15 =	vpop (erf)  }
0x4f6: {  	v15 =	vadd.f32 $1.000000000e+00, v15;
	_ =	sdelay $0x1  }
0x4f7: {  	(erf) = vrcp.f32 v15;
	_ =	sdelay $0x8  }
0x4f8: {  	v17 =	vimm.f32 $0.0e+00;
	v16 =	vpop (erf)  }
0x4f9: {  	s17 =	simm.s32 $0x0;
	p0 =	por $0x1, $0x1;
	v19 =	vimm.f32 $0.0e+00;
	v15 =	vimm.f32 $0.0e+00;
	[tilespmem:s3+$0xC6E0] =	vst v16;
	v16 =	vimm.f32 $0.0e+00  }
.LBB2_30:
0x4fa: {  	s19 =	sor.u32 $0x1, s17  }
0x4fb: {  	v33 =	vadd.s32 s19, v18;
	_ =	sdelay $0x1  }
0x4fc: {  	v35 =	vadd.s32 s19, v20;
	_ =	sdelay $0x1  }
0x4fd: {  	v37 =	vadd.s32 s19, v23  }
0x4fe: {  	s21 =	sor.u32 $0x2, s17;
	v39 =	vld.idx.msk [tilespmem:v33+s20+$0x0], $0xffff  }
0x4ff: {  	v41 =	vadd.s32 s21, v18;
	v33 =	vld.idx.msk [tilespmem:v33+s22+$0x0], $0xffff  }
0x500: {  	v40 =	vld.idx.msk [tilespmem:v35+s20+$0x0], $0xffff  }
0x501: {  	v43 =	vadd.s32 s21, v20;
	v35 =	vld.idx.msk [tilespmem:v35+s22+$0x0], $0xffff  }
0x502: {  	v42 =	vld.idx.msk [tilespmem:v37+s20+$0x0], $0xffff  }
0x503: {  	v22 =	vadd.s32 s17, v0;
	v45 =	vadd.s32 s21, v23;
	v37 =	vld.idx.msk [tilespmem:v37+s22+$0x0], $0xffff  }
0x504: {  	v22 =	vand.u32 $0x18, v22;
	v47 =	vld.idx.msk [tilespmem:v41+s20+$0x0], $0xffff  }
0x505: {  	v25 =	vadd.s32 s17, v3;
	v22 =	vor.u32 v13, v22;
	v41 =	vld.idx.msk [tilespmem:v41+s22+$0x0], $0xffff  }
0x506: {  	v25 =	vand.u32 $0x38, v25;
	v48 =	vld.idx.msk [tilespmem:v43+s20+$0x0], $0xffff  }
0x507: {  	v29 =	vadd.s32 s17, v4;
	v25 =	vor.u32 v13, v25;
	v43 =	vld.idx.msk [tilespmem:v43+s22+$0x0], $0xffff  }
0x508: {  	v29 =	vand.u32 $0x38, v29;
	v50 =	vld.idx.msk [tilespmem:v45+s20+$0x0], $0xffff  }
0x509: {  	v30 =	vadd.s32 s17, v5;
	v29 =	vor.u32 v13, v29;
	v45 =	vld.idx.msk [tilespmem:v45+s22+$0x0], $0xffff  }
0x50a: {  	v30 =	vand.u32 $0x38, v30;
	v31 =	vld.idx.msk [tilespmem:v22+s20+$0x0], $0xffff  }
0x50b: {  	v30 =	vor.u32 v13, v30;
	v22 =	vld.idx.msk [tilespmem:v22+s22+$0x0], $0xffff  }
0x50c: {  	v38 =	vadd.s32 s19, v5;
	v46 =	vadd.s32 s21, v5;
	s21 =	sor.u32 $0x3, s17;
	v32 =	vld.idx.msk [tilespmem:v25+s20+$0x0], $0xffff  }
0x50d: {  	v38 =	vand.u32 $0x3F, v38;
	v49 =	vadd.s32 s21, v18;
	v25 =	vld.idx.msk [tilespmem:v25+s22+$0x0], $0xffff  }
0x50e: {  	v38 =	vor.u32 v27, v38;
	v34 =	vld.idx.msk [tilespmem:v29+s20+$0x0], $0xffff  }
0x50f: {  	v46 =	vand.u32 $0x3F, v46;
	v29 =	vld.idx.msk [tilespmem:v29+s22+$0x0], $0xffff  }
0x510: {  	v46 =	vor.u32 v27, v46;
	v36 =	vld.idx.msk [tilespmem:v30+s20+$0x0], $0xffff  }
0x511: {  	v30 =	vld.idx.msk [tilespmem:v30+s22+$0x0], $0xffff  }
0x512: {  	v55 =	vld.idx.msk [tilespmem:v49+s20+$0x0], $0xffff  }
0x513: {  	v51 =	vadd.s32 s21, v20;
	v44 =	vld.idx.msk [tilespmem:v38+s20+$0x0], $0xffff  }
0x514: {  	v53 =	vadd.s32 s21, v23;
	v54 =	vadd.s32 s21, v5;
	v38 =	vld.idx.msk [tilespmem:v38+s22+$0x0], $0xffff  }
0x515: {  	v54 =	vand.u32 $0x3F, v54;
	v52 =	vld.idx.msk [tilespmem:v46+s20+$0x0], $0xffff  }
0x516: {  	s21 =	sor.u32 $0x4, s17;
	v59 =	vor.u32 v27, v54;
	v46 =	vld.idx.msk [tilespmem:v46+s22+$0x0], $0xffff  }
0x517: {  	v62 =	vadd.s32 s21, v23;
	v22 =	vmul.bf16 v22, v31;
	v31 =	vld.idx.msk [tilespmem:v49+s22+$0x0], $0xffff  }
0x518: {  	v49 =	vld.idx.msk [tilespmem:v51+s20+$0x0], $0xffff  }
0x519: {  	v61 =	vadd.s32 s21, v20;
	v29 =	vmul.bf16 v29, v34;
	v34 =	vld.idx.msk [tilespmem:v53+s20+$0x0], $0xffff  }
0x51a: {  	v56 =	vadd.s32 s21, v5;
	v33 =	vmul.bf16 v33, v39;
	v35 =	vmul.bf16 v35, v40;
	v53 =	vld.idx.msk [tilespmem:v53+s22+$0x0], $0xffff  }
0x51b: {  	v56 =	vand.u32 $0x3F, v56;
	v25 =	vmul.bf16 v25, v32;
	v30 =	vmul.bf16 v30, v36;
	v36 =	vld.idx.msk [tilespmem:v59+s20+$0x0], $0xffff  }
0x51c: {  	v56 =	vor.u32 v27, v56;
	v32 =	vld.idx.msk [tilespmem:v62+s22+$0x0], $0xffff  }
0x51d: {  	v33 =	vadd.bf16 v35, v33;
	v22 =	vadd.bf16 v25, v22;
	v25 =	vld.idx.msk [tilespmem:v51+s22+$0x0], $0xffff  }
0x51e: {  	v51 =	vadd.s32 s21, v18;
	v29 =	vadd.bf16 v30, v29;
	v30 =	vld.idx.msk [tilespmem:v59+s22+$0x0], $0xffff;
	s21 =	sor.u32 $0x5, s17;
	v59 =	vmul.bf16 v38, v44  }
0x51f: {  	v38 =	vld.idx.msk [tilespmem:v62+s20+$0x0], $0xffff;
	v62 =	vmul.bf16 v43, v48;
	v58 =	vadd.s32 s21, v18;
	v44 =	vadd.s32 s21, v20  }
0x520: {  	v35 =	vld.idx.msk [tilespmem:v61+s22+$0x0], $0xffff;
	v60 =	vunpack.i.l.bf16.f32 v22;
	v22 =	vunpack.i.u.bf16.f32 v22;
	v63 =	vunpack.i.l.bf16.f32 v29  }
0x521: {  	v43 =	vld.idx.msk [tilespmem:v56+s22+$0x0], $0xffff;
	v29 =	vunpack.i.u.bf16.f32 v29;
	v19 =	vadd.f32 v60, v19;
	v17 =	vadd.f32 v22, v17  }
0x522: {  	v16 =	vadd.f32 v63, v16;
	v22 =	vld.idx.msk [tilespmem:v61+s20+$0x0], $0xffff;
	v15 =	vadd.f32 v29, v15;
	v29 =	vmul.bf16 v37, v42  }
0x523: {  	v60 =	vunpack.i.u.bf16.f32 v33;
	v33 =	vunpack.i.l.bf16.f32 v33;
	v61 =	vmul.bf16 v41, v47;
	v37 =	vld.idx.msk [tilespmem:v56+s20+$0x0], $0xffff  }
0x524: {  	v47 =	vadd.s32 s21, v23;
	v63 =	vadd.s32 s21, v5;
	s21 =	sor.u32 $0x6, s17;
	v34 =	vmul.bf16 v53, v34;
	v39 =	vld.idx.msk [tilespmem:v51+s20+$0x0], $0xffff  }
0x525: {  	v48 =	vand.u32 $0x3F, v63;
	v63 =	vadd.s32 s21, v20;
	v51 =	vld.idx.msk [tilespmem:v51+s22+$0x0], $0xffff;
	v19 =	vadd.f32 v33, v19  }
0x526: {  	v56 =	vadd.s32 s21, v5;
	v29 =	vadd.bf16 v59, v29;
	v17 =	vadd.f32 v60, v17;
	v54 =	vld.idx.msk [tilespmem:v58+s20+$0x0], $0xffff  }
0x527: {  	v33 =	vadd.bf16 v62, v61;
	v59 =	vmul.bf16 v45, v50;
	v60 =	vmul.bf16 v46, v52;
	v40 =	vld.idx.msk [tilespmem:v58+s22+$0x0], $0xffff  }
0x528: {  	v61 =	vadd.s32 s21, v18;
	v30 =	vmul.bf16 v30, v36;
	v50 =	vand.u32 $0x3F, v56;
	v46 =	vld.idx.msk [tilespmem:v44+s20+$0x0], $0xffff  }
0x529: {  	v58 =	vor.u32 v27, v48;
	v44 =	vld.idx.msk [tilespmem:v44+s22+$0x0], $0xffff;
	v57 =	vunpack.i.l.bf16.f32 v29;
	v62 =	vadd.bf16 v60, v59  }
0x52a: {  	v29 =	vunpack.i.u.bf16.f32 v29;
	v30 =	vadd.bf16 v30, v34;
	v16 =	vadd.f32 v57, v16;
	v42 =	vld.idx.msk [tilespmem:v47+s20+$0x0], $0xffff  }
0x52b: {  	v15 =	vadd.f32 v29, v15;
	v29 =	vunpack.i.l.bf16.f32 v33;
	v57 =	vor.u32 v27, v50;
	v34 =	vld.idx.msk [tilespmem:v63+s20+$0x0], $0xffff  }
0x52c: {  	v22 =	vmul.bf16 v35, v22;
	v19 =	vadd.f32 v29, v19;
	v29 =	vunpack.i.u.bf16.f32 v33;
	v35 =	vld.idx.msk [tilespmem:v63+s22+$0x0], $0xffff  }
0x52d: {  	v33 =	vunpack.i.l.bf16.f32 v62;
	v17 =	vadd.f32 v29, v17;
	v29 =	vmul.bf16 v31, v55;
	v31 =	vld.idx.msk [tilespmem:v47+s22+$0x0], $0xffff  }
0x52e: {  	v16 =	vadd.f32 v33, v16;
	v33 =	vld.idx.msk [tilespmem:v61+s22+$0x0], $0xffff  }
0x52f: {  	v25 =	vmul.bf16 v25, v49;
	v52 =	vunpack.i.u.bf16.f32 v62;
	v55 =	vadd.s32 s21, v23;
	v49 =	vld.idx.msk [tilespmem:v58+s20+$0x0], $0xffff  }
0x530: {  	v15 =	vadd.f32 v52, v15;
	s21 =	sor.u32 $0x7, s17;
	v36 =	vld.idx.msk [tilespmem:v58+s22+$0x0], $0xffff  }
0x531: {  	v39 =	vmul.bf16 v51, v39;
	v59 =	vadd.s32 s21, v18;
	v25 =	vadd.bf16 v25, v29;
	v29 =	vld.idx.msk [tilespmem:v61+s20+$0x0], $0xffff  }
0x532: {  	v60 =	vadd.s32 s21, v20;
	v63 =	vadd.s32 s21, v23;
	v61 =	vmul.bf16 v43, v37;
	v37 =	vld.idx.msk [tilespmem:v57+s20+$0x0], $0xffff  }
0x533: {  	v52 =	vadd.s32 s21, v5;
	v56 =	vmul.bf16 v44, v46;
	v22 =	vadd.bf16 v22, v39;
	v43 =	vld.idx.msk [tilespmem:v57+s22+$0x0], $0xffff  }
0x534: {  	v53 =	vand.u32 $0x3F, v52;
	v58 =	vunpack.i.u.bf16.f32 v25;
	v25 =	vunpack.i.l.bf16.f32 v25;
	v48 =	vld.idx.msk [tilespmem:v55+s20+$0x0], $0xffff  }
0x535: {  	v19 =	vadd.f32 v25, v19;
	v25 =	vunpack.i.u.bf16.f32 v30;
	v30 =	vunpack.i.l.bf16.f32 v30;
	v39 =	vld.idx.msk [tilespmem:v55+s22+$0x0], $0xffff  }
0x536: {  	v16 =	vadd.f32 v30, v16;
	v30 =	vmul.bf16 v32, v38;
	v15 =	vadd.f32 v25, v15;
	v25 =	vld.idx.msk [tilespmem:v59+s20+$0x0], $0xffff  }
0x537: {  	v62 =	vunpack.i.l.bf16.f32 v22;
	v22 =	vunpack.i.u.bf16.f32 v22;
	v17 =	vadd.f32 v58, v17;
	v55 =	vld.idx.msk [tilespmem:v59+s22+$0x0], $0xffff  }
0x538: {  	v34 =	vmul.bf16 v35, v34;
	v38 =	vor.u32 v27, v53;
	v57 =	vld.idx.msk [tilespmem:v60+s20+$0x0], $0xffff;
	v30 =	vadd.bf16 v61, v30  }
0x539: {  	v31 =	vmul.bf16 v31, v42;
	v41 =	vld.idx.msk [tilespmem:v60+s22+$0x0], $0xffff;
	v17 =	vadd.f32 v22, v17;
	v22 =	vmul.bf16 v40, v54  }
0x53a: {  	v36 =	vmul.bf16 v36, v49;
	v19 =	vadd.f32 v62, v19;
	v58 =	vunpack.i.l.bf16.f32 v30  }
0x53b: {  	v59 =	vld.idx.msk [tilespmem:v63+s20+$0x0], $0xffff;
	v22 =	vadd.bf16 v56, v22;
	v30 =	vunpack.i.u.bf16.f32 v30;
	v16 =	vadd.f32 v58, v16  }
0x53c: {  	v29 =	vmul.bf16 v33, v29;
	v15 =	vadd.f32 v30, v15;
	v30 =	vadd.bf16 v36, v31;
	v31 =	vld.idx.msk [tilespmem:v63+s22+$0x0], $0xffff  }
0x53d: {  	v60 =	vunpack.i.u.bf16.f32 v22;
	v22 =	vunpack.i.l.bf16.f32 v22;
	v61 =	vld.idx.msk [tilespmem:v38+s20+$0x0], $0xffff;
	v25 =	vmul.bf16 v55, v25  }
0x53e: {  	v62 =	vld.idx.msk [tilespmem:v38+s22+$0x0], $0xffff;
	v63 =	vmul.bf16 v41, v57;
	v19 =	vadd.f32 v22, v19;
	v22 =	vunpack.i.l.bf16.f32 v30  }
0x53f: {  	v16 =	vadd.f32 v22, v16;
	v22 =	vadd.bf16 v34, v29;
	v29 =	vunpack.i.u.bf16.f32 v30  }
0x540: {  	v30 =	vmul.bf16 v43, v37;
	v15 =	vadd.f32 v29, v15;
	v29 =	vmul.bf16 v39, v48  }
0x541: {  	v17 =	vadd.f32 v60, v17;
	v25 =	vadd.bf16 v63, v25  }
0x542: {  	v34 =	vunpack.i.l.bf16.f32 v22;
	v22 =	vunpack.i.u.bf16.f32 v22;
	v29 =	vadd.bf16 v30, v29  }
0x543: {  	p1 =	por p0, p0;
	v19 =	vadd.f32 v34, v19;
	v30 =	vmul.bf16 v31, v59;
	v31 =	vmul.bf16 v62, v61  }
.Ltmp16:
0x544: {  	v17 =	vadd.f32 v22, v17;
	v22 =	vunpack.i.u.bf16.f32 v29;
	v29 =	vunpack.i.l.bf16.f32 v29;
	(pc) =	sbr.rel @p1 .LBB2_30-.Ltmp16, $4  }
0x545: {  	v30 =	vadd.bf16 v31, v30;
	v16 =	vadd.f32 v29, v16;
	v29 =	vunpack.i.l.bf16.f32 v25  }
0x546: {  	v15 =	vadd.f32 v22, v15;
	v22 =	vunpack.i.u.bf16.f32 v25;
	v19 =	vadd.f32 v29, v19  }
0x547: {  	v17 =	vadd.f32 v22, v17;
	v22 =	vunpack.i.u.bf16.f32 v30;
	v25 =	vunpack.i.l.bf16.f32 v30  }
0x548: {  	p0 =	por $0x0, $0x0;
	s17 =	simm.s32 $0x8;
	v16 =	vadd.f32 v25, v16;
	v15 =	vadd.f32 v22, v15  }
0x549: {  	_ = 	snop  }
0x54a: {  	v17 =	vadd.f32 v17, v19;
	v15 =	vadd.f32 v15, v16;
	_ =	sdelay $0x1  }
0x54b: {  	v15 =	vadd.f32 v15, v17;
	_ =	sdelay $0x1  }
0x54c: {  	v15 =	vsub.f32 $0.0e+00, v15;
	_ =	sdelay $0x1  }
0x54d: {  	v15 =	vmul.f32 $1.442695020e+00, v15;
	_ =	sdelay $0x1  }
0x54e: {  	(erf) = vpow2.f32 v15;
	_ =	sdelay $0x8  }
0x54f: {  	v15 =	vpop (erf)  }
0x550: {  	v15 =	vadd.f32 $1.000000000e+00, v15;
	_ =	sdelay $0x1  }
0x551: {  	(erf) = vrcp.f32 v15;
	_ =	sdelay $0x8  }
0x552: {  	v18 =	vimm.f32 $0.0e+00;
	v16 =	vpop (erf)  }
0x553: {  	s17 =	simm.s32 $0x0;
	p0 =	por $0x1, $0x1;
	v17 =	vimm.f32 $0.0e+00;
	v15 =	vimm.f32 $0.0e+00;
	[tilespmem:s3+$0xC6F0] =	vst v16;
	v16 =	vimm.f32 $0.0e+00  }
.LBB2_32:
0x554: {  	s19 =	sor.u32 $0x1, s17  }
0x555: {  	v29 =	vadd.s32 s19, v21;
	_ =	sdelay $0x1  }
0x556: {  	v31 =	vadd.s32 s19, v24;
	_ =	sdelay $0x1  }
0x557: {  	v33 =	vadd.s32 s19, v26  }
0x558: {  	s21 =	sor.u32 $0x2, s17;
	v35 =	vld.idx.msk [tilespmem:v29+s20+$0x0], $0xffff  }
0x559: {  	v37 =	vadd.s32 s21, v21;
	v29 =	vld.idx.msk [tilespmem:v29+s22+$0x0], $0xffff  }
0x55a: {  	v36 =	vld.idx.msk [tilespmem:v31+s20+$0x0], $0xffff  }
0x55b: {  	v39 =	vadd.s32 s21, v24;
	v31 =	vld.idx.msk [tilespmem:v31+s22+$0x0], $0xffff  }
0x55c: {  	v38 =	vld.idx.msk [tilespmem:v33+s20+$0x0], $0xffff  }
0x55d: {  	v19 =	vadd.s32 s17, v0;
	v41 =	vadd.s32 s21, v26;
	v33 =	vld.idx.msk [tilespmem:v33+s22+$0x0], $0xffff  }
0x55e: {  	v19 =	vand.u32 $0x18, v19;
	v43 =	vld.idx.msk [tilespmem:v37+s20+$0x0], $0xffff  }
0x55f: {  	v20 =	vadd.s32 s17, v3;
	v19 =	vor.u32 v14, v19;
	v37 =	vld.idx.msk [tilespmem:v37+s22+$0x0], $0xffff  }
0x560: {  	v20 =	vand.u32 $0x38, v20;
	v44 =	vld.idx.msk [tilespmem:v39+s20+$0x0], $0xffff  }
0x561: {  	v22 =	vadd.s32 s17, v4;
	v20 =	vor.u32 v14, v20;
	v39 =	vld.idx.msk [tilespmem:v39+s22+$0x0], $0xffff  }
0x562: {  	v22 =	vand.u32 $0x38, v22;
	v46 =	vld.idx.msk [tilespmem:v41+s20+$0x0], $0xffff  }
0x563: {  	v23 =	vadd.s32 s17, v5;
	v22 =	vor.u32 v14, v22;
	v41 =	vld.idx.msk [tilespmem:v41+s22+$0x0], $0xffff  }
0x564: {  	v23 =	vand.u32 $0x38, v23;
	v25 =	vld.idx.msk [tilespmem:v19+s20+$0x0], $0xffff  }
0x565: {  	v23 =	vor.u32 v14, v23;
	v19 =	vld.idx.msk [tilespmem:v19+s22+$0x0], $0xffff  }
0x566: {  	v34 =	vadd.s32 s19, v5;
	v42 =	vadd.s32 s21, v5;
	s21 =	sor.u32 $0x3, s17;
	v27 =	vld.idx.msk [tilespmem:v20+s20+$0x0], $0xffff  }
0x567: {  	v34 =	vand.u32 $0x3F, v34;
	v45 =	vadd.s32 s21, v21;
	v20 =	vld.idx.msk [tilespmem:v20+s22+$0x0], $0xffff  }
0x568: {  	v34 =	vor.u32 v28, v34;
	v30 =	vld.idx.msk [tilespmem:v22+s20+$0x0], $0xffff  }
0x569: {  	v42 =	vand.u32 $0x3F, v42;
	v22 =	vld.idx.msk [tilespmem:v22+s22+$0x0], $0xffff  }
0x56a: {  	v42 =	vor.u32 v28, v42;
	v32 =	vld.idx.msk [tilespmem:v23+s20+$0x0], $0xffff  }
0x56b: {  	v47 =	vadd.s32 s21, v24;
	v49 =	vadd.s32 s21, v26;
	v50 =	vadd.s32 s21, v5;
	s21 =	sor.u32 $0x4, s17;
	v23 =	vld.idx.msk [tilespmem:v23+s22+$0x0], $0xffff  }
0x56c: {  	v63 =	vadd.s32 s21, v21;
	v51 =	vld.idx.msk [tilespmem:v45+s20+$0x0], $0xffff  }
0x56d: {  	v40 =	vld.idx.msk [tilespmem:v34+s20+$0x0], $0xffff  }
0x56e: {  	v34 =	vld.idx.msk [tilespmem:v34+s22+$0x0], $0xffff  }
0x56f: {  	v48 =	vld.idx.msk [tilespmem:v42+s20+$0x0], $0xffff  }
0x570: {  	v42 =	vld.idx.msk [tilespmem:v42+s22+$0x0], $0xffff  }
0x571: {  	v29 =	vmul.bf16 v29, v35;
	v35 =	vld.idx.msk [tilespmem:v63+s20+$0x0], $0xffff  }
0x572: {  	v50 =	vand.u32 $0x3F, v50;
	v19 =	vmul.bf16 v19, v25;
	v25 =	vld.idx.msk [tilespmem:v45+s22+$0x0], $0xffff  }
0x573: {  	v20 =	vmul.bf16 v20, v27;
	v27 =	vor.u32 v28, v50;
	v45 =	vld.idx.msk [tilespmem:v47+s20+$0x0], $0xffff  }
0x574: {  	v52 =	vadd.s32 s21, v5;
	v22 =	vmul.bf16 v22, v30;
	v30 =	vld.idx.msk [tilespmem:v49+s20+$0x0], $0xffff  }
0x575: {  	v57 =	vadd.s32 s21, v24;
	v52 =	vand.u32 $0x3F, v52;
	v31 =	vmul.bf16 v31, v36;
	v49 =	vld.idx.msk [tilespmem:v49+s22+$0x0], $0xffff  }
0x576: {  	v52 =	vor.u32 v28, v52;
	v23 =	vmul.bf16 v23, v32;
	v19 =	vadd.bf16 v20, v19;
	v20 =	vld.idx.msk [tilespmem:v47+s22+$0x0], $0xffff  }
0x577: {  	v29 =	vadd.bf16 v31, v29;
	v47 =	vld.idx.msk [tilespmem:v63+s22+$0x0], $0xffff  }
0x578: {  	v60 =	vmul.bf16 v34, v40;
	v22 =	vadd.bf16 v23, v22;
	v63 =	vmul.bf16 v39, v44;
	v32 =	vld.idx.msk [tilespmem:v27+s20+$0x0], $0xffff  }
0x579: {  	v61 =	vunpack.i.u.bf16.f32 v29;
	v56 =	vunpack.i.l.bf16.f32 v19;
	v23 =	vld.idx.msk [tilespmem:v27+s22+$0x0], $0xffff;
	v27 =	vadd.s32 s21, v26  }
0x57a: {  	v31 =	vld.idx.msk [tilespmem:v57+s22+$0x0], $0xffff;
	v19 =	vunpack.i.u.bf16.f32 v19;
	v58 =	vunpack.i.l.bf16.f32 v22;
	v22 =	vunpack.i.u.bf16.f32 v22;
	s21 =	sor.u32 $0x5, s17  }
0x57b: {  	v39 =	vld.idx.msk [tilespmem:v52+s22+$0x0], $0xffff;
	v18 =	vadd.f32 v56, v18;
	v17 =	vadd.f32 v19, v17;
	v59 =	vadd.s32 s21, v21  }
0x57c: {  	v29 =	vunpack.i.l.bf16.f32 v29;
	v16 =	vadd.f32 v58, v16;
	v19 =	vld.idx.msk [tilespmem:v57+s20+$0x0], $0xffff;
	v15 =	vadd.f32 v22, v15  }
0x57d: {  	v22 =	vmul.bf16 v33, v38;
	v33 =	vld.idx.msk [tilespmem:v52+s20+$0x0], $0xffff;
	v56 =	vmul.bf16 v41, v46;
	v62 =	vadd.s32 s21, v24  }
0x57e: {  	v57 =	vmul.bf16 v42, v48;
	v30 =	vmul.bf16 v49, v30;
	v52 =	vadd.s32 s21, v26;
	v34 =	vld.idx.msk [tilespmem:v27+s20+$0x0], $0xffff  }
0x57f: {  	v53 =	vadd.s32 s21, v5;
	v18 =	vadd.f32 v29, v18;
	v29 =	vmul.bf16 v37, v43;
	v27 =	vld.idx.msk [tilespmem:v27+s22+$0x0], $0xffff  }
0x580: {  	s21 =	sor.u32 $0x6, s17;
	v22 =	vadd.bf16 v60, v22;
	v17 =	vadd.f32 v61, v17;
	v44 =	vand.u32 $0x3F, v53;
	v50 =	vld.idx.msk [tilespmem:v59+s20+$0x0], $0xffff  }
0x581: {  	v58 =	vadd.s32 s21, v21;
	v55 =	vor.u32 v28, v44;
	v29 =	vadd.bf16 v63, v29;
	v36 =	vld.idx.msk [tilespmem:v59+s22+$0x0], $0xffff  }
0x582: {  	v20 =	vmul.bf16 v20, v45;
	v54 =	vunpack.i.l.bf16.f32 v22;
	v22 =	vunpack.i.u.bf16.f32 v22;
	v42 =	vld.idx.msk [tilespmem:v62+s20+$0x0], $0xffff  }
0x583: {  	v61 =	vadd.s32 s21, v26;
	v15 =	vadd.f32 v22, v15;
	v22 =	vunpack.i.l.bf16.f32 v29;
	v40 =	vld.idx.msk [tilespmem:v62+s22+$0x0], $0xffff  }
0x584: {  	v35 =	vmul.bf16 v47, v35;
	v38 =	vld.idx.msk [tilespmem:v52+s20+$0x0], $0xffff;
	v18 =	vadd.f32 v22, v18;
	v22 =	vunpack.i.u.bf16.f32 v29  }
0x585: {  	v16 =	vadd.f32 v54, v16;
	v17 =	vadd.f32 v22, v17;
	v22 =	vmul.bf16 v25, v51;
	v25 =	vld.idx.msk [tilespmem:v52+s22+$0x0], $0xffff  }
0x586: {  	v23 =	vmul.bf16 v23, v32;
	v19 =	vmul.bf16 v31, v19;
	v62 =	vadd.s32 s21, v5;
	v45 =	vld.idx.msk [tilespmem:v55+s20+$0x0], $0xffff  }
0x587: {  	v59 =	vadd.s32 s21, v24;
	s21 =	sor.u32 $0x7, s17;
	v29 =	vadd.bf16 v57, v56;
	v46 =	vand.u32 $0x3F, v62;
	v32 =	vld.idx.msk [tilespmem:v55+s22+$0x0], $0xffff  }
0x588: {  	v23 =	vadd.bf16 v23, v30;
	v49 =	vadd.s32 s21, v21;
	v19 =	vadd.bf16 v19, v35;
	v51 =	vld.idx.msk [tilespmem:v61+s20+$0x0], $0xffff  }
0x589: {  	v53 =	vadd.s32 s21, v24;
	v57 =	vadd.s32 s21, v26;
	v63 =	vor.u32 v28, v46;
	v52 =	vld.idx.msk [tilespmem:v61+s22+$0x0], $0xffff  }
0x58a: {  	v60 =	vunpack.i.u.bf16.f32 v29;
	v29 =	vunpack.i.l.bf16.f32 v29;
	v20 =	vadd.bf16 v20, v22;
	v22 =	vld.idx.msk [tilespmem:v58+s20+$0x0], $0xffff  }
0x58b: {  	v55 =	vunpack.i.l.bf16.f32 v19;
	v19 =	vunpack.i.u.bf16.f32 v19;
	v16 =	vadd.f32 v29, v16;
	v29 =	vld.idx.msk [tilespmem:v58+s22+$0x0], $0xffff  }
0x58c: {  	v58 =	vadd.s32 s21, v5;
	v30 =	vld.idx.msk [tilespmem:v59+s20+$0x0], $0xffff;
	v48 =	vunpack.i.u.bf16.f32 v20;
	v20 =	vunpack.i.l.bf16.f32 v20  }
0x58d: {  	v15 =	vadd.f32 v60, v15;
	v31 =	vld.idx.msk [tilespmem:v59+s22+$0x0], $0xffff;
	v59 =	vand.u32 $0x3F, v58;
	v18 =	vadd.f32 v20, v18  }
0x58e: {  	v61 =	vld.idx.msk [tilespmem:v53+s20+$0x0], $0xffff;
	v17 =	vadd.f32 v48, v17;
	v20 =	vunpack.i.u.bf16.f32 v23;
	v23 =	vunpack.i.l.bf16.f32 v23  }
0x58f: {  	v37 =	vld.idx.msk [tilespmem:v53+s22+$0x0], $0xffff;
	v16 =	vadd.f32 v23, v16;
	v23 =	vmul.bf16 v27, v34;
	v27 =	vmul.bf16 v39, v33  }
0x590: {  	v60 =	vmul.bf16 v40, v42;
	v54 =	vld.idx.msk [tilespmem:v63+s20+$0x0], $0xffff;
	v15 =	vadd.f32 v20, v15;
	v34 =	vor.u32 v28, v59  }
0x591: {  	v20 =	vld.idx.msk [tilespmem:v49+s20+$0x0], $0xffff;
	v17 =	vadd.f32 v19, v17;
	v19 =	vmul.bf16 v36, v50;
	v23 =	vadd.bf16 v27, v23  }
0x592: {  	v25 =	vmul.bf16 v25, v38;
	v32 =	vmul.bf16 v32, v45;
	v18 =	vadd.f32 v55, v18;
	v27 =	vld.idx.msk [tilespmem:v49+s22+$0x0], $0xffff  }
0x593: {  	v56 =	vld.idx.msk [tilespmem:v63+s22+$0x0], $0xffff;
	v19 =	vadd.bf16 v60, v19;
	v62 =	vunpack.i.l.bf16.f32 v23;
	v23 =	vunpack.i.u.bf16.f32 v23  }
0x594: {  	v63 =	vld.idx.msk [tilespmem:v57+s20+$0x0], $0xffff;
	v22 =	vmul.bf16 v29, v22;
	v16 =	vadd.f32 v62, v16;
	v15 =	vadd.f32 v23, v15  }
0x595: {  	v23 =	vadd.bf16 v32, v25;
	v25 =	vld.idx.msk [tilespmem:v57+s22+$0x0], $0xffff;
	v29 =	vunpack.i.u.bf16.f32 v19;
	v19 =	vunpack.i.l.bf16.f32 v19  }
0x596: {  	v30 =	vmul.bf16 v31, v30;
	v31 =	vld.idx.msk [tilespmem:v34+s20+$0x0], $0xffff;
	v18 =	vadd.f32 v19, v18;
	v17 =	vadd.f32 v29, v17  }
0x597: {  	v29 =	vld.idx.msk [tilespmem:v34+s22+$0x0], $0xffff;
	v19 =	vunpack.i.l.bf16.f32 v23;
	v20 =	vmul.bf16 v27, v20;
	v27 =	vmul.bf16 v37, v61  }
0x598: {  	v16 =	vadd.f32 v19, v16;
	v19 =	vadd.bf16 v30, v22;
	v22 =	vunpack.i.u.bf16.f32 v23  }
0x599: {  	v23 =	vmul.bf16 v56, v54;
	v15 =	vadd.f32 v22, v15;
	v22 =	vmul.bf16 v52, v51  }
0x59a: {  	v20 =	vadd.bf16 v27, v20  }
0x59b: {  	v30 =	vunpack.i.l.bf16.f32 v19;
	v19 =	vunpack.i.u.bf16.f32 v19;
	v22 =	vadd.bf16 v23, v22  }
0x59c: {  	p1 =	por p0, p0;
	v18 =	vadd.f32 v30, v18;
	v23 =	vmul.bf16 v25, v63;
	v25 =	vmul.bf16 v29, v31  }
.Ltmp17:
0x59d: {  	v17 =	vadd.f32 v19, v17;
	v19 =	vunpack.i.u.bf16.f32 v22;
	v22 =	vunpack.i.l.bf16.f32 v22;
	(pc) =	sbr.rel @p1 .LBB2_32-.Ltmp17, $4  }
0x59e: {  	v23 =	vadd.bf16 v25, v23;
	v16 =	vadd.f32 v22, v16;
	v22 =	vunpack.i.l.bf16.f32 v20  }
0x59f: {  	v15 =	vadd.f32 v19, v15;
	v19 =	vunpack.i.u.bf16.f32 v20;
	v18 =	vadd.f32 v22, v18  }
0x5a0: {  	v17 =	vadd.f32 v19, v17;
	v19 =	vunpack.i.u.bf16.f32 v23;
	v20 =	vunpack.i.l.bf16.f32 v23  }
0x5a1: {  	p0 =	por $0x0, $0x0;
	s17 =	simm.s32 $0x8;
	v16 =	vadd.f32 v20, v16;
	v15 =	vadd.f32 v19, v15  }
0x5a2: {  	_ = 	snop  }
0x5a3: {  	v17 =	vadd.f32 v17, v18;
	v15 =	vadd.f32 v15, v16;
	_ =	sdelay $0x1  }
0x5a4: {  	v15 =	vadd.f32 v15, v17;
	_ =	sdelay $0x1  }
0x5a5: {  	v15 =	vsub.f32 $0.0e+00, v15;
	_ =	sdelay $0x1  }
0x5a6: {  	v15 =	vmul.f32 $1.442695020e+00, v15;
	_ =	sdelay $0x1  }
0x5a7: {  	(erf) = vpow2.f32 v15;
	_ =	sdelay $0x8  }
0x5a8: {  	v15 =	vpop (erf)  }
0x5a9: {  	v15 =	vadd.f32 $1.000000000e+00, v15;
	_ =	sdelay $0x1  }
0x5aa: {  	(erf) = vrcp.f32 v15;
	_ =	sdelay $0x8  }
0x5ab: {  	p0 =	sgt.u32 s0, $0x27;
	v15 =	vpop (erf)  }
0x5ac: {  	s17 =	sadd.s32 @!p0 $0x190, s3;
	s19 =	simm.s32 @!p0 $0x50;
	s21 =	simm.s32 @!p0 $0x7620;
	[tilespmem:s3+$0xC700] =	vst v15  }
0x5ad: {  	[tilespmem:s21], [sflag:$0x5] =	stream.indirect.gather @!p0 [spmem:s1], $0x40, s17, s19, $0xb8;
	[tilespmem:$0x18970] =	vst v63  }
0x5ae: {  	s0 =	sadd.s32 $0x1, s0;
	s3 =	sadd.s32 @!p0 $0x28A0, s3;
	s17 =	simm.s32 @!p0 $0xB220  }
0x5af: {  	[tilespmem:s17], [sflag:$0x6] =	stream.indirect.gather @!p0 [spmem:s1], $0x40, s3, s19, $0xb8;
	[tilespmem:$0x18970] =	vst v63  }
0x5b0: {  	p0 =	sne.s32 s0, $0x2A  }
.Ltmp18:
0x5b1: {  	_ = 	snop;
	(pc) =	sbr.rel @p0 .LBB2_2-.Ltmp18, $4  }
.Ltmp19:
0x5b2: {  	_ = 	snop;
	(pc) =	sbr.rel @!p0 .LBB2_34-.Ltmp19, $4  }
0x5b3: {  	_ = 	snop  }
0x5b4: {  	_ = 	snop  }
0x5b5: {  	_ = 	snop  }
0x5b6: {  	_ = 	snop  }
.LBB2_35:
0x5b7: {  	_ =	sfence.sel $0x180000  }
0x5b8: {  	[bflag:$0x0] =	sbarrier.arrive $0xFFFF  }
0x5b9: {  	_ =	strace $0x90000047  }
0x5ba: {  	s0 =	stileid.u32;
	[bflag:$0x2] =	sbarrier.arrive $0xFFFF  }
0x5bb: {  	p0 =	sne.s32 s0, $0x0;
	s0 =	rddreg [dreg:$0x5]  }
0x5bc: {  	s0 =	sadd.s32 @!p0 $0x100000, s0  }
0x5bd: {  	[sflag:s0] =	ssyncadd.tile.s32 @!p0 $0x1;
	_ =	shalt  }
.Lfunc_end2:
_tile_overlayer_lowered:
.L_overlay_start_2:
0x5be: {  	(tag) =	ssettag $0x2  }
0x5bf: {  	s0 =	rddreg [dreg:$0x0];
	s2 =	stileid.u32  }
0x5c0: {  	s1 =	rddreg [dreg:$0x1];
	p0 =	sne.s32 s2, $0x0  }
0x5c1: {  	s3 =	rddreg [dreg:$0x2];
	[bflag:$0x3] =	sbarrier.arrive $0xFFFF;
	s2 =	simm.s32 @!p0 $0x1C07  }
0x5c2: {  	[timem:s3], [sflag:s2] =	dma.local @!p0 [hbm:s0], s1  }
0x5c3: {  	s0 =	simm.s32 @!p0 $0x7  }
0x5c4: {  	_ =	swait.ge @!p0 [sflag:s0], s1  }
0x5c5: {  	s1 =	ssub.s32 @!p0 $0x0, s1;
	[sflag:s0] =	ssyncset.done @!p0 $0x0  }
0x5c6: {  	[sflag:s0] =	ssyncadd.s32 @!p0 s1  }
0x5c7: {  	[bflag:$0x3] =	sbarrier.arrive $0xFFFF  }
0x5c8: {  	_ =	shalt  }

</sc_bundles>
